<compile_context>
chip_gen: v7x
topology: tpu7x:2x2x1
jax: 0.10.2.dev20260603
libtpu: 0.0.44.dev20260713+nightly
codegen_flags: <defaults>
</compile_context>

<pallas_src>
import functools

import jax
import jax.numpy as jnp
from jax import lax
from jax.experimental import pallas as pl
from jax.experimental.pallas import tpu as pltpu
from jax.experimental.pallas import tpu_sc as plsc

N = 10000
E = 320000
D = 128
H = 128
G = 16
C = 2

NPAD = 10240
NW = 32
CH = 80
NCH = 125
EPW = CH * NCH
RPT = NPAD // 16
BLK = 512
NB = NPAD // BLK


def _make_sc_agg(W):
    out_type = jax.ShapeDtypeStruct((2 * NPAD, W), jnp.float32)
    scratch = [
        pltpu.VMEM((4, CH), jnp.int32),
        pltpu.VMEM((4, CH), jnp.int32),
        pltpu.VMEM((CH, W), jnp.float32),
        pltpu.VMEM((CH, W), jnp.float32),
        pltpu.VMEM_SHARED((NPAD, W), jnp.float32),
        pltpu.SemaphoreType.DMA,
        pltpu.SemaphoreType.DMA,
        pltpu.SemaphoreType.DMA,
        pltpu.SemaphoreType.DMA,
        pltpu.SemaphoreType.DMA,
    ]

    mesh = plsc.VectorSubcoreMesh(core_axis_name="c", subcore_axis_name="s")

    def body(x_hbm, src_hbm, dst_hbm, z2_hbm, acc_out, sidx, didx,
             rows0, rows1, acc_sh, gsem0, gsem1, ssem0, ssem1, isem):
        c = lax.axis_index("c")
        s = lax.axis_index("s")
        wid = s * 2 + c

        pltpu.sync_copy(z2_hbm.at[pl.ds(0, CH)], rows0)
        for k in range(RPT // CH):
            pltpu.sync_copy(rows0, acc_sh.at[pl.ds(s * RPT + k * CH, CH)])
        plsc.subcore_barrier()

        base0 = wid * EPW
        rws = (rows0, rows1)
        gss = (gsem0, gsem1)
        sss = (ssem0, ssem1)

        pltpu.sync_copy(src_hbm.at[pl.ds(base0, CH)], sidx.at[0])
        pltpu.sync_copy(dst_hbm.at[pl.ds(base0, CH)], didx.at[0])
        pltpu.sync_copy(src_hbm.at[pl.ds(base0 + CH, CH)], sidx.at[1])
        pltpu.sync_copy(dst_hbm.at[pl.ds(base0 + CH, CH)], didx.at[1])
        pltpu.async_copy(x_hbm.at[sidx.at[0]], rows0, gsem0)

        def substep(i, j):
            p = j % 2
            crow, nrow = rws[p], rws[1 - p]
            cg, ng = gss[p], gss[1 - p]
            cs, ns = sss[p], sss[1 - p]

            @pl.when(i > 0)
            def _():
                pltpu.make_async_copy(nrow, acc_sh.at[didx.at[(j + 3) % 4]],
                                      ns).wait()

            pltpu.async_copy(x_hbm.at[sidx.at[(j + 1) % 4]], nrow, ng)

            @pl.when(i + 2 < NCH)
            def _():
                b = base0 + (i + 2) * CH
                pltpu.async_copy(src_hbm.at[pl.ds(b, CH)],
                                 sidx.at[(j + 2) % 4], isem)
                pltpu.async_copy(dst_hbm.at[pl.ds(b, CH)],
                                 didx.at[(j + 2) % 4], isem)

            pltpu.make_async_copy(x_hbm.at[sidx.at[j]], crow, cg).wait()
            pltpu.async_copy(crow, acc_sh.at[didx.at[j]], cs, add=True)

            @pl.when(i + 2 < NCH)
            def _():
                b = base0 + (i + 2) * CH
                pltpu.make_async_copy(src_hbm.at[pl.ds(b, CH)],
                                      sidx.at[(j + 2) % 4], isem).wait()
                pltpu.make_async_copy(dst_hbm.at[pl.ds(b, CH)],
                                      didx.at[(j + 2) % 4], isem).wait()

        def step(i, carry):
            for j in range(4):
                @pl.when(i % 4 == j)
                def _(j=j):
                    substep(i, j)

            return carry

        lax.fori_loop(0, NCH - 1, step, 0)
        lp = (NCH - 1) % 2
        lj = (NCH - 1) % 4
        pltpu.make_async_copy(rws[1 - lp], acc_sh.at[didx.at[(lj + 3) % 4]],
                              sss[1 - lp]).wait()
        pltpu.make_async_copy(x_hbm.at[sidx.at[lj]], rws[lp], gss[lp]).wait()
        pltpu.sync_copy(rws[lp], acc_sh.at[didx.at[lj]], add=True)
        plsc.subcore_barrier()

        for k in range(RPT // CH):
            pltpu.sync_copy(acc_sh.at[pl.ds(s * RPT + k * CH, CH)], rows0)
            pltpu.sync_copy(rows0, acc_out.at[pl.ds(c * NPAD + s * RPT + k * CH, CH)])

    return pl.kernel(body, out_type=out_type, mesh=mesh,
                     scratch_types=scratch)


def _tc_layer1_body(acc0, acc1, cnt0, cnt1, x, wl, wr, b, out):
    cnt = cnt0[:, 0:1] + cnt1[:, 0:1]
    agg = (acc0[...] + acc1[...]) / jnp.maximum(cnt, 1.0)
    h = (jnp.dot(agg, wl[...], preferred_element_type=jnp.float32)
         + jnp.dot(x[...], wr[...], preferred_element_type=jnp.float32)
         + b[...])
    out[...] = jnp.maximum(h, 0.0)


def _tc_layer2_body(acc0, acc1, cnt0, cnt1, h1, batch, wl, wr, b,
                    wf1, bf1, wf2, bf2, out, pool_acc, n_acc):
    i = pl.program_id(0)

    @pl.when(i == 0)
    def _():
        pool_acc[...] = jnp.zeros_like(pool_acc)
        n_acc[...] = jnp.zeros_like(n_acc)

    cnt = cnt0[:, 0:1] + cnt1[:, 0:1]
    agg = (acc0[...] + acc1[...]) / jnp.maximum(cnt, 1.0)
    h = (jnp.dot(agg, wl[...], preferred_element_type=jnp.float32)
         + jnp.dot(h1[...], wr[...], preferred_element_type=jnp.float32)
         + b[...])
    h = jnp.maximum(h, 0.0)

    bt = batch[0, 0, :]
    gid = lax.broadcasted_iota(jnp.int32, (G, BLK), 0)
    onehot = (gid == bt[None, :]).astype(jnp.float32)
    pool_acc[...] += jnp.dot(onehot, h, preferred_element_type=jnp.float32)
    n_acc[...] += jnp.sum(onehot, axis=1, keepdims=True)

    @pl.when(i == NB - 1)
    def _():
        pooled = pool_acc[...] / jnp.maximum(n_acc[...], 1.0)
        hid = jnp.maximum(
            jnp.dot(pooled, wf1[...], preferred_element_type=jnp.float32)
            + bf1[...], 0.0)
        out[...] = (jnp.dot(hid, wf2[...], preferred_element_type=jnp.float32)
                    + bf2[...])


_row_spec = pl.BlockSpec((BLK, D), lambda i: (i, 0))
_row_spec_hi = pl.BlockSpec((BLK, D), lambda i: (i + NB, 0))
_cnt_spec = pl.BlockSpec((BLK, 16), lambda i: (i, 0))
_cnt_spec_hi = pl.BlockSpec((BLK, 16), lambda i: (i + NB, 0))
_full = lambda shape: pl.BlockSpec(shape, lambda i: tuple(0 for _ in shape))

_tc_layer1 = pl.pallas_call(
    _tc_layer1_body,
    grid=(NB,),
    in_specs=[_row_spec, _row_spec_hi, _cnt_spec, _cnt_spec_hi, _row_spec,
              _full((D, H)), _full((D, H)), _full((1, H))],
    out_specs=_row_spec,
    out_shape=jax.ShapeDtypeStruct((NPAD, H), jnp.float32),
    compiler_params=pltpu.CompilerParams(
        dimension_semantics=("arbitrary",)),
)

_tc_layer2 = pl.pallas_call(
    _tc_layer2_body,
    grid=(NB,),
    in_specs=[_row_spec, _row_spec_hi, _cnt_spec, _cnt_spec_hi, _row_spec,
              pl.BlockSpec((1, 1, BLK), lambda i: (i, 0, 0)),
              _full((H, H)), _full((H, H)), _full((1, H)),
              _full((H, H // 2)), _full((1, H // 2)),
              _full((H // 2, 128)), _full((1, 128))],
    out_specs=_full((G, 128)),
    out_shape=jax.ShapeDtypeStruct((G, 128), jnp.float32),
    scratch_shapes=[pltpu.VMEM((G, H), jnp.float32),
                    pltpu.VMEM((G, H), jnp.float32)],
    compiler_params=pltpu.CompilerParams(
        dimension_semantics=("arbitrary",)),
)

_sc_agg = _make_sc_agg(D)


def _sc_cnt_body(dst_hbm, z_hbm, ones_hbm, cnt_out, didx, ones_v,
                 acc_sh, ssem0, ssem1, isem):
    c = lax.axis_index("c")
    s = lax.axis_index("s")
    wid = s * 2 + c

    pltpu.sync_copy(z_hbm.at[pl.ds(0, CH)], ones_v)
    for k in range(RPT // CH):
        pltpu.sync_copy(ones_v, acc_sh.at[pl.ds(s * RPT + k * CH, CH)])
    pltpu.sync_copy(ones_hbm, ones_v)
    plsc.subcore_barrier()

    base0 = wid * EPW
    sss = (ssem0, ssem1)
    pltpu.sync_copy(dst_hbm.at[pl.ds(base0, CH)], didx.at[0])
    pltpu.sync_copy(dst_hbm.at[pl.ds(base0 + CH, CH)], didx.at[1])

    def substep(i, j):
        cs = sss[j % 2]

        @pl.when(i > 1)
        def _():
            pltpu.make_async_copy(ones_v, acc_sh.at[didx.at[(j + 2) % 4]],
                                  cs).wait()

        @pl.when(i + 2 < NCH)
        def _():
            b = base0 + (i + 2) * CH
            pltpu.async_copy(dst_hbm.at[pl.ds(b, CH)],
                             didx.at[(j + 2) % 4], isem)

        pltpu.async_copy(ones_v, acc_sh.at[didx.at[j]], cs, add=True)

        @pl.when(i + 2 < NCH)
        def _():
            b = base0 + (i + 2) * CH
            pltpu.make_async_copy(dst_hbm.at[pl.ds(b, CH)],
                                  didx.at[(j + 2) % 4], isem).wait()

    def step(i, carry):
        for j in range(4):
            @pl.when(i % 4 == j)
            def _(j=j):
                substep(i, j)

        return carry

    lax.fori_loop(0, NCH, step, 0)
    pltpu.make_async_copy(ones_v, acc_sh.at[didx.at[(NCH - 2) % 4]],
                          sss[(NCH - 2) % 2]).wait()
    pltpu.make_async_copy(ones_v, acc_sh.at[didx.at[(NCH - 1) % 4]],
                          sss[(NCH - 1) % 2]).wait()
    plsc.subcore_barrier()

    for k in range(RPT // CH):
        pltpu.sync_copy(acc_sh.at[pl.ds(s * RPT + k * CH, CH)], ones_v)
        pltpu.sync_copy(ones_v, cnt_out.at[pl.ds(c * NPAD + s * RPT + k * CH, CH)])


_sc_cnt = pl.kernel(
    _sc_cnt_body,
    out_type=jax.ShapeDtypeStruct((2 * NPAD, D), jnp.float32),
    mesh=plsc.VectorSubcoreMesh(core_axis_name="c", subcore_axis_name="s"),
    scratch_types=[
        pltpu.VMEM((4, CH), jnp.int32),
        pltpu.VMEM((CH, D), jnp.float32),
        pltpu.VMEM_SHARED((NPAD, D), jnp.float32),
        pltpu.SemaphoreType.DMA,
        pltpu.SemaphoreType.DMA,
        pltpu.SemaphoreType.DMA,
    ],
)


def kernel(x, edge_index, batch, W1l, b1l, W1r, W2l, b2l, W2r,
           Wf1, bf1, Wf2, bf2):
    f32 = jnp.float32
    src_p = edge_index[0]
    dst_p = edge_index[1]
    x_p = jnp.pad(x, ((0, NPAD - N), (0, 0)))
    batch_p = jnp.pad(batch, (0, NPAD - N), constant_values=G)
    batch3 = batch_p.reshape(NB, 1, BLK)

    z2 = jnp.zeros((NPAD, D), f32)
    ones_rows = jnp.ones((CH, D), f32)

    acc = _sc_agg(x_p, src_p, dst_p, z2)
    cntw = _sc_cnt(dst_p, z2, ones_rows)
    cnt16 = cntw[:, :16]
    h1 = _tc_layer1(acc, acc, cnt16, cnt16, x_p,
                    W1l.T, W1r.T, b1l.reshape(1, H))

    acc2 = _sc_agg(h1, src_p, dst_p, z2)
    wf2_pad = jnp.zeros((H // 2, 128), f32).at[:, :C].set(Wf2.T)
    bf2_pad = jnp.zeros((1, 128), f32).at[0, :C].set(bf2)
    out_pad = _tc_layer2(acc2, acc2, cnt16, cnt16, h1, batch3,
                         W2l.T, W2r.T, b2l.reshape(1, H),
                         Wf1.T, bf1.reshape(1, H // 2), wf2_pad, bf2_pad)
    return out_pad[:, :C]

# --- scband reference (transcript-rebuilt; emitter-appended) ---
"""Pipeline reference for scband-wsigraph-sage-4801773437763 (READ-ONLY COPY).

The authoritative reference and input builder live on the scoring server;
editing this copy changes nothing except your own understanding.
"""

import jax, jax.numpy as jnp
import numpy as np

N = 10000
E = 320000
D = 128
H = 128
G = 16
C = 2


def setup_inputs(seed: int = 0) -> dict:
    key = jax.random.key(seed)
    ks = jax.random.split(key, 14)

    def w(k, shape, fan_in):
        return jax.random.normal(k, shape, jnp.float32) * (1.0 / np.sqrt(fan_in))

    inp = {}
    inp["x"] = jax.random.normal(ks[0], (N, D), jnp.float32)
    inp["edge_index"] = jax.random.randint(ks[1], (2, E), 0, N, dtype=jnp.int32)
    inp["batch"] = jnp.sort(jax.random.randint(ks[2], (N,), 0, G, dtype=jnp.int32))
    # SAGEConv 1: lin_l (aggregated neighbors, with bias) + lin_r (root, no bias)
    inp["W1l"] = w(ks[3], (H, D), D)
    inp["b1l"] = jnp.zeros((H,), jnp.float32)
    inp["W1r"] = w(ks[4], (H, D), D)
    # SAGEConv 2
    inp["W2l"] = w(ks[5], (H, H), H)
    inp["b2l"] = jnp.zeros((H,), jnp.float32)
    inp["W2r"] = w(ks[6], (H, H), H)
    # fc head: Linear(H, H//2) -> ReLU -> Linear(H//2, C)
    inp["Wf1"] = w(ks[7], (H // 2, H), H)
    inp["bf1"] = jnp.zeros((H // 2,), jnp.float32)
    inp["Wf2"] = w(ks[8], (C, H // 2), H // 2)
    inp["bf2"] = jnp.zeros((C,), jnp.float32)
    return inp


def _sage_conv(x, edge_index, Wl, bl, Wr):
    # PyG SAGEConv with mean aggregation:
    # out = lin_l(mean_{j in N(i)} x_j) + lin_r(x_i)
    src = edge_index[0]
    dst = edge_index[1]
    msgs = jnp.take(x, src, axis=0)
    agg = jax.ops.segment_sum(msgs, dst, num_segments=x.shape[0])
    cnt = jax.ops.segment_sum(jnp.ones((edge_index.shape[1],), x.dtype), dst,
                              num_segments=x.shape[0])
    agg = agg / jnp.clip(cnt, 1.0, None)[:, None]
    return agg @ Wl.T + bl + x @ Wr.T


def reference(x, edge_index, batch, W1l, b1l, W1r, W2l, b2l, W2r, Wf1, bf1, Wf2, bf2):
    # patch_extractor is an identity here: x holds precomputed 512->128-d patch
    # features (ResNet backbone output), standard for WSI graph pipelines.
    h = jax.nn.relu(_sage_conv(x, edge_index, W1l, b1l, W1r))
    h = jax.nn.relu(_sage_conv(h, edge_index, W2l, b2l, W2r))
    # global_mean_pool over `batch` segment ids
    s = jax.ops.segment_sum(h, batch, num_segments=G)
    n = jax.ops.segment_sum(jnp.ones((h.shape[0],), h.dtype), batch, num_segments=G)
    pooled = s / jnp.clip(n, 1.0, None)[:, None]
    hidden = jax.nn.relu(pooled @ Wf1.T + bf1)
    out = hidden @ Wf2.T + bf2
    return out

if __name__ == "__main__":
    import jax
    _d = setup_inputs()
    print(jax.jit(kernel)(*tuple(_d.values())))

</pallas_src>

<mosaic_0001>
#map = affine_map<(d0, d1) -> (0, 0)>
#map1 = affine_map<(d0, d1) -> (0)>
module attributes {stable_mosaic.version = 14 : i64} {
  func.func @body(%arg0: i32, %arg1: i32, %arg2: memref<10240x128xf32, #tpu.memory_space<hbm>>, %arg3: memref<320000xi32, #tpu.memory_space<hbm>>, %arg4: memref<320000xi32, #tpu.memory_space<hbm>>, %arg5: memref<10240x128xf32, #tpu.memory_space<hbm>>, %arg6: memref<20480x128xf32, #tpu.memory_space<hbm>>, %arg7: memref<4x80xi32, #tpu.memory_space<vmem>>, %arg8: memref<4x80xi32, #tpu.memory_space<vmem>>, %arg9: memref<80x128xf32, #tpu.memory_space<vmem>>, %arg10: memref<80x128xf32, #tpu.memory_space<vmem>>, %arg11: memref<10240x128xf32, #tpu.memory_space<vmem_shared>>, %arg12: memref<!tpu.dma_semaphore, #tpu.memory_space<semaphore_mem>>, %arg13: memref<!tpu.dma_semaphore, #tpu.memory_space<semaphore_mem>>, %arg14: memref<!tpu.dma_semaphore, #tpu.memory_space<semaphore_mem>>, %arg15: memref<!tpu.dma_semaphore, #tpu.memory_space<semaphore_mem>>, %arg16: memref<!tpu.dma_semaphore, #tpu.memory_space<semaphore_mem>>) attributes {dimension_semantics = [#tpu.dimension_semantics<core_parallel>, #tpu.dimension_semantics<subcore_parallel>], iteration_bounds = array<i64: 2, 16>, scalar_prefetch = 0 : i64, scratch_operands = 10 : i64, tpu.core_type = #tpu.core_type<sc_vector_subcore>, window_params = [{transform_indices = #map}, {transform_indices = #map1}, {transform_indices = #map1}, {transform_indices = #map}, {transform_indices = #map}]} {
    %mul3A = arith.constant 2 : i32
    %mul3A_0 = arith.muli %arg1, %mul3A : i32
    %add3A = arith.addi %mul3A_0, %arg0 : i32
    "tpu.region"() ({
      %run_scoped3A_156 = tpu.sem_alloc : memref<!tpu.dma_semaphore, #tpu.memory_space<semaphore_mem>>
      %dma_start3A_157 = arith.constant 0 : i32
      %dma_start3A_158 = arith.constant 0 : i32
      %dma_start3A_159 = tpu.memref_slice %arg5[%dma_start3A_157, %dma_start3A_158] : memref<10240x128xf32, #tpu.memory_space<hbm>> -> memref<80x128xf32, #tpu.memory_space<hbm>>
      %dma_start3A_160 = arith.constant 0 : i32
      %dma_start3A_161 = arith.constant 0 : i32
      %dma_start3A_162 = tpu.memref_slice %arg5[%dma_start3A_160, %dma_start3A_161] : memref<10240x128xf32, #tpu.memory_space<hbm>> -> memref<80x128xf32, #tpu.memory_space<hbm>>
      tpu.enqueue_dma source(%dma_start3A_162 : memref<80x128xf32, #tpu.memory_space<hbm>>) target(%arg9 : memref<80x128xf32, #tpu.memory_space<vmem>>) target_semaphore(%run_scoped3A_156 : memref<!tpu.dma_semaphore, #tpu.memory_space<semaphore_mem>>)
      %dma_wait3A_163 = arith.constant 0 : i32
      %dma_wait3A_164 = arith.constant 0 : i32
      %dma_wait3A_165 = tpu.memref_slice %arg5[%dma_wait3A_163, %dma_wait3A_164] : memref<10240x128xf32, #tpu.memory_space<hbm>> -> memref<80x128xf32, #tpu.memory_space<hbm>>
      %dma_wait3A_166 = arith.constant 0 : i32
      %dma_wait3A_167 = arith.constant 0 : i32
      %dma_wait3A_168 = tpu.memref_slice %arg5[%dma_wait3A_166, %dma_wait3A_167] : memref<10240x128xf32, #tpu.memory_space<hbm>> -> memref<80x128xf32, #tpu.memory_space<hbm>>
      tpu.wait_dma2 semaphore(%run_scoped3A_156 : memref<!tpu.dma_semaphore, #tpu.memory_space<semaphore_mem>>) src(%dma_wait3A_168 : memref<80x128xf32, #tpu.memory_space<hbm>>) dst(%arg9 : memref<80x128xf32, #tpu.memory_space<vmem>>)
      tpu.yield
    }) : () -> ()
    %mul3A_1 = arith.constant 640 : i32
    %mul3A_2 = arith.muli %arg1, %mul3A_1 : i32
    %add3A_3 = arith.constant 0 : i32
    %add3A_4 = arith.addi %mul3A_2, %add3A_3 : i32
    "tpu.region"() ({
      %run_scoped3A_156 = tpu.sem_alloc : memref<!tpu.dma_semaphore, #tpu.memory_space<semaphore_mem>>
      %dma_start3A_157 = arith.constant 0 : i32
      %dma_start3A_158 = tpu.memref_slice %arg11[%add3A_4, %dma_start3A_157] : memref<10240x128xf32, #tpu.memory_space<vmem_shared>> -> memref<80x128xf32, #tpu.memory_space<vmem_shared>>
      %dma_start3A_159 = arith.constant 0 : i32
      %dma_start3A_160 = tpu.memref_slice %arg11[%add3A_4, %dma_start3A_159] : memref<10240x128xf32, #tpu.memory_space<vmem_shared>> -> memref<80x128xf32, #tpu.memory_space<vmem_shared>>
      tpu.enqueue_dma source(%arg9 : memref<80x128xf32, #tpu.memory_space<vmem>>) target(%dma_start3A_160 : memref<80x128xf32, #tpu.memory_space<vmem_shared>>) target_semaphore(%run_scoped3A_156 : memref<!tpu.dma_semaphore, #tpu.memory_space<semaphore_mem>>)
      %dma_wait3A_161 = arith.constant 0 : i32
      %dma_wait3A_162 = tpu.memref_slice %arg11[%add3A_4, %dma_wait3A_161] : memref<10240x128xf32, #tpu.memory_space<vmem_shared>> -> memref<80x128xf32, #tpu.memory_space<vmem_shared>>
      %dma_wait3A_163 = arith.constant 0 : i32
      %dma_wait3A_164 = tpu.memref_slice %arg11[%add3A_4, %dma_wait3A_163] : memref<10240x128xf32, #tpu.memory_space<vmem_shared>> -> memref<80x128xf32, #tpu.memory_space<vmem_shared>>
      tpu.wait_dma2 semaphore(%run_scoped3A_156 : memref<!tpu.dma_semaphore, #tpu.memory_space<semaphore_mem>>) src(%arg9 : memref<80x128xf32, #tpu.memory_space<vmem>>) dst(%dma_wait3A_164 : memref<80x128xf32, #tpu.memory_space<vmem_shared>>)
      tpu.yield
    }) : () -> ()
    %mul3A_5 = arith.constant 640 : i32
    %mul3A_6 = arith.muli %arg1, %mul3A_5 : i32
    %add3A_7 = arith.constant 80 : i32
    %add3A_8 = arith.addi %mul3A_6, %add3A_7 : i32
    "tpu.region"() ({
      %run_scoped3A_156 = tpu.sem_alloc : memref<!tpu.dma_semaphore, #tpu.memory_space<semaphore_mem>>
      %dma_start3A_157 = arith.constant 0 : i32
      %dma_start3A_158 = tpu.memref_slice %arg11[%add3A_8, %dma_start3A_157] : memref<10240x128xf32, #tpu.memory_space<vmem_shared>> -> memref<80x128xf32, #tpu.memory_space<vmem_shared>>
      %dma_start3A_159 = arith.constant 0 : i32
      %dma_start3A_160 = tpu.memref_slice %arg11[%add3A_8, %dma_start3A_159] : memref<10240x128xf32, #tpu.memory_space<vmem_shared>> -> memref<80x128xf32, #tpu.memory_space<vmem_shared>>
      tpu.enqueue_dma source(%arg9 : memref<80x128xf32, #tpu.memory_space<vmem>>) target(%dma_start3A_160 : memref<80x128xf32, #tpu.memory_space<vmem_shared>>) target_semaphore(%run_scoped3A_156 : memref<!tpu.dma_semaphore, #tpu.memory_space<semaphore_mem>>)
      %dma_wait3A_161 = arith.constant 0 : i32
      %dma_wait3A_162 = tpu.memref_slice %arg11[%add3A_8, %dma_wait3A_161] : memref<10240x128xf32, #tpu.memory_space<vmem_shared>> -> memref<80x128xf32, #tpu.memory_space<vmem_shared>>
      %dma_wait3A_163 = arith.constant 0 : i32
      %dma_wait3A_164 = tpu.memref_slice %arg11[%add3A_8, %dma_wait3A_163] : memref<10240x128xf32, #tpu.memory_space<vmem_shared>> -> memref<80x128xf32, #tpu.memory_space<vmem_shared>>
      tpu.wait_dma2 semaphore(%run_scoped3A_156 : memref<!tpu.dma_semaphore, #tpu.memory_space<semaphore_mem>>) src(%arg9 : memref<80x128xf32, #tpu.memory_space<vmem>>) dst(%dma_wait3A_164 : memref<80x128xf32, #tpu.memory_space<vmem_shared>>)
      tpu.yield
    }) : () -> ()
    %mul3A_9 = arith.constant 640 : i32
    %mul3A_10 = arith.muli %arg1, %mul3A_9 : i32
    %add3A_11 = arith.constant 160 : i32
    %add3A_12 = arith.addi %mul3A_10, %add3A_11 : i32
    "tpu.region"() ({
      %run_scoped3A_156 = tpu.sem_alloc : memref<!tpu.dma_semaphore, #tpu.memory_space<semaphore_mem>>
      %dma_start3A_157 = arith.constant 0 : i32
      %dma_start3A_158 = tpu.memref_slice %arg11[%add3A_12, %dma_start3A_157] : memref<10240x128xf32, #tpu.memory_space<vmem_shared>> -> memref<80x128xf32, #tpu.memory_space<vmem_shared>>
      %dma_start3A_159 = arith.constant 0 : i32
      %dma_start3A_160 = tpu.memref_slice %arg11[%add3A_12, %dma_start3A_159] : memref<10240x128xf32, #tpu.memory_space<vmem_shared>> -> memref<80x128xf32, #tpu.memory_space<vmem_shared>>
      tpu.enqueue_dma source(%arg9 : memref<80x128xf32, #tpu.memory_space<vmem>>) target(%dma_start3A_160 : memref<80x128xf32, #tpu.memory_space<vmem_shared>>) target_semaphore(%run_scoped3A_156 : memref<!tpu.dma_semaphore, #tpu.memory_space<semaphore_mem>>)
      %dma_wait3A_161 = arith.constant 0 : i32
      %dma_wait3A_162 = tpu.memref_slice %arg11[%add3A_12, %dma_wait3A_161] : memref<10240x128xf32, #tpu.memory_space<vmem_shared>> -> memref<80x128xf32, #tpu.memory_space<vmem_shared>>
      %dma_wait3A_163 = arith.constant 0 : i32
      %dma_wait3A_164 = tpu.memref_slice %arg11[%add3A_12, %dma_wait3A_163] : memref<10240x128xf32, #tpu.memory_space<vmem_shared>> -> memref<80x128xf32, #tpu.memory_space<vmem_shared>>
      tpu.wait_dma2 semaphore(%run_scoped3A_156 : memref<!tpu.dma_semaphore, #tpu.memory_space<semaphore_mem>>) src(%arg9 : memref<80x128xf32, #tpu.memory_space<vmem>>) dst(%dma_wait3A_164 : memref<80x128xf32, #tpu.memory_space<vmem_shared>>)
      tpu.yield
    }) : () -> ()
    %mul3A_13 = arith.constant 640 : i32
    %mul3A_14 = arith.muli %arg1, %mul3A_13 : i32
    %add3A_15 = arith.constant 240 : i32
    %add3A_16 = arith.addi %mul3A_14, %add3A_15 : i32
    "tpu.region"() ({
      %run_scoped3A_156 = tpu.sem_alloc : memref<!tpu.dma_semaphore, #tpu.memory_space<semaphore_mem>>
      %dma_start3A_157 = arith.constant 0 : i32
      %dma_start3A_158 = tpu.memref_slice %arg11[%add3A_16, %dma_start3A_157] : memref<10240x128xf32, #tpu.memory_space<vmem_shared>> -> memref<80x128xf32, #tpu.memory_space<vmem_shared>>
      %dma_start3A_159 = arith.constant 0 : i32
      %dma_start3A_160 = tpu.memref_slice %arg11[%add3A_16, %dma_start3A_159] : memref<10240x128xf32, #tpu.memory_space<vmem_shared>> -> memref<80x128xf32, #tpu.memory_space<vmem_shared>>
      tpu.enqueue_dma source(%arg9 : memref<80x128xf32, #tpu.memory_space<vmem>>) target(%dma_start3A_160 : memref<80x128xf32, #tpu.memory_space<vmem_shared>>) target_semaphore(%run_scoped3A_156 : memref<!tpu.dma_semaphore, #tpu.memory_space<semaphore_mem>>)
      %dma_wait3A_161 = arith.constant 0 : i32
      %dma_wait3A_162 = tpu.memref_slice %arg11[%add3A_16, %dma_wait3A_161] : memref<10240x128xf32, #tpu.memory_space<vmem_shared>> -> memref<80x128xf32, #tpu.memory_space<vmem_shared>>
      %dma_wait3A_163 = arith.constant 0 : i32
      %dma_wait3A_164 = tpu.memref_slice %arg11[%add3A_16, %dma_wait3A_163] : memref<10240x128xf32, #tpu.memory_space<vmem_shared>> -> memref<80x128xf32, #tpu.memory_space<vmem_shared>>
      tpu.wait_dma2 semaphore(%run_scoped3A_156 : memref<!tpu.dma_semaphore, #tpu.memory_space<semaphore_mem>>) src(%arg9 : memref<80x128xf32, #tpu.memory_space<vmem>>) dst(%dma_wait3A_164 : memref<80x128xf32, #tpu.memory_space<vmem_shared>>)
      tpu.yield
    }) : () -> ()
    %mul3A_17 = arith.constant 640 : i32
    %mul3A_18 = arith.muli %arg1, %mul3A_17 : i32
    %add3A_19 = arith.constant 320 : i32
    %add3A_20 = arith.addi %mul3A_18, %add3A_19 : i32
    "tpu.region"() ({
      %run_scoped3A_156 = tpu.sem_alloc : memref<!tpu.dma_semaphore, #tpu.memory_space<semaphore_mem>>
      %dma_start3A_157 = arith.constant 0 : i32
      %dma_start3A_158 = tpu.memref_slice %arg11[%add3A_20, %dma_start3A_157] : memref<10240x128xf32, #tpu.memory_space<vmem_shared>> -> memref<80x128xf32, #tpu.memory_space<vmem_shared>>
      %dma_start3A_159 = arith.constant 0 : i32
      %dma_start3A_160 = tpu.memref_slice %arg11[%add3A_20, %dma_start3A_159] : memref<10240x128xf32, #tpu.memory_space<vmem_shared>> -> memref<80x128xf32, #tpu.memory_space<vmem_shared>>
      tpu.enqueue_dma source(%arg9 : memref<80x128xf32, #tpu.memory_space<vmem>>) target(%dma_start3A_160 : memref<80x128xf32, #tpu.memory_space<vmem_shared>>) target_semaphore(%run_scoped3A_156 : memref<!tpu.dma_semaphore, #tpu.memory_space<semaphore_mem>>)
      %dma_wait3A_161 = arith.constant 0 : i32
      %dma_wait3A_162 = tpu.memref_slice %arg11[%add3A_20, %dma_wait3A_161] : memref<10240x128xf32, #tpu.memory_space<vmem_shared>> -> memref<80x128xf32, #tpu.memory_space<vmem_shared>>
      %dma_wait3A_163 = arith.constant 0 : i32
      %dma_wait3A_164 = tpu.memref_slice %arg11[%add3A_20, %dma_wait3A_163] : memref<10240x128xf32, #tpu.memory_space<vmem_shared>> -> memref<80x128xf32, #tpu.memory_space<vmem_shared>>
      tpu.wait_dma2 semaphore(%run_scoped3A_156 : memref<!tpu.dma_semaphore, #tpu.memory_space<semaphore_mem>>) src(%arg9 : memref<80x128xf32, #tpu.memory_space<vmem>>) dst(%dma_wait3A_164 : memref<80x128xf32, #tpu.memory_space<vmem_shared>>)
      tpu.yield
    }) : () -> ()
    %mul3A_21 = arith.constant 640 : i32
    %mul3A_22 = arith.muli %arg1, %mul3A_21 : i32
    %add3A_23 = arith.constant 400 : i32
    %add3A_24 = arith.addi %mul3A_22, %add3A_23 : i32
    "tpu.region"() ({
      %run_scoped3A_156 = tpu.sem_alloc : memref<!tpu.dma_semaphore, #tpu.memory_space<semaphore_mem>>
      %dma_start3A_157 = arith.constant 0 : i32
      %dma_start3A_158 = tpu.memref_slice %arg11[%add3A_24, %dma_start3A_157] : memref<10240x128xf32, #tpu.memory_space<vmem_shared>> -> memref<80x128xf32, #tpu.memory_space<vmem_shared>>
      %dma_start3A_159 = arith.constant 0 : i32
      %dma_start3A_160 = tpu.memref_slice %arg11[%add3A_24, %dma_start3A_159] : memref<10240x128xf32, #tpu.memory_space<vmem_shared>> -> memref<80x128xf32, #tpu.memory_space<vmem_shared>>
      tpu.enqueue_dma source(%arg9 : memref<80x128xf32, #tpu.memory_space<vmem>>) target(%dma_start3A_160 : memref<80x128xf32, #tpu.memory_space<vmem_shared>>) target_semaphore(%run_scoped3A_156 : memref<!tpu.dma_semaphore, #tpu.memory_space<semaphore_mem>>)
      %dma_wait3A_161 = arith.constant 0 : i32
      %dma_wait3A_162 = tpu.memref_slice %arg11[%add3A_24, %dma_wait3A_161] : memref<10240x128xf32, #tpu.memory_space<vmem_shared>> -> memref<80x128xf32, #tpu.memory_space<vmem_shared>>
      %dma_wait3A_163 = arith.constant 0 : i32
      %dma_wait3A_164 = tpu.memref_slice %arg11[%add3A_24, %dma_wait3A_163] : memref<10240x128xf32, #tpu.memory_space<vmem_shared>> -> memref<80x128xf32, #tpu.memory_space<vmem_shared>>
      tpu.wait_dma2 semaphore(%run_scoped3A_156 : memref<!tpu.dma_semaphore, #tpu.memory_space<semaphore_mem>>) src(%arg9 : memref<80x128xf32, #tpu.memory_space<vmem>>) dst(%dma_wait3A_164 : memref<80x128xf32, #tpu.memory_space<vmem_shared>>)
      tpu.yield
    }) : () -> ()
    %mul3A_25 = arith.constant 640 : i32
    %mul3A_26 = arith.muli %arg1, %mul3A_25 : i32
    %add3A_27 = arith.constant 480 : i32
    %add3A_28 = arith.addi %mul3A_26, %add3A_27 : i32
    "tpu.region"() ({
      %run_scoped3A_156 = tpu.sem_alloc : memref<!tpu.dma_semaphore, #tpu.memory_space<semaphore_mem>>
      %dma_start3A_157 = arith.constant 0 : i32
      %dma_start3A_158 = tpu.memref_slice %arg11[%add3A_28, %dma_start3A_157] : memref<10240x128xf32, #tpu.memory_space<vmem_shared>> -> memref<80x128xf32, #tpu.memory_space<vmem_shared>>
      %dma_start3A_159 = arith.constant 0 : i32
      %dma_start3A_160 = tpu.memref_slice %arg11[%add3A_28, %dma_start3A_159] : memref<10240x128xf32, #tpu.memory_space<vmem_shared>> -> memref<80x128xf32, #tpu.memory_space<vmem_shared>>
      tpu.enqueue_dma source(%arg9 : memref<80x128xf32, #tpu.memory_space<vmem>>) target(%dma_start3A_160 : memref<80x128xf32, #tpu.memory_space<vmem_shared>>) target_semaphore(%run_scoped3A_156 : memref<!tpu.dma_semaphore, #tpu.memory_space<semaphore_mem>>)
      %dma_wait3A_161 = arith.constant 0 : i32
      %dma_wait3A_162 = tpu.memref_slice %arg11[%add3A_28, %dma_wait3A_161] : memref<10240x128xf32, #tpu.memory_space<vmem_shared>> -> memref<80x128xf32, #tpu.memory_space<vmem_shared>>
      %dma_wait3A_163 = arith.constant 0 : i32
      %dma_wait3A_164 = tpu.memref_slice %arg11[%add3A_28, %dma_wait3A_163] : memref<10240x128xf32, #tpu.memory_space<vmem_shared>> -> memref<80x128xf32, #tpu.memory_space<vmem_shared>>
      tpu.wait_dma2 semaphore(%run_scoped3A_156 : memref<!tpu.dma_semaphore, #tpu.memory_space<semaphore_mem>>) src(%arg9 : memref<80x128xf32, #tpu.memory_space<vmem>>) dst(%dma_wait3A_164 : memref<80x128xf32, #tpu.memory_space<vmem_shared>>)
      tpu.yield
    }) : () -> ()
    %mul3A_29 = arith.constant 640 : i32
    %mul3A_30 = arith.muli %arg1, %mul3A_29 : i32
    %add3A_31 = arith.constant 560 : i32
    %add3A_32 = arith.addi %mul3A_30, %add3A_31 : i32
    "tpu.region"() ({
      %run_scoped3A_156 = tpu.sem_alloc : memref<!tpu.dma_semaphore, #tpu.memory_space<semaphore_mem>>
      %dma_start3A_157 = arith.constant 0 : i32
      %dma_start3A_158 = tpu.memref_slice %arg11[%add3A_32, %dma_start3A_157] : memref<10240x128xf32, #tpu.memory_space<vmem_shared>> -> memref<80x128xf32, #tpu.memory_space<vmem_shared>>
      %dma_start3A_159 = arith.constant 0 : i32
      %dma_start3A_160 = tpu.memref_slice %arg11[%add3A_32, %dma_start3A_159] : memref<10240x128xf32, #tpu.memory_space<vmem_shared>> -> memref<80x128xf32, #tpu.memory_space<vmem_shared>>
      tpu.enqueue_dma source(%arg9 : memref<80x128xf32, #tpu.memory_space<vmem>>) target(%dma_start3A_160 : memref<80x128xf32, #tpu.memory_space<vmem_shared>>) target_semaphore(%run_scoped3A_156 : memref<!tpu.dma_semaphore, #tpu.memory_space<semaphore_mem>>)
      %dma_wait3A_161 = arith.constant 0 : i32
      %dma_wait3A_162 = tpu.memref_slice %arg11[%add3A_32, %dma_wait3A_161] : memref<10240x128xf32, #tpu.memory_space<vmem_shared>> -> memref<80x128xf32, #tpu.memory_space<vmem_shared>>
      %dma_wait3A_163 = arith.constant 0 : i32
      %dma_wait3A_164 = tpu.memref_slice %arg11[%add3A_32, %dma_wait3A_163] : memref<10240x128xf32, #tpu.memory_space<vmem_shared>> -> memref<80x128xf32, #tpu.memory_space<vmem_shared>>
      tpu.wait_dma2 semaphore(%run_scoped3A_156 : memref<!tpu.dma_semaphore, #tpu.memory_space<semaphore_mem>>) src(%arg9 : memref<80x128xf32, #tpu.memory_space<vmem>>) dst(%dma_wait3A_164 : memref<80x128xf32, #tpu.memory_space<vmem_shared>>)
      tpu.yield
    }) : () -> ()
    %barrier3A = arith.constant 0 : index
    tpu.barrier barrier_id(%barrier3A)
    %mul3A_33 = arith.constant 10000 : i32
    %mul3A_34 = arith.muli %add3A, %mul3A_33 : i32
    %run_scoped3A = arith.constant 0 : i32
    "tpu.region"() ({
      %run_scoped3A_156 = tpu.sem_alloc : memref<!tpu.dma_semaphore, #tpu.memory_space<semaphore_mem>>
      %dma_start3A_157 = arith.constant 0 : i32
      %dma_start3A_158 = tpu.memref_slice %arg7[%run_scoped3A, %dma_start3A_157] : memref<4x80xi32, #tpu.memory_space<vmem>> -> memref<1x80xi32, #tpu.memory_space<vmem>>
      %dma_start3A_159 = tpu.memref_squeeze %dma_start3A_158 : memref<1x80xi32, #tpu.memory_space<vmem>> -> memref<80xi32, #tpu.memory_space<vmem>>
      %dma_start3A_160 = tpu.memref_slice %arg3[%mul3A_34] : memref<320000xi32, #tpu.memory_space<hbm>> -> memref<80xi32, #tpu.memory_space<hbm>>
      %dma_start3A_161 = arith.constant 0 : i32
      %dma_start3A_162 = tpu.memref_slice %arg7[%run_scoped3A, %dma_start3A_161] : memref<4x80xi32, #tpu.memory_space<vmem>> -> memref<1x80xi32, #tpu.memory_space<vmem>>
      %dma_start3A_163 = tpu.memref_squeeze %dma_start3A_162 : memref<1x80xi32, #tpu.memory_space<vmem>> -> memref<80xi32, #tpu.memory_space<vmem>>
      %dma_start3A_164 = tpu.memref_slice %arg3[%mul3A_34] : memref<320000xi32, #tpu.memory_space<hbm>> -> memref<80xi32, #tpu.memory_space<hbm>>
      tpu.enqueue_dma source(%dma_start3A_164 : memref<80xi32, #tpu.memory_space<hbm>>) target(%dma_start3A_163 : memref<80xi32, #tpu.memory_space<vmem>>) target_semaphore(%run_scoped3A_156 : memref<!tpu.dma_semaphore, #tpu.memory_space<semaphore_mem>>)
      %dma_wait3A_165 = arith.constant 0 : i32
      %dma_wait3A_166 = tpu.memref_slice %arg7[%run_scoped3A, %dma_wait3A_165] : memref<4x80xi32, #tpu.memory_space<vmem>> -> memref<1x80xi32, #tpu.memory_space<vmem>>
      %dma_wait3A_167 = tpu.memref_squeeze %dma_wait3A_166 : memref<1x80xi32, #tpu.memory_space<vmem>> -> memref<80xi32, #tpu.memory_space<vmem>>
      %dma_wait3A_168 = tpu.memref_slice %arg3[%mul3A_34] : memref<320000xi32, #tpu.memory_space<hbm>> -> memref<80xi32, #tpu.memory_space<hbm>>
      %dma_wait3A_169 = arith.constant 0 : i32
      %dma_wait3A_170 = tpu.memref_slice %arg7[%run_scoped3A, %dma_wait3A_169] : memref<4x80xi32, #tpu.memory_space<vmem>> -> memref<1x80xi32, #tpu.memory_space<vmem>>
      %dma_wait3A_171 = tpu.memref_squeeze %dma_wait3A_170 : memref<1x80xi32, #tpu.memory_space<vmem>> -> memref<80xi32, #tpu.memory_space<vmem>>
      %dma_wait3A_172 = tpu.memref_slice %arg3[%mul3A_34] : memref<320000xi32, #tpu.memory_space<hbm>> -> memref<80xi32, #tpu.memory_space<hbm>>
      tpu.wait_dma2 semaphore(%run_scoped3A_156 : memref<!tpu.dma_semaphore, #tpu.memory_space<semaphore_mem>>) src(%dma_wait3A_172 : memref<80xi32, #tpu.memory_space<hbm>>) dst(%dma_wait3A_171 : memref<80xi32, #tpu.memory_space<vmem>>)
      tpu.yield
    }) : () -> ()
    %run_scoped3A_35 = arith.constant 0 : i32
    "tpu.region"() ({
      %run_scoped3A_156 = tpu.sem_alloc : memref<!tpu.dma_semaphore, #tpu.memory_space<semaphore_mem>>
      %dma_start3A_157 = arith.constant 0 : i32
      %dma_start3A_158 = tpu.memref_slice %arg8[%run_scoped3A_35, %dma_start3A_157] : memref<4x80xi32, #tpu.memory_space<vmem>> -> memref<1x80xi32, #tpu.memory_space<vmem>>
      %dma_start3A_159 = tpu.memref_squeeze %dma_start3A_158 : memref<1x80xi32, #tpu.memory_space<vmem>> -> memref<80xi32, #tpu.memory_space<vmem>>
      %dma_start3A_160 = tpu.memref_slice %arg4[%mul3A_34] : memref<320000xi32, #tpu.memory_space<hbm>> -> memref<80xi32, #tpu.memory_space<hbm>>
      %dma_start3A_161 = arith.constant 0 : i32
      %dma_start3A_162 = tpu.memref_slice %arg8[%run_scoped3A_35, %dma_start3A_161] : memref<4x80xi32, #tpu.memory_space<vmem>> -> memref<1x80xi32, #tpu.memory_space<vmem>>
      %dma_start3A_163 = tpu.memref_squeeze %dma_start3A_162 : memref<1x80xi32, #tpu.memory_space<vmem>> -> memref<80xi32, #tpu.memory_space<vmem>>
      %dma_start3A_164 = tpu.memref_slice %arg4[%mul3A_34] : memref<320000xi32, #tpu.memory_space<hbm>> -> memref<80xi32, #tpu.memory_space<hbm>>
      tpu.enqueue_dma source(%dma_start3A_164 : memref<80xi32, #tpu.memory_space<hbm>>) target(%dma_start3A_163 : memref<80xi32, #tpu.memory_space<vmem>>) target_semaphore(%run_scoped3A_156 : memref<!tpu.dma_semaphore, #tpu.memory_space<semaphore_mem>>)
      %dma_wait3A_165 = arith.constant 0 : i32
      %dma_wait3A_166 = tpu.memref_slice %arg8[%run_scoped3A_35, %dma_wait3A_165] : memref<4x80xi32, #tpu.memory_space<vmem>> -> memref<1x80xi32, #tpu.memory_space<vmem>>
      %dma_wait3A_167 = tpu.memref_squeeze %dma_wait3A_166 : memref<1x80xi32, #tpu.memory_space<vmem>> -> memref<80xi32, #tpu.memory_space<vmem>>
      %dma_wait3A_168 = tpu.memref_slice %arg4[%mul3A_34] : memref<320000xi32, #tpu.memory_space<hbm>> -> memref<80xi32, #tpu.memory_space<hbm>>
      %dma_wait3A_169 = arith.constant 0 : i32
      %dma_wait3A_170 = tpu.memref_slice %arg8[%run_scoped3A_35, %dma_wait3A_169] : memref<4x80xi32, #tpu.memory_space<vmem>> -> memref<1x80xi32, #tpu.memory_space<vmem>>
      %dma_wait3A_171 = tpu.memref_squeeze %dma_wait3A_170 : memref<1x80xi32, #tpu.memory_space<vmem>> -> memref<80xi32, #tpu.memory_space<vmem>>
      %dma_wait3A_172 = tpu.memref_slice %arg4[%mul3A_34] : memref<320000xi32, #tpu.memory_space<hbm>> -> memref<80xi32, #tpu.memory_space<hbm>>
      tpu.wait_dma2 semaphore(%run_scoped3A_156 : memref<!tpu.dma_semaphore, #tpu.memory_space<semaphore_mem>>) src(%dma_wait3A_172 : memref<80xi32, #tpu.memory_space<hbm>>) dst(%dma_wait3A_171 : memref<80xi32, #tpu.memory_space<vmem>>)
      tpu.yield
    }) : () -> ()
    %add3A_36 = arith.constant 80 : i32
    %add3A_37 = arith.addi %mul3A_34, %add3A_36 : i32
    %run_scoped3A_38 = arith.constant 1 : i32
    "tpu.region"() ({
      %run_scoped3A_156 = tpu.sem_alloc : memref<!tpu.dma_semaphore, #tpu.memory_space<semaphore_mem>>
      %dma_start3A_157 = arith.constant 0 : i32
      %dma_start3A_158 = tpu.memref_slice %arg7[%run_scoped3A_38, %dma_start3A_157] : memref<4x80xi32, #tpu.memory_space<vmem>> -> memref<1x80xi32, #tpu.memory_space<vmem>>
      %dma_start3A_159 = tpu.memref_squeeze %dma_start3A_158 : memref<1x80xi32, #tpu.memory_space<vmem>> -> memref<80xi32, #tpu.memory_space<vmem>>
      %dma_start3A_160 = tpu.memref_slice %arg3[%add3A_37] : memref<320000xi32, #tpu.memory_space<hbm>> -> memref<80xi32, #tpu.memory_space<hbm>>
      %dma_start3A_161 = arith.constant 0 : i32
      %dma_start3A_162 = tpu.memref_slice %arg7[%run_scoped3A_38, %dma_start3A_161] : memref<4x80xi32, #tpu.memory_space<vmem>> -> memref<1x80xi32, #tpu.memory_space<vmem>>
      %dma_start3A_163 = tpu.memref_squeeze %dma_start3A_162 : memref<1x80xi32, #tpu.memory_space<vmem>> -> memref<80xi32, #tpu.memory_space<vmem>>
      %dma_start3A_164 = tpu.memref_slice %arg3[%add3A_37] : memref<320000xi32, #tpu.memory_space<hbm>> -> memref<80xi32, #tpu.memory_space<hbm>>
      tpu.enqueue_dma source(%dma_start3A_164 : memref<80xi32, #tpu.memory_space<hbm>>) target(%dma_start3A_163 : memref<80xi32, #tpu.memory_space<vmem>>) target_semaphore(%run_scoped3A_156 : memref<!tpu.dma_semaphore, #tpu.memory_space<semaphore_mem>>)
      %dma_wait3A_165 = arith.constant 0 : i32
      %dma_wait3A_166 = tpu.memref_slice %arg7[%run_scoped3A_38, %dma_wait3A_165] : memref<4x80xi32, #tpu.memory_space<vmem>> -> memref<1x80xi32, #tpu.memory_space<vmem>>
      %dma_wait3A_167 = tpu.memref_squeeze %dma_wait3A_166 : memref<1x80xi32, #tpu.memory_space<vmem>> -> memref<80xi32, #tpu.memory_space<vmem>>
      %dma_wait3A_168 = tpu.memref_slice %arg3[%add3A_37] : memref<320000xi32, #tpu.memory_space<hbm>> -> memref<80xi32, #tpu.memory_space<hbm>>
      %dma_wait3A_169 = arith.constant 0 : i32
      %dma_wait3A_170 = tpu.memref_slice %arg7[%run_scoped3A_38, %dma_wait3A_169] : memref<4x80xi32, #tpu.memory_space<vmem>> -> memref<1x80xi32, #tpu.memory_space<vmem>>
      %dma_wait3A_171 = tpu.memref_squeeze %dma_wait3A_170 : memref<1x80xi32, #tpu.memory_space<vmem>> -> memref<80xi32, #tpu.memory_space<vmem>>
      %dma_wait3A_172 = tpu.memref_slice %arg3[%add3A_37] : memref<320000xi32, #tpu.memory_space<hbm>> -> memref<80xi32, #tpu.memory_space<hbm>>
      tpu.wait_dma2 semaphore(%run_scoped3A_156 : memref<!tpu.dma_semaphore, #tpu.memory_space<semaphore_mem>>) src(%dma_wait3A_172 : memref<80xi32, #tpu.memory_space<hbm>>) dst(%dma_wait3A_171 : memref<80xi32, #tpu.memory_space<vmem>>)
      tpu.yield
    }) : () -> ()
    %add3A_39 = arith.constant 80 : i32
    %add3A_40 = arith.addi %mul3A_34, %add3A_39 : i32
    %run_scoped3A_41 = arith.constant 1 : i32
    "tpu.region"() ({
      %run_scoped3A_156 = tpu.sem_alloc : memref<!tpu.dma_semaphore, #tpu.memory_space<semaphore_mem>>
      %dma_start3A_157 = arith.constant 0 : i32
      %dma_start3A_158 = tpu.memref_slice %arg8[%run_scoped3A_41, %dma_start3A_157] : memref<4x80xi32, #tpu.memory_space<vmem>> -> memref<1x80xi32, #tpu.memory_space<vmem>>
      %dma_start3A_159 = tpu.memref_squeeze %dma_start3A_158 : memref<1x80xi32, #tpu.memory_space<vmem>> -> memref<80xi32, #tpu.memory_space<vmem>>
      %dma_start3A_160 = tpu.memref_slice %arg4[%add3A_40] : memref<320000xi32, #tpu.memory_space<hbm>> -> memref<80xi32, #tpu.memory_space<hbm>>
      %dma_start3A_161 = arith.constant 0 : i32
      %dma_start3A_162 = tpu.memref_slice %arg8[%run_scoped3A_41, %dma_start3A_161] : memref<4x80xi32, #tpu.memory_space<vmem>> -> memref<1x80xi32, #tpu.memory_space<vmem>>
      %dma_start3A_163 = tpu.memref_squeeze %dma_start3A_162 : memref<1x80xi32, #tpu.memory_space<vmem>> -> memref<80xi32, #tpu.memory_space<vmem>>
      %dma_start3A_164 = tpu.memref_slice %arg4[%add3A_40] : memref<320000xi32, #tpu.memory_space<hbm>> -> memref<80xi32, #tpu.memory_space<hbm>>
      tpu.enqueue_dma source(%dma_start3A_164 : memref<80xi32, #tpu.memory_space<hbm>>) target(%dma_start3A_163 : memref<80xi32, #tpu.memory_space<vmem>>) target_semaphore(%run_scoped3A_156 : memref<!tpu.dma_semaphore, #tpu.memory_space<semaphore_mem>>)
      %dma_wait3A_165 = arith.constant 0 : i32
      %dma_wait3A_166 = tpu.memref_slice %arg8[%run_scoped3A_41, %dma_wait3A_165] : memref<4x80xi32, #tpu.memory_space<vmem>> -> memref<1x80xi32, #tpu.memory_space<vmem>>
      %dma_wait3A_167 = tpu.memref_squeeze %dma_wait3A_166 : memref<1x80xi32, #tpu.memory_space<vmem>> -> memref<80xi32, #tpu.memory_space<vmem>>
      %dma_wait3A_168 = tpu.memref_slice %arg4[%add3A_40] : memref<320000xi32, #tpu.memory_space<hbm>> -> memref<80xi32, #tpu.memory_space<hbm>>
      %dma_wait3A_169 = arith.constant 0 : i32
      %dma_wait3A_170 = tpu.memref_slice %arg8[%run_scoped3A_41, %dma_wait3A_169] : memref<4x80xi32, #tpu.memory_space<vmem>> -> memref<1x80xi32, #tpu.memory_space<vmem>>
      %dma_wait3A_171 = tpu.memref_squeeze %dma_wait3A_170 : memref<1x80xi32, #tpu.memory_space<vmem>> -> memref<80xi32, #tpu.memory_space<vmem>>
      %dma_wait3A_172 = tpu.memref_slice %arg4[%add3A_40] : memref<320000xi32, #tpu.memory_space<hbm>> -> memref<80xi32, #tpu.memory_space<hbm>>
      tpu.wait_dma2 semaphore(%run_scoped3A_156 : memref<!tpu.dma_semaphore, #tpu.memory_space<semaphore_mem>>) src(%dma_wait3A_172 : memref<80xi32, #tpu.memory_space<hbm>>) dst(%dma_wait3A_171 : memref<80xi32, #tpu.memory_space<vmem>>)
      tpu.yield
    }) : () -> ()
    %dma_start3A = arith.constant 0 : i32
    %dma_start3A_42 = arith.constant 0 : i32
    %dma_start3A_43 = tpu.memref_slice %arg7[%dma_start3A, %dma_start3A_42] : memref<4x80xi32, #tpu.memory_space<vmem>> -> memref<1x80xi32, #tpu.memory_space<vmem>>
    %dma_start3A_44 = tpu.memref_squeeze %dma_start3A_43 : memref<1x80xi32, #tpu.memory_space<vmem>> -> memref<80xi32, #tpu.memory_space<vmem>>
    %dma_start3A_45 = arith.constant 0 : i32
    %dma_start3A_46 = arith.constant 0 : i32
    %dma_start3A_47 = tpu.memref_slice %arg2[%dma_start3A_45, %dma_start3A_46] : memref<10240x128xf32, #tpu.memory_space<hbm>> -> memref<10240x128xf32, #tpu.memory_space<hbm>>
    tpu.enqueue_indirect_dma source(%dma_start3A_47 : memref<10240x128xf32, #tpu.memory_space<hbm>>) target(%arg9 : memref<80x128xf32, #tpu.memory_space<vmem>>) offsets(%dma_start3A_44 : memref<80xi32, #tpu.memory_space<vmem>>) semaphore(%arg12 : memref<!tpu.dma_semaphore, #tpu.memory_space<semaphore_mem>>)
    %scan3A = arith.constant 0 : i32
    %scan3A_48 = arith.constant 0 : i32
    %scan3A_49 = arith.constant 124 : i32
    %scan3A_50 = arith.addi %scan3A_48, %scan3A_49 : i32
    %scan3A_51 = arith.constant 1 : i32
    scf.for %scan3A_156 = %scan3A_48 to %scan3A_50 step %scan3A_51  : i32 {
      %jit3A = arith.constant 4 : i32
      %eq3A = arith.constant 0 : i32
      %eq3A_157 = arith.cmpi eq, %jit3A, %eq3A : i32
      %jit3A_158 = arith.constant 1 : i32
      %select_n3A = arith.select %eq3A_157, %jit3A_158, %jit3A : i32
      %rem3A = arith.remsi %scan3A_156, %select_n3A : i32
      %ne3A = arith.constant 0 : i32
      %ne3A_159 = arith.cmpi ne, %rem3A, %ne3A : i32
      %lt3A = arith.constant 0 : i32
      %lt3A_160 = arith.cmpi slt, %rem3A, %lt3A : i32
      %lt3A_161 = arith.constant 0 : i32
      %lt3A_162 = arith.cmpi slt, %select_n3A, %lt3A_161 : i32
      %ne3A_163 = arith.xori %lt3A_160, %lt3A_162 : i1
      %and3A = arith.andi %ne3A_163, %ne3A_159 : i1
      %add3A_164 = arith.addi %rem3A, %select_n3A : i32
      %select_n3A_165 = arith.select %and3A, %add3A_164, %rem3A : i32
      %eq3A_166 = arith.constant 0 : i32
      %eq3A_167 = arith.cmpi eq, %select_n3A_165, %eq3A_166 : i32
      %convert_element_type3A = arith.extui %eq3A_167 : i1 to i32
      %cond3A = arith.constant 0 : i32
      %cond3A_168 = arith.cmpi ne, %convert_element_type3A, %cond3A : i32
      scf.if %cond3A_168 {
        %gt3A = arith.constant 0 : i32
        %gt3A_232 = arith.cmpi sgt, %scan3A_156, %gt3A : i32
        %convert_element_type3A_233 = arith.extui %gt3A_232 : i1 to i32
        %cond3A_234 = arith.constant 0 : i32
        %cond3A_235 = arith.cmpi ne, %convert_element_type3A_233, %cond3A_234 : i32
        scf.if %cond3A_235 {
          %dma_wait3A_271 = arith.constant 3 : i32
          %dma_wait3A_272 = arith.constant 0 : i32
          %dma_wait3A_273 = tpu.memref_slice %arg8[%dma_wait3A_271, %dma_wait3A_272] : memref<4x80xi32, #tpu.memory_space<vmem>> -> memref<1x80xi32, #tpu.memory_space<vmem>>
          %dma_wait3A_274 = tpu.memref_squeeze %dma_wait3A_273 : memref<1x80xi32, #tpu.memory_space<vmem>> -> memref<80xi32, #tpu.memory_space<vmem>>
          %dma_wait3A_275 = arith.constant 0 : i32
          %dma_wait3A_276 = arith.constant 0 : i32
          %dma_wait3A_277 = tpu.memref_slice %arg11[%dma_wait3A_275, %dma_wait3A_276] : memref<10240x128xf32, #tpu.memory_space<vmem_shared>> -> memref<10240x128xf32, #tpu.memory_space<vmem_shared>>
          tpu.wait_indirect_dma semaphore(%arg15 : memref<!tpu.dma_semaphore, #tpu.memory_space<semaphore_mem>>) src(%arg10 : memref<80x128xf32, #tpu.memory_space<vmem>>) dst(%dma_wait3A_277 : memref<10240x128xf32, #tpu.memory_space<vmem_shared>>)
        } else {
        }
        %dma_start3A_236 = arith.constant 1 : i32
        %dma_start3A_237 = arith.constant 0 : i32
        %dma_start3A_238 = tpu.memref_slice %arg7[%dma_start3A_236, %dma_start3A_237] : memref<4x80xi32, #tpu.memory_space<vmem>> -> memref<1x80xi32, #tpu.memory_space<vmem>>
        %dma_start3A_239 = tpu.memref_squeeze %dma_start3A_238 : memref<1x80xi32, #tpu.memory_space<vmem>> -> memref<80xi32, #tpu.memory_space<vmem>>
        %dma_start3A_240 = arith.constant 0 : i32
        %dma_start3A_241 = arith.constant 0 : i32
        %dma_start3A_242 = tpu.memref_slice %arg2[%dma_start3A_240, %dma_start3A_241] : memref<10240x128xf32, #tpu.memory_space<hbm>> -> memref<10240x128xf32, #tpu.memory_space<hbm>>
        tpu.enqueue_indirect_dma source(%dma_start3A_242 : memref<10240x128xf32, #tpu.memory_space<hbm>>) target(%arg10 : memref<80x128xf32, #tpu.memory_space<vmem>>) offsets(%dma_start3A_239 : memref<80xi32, #tpu.memory_space<vmem>>) semaphore(%arg13 : memref<!tpu.dma_semaphore, #tpu.memory_space<semaphore_mem>>)
        %add3A_243 = arith.constant 2 : i32
        %add3A_244 = arith.addi %scan3A_156, %add3A_243 : i32
        %lt3A_245 = arith.constant 125 : i32
        %lt3A_246 = arith.cmpi slt, %add3A_244, %lt3A_245 : i32
        %convert_element_type3A_247 = arith.extui %lt3A_246 : i1 to i32
        %cond3A_248 = arith.constant 0 : i32
        %cond3A_249 = arith.cmpi ne, %convert_element_type3A_247, %cond3A_248 : i32
        scf.if %cond3A_249 {
          %add3A_271 = arith.constant 2 : i32
          %add3A_272 = arith.addi %scan3A_156, %add3A_271 : i32
          %mul3A_273 = arith.constant 80 : i32
          %mul3A_274 = arith.muli %add3A_272, %mul3A_273 : i32
          %add3A_275 = arith.addi %mul3A_34, %mul3A_274 : i32
          %dma_start3A_276 = arith.constant 2 : i32
          %dma_start3A_277 = arith.constant 0 : i32
          %dma_start3A_278 = tpu.memref_slice %arg7[%dma_start3A_276, %dma_start3A_277] : memref<4x80xi32, #tpu.memory_space<vmem>> -> memref<1x80xi32, #tpu.memory_space<vmem>>
          %dma_start3A_279 = tpu.memref_squeeze %dma_start3A_278 : memref<1x80xi32, #tpu.memory_space<vmem>> -> memref<80xi32, #tpu.memory_space<vmem>>
          %dma_start3A_280 = tpu.memref_slice %arg3[%add3A_275] : memref<320000xi32, #tpu.memory_space<hbm>> -> memref<80xi32, #tpu.memory_space<hbm>>
          %dma_start3A_281 = arith.constant 0 : i32
          %dma_start3A_282 = tpu.memref_slice %arg7[%dma_start3A_276, %dma_start3A_281] : memref<4x80xi32, #tpu.memory_space<vmem>> -> memref<1x80xi32, #tpu.memory_space<vmem>>
          %dma_start3A_283 = tpu.memref_squeeze %dma_start3A_282 : memref<1x80xi32, #tpu.memory_space<vmem>> -> memref<80xi32, #tpu.memory_space<vmem>>
          %dma_start3A_284 = tpu.memref_slice %arg3[%add3A_275] : memref<320000xi32, #tpu.memory_space<hbm>> -> memref<80xi32, #tpu.memory_space<hbm>>
          tpu.enqueue_dma source(%dma_start3A_284 : memref<80xi32, #tpu.memory_space<hbm>>) target(%dma_start3A_283 : memref<80xi32, #tpu.memory_space<vmem>>) target_semaphore(%arg16 : memref<!tpu.dma_semaphore, #tpu.memory_space<semaphore_mem>>)
          %dma_start3A_285 = arith.constant 2 : i32
          %dma_start3A_286 = arith.constant 0 : i32
          %dma_start3A_287 = tpu.memref_slice %arg8[%dma_start3A_285, %dma_start3A_286] : memref<4x80xi32, #tpu.memory_space<vmem>> -> memref<1x80xi32, #tpu.memory_space<vmem>>
          %dma_start3A_288 = tpu.memref_squeeze %dma_start3A_287 : memref<1x80xi32, #tpu.memory_space<vmem>> -> memref<80xi32, #tpu.memory_space<vmem>>
          %dma_start3A_289 = tpu.memref_slice %arg4[%add3A_275] : memref<320000xi32, #tpu.memory_space<hbm>> -> memref<80xi32, #tpu.memory_space<hbm>>
          %dma_start3A_290 = arith.constant 0 : i32
          %dma_start3A_291 = tpu.memref_slice %arg8[%dma_start3A_285, %dma_start3A_290] : memref<4x80xi32, #tpu.memory_space<vmem>> -> memref<1x80xi32, #tpu.memory_space<vmem>>
          %dma_start3A_292 = tpu.memref_squeeze %dma_start3A_291 : memref<1x80xi32, #tpu.memory_space<vmem>> -> memref<80xi32, #tpu.memory_space<vmem>>
          %dma_start3A_293 = tpu.memref_slice %arg4[%add3A_275] : memref<320000xi32, #tpu.memory_space<hbm>> -> memref<80xi32, #tpu.memory_space<hbm>>
          tpu.enqueue_dma source(%dma_start3A_293 : memref<80xi32, #tpu.memory_space<hbm>>) target(%dma_start3A_292 : memref<80xi32, #tpu.memory_space<vmem>>) target_semaphore(%arg16 : memref<!tpu.dma_semaphore, #tpu.memory_space<semaphore_mem>>)
        } else {
        }
        %dma_wait3A_250 = arith.constant 0 : i32
        %dma_wait3A_251 = arith.constant 0 : i32
        %dma_wait3A_252 = tpu.memref_slice %arg7[%dma_wait3A_250, %dma_wait3A_251] : memref<4x80xi32, #tpu.memory_space<vmem>> -> memref<1x80xi32, #tpu.memory_space<vmem>>
        %dma_wait3A_253 = tpu.memref_squeeze %dma_wait3A_252 : memref<1x80xi32, #tpu.memory_space<vmem>> -> memref<80xi32, #tpu.memory_space<vmem>>
        %dma_wait3A_254 = arith.constant 0 : i32
        %dma_wait3A_255 = arith.constant 0 : i32
        %dma_wait3A_256 = tpu.memref_slice %arg2[%dma_wait3A_254, %dma_wait3A_255] : memref<10240x128xf32, #tpu.memory_space<hbm>> -> memref<10240x128xf32, #tpu.memory_space<hbm>>
        tpu.wait_indirect_dma semaphore(%arg12 : memref<!tpu.dma_semaphore, #tpu.memory_space<semaphore_mem>>) src(%dma_wait3A_256 : memref<10240x128xf32, #tpu.memory_space<hbm>>) dst(%arg9 : memref<80x128xf32, #tpu.memory_space<vmem>>)
        %dma_start3A_257 = arith.constant 0 : i32
        %dma_start3A_258 = arith.constant 0 : i32
        %dma_start3A_259 = tpu.memref_slice %arg8[%dma_start3A_257, %dma_start3A_258] : memref<4x80xi32, #tpu.memory_space<vmem>> -> memref<1x80xi32, #tpu.memory_space<vmem>>
        %dma_start3A_260 = tpu.memref_squeeze %dma_start3A_259 : memref<1x80xi32, #tpu.memory_space<vmem>> -> memref<80xi32, #tpu.memory_space<vmem>>
        %dma_start3A_261 = arith.constant 0 : i32
        %dma_start3A_262 = arith.constant 0 : i32
        %dma_start3A_263 = tpu.memref_slice %arg11[%dma_start3A_261, %dma_start3A_262] : memref<10240x128xf32, #tpu.memory_space<vmem_shared>> -> memref<10240x128xf32, #tpu.memory_space<vmem_shared>>
        tpu.enqueue_indirect_dma source(%arg9 : memref<80x128xf32, #tpu.memory_space<vmem>>) target(%dma_start3A_263 : memref<10240x128xf32, #tpu.memory_space<vmem_shared>>) offsets(%dma_start3A_260 : memref<80xi32, #tpu.memory_space<vmem>>) semaphore(%arg14 : memref<!tpu.dma_semaphore, #tpu.memory_space<semaphore_mem>>) {add = true}
        %add3A_264 = arith.constant 2 : i32
        %add3A_265 = arith.addi %scan3A_156, %add3A_264 : i32
        %lt3A_266 = arith.constant 125 : i32
        %lt3A_267 = arith.cmpi slt, %add3A_265, %lt3A_266 : i32
        %convert_element_type3A_268 = arith.extui %lt3A_267 : i1 to i32
        %cond3A_269 = arith.constant 0 : i32
        %cond3A_270 = arith.cmpi ne, %convert_element_type3A_268, %cond3A_269 : i32
        scf.if %cond3A_270 {
          %add3A_271 = arith.constant 2 : i32
          %add3A_272 = arith.addi %scan3A_156, %add3A_271 : i32
          %mul3A_273 = arith.constant 80 : i32
          %mul3A_274 = arith.muli %add3A_272, %mul3A_273 : i32
          %add3A_275 = arith.addi %mul3A_34, %mul3A_274 : i32
          %dma_wait3A_276 = arith.constant 2 : i32
          %dma_wait3A_277 = arith.constant 0 : i32
          %dma_wait3A_278 = tpu.memref_slice %arg7[%dma_wait3A_276, %dma_wait3A_277] : memref<4x80xi32, #tpu.memory_space<vmem>> -> memref<1x80xi32, #tpu.memory_space<vmem>>
          %dma_wait3A_279 = tpu.memref_squeeze %dma_wait3A_278 : memref<1x80xi32, #tpu.memory_space<vmem>> -> memref<80xi32, #tpu.memory_space<vmem>>
          %dma_wait3A_280 = tpu.memref_slice %arg3[%add3A_275] : memref<320000xi32, #tpu.memory_space<hbm>> -> memref<80xi32, #tpu.memory_space<hbm>>
          %dma_wait3A_281 = arith.constant 0 : i32
          %dma_wait3A_282 = tpu.memref_slice %arg7[%dma_wait3A_276, %dma_wait3A_281] : memref<4x80xi32, #tpu.memory_space<vmem>> -> memref<1x80xi32, #tpu.memory_space<vmem>>
          %dma_wait3A_283 = tpu.memref_squeeze %dma_wait3A_282 : memref<1x80xi32, #tpu.memory_space<vmem>> -> memref<80xi32, #tpu.memory_space<vmem>>
          %dma_wait3A_284 = tpu.memref_slice %arg3[%add3A_275] : memref<320000xi32, #tpu.memory_space<hbm>> -> memref<80xi32, #tpu.memory_space<hbm>>
          tpu.wait_dma2 semaphore(%arg16 : memref<!tpu.dma_semaphore, #tpu.memory_space<semaphore_mem>>) src(%dma_wait3A_284 : memref<80xi32, #tpu.memory_space<hbm>>) dst(%dma_wait3A_283 : memref<80xi32, #tpu.memory_space<vmem>>)
          %dma_wait3A_285 = arith.constant 2 : i32
          %dma_wait3A_286 = arith.constant 0 : i32
          %dma_wait3A_287 = tpu.memref_slice %arg8[%dma_wait3A_285, %dma_wait3A_286] : memref<4x80xi32, #tpu.memory_space<vmem>> -> memref<1x80xi32, #tpu.memory_space<vmem>>
          %dma_wait3A_288 = tpu.memref_squeeze %dma_wait3A_287 : memref<1x80xi32, #tpu.memory_space<vmem>> -> memref<80xi32, #tpu.memory_space<vmem>>
          %dma_wait3A_289 = tpu.memref_slice %arg4[%add3A_275] : memref<320000xi32, #tpu.memory_space<hbm>> -> memref<80xi32, #tpu.memory_space<hbm>>
          %dma_wait3A_290 = arith.constant 0 : i32
          %dma_wait3A_291 = tpu.memref_slice %arg8[%dma_wait3A_285, %dma_wait3A_290] : memref<4x80xi32, #tpu.memory_space<vmem>> -> memref<1x80xi32, #tpu.memory_space<vmem>>
          %dma_wait3A_292 = tpu.memref_squeeze %dma_wait3A_291 : memref<1x80xi32, #tpu.memory_space<vmem>> -> memref<80xi32, #tpu.memory_space<vmem>>
          %dma_wait3A_293 = tpu.memref_slice %arg4[%add3A_275] : memref<320000xi32, #tpu.memory_space<hbm>> -> memref<80xi32, #tpu.memory_space<hbm>>
          tpu.wait_dma2 semaphore(%arg16 : memref<!tpu.dma_semaphore, #tpu.memory_space<semaphore_mem>>) src(%dma_wait3A_293 : memref<80xi32, #tpu.memory_space<hbm>>) dst(%dma_wait3A_292 : memref<80xi32, #tpu.memory_space<vmem>>)
        } else {
        }
      } else {
      }
      %jit3A_169 = arith.constant 4 : i32
      %eq3A_170 = arith.constant 0 : i32
      %eq3A_171 = arith.cmpi eq, %jit3A_169, %eq3A_170 : i32
      %jit3A_172 = arith.constant 1 : i32
      %select_n3A_173 = arith.select %eq3A_171, %jit3A_172, %jit3A_169 : i32
      %rem3A_174 = arith.remsi %scan3A_156, %select_n3A_173 : i32
      %ne3A_175 = arith.constant 0 : i32
      %ne3A_176 = arith.cmpi ne, %rem3A_174, %ne3A_175 : i32
      %lt3A_177 = arith.constant 0 : i32
      %lt3A_178 = arith.cmpi slt, %rem3A_174, %lt3A_177 : i32
      %lt3A_179 = arith.constant 0 : i32
      %lt3A_180 = arith.cmpi slt, %select_n3A_173, %lt3A_179 : i32
      %ne3A_181 = arith.xori %lt3A_178, %lt3A_180 : i1
      %and3A_182 = arith.andi %ne3A_181, %ne3A_176 : i1
      %add3A_183 = arith.addi %rem3A_174, %select_n3A_173 : i32
      %select_n3A_184 = arith.select %and3A_182, %add3A_183, %rem3A_174 : i32
      %eq3A_185 = arith.constant 1 : i32
      %eq3A_186 = arith.cmpi eq, %select_n3A_184, %eq3A_185 : i32
      %convert_element_type3A_187 = arith.extui %eq3A_186 : i1 to i32
      %cond3A_188 = arith.constant 0 : i32
      %cond3A_189 = arith.cmpi ne, %convert_element_type3A_187, %cond3A_188 : i32
      scf.if %cond3A_189 {
        %gt3A = arith.constant 0 : i32
        %gt3A_232 = arith.cmpi sgt, %scan3A_156, %gt3A : i32
        %convert_element_type3A_233 = arith.extui %gt3A_232 : i1 to i32
        %cond3A_234 = arith.constant 0 : i32
        %cond3A_235 = arith.cmpi ne, %convert_element_type3A_233, %cond3A_234 : i32
        scf.if %cond3A_235 {
          %dma_wait3A_271 = arith.constant 0 : i32
          %dma_wait3A_272 = arith.constant 0 : i32
          %dma_wait3A_273 = tpu.memref_slice %arg8[%dma_wait3A_271, %dma_wait3A_272] : memref<4x80xi32, #tpu.memory_space<vmem>> -> memref<1x80xi32, #tpu.memory_space<vmem>>
          %dma_wait3A_274 = tpu.memref_squeeze %dma_wait3A_273 : memref<1x80xi32, #tpu.memory_space<vmem>> -> memref<80xi32, #tpu.memory_space<vmem>>
          %dma_wait3A_275 = arith.constant 0 : i32
          %dma_wait3A_276 = arith.constant 0 : i32
          %dma_wait3A_277 = tpu.memref_slice %arg11[%dma_wait3A_275, %dma_wait3A_276] : memref<10240x128xf32, #tpu.memory_space<vmem_shared>> -> memref<10240x128xf32, #tpu.memory_space<vmem_shared>>
          tpu.wait_indirect_dma semaphore(%arg14 : memref<!tpu.dma_semaphore, #tpu.memory_space<semaphore_mem>>) src(%arg9 : memref<80x128xf32, #tpu.memory_space<vmem>>) dst(%dma_wait3A_277 : memref<10240x128xf32, #tpu.memory_space<vmem_shared>>)
        } else {
        }
        %dma_start3A_236 = arith.constant 2 : i32
        %dma_start3A_237 = arith.constant 0 : i32
        %dma_start3A_238 = tpu.memref_slice %arg7[%dma_start3A_236, %dma_start3A_237] : memref<4x80xi32, #tpu.memory_space<vmem>> -> memref<1x80xi32, #tpu.memory_space<vmem>>
        %dma_start3A_239 = tpu.memref_squeeze %dma_start3A_238 : memref<1x80xi32, #tpu.memory_space<vmem>> -> memref<80xi32, #tpu.memory_space<vmem>>
        %dma_start3A_240 = arith.constant 0 : i32
        %dma_start3A_241 = arith.constant 0 : i32
        %dma_start3A_242 = tpu.memref_slice %arg2[%dma_start3A_240, %dma_start3A_241] : memref<10240x128xf32, #tpu.memory_space<hbm>> -> memref<10240x128xf32, #tpu.memory_space<hbm>>
        tpu.enqueue_indirect_dma source(%dma_start3A_242 : memref<10240x128xf32, #tpu.memory_space<hbm>>) target(%arg9 : memref<80x128xf32, #tpu.memory_space<vmem>>) offsets(%dma_start3A_239 : memref<80xi32, #tpu.memory_space<vmem>>) semaphore(%arg12 : memref<!tpu.dma_semaphore, #tpu.memory_space<semaphore_mem>>)
        %add3A_243 = arith.constant 2 : i32
        %add3A_244 = arith.addi %scan3A_156, %add3A_243 : i32
        %lt3A_245 = arith.constant 125 : i32
        %lt3A_246 = arith.cmpi slt, %add3A_244, %lt3A_245 : i32
        %convert_element_type3A_247 = arith.extui %lt3A_246 : i1 to i32
        %cond3A_248 = arith.constant 0 : i32
        %cond3A_249 = arith.cmpi ne, %convert_element_type3A_247, %cond3A_248 : i32
        scf.if %cond3A_249 {
          %add3A_271 = arith.constant 2 : i32
          %add3A_272 = arith.addi %scan3A_156, %add3A_271 : i32
          %mul3A_273 = arith.constant 80 : i32
          %mul3A_274 = arith.muli %add3A_272, %mul3A_273 : i32
          %add3A_275 = arith.addi %mul3A_34, %mul3A_274 : i32
          %dma_start3A_276 = arith.constant 3 : i32
          %dma_start3A_277 = arith.constant 0 : i32
          %dma_start3A_278 = tpu.memref_slice %arg7[%dma_start3A_276, %dma_start3A_277] : memref<4x80xi32, #tpu.memory_space<vmem>> -> memref<1x80xi32, #tpu.memory_space<vmem>>
          %dma_start3A_279 = tpu.memref_squeeze %dma_start3A_278 : memref<1x80xi32, #tpu.memory_space<vmem>> -> memref<80xi32, #tpu.memory_space<vmem>>
          %dma_start3A_280 = tpu.memref_slice %arg3[%add3A_275] : memref<320000xi32, #tpu.memory_space<hbm>> -> memref<80xi32, #tpu.memory_space<hbm>>
          %dma_start3A_281 = arith.constant 0 : i32
          %dma_start3A_282 = tpu.memref_slice %arg7[%dma_start3A_276, %dma_start3A_281] : memref<4x80xi32, #tpu.memory_space<vmem>> -> memref<1x80xi32, #tpu.memory_space<vmem>>
          %dma_start3A_283 = tpu.memref_squeeze %dma_start3A_282 : memref<1x80xi32, #tpu.memory_space<vmem>> -> memref<80xi32, #tpu.memory_space<vmem>>
          %dma_start3A_284 = tpu.memref_slice %arg3[%add3A_275] : memref<320000xi32, #tpu.memory_space<hbm>> -> memref<80xi32, #tpu.memory_space<hbm>>
          tpu.enqueue_dma source(%dma_start3A_284 : memref<80xi32, #tpu.memory_space<hbm>>) target(%dma_start3A_283 : memref<80xi32, #tpu.memory_space<vmem>>) target_semaphore(%arg16 : memref<!tpu.dma_semaphore, #tpu.memory_space<semaphore_mem>>)
          %dma_start3A_285 = arith.constant 3 : i32
          %dma_start3A_286 = arith.constant 0 : i32
          %dma_start3A_287 = tpu.memref_slice %arg8[%dma_start3A_285, %dma_start3A_286] : memref<4x80xi32, #tpu.memory_space<vmem>> -> memref<1x80xi32, #tpu.memory_space<vmem>>
          %dma_start3A_288 = tpu.memref_squeeze %dma_start3A_287 : memref<1x80xi32, #tpu.memory_space<vmem>> -> memref<80xi32, #tpu.memory_space<vmem>>
          %dma_start3A_289 = tpu.memref_slice %arg4[%add3A_275] : memref<320000xi32, #tpu.memory_space<hbm>> -> memref<80xi32, #tpu.memory_space<hbm>>
          %dma_start3A_290 = arith.constant 0 : i32
          %dma_start3A_291 = tpu.memref_slice %arg8[%dma_start3A_285, %dma_start3A_290] : memref<4x80xi32, #tpu.memory_space<vmem>> -> memref<1x80xi32, #tpu.memory_space<vmem>>
          %dma_start3A_292 = tpu.memref_squeeze %dma_start3A_291 : memref<1x80xi32, #tpu.memory_space<vmem>> -> memref<80xi32, #tpu.memory_space<vmem>>
          %dma_start3A_293 = tpu.memref_slice %arg4[%add3A_275] : memref<320000xi32, #tpu.memory_space<hbm>> -> memref<80xi32, #tpu.memory_space<hbm>>
          tpu.enqueue_dma source(%dma_start3A_293 : memref<80xi32, #tpu.memory_space<hbm>>) target(%dma_start3A_292 : memref<80xi32, #tpu.memory_space<vmem>>) target_semaphore(%arg16 : memref<!tpu.dma_semaphore, #tpu.memory_space<semaphore_mem>>)
        } else {
        }
        %dma_wait3A_250 = arith.constant 1 : i32
        %dma_wait3A_251 = arith.constant 0 : i32
        %dma_wait3A_252 = tpu.memref_slice %arg7[%dma_wait3A_250, %dma_wait3A_251] : memref<4x80xi32, #tpu.memory_space<vmem>> -> memref<1x80xi32, #tpu.memory_space<vmem>>
        %dma_wait3A_253 = tpu.memref_squeeze %dma_wait3A_252 : memref<1x80xi32, #tpu.memory_space<vmem>> -> memref<80xi32, #tpu.memory_space<vmem>>
        %dma_wait3A_254 = arith.constant 0 : i32
        %dma_wait3A_255 = arith.constant 0 : i32
        %dma_wait3A_256 = tpu.memref_slice %arg2[%dma_wait3A_254, %dma_wait3A_255] : memref<10240x128xf32, #tpu.memory_space<hbm>> -> memref<10240x128xf32, #tpu.memory_space<hbm>>
        tpu.wait_indirect_dma semaphore(%arg13 : memref<!tpu.dma_semaphore, #tpu.memory_space<semaphore_mem>>) src(%dma_wait3A_256 : memref<10240x128xf32, #tpu.memory_space<hbm>>) dst(%arg10 : memref<80x128xf32, #tpu.memory_space<vmem>>)
        %dma_start3A_257 = arith.constant 1 : i32
        %dma_start3A_258 = arith.constant 0 : i32
        %dma_start3A_259 = tpu.memref_slice %arg8[%dma_start3A_257, %dma_start3A_258] : memref<4x80xi32, #tpu.memory_space<vmem>> -> memref<1x80xi32, #tpu.memory_space<vmem>>
        %dma_start3A_260 = tpu.memref_squeeze %dma_start3A_259 : memref<1x80xi32, #tpu.memory_space<vmem>> -> memref<80xi32, #tpu.memory_space<vmem>>
        %dma_start3A_261 = arith.constant 0 : i32
        %dma_start3A_262 = arith.constant 0 : i32
        %dma_start3A_263 = tpu.memref_slice %arg11[%dma_start3A_261, %dma_start3A_262] : memref<10240x128xf32, #tpu.memory_space<vmem_shared>> -> memref<10240x128xf32, #tpu.memory_space<vmem_shared>>
        tpu.enqueue_indirect_dma source(%arg10 : memref<80x128xf32, #tpu.memory_space<vmem>>) target(%dma_start3A_263 : memref<10240x128xf32, #tpu.memory_space<vmem_shared>>) offsets(%dma_start3A_260 : memref<80xi32, #tpu.memory_space<vmem>>) semaphore(%arg15 : memref<!tpu.dma_semaphore, #tpu.memory_space<semaphore_mem>>) {add = true}
        %add3A_264 = arith.constant 2 : i32
        %add3A_265 = arith.addi %scan3A_156, %add3A_264 : i32
        %lt3A_266 = arith.constant 125 : i32
        %lt3A_267 = arith.cmpi slt, %add3A_265, %lt3A_266 : i32
        %convert_element_type3A_268 = arith.extui %lt3A_267 : i1 to i32
        %cond3A_269 = arith.constant 0 : i32
        %cond3A_270 = arith.cmpi ne, %convert_element_type3A_268, %cond3A_269 : i32
        scf.if %cond3A_270 {
          %add3A_271 = arith.constant 2 : i32
          %add3A_272 = arith.addi %scan3A_156, %add3A_271 : i32
          %mul3A_273 = arith.constant 80 : i32
          %mul3A_274 = arith.muli %add3A_272, %mul3A_273 : i32
          %add3A_275 = arith.addi %mul3A_34, %mul3A_274 : i32
          %dma_wait3A_276 = arith.constant 3 : i32
          %dma_wait3A_277 = arith.constant 0 : i32
          %dma_wait3A_278 = tpu.memref_slice %arg7[%dma_wait3A_276, %dma_wait3A_277] : memref<4x80xi32, #tpu.memory_space<vmem>> -> memref<1x80xi32, #tpu.memory_space<vmem>>
          %dma_wait3A_279 = tpu.memref_squeeze %dma_wait3A_278 : memref<1x80xi32, #tpu.memory_space<vmem>> -> memref<80xi32, #tpu.memory_space<vmem>>
          %dma_wait3A_280 = tpu.memref_slice %arg3[%add3A_275] : memref<320000xi32, #tpu.memory_space<hbm>> -> memref<80xi32, #tpu.memory_space<hbm>>
          %dma_wait3A_281 = arith.constant 0 : i32
          %dma_wait3A_282 = tpu.memref_slice %arg7[%dma_wait3A_276, %dma_wait3A_281] : memref<4x80xi32, #tpu.memory_space<vmem>> -> memref<1x80xi32, #tpu.memory_space<vmem>>
          %dma_wait3A_283 = tpu.memref_squeeze %dma_wait3A_282 : memref<1x80xi32, #tpu.memory_space<vmem>> -> memref<80xi32, #tpu.memory_space<vmem>>
          %dma_wait3A_284 = tpu.memref_slice %arg3[%add3A_275] : memref<320000xi32, #tpu.memory_space<hbm>> -> memref<80xi32, #tpu.memory_space<hbm>>
          tpu.wait_dma2 semaphore(%arg16 : memref<!tpu.dma_semaphore, #tpu.memory_space<semaphore_mem>>) src(%dma_wait3A_284 : memref<80xi32, #tpu.memory_space<hbm>>) dst(%dma_wait3A_283 : memref<80xi32, #tpu.memory_space<vmem>>)
          %dma_wait3A_285 = arith.constant 3 : i32
          %dma_wait3A_286 = arith.constant 0 : i32
          %dma_wait3A_287 = tpu.memref_slice %arg8[%dma_wait3A_285, %dma_wait3A_286] : memref<4x80xi32, #tpu.memory_space<vmem>> -> memref<1x80xi32, #tpu.memory_space<vmem>>
          %dma_wait3A_288 = tpu.memref_squeeze %dma_wait3A_287 : memref<1x80xi32, #tpu.memory_space<vmem>> -> memref<80xi32, #tpu.memory_space<vmem>>
          %dma_wait3A_289 = tpu.memref_slice %arg4[%add3A_275] : memref<320000xi32, #tpu.memory_space<hbm>> -> memref<80xi32, #tpu.memory_space<hbm>>
          %dma_wait3A_290 = arith.constant 0 : i32
          %dma_wait3A_291 = tpu.memref_slice %arg8[%dma_wait3A_285, %dma_wait3A_290] : memref<4x80xi32, #tpu.memory_space<vmem>> -> memref<1x80xi32, #tpu.memory_space<vmem>>
          %dma_wait3A_292 = tpu.memref_squeeze %dma_wait3A_291 : memref<1x80xi32, #tpu.memory_space<vmem>> -> memref<80xi32, #tpu.memory_space<vmem>>
          %dma_wait3A_293 = tpu.memref_slice %arg4[%add3A_275] : memref<320000xi32, #tpu.memory_space<hbm>> -> memref<80xi32, #tpu.memory_space<hbm>>
          tpu.wait_dma2 semaphore(%arg16 : memref<!tpu.dma_semaphore, #tpu.memory_space<semaphore_mem>>) src(%dma_wait3A_293 : memref<80xi32, #tpu.memory_space<hbm>>) dst(%dma_wait3A_292 : memref<80xi32, #tpu.memory_space<vmem>>)
        } else {
        }
      } else {
      }
      %jit3A_190 = arith.constant 4 : i32
      %eq3A_191 = arith.constant 0 : i32
      %eq3A_192 = arith.cmpi eq, %jit3A_190, %eq3A_191 : i32
      %jit3A_193 = arith.constant 1 : i32
      %select_n3A_194 = arith.select %eq3A_192, %jit3A_193, %jit3A_190 : i32
      %rem3A_195 = arith.remsi %scan3A_156, %select_n3A_194 : i32
      %ne3A_196 = arith.constant 0 : i32
      %ne3A_197 = arith.cmpi ne, %rem3A_195, %ne3A_196 : i32
      %lt3A_198 = arith.constant 0 : i32
      %lt3A_199 = arith.cmpi slt, %rem3A_195, %lt3A_198 : i32
      %lt3A_200 = arith.constant 0 : i32
      %lt3A_201 = arith.cmpi slt, %select_n3A_194, %lt3A_200 : i32
      %ne3A_202 = arith.xori %lt3A_199, %lt3A_201 : i1
      %and3A_203 = arith.andi %ne3A_202, %ne3A_197 : i1
      %add3A_204 = arith.addi %rem3A_195, %select_n3A_194 : i32
      %select_n3A_205 = arith.select %and3A_203, %add3A_204, %rem3A_195 : i32
      %eq3A_206 = arith.constant 2 : i32
      %eq3A_207 = arith.cmpi eq, %select_n3A_205, %eq3A_206 : i32
      %convert_element_type3A_208 = arith.extui %eq3A_207 : i1 to i32
      %cond3A_209 = arith.constant 0 : i32
      %cond3A_210 = arith.cmpi ne, %convert_element_type3A_208, %cond3A_209 : i32
      scf.if %cond3A_210 {
        %gt3A = arith.constant 0 : i32
        %gt3A_232 = arith.cmpi sgt, %scan3A_156, %gt3A : i32
        %convert_element_type3A_233 = arith.extui %gt3A_232 : i1 to i32
        %cond3A_234 = arith.constant 0 : i32
        %cond3A_235 = arith.cmpi ne, %convert_element_type3A_233, %cond3A_234 : i32
        scf.if %cond3A_235 {
          %dma_wait3A_271 = arith.constant 1 : i32
          %dma_wait3A_272 = arith.constant 0 : i32
          %dma_wait3A_273 = tpu.memref_slice %arg8[%dma_wait3A_271, %dma_wait3A_272] : memref<4x80xi32, #tpu.memory_space<vmem>> -> memref<1x80xi32, #tpu.memory_space<vmem>>
          %dma_wait3A_274 = tpu.memref_squeeze %dma_wait3A_273 : memref<1x80xi32, #tpu.memory_space<vmem>> -> memref<80xi32, #tpu.memory_space<vmem>>
          %dma_wait3A_275 = arith.constant 0 : i32
          %dma_wait3A_276 = arith.constant 0 : i32
          %dma_wait3A_277 = tpu.memref_slice %arg11[%dma_wait3A_275, %dma_wait3A_276] : memref<10240x128xf32, #tpu.memory_space<vmem_shared>> -> memref<10240x128xf32, #tpu.memory_space<vmem_shared>>
          tpu.wait_indirect_dma semaphore(%arg15 : memref<!tpu.dma_semaphore, #tpu.memory_space<semaphore_mem>>) src(%arg10 : memref<80x128xf32, #tpu.memory_space<vmem>>) dst(%dma_wait3A_277 : memref<10240x128xf32, #tpu.memory_space<vmem_shared>>)
        } else {
        }
        %dma_start3A_236 = arith.constant 3 : i32
        %dma_start3A_237 = arith.constant 0 : i32
        %dma_start3A_238 = tpu.memref_slice %arg7[%dma_start3A_236, %dma_start3A_237] : memref<4x80xi32, #tpu.memory_space<vmem>> -> memref<1x80xi32, #tpu.memory_space<vmem>>
        %dma_start3A_239 = tpu.memref_squeeze %dma_start3A_238 : memref<1x80xi32, #tpu.memory_space<vmem>> -> memref<80xi32, #tpu.memory_space<vmem>>
        %dma_start3A_240 = arith.constant 0 : i32
        %dma_start3A_241 = arith.constant 0 : i32
        %dma_start3A_242 = tpu.memref_slice %arg2[%dma_start3A_240, %dma_start3A_241] : memref<10240x128xf32, #tpu.memory_space<hbm>> -> memref<10240x128xf32, #tpu.memory_space<hbm>>
        tpu.enqueue_indirect_dma source(%dma_start3A_242 : memref<10240x128xf32, #tpu.memory_space<hbm>>) target(%arg10 : memref<80x128xf32, #tpu.memory_space<vmem>>) offsets(%dma_start3A_239 : memref<80xi32, #tpu.memory_space<vmem>>) semaphore(%arg13 : memref<!tpu.dma_semaphore, #tpu.memory_space<semaphore_mem>>)
        %add3A_243 = arith.constant 2 : i32
        %add3A_244 = arith.addi %scan3A_156, %add3A_243 : i32
        %lt3A_245 = arith.constant 125 : i32
        %lt3A_246 = arith.cmpi slt, %add3A_244, %lt3A_245 : i32
        %convert_element_type3A_247 = arith.extui %lt3A_246 : i1 to i32
        %cond3A_248 = arith.constant 0 : i32
        %cond3A_249 = arith.cmpi ne, %convert_element_type3A_247, %cond3A_248 : i32
        scf.if %cond3A_249 {
          %add3A_271 = arith.constant 2 : i32
          %add3A_272 = arith.addi %scan3A_156, %add3A_271 : i32
          %mul3A_273 = arith.constant 80 : i32
          %mul3A_274 = arith.muli %add3A_272, %mul3A_273 : i32
          %add3A_275 = arith.addi %mul3A_34, %mul3A_274 : i32
          %dma_start3A_276 = arith.constant 0 : i32
          %dma_start3A_277 = arith.constant 0 : i32
          %dma_start3A_278 = tpu.memref_slice %arg7[%dma_start3A_276, %dma_start3A_277] : memref<4x80xi32, #tpu.memory_space<vmem>> -> memref<1x80xi32, #tpu.memory_space<vmem>>
          %dma_start3A_279 = tpu.memref_squeeze %dma_start3A_278 : memref<1x80xi32, #tpu.memory_space<vmem>> -> memref<80xi32, #tpu.memory_space<vmem>>
          %dma_start3A_280 = tpu.memref_slice %arg3[%add3A_275] : memref<320000xi32, #tpu.memory_space<hbm>> -> memref<80xi32, #tpu.memory_space<hbm>>
          %dma_start3A_281 = arith.constant 0 : i32
          %dma_start3A_282 = tpu.memref_slice %arg7[%dma_start3A_276, %dma_start3A_281] : memref<4x80xi32, #tpu.memory_space<vmem>> -> memref<1x80xi32, #tpu.memory_space<vmem>>
          %dma_start3A_283 = tpu.memref_squeeze %dma_start3A_282 : memref<1x80xi32, #tpu.memory_space<vmem>> -> memref<80xi32, #tpu.memory_space<vmem>>
          %dma_start3A_284 = tpu.memref_slice %arg3[%add3A_275] : memref<320000xi32, #tpu.memory_space<hbm>> -> memref<80xi32, #tpu.memory_space<hbm>>
          tpu.enqueue_dma source(%dma_start3A_284 : memref<80xi32, #tpu.memory_space<hbm>>) target(%dma_start3A_283 : memref<80xi32, #tpu.memory_space<vmem>>) target_semaphore(%arg16 : memref<!tpu.dma_semaphore, #tpu.memory_space<semaphore_mem>>)
          %dma_start3A_285 = arith.constant 0 : i32
          %dma_start3A_286 = arith.constant 0 : i32
          %dma_start3A_287 = tpu.memref_slice %arg8[%dma_start3A_285, %dma_start3A_286] : memref<4x80xi32, #tpu.memory_space<vmem>> -> memref<1x80xi32, #tpu.memory_space<vmem>>
          %dma_start3A_288 = tpu.memref_squeeze %dma_start3A_287 : memref<1x80xi32, #tpu.memory_space<vmem>> -> memref<80xi32, #tpu.memory_space<vmem>>
          %dma_start3A_289 = tpu.memref_slice %arg4[%add3A_275] : memref<320000xi32, #tpu.memory_space<hbm>> -> memref<80xi32, #tpu.memory_space<hbm>>
          %dma_start3A_290 = arith.constant 0 : i32
          %dma_start3A_291 = tpu.memref_slice %arg8[%dma_start3A_285, %dma_start3A_290] : memref<4x80xi32, #tpu.memory_space<vmem>> -> memref<1x80xi32, #tpu.memory_space<vmem>>
          %dma_start3A_292 = tpu.memref_squeeze %dma_start3A_291 : memref<1x80xi32, #tpu.memory_space<vmem>> -> memref<80xi32, #tpu.memory_space<vmem>>
          %dma_start3A_293 = tpu.memref_slice %arg4[%add3A_275] : memref<320000xi32, #tpu.memory_space<hbm>> -> memref<80xi32, #tpu.memory_space<hbm>>
          tpu.enqueue_dma source(%dma_start3A_293 : memref<80xi32, #tpu.memory_space<hbm>>) target(%dma_start3A_292 : memref<80xi32, #tpu.memory_space<vmem>>) target_semaphore(%arg16 : memref<!tpu.dma_semaphore, #tpu.memory_space<semaphore_mem>>)
        } else {
        }
        %dma_wait3A_250 = arith.constant 2 : i32
        %dma_wait3A_251 = arith.constant 0 : i32
        %dma_wait3A_252 = tpu.memref_slice %arg7[%dma_wait3A_250, %dma_wait3A_251] : memref<4x80xi32, #tpu.memory_space<vmem>> -> memref<1x80xi32, #tpu.memory_space<vmem>>
        %dma_wait3A_253 = tpu.memref_squeeze %dma_wait3A_252 : memref<1x80xi32, #tpu.memory_space<vmem>> -> memref<80xi32, #tpu.memory_space<vmem>>
        %dma_wait3A_254 = arith.constant 0 : i32
        %dma_wait3A_255 = arith.constant 0 : i32
        %dma_wait3A_256 = tpu.memref_slice %arg2[%dma_wait3A_254, %dma_wait3A_255] : memref<10240x128xf32, #tpu.memory_space<hbm>> -> memref<10240x128xf32, #tpu.memory_space<hbm>>
        tpu.wait_indirect_dma semaphore(%arg12 : memref<!tpu.dma_semaphore, #tpu.memory_space<semaphore_mem>>) src(%dma_wait3A_256 : memref<10240x128xf32, #tpu.memory_space<hbm>>) dst(%arg9 : memref<80x128xf32, #tpu.memory_space<vmem>>)
        %dma_start3A_257 = arith.constant 2 : i32
        %dma_start3A_258 = arith.constant 0 : i32
        %dma_start3A_259 = tpu.memref_slice %arg8[%dma_start3A_257, %dma_start3A_258] : memref<4x80xi32, #tpu.memory_space<vmem>> -> memref<1x80xi32, #tpu.memory_space<vmem>>
        %dma_start3A_260 = tpu.memref_squeeze %dma_start3A_259 : memref<1x80xi32, #tpu.memory_space<vmem>> -> memref<80xi32, #tpu.memory_space<vmem>>
        %dma_start3A_261 = arith.constant 0 : i32
        %dma_start3A_262 = arith.constant 0 : i32
        %dma_start3A_263 = tpu.memref_slice %arg11[%dma_start3A_261, %dma_start3A_262] : memref<10240x128xf32, #tpu.memory_space<vmem_shared>> -> memref<10240x128xf32, #tpu.memory_space<vmem_shared>>
        tpu.enqueue_indirect_dma source(%arg9 : memref<80x128xf32, #tpu.memory_space<vmem>>) target(%dma_start3A_263 : memref<10240x128xf32, #tpu.memory_space<vmem_shared>>) offsets(%dma_start3A_260 : memref<80xi32, #tpu.memory_space<vmem>>) semaphore(%arg14 : memref<!tpu.dma_semaphore, #tpu.memory_space<semaphore_mem>>) {add = true}
        %add3A_264 = arith.constant 2 : i32
        %add3A_265 = arith.addi %scan3A_156, %add3A_264 : i32
        %lt3A_266 = arith.constant 125 : i32
        %lt3A_267 = arith.cmpi slt, %add3A_265, %lt3A_266 : i32
        %convert_element_type3A_268 = arith.extui %lt3A_267 : i1 to i32
        %cond3A_269 = arith.constant 0 : i32
        %cond3A_270 = arith.cmpi ne, %convert_element_type3A_268, %cond3A_269 : i32
        scf.if %cond3A_270 {
          %add3A_271 = arith.constant 2 : i32
          %add3A_272 = arith.addi %scan3A_156, %add3A_271 : i32
          %mul3A_273 = arith.constant 80 : i32
          %mul3A_274 = arith.muli %add3A_272, %mul3A_273 : i32
          %add3A_275 = arith.addi %mul3A_34, %mul3A_274 : i32
          %dma_wait3A_276 = arith.constant 0 : i32
          %dma_wait3A_277 = arith.constant 0 : i32
          %dma_wait3A_278 = tpu.memref_slice %arg7[%dma_wait3A_276, %dma_wait3A_277] : memref<4x80xi32, #tpu.memory_space<vmem>> -> memref<1x80xi32, #tpu.memory_space<vmem>>
          %dma_wait3A_279 = tpu.memref_squeeze %dma_wait3A_278 : memref<1x80xi32, #tpu.memory_space<vmem>> -> memref<80xi32, #tpu.memory_space<vmem>>
          %dma_wait3A_280 = tpu.memref_slice %arg3[%add3A_275] : memref<320000xi32, #tpu.memory_space<hbm>> -> memref<80xi32, #tpu.memory_space<hbm>>
          %dma_wait3A_281 = arith.constant 0 : i32
          %dma_wait3A_282 = tpu.memref_slice %arg7[%dma_wait3A_276, %dma_wait3A_281] : memref<4x80xi32, #tpu.memory_space<vmem>> -> memref<1x80xi32, #tpu.memory_space<vmem>>
          %dma_wait3A_283 = tpu.memref_squeeze %dma_wait3A_282 : memref<1x80xi32, #tpu.memory_space<vmem>> -> memref<80xi32, #tpu.memory_space<vmem>>
          %dma_wait3A_284 = tpu.memref_slice %arg3[%add3A_275] : memref<320000xi32, #tpu.memory_space<hbm>> -> memref<80xi32, #tpu.memory_space<hbm>>
          tpu.wait_dma2 semaphore(%arg16 : memref<!tpu.dma_semaphore, #tpu.memory_space<semaphore_mem>>) src(%dma_wait3A_284 : memref<80xi32, #tpu.memory_space<hbm>>) dst(%dma_wait3A_283 : memref<80xi32, #tpu.memory_space<vmem>>)
          %dma_wait3A_285 = arith.constant 0 : i32
          %dma_wait3A_286 = arith.constant 0 : i32
          %dma_wait3A_287 = tpu.memref_slice %arg8[%dma_wait3A_285, %dma_wait3A_286] : memref<4x80xi32, #tpu.memory_space<vmem>> -> memref<1x80xi32, #tpu.memory_space<vmem>>
          %dma_wait3A_288 = tpu.memref_squeeze %dma_wait3A_287 : memref<1x80xi32, #tpu.memory_space<vmem>> -> memref<80xi32, #tpu.memory_space<vmem>>
          %dma_wait3A_289 = tpu.memref_slice %arg4[%add3A_275] : memref<320000xi32, #tpu.memory_space<hbm>> -> memref<80xi32, #tpu.memory_space<hbm>>
          %dma_wait3A_290 = arith.constant 0 : i32
          %dma_wait3A_291 = tpu.memref_slice %arg8[%dma_wait3A_285, %dma_wait3A_290] : memref<4x80xi32, #tpu.memory_space<vmem>> -> memref<1x80xi32, #tpu.memory_space<vmem>>
          %dma_wait3A_292 = tpu.memref_squeeze %dma_wait3A_291 : memref<1x80xi32, #tpu.memory_space<vmem>> -> memref<80xi32, #tpu.memory_space<vmem>>
          %dma_wait3A_293 = tpu.memref_slice %arg4[%add3A_275] : memref<320000xi32, #tpu.memory_space<hbm>> -> memref<80xi32, #tpu.memory_space<hbm>>
          tpu.wait_dma2 semaphore(%arg16 : memref<!tpu.dma_semaphore, #tpu.memory_space<semaphore_mem>>) src(%dma_wait3A_293 : memref<80xi32, #tpu.memory_space<hbm>>) dst(%dma_wait3A_292 : memref<80xi32, #tpu.memory_space<vmem>>)
        } else {
        }
      } else {
      }
      %jit3A_211 = arith.constant 4 : i32
      %eq3A_212 = arith.constant 0 : i32
      %eq3A_213 = arith.cmpi eq, %jit3A_211, %eq3A_212 : i32
      %jit3A_214 = arith.constant 1 : i32
      %select_n3A_215 = arith.select %eq3A_213, %jit3A_214, %jit3A_211 : i32
      %rem3A_216 = arith.remsi %scan3A_156, %select_n3A_215 : i32
      %ne3A_217 = arith.constant 0 : i32
      %ne3A_218 = arith.cmpi ne, %rem3A_216, %ne3A_217 : i32
      %lt3A_219 = arith.constant 0 : i32
      %lt3A_220 = arith.cmpi slt, %rem3A_216, %lt3A_219 : i32
      %lt3A_221 = arith.constant 0 : i32
      %lt3A_222 = arith.cmpi slt, %select_n3A_215, %lt3A_221 : i32
      %ne3A_223 = arith.xori %lt3A_220, %lt3A_222 : i1
      %and3A_224 = arith.andi %ne3A_223, %ne3A_218 : i1
      %add3A_225 = arith.addi %rem3A_216, %select_n3A_215 : i32
      %select_n3A_226 = arith.select %and3A_224, %add3A_225, %rem3A_216 : i32
      %eq3A_227 = arith.constant 3 : i32
      %eq3A_228 = arith.cmpi eq, %select_n3A_226, %eq3A_227 : i32
      %convert_element_type3A_229 = arith.extui %eq3A_228 : i1 to i32
      %cond3A_230 = arith.constant 0 : i32
      %cond3A_231 = arith.cmpi ne, %convert_element_type3A_229, %cond3A_230 : i32
      scf.if %cond3A_231 {
        %gt3A = arith.constant 0 : i32
        %gt3A_232 = arith.cmpi sgt, %scan3A_156, %gt3A : i32
        %convert_element_type3A_233 = arith.extui %gt3A_232 : i1 to i32
        %cond3A_234 = arith.constant 0 : i32
        %cond3A_235 = arith.cmpi ne, %convert_element_type3A_233, %cond3A_234 : i32
        scf.if %cond3A_235 {
          %dma_wait3A_271 = arith.constant 2 : i32
          %dma_wait3A_272 = arith.constant 0 : i32
          %dma_wait3A_273 = tpu.memref_slice %arg8[%dma_wait3A_271, %dma_wait3A_272] : memref<4x80xi32, #tpu.memory_space<vmem>> -> memref<1x80xi32, #tpu.memory_space<vmem>>
          %dma_wait3A_274 = tpu.memref_squeeze %dma_wait3A_273 : memref<1x80xi32, #tpu.memory_space<vmem>> -> memref<80xi32, #tpu.memory_space<vmem>>
          %dma_wait3A_275 = arith.constant 0 : i32
          %dma_wait3A_276 = arith.constant 0 : i32
          %dma_wait3A_277 = tpu.memref_slice %arg11[%dma_wait3A_275, %dma_wait3A_276] : memref<10240x128xf32, #tpu.memory_space<vmem_shared>> -> memref<10240x128xf32, #tpu.memory_space<vmem_shared>>
          tpu.wait_indirect_dma semaphore(%arg14 : memref<!tpu.dma_semaphore, #tpu.memory_space<semaphore_mem>>) src(%arg9 : memref<80x128xf32, #tpu.memory_space<vmem>>) dst(%dma_wait3A_277 : memref<10240x128xf32, #tpu.memory_space<vmem_shared>>)
        } else {
        }
        %dma_start3A_236 = arith.constant 0 : i32
        %dma_start3A_237 = arith.constant 0 : i32
        %dma_start3A_238 = tpu.memref_slice %arg7[%dma_start3A_236, %dma_start3A_237] : memref<4x80xi32, #tpu.memory_space<vmem>> -> memref<1x80xi32, #tpu.memory_space<vmem>>
        %dma_start3A_239 = tpu.memref_squeeze %dma_start3A_238 : memref<1x80xi32, #tpu.memory_space<vmem>> -> memref<80xi32, #tpu.memory_space<vmem>>
        %dma_start3A_240 = arith.constant 0 : i32
        %dma_start3A_241 = arith.constant 0 : i32
        %dma_start3A_242 = tpu.memref_slice %arg2[%dma_start3A_240, %dma_start3A_241] : memref<10240x128xf32, #tpu.memory_space<hbm>> -> memref<10240x128xf32, #tpu.memory_space<hbm>>
        tpu.enqueue_indirect_dma source(%dma_start3A_242 : memref<10240x128xf32, #tpu.memory_space<hbm>>) target(%arg9 : memref<80x128xf32, #tpu.memory_space<vmem>>) offsets(%dma_start3A_239 : memref<80xi32, #tpu.memory_space<vmem>>) semaphore(%arg12 : memref<!tpu.dma_semaphore, #tpu.memory_space<semaphore_mem>>)
        %add3A_243 = arith.constant 2 : i32
        %add3A_244 = arith.addi %scan3A_156, %add3A_243 : i32
        %lt3A_245 = arith.constant 125 : i32
        %lt3A_246 = arith.cmpi slt, %add3A_244, %lt3A_245 : i32
        %convert_element_type3A_247 = arith.extui %lt3A_246 : i1 to i32
        %cond3A_248 = arith.constant 0 : i32
        %cond3A_249 = arith.cmpi ne, %convert_element_type3A_247, %cond3A_248 : i32
        scf.if %cond3A_249 {
          %add3A_271 = arith.constant 2 : i32
          %add3A_272 = arith.addi %scan3A_156, %add3A_271 : i32
          %mul3A_273 = arith.constant 80 : i32
          %mul3A_274 = arith.muli %add3A_272, %mul3A_273 : i32
          %add3A_275 = arith.addi %mul3A_34, %mul3A_274 : i32
          %dma_start3A_276 = arith.constant 1 : i32
          %dma_start3A_277 = arith.constant 0 : i32
          %dma_start3A_278 = tpu.memref_slice %arg7[%dma_start3A_276, %dma_start3A_277] : memref<4x80xi32, #tpu.memory_space<vmem>> -> memref<1x80xi32, #tpu.memory_space<vmem>>
          %dma_start3A_279 = tpu.memref_squeeze %dma_start3A_278 : memref<1x80xi32, #tpu.memory_space<vmem>> -> memref<80xi32, #tpu.memory_space<vmem>>
          %dma_start3A_280 = tpu.memref_slice %arg3[%add3A_275] : memref<320000xi32, #tpu.memory_space<hbm>> -> memref<80xi32, #tpu.memory_space<hbm>>
          %dma_start3A_281 = arith.constant 0 : i32
          %dma_start3A_282 = tpu.memref_slice %arg7[%dma_start3A_276, %dma_start3A_281] : memref<4x80xi32, #tpu.memory_space<vmem>> -> memref<1x80xi32, #tpu.memory_space<vmem>>
          %dma_start3A_283 = tpu.memref_squeeze %dma_start3A_282 : memref<1x80xi32, #tpu.memory_space<vmem>> -> memref<80xi32, #tpu.memory_space<vmem>>
          %dma_start3A_284 = tpu.memref_slice %arg3[%add3A_275] : memref<320000xi32, #tpu.memory_space<hbm>> -> memref<80xi32, #tpu.memory_space<hbm>>
          tpu.enqueue_dma source(%dma_start3A_284 : memref<80xi32, #tpu.memory_space<hbm>>) target(%dma_start3A_283 : memref<80xi32, #tpu.memory_space<vmem>>) target_semaphore(%arg16 : memref<!tpu.dma_semaphore, #tpu.memory_space<semaphore_mem>>)
          %dma_start3A_285 = arith.constant 1 : i32
          %dma_start3A_286 = arith.constant 0 : i32
          %dma_start3A_287 = tpu.memref_slice %arg8[%dma_start3A_285, %dma_start3A_286] : memref<4x80xi32, #tpu.memory_space<vmem>> -> memref<1x80xi32, #tpu.memory_space<vmem>>
          %dma_start3A_288 = tpu.memref_squeeze %dma_start3A_287 : memref<1x80xi32, #tpu.memory_space<vmem>> -> memref<80xi32, #tpu.memory_space<vmem>>
          %dma_start3A_289 = tpu.memref_slice %arg4[%add3A_275] : memref<320000xi32, #tpu.memory_space<hbm>> -> memref<80xi32, #tpu.memory_space<hbm>>
          %dma_start3A_290 = arith.constant 0 : i32
          %dma_start3A_291 = tpu.memref_slice %arg8[%dma_start3A_285, %dma_start3A_290] : memref<4x80xi32, #tpu.memory_space<vmem>> -> memref<1x80xi32, #tpu.memory_space<vmem>>
          %dma_start3A_292 = tpu.memref_squeeze %dma_start3A_291 : memref<1x80xi32, #tpu.memory_space<vmem>> -> memref<80xi32, #tpu.memory_space<vmem>>
          %dma_start3A_293 = tpu.memref_slice %arg4[%add3A_275] : memref<320000xi32, #tpu.memory_space<hbm>> -> memref<80xi32, #tpu.memory_space<hbm>>
          tpu.enqueue_dma source(%dma_start3A_293 : memref<80xi32, #tpu.memory_space<hbm>>) target(%dma_start3A_292 : memref<80xi32, #tpu.memory_space<vmem>>) target_semaphore(%arg16 : memref<!tpu.dma_semaphore, #tpu.memory_space<semaphore_mem>>)
        } else {
        }
        %dma_wait3A_250 = arith.constant 3 : i32
        %dma_wait3A_251 = arith.constant 0 : i32
        %dma_wait3A_252 = tpu.memref_slice %arg7[%dma_wait3A_250, %dma_wait3A_251] : memref<4x80xi32, #tpu.memory_space<vmem>> -> memref<1x80xi32, #tpu.memory_space<vmem>>
        %dma_wait3A_253 = tpu.memref_squeeze %dma_wait3A_252 : memref<1x80xi32, #tpu.memory_space<vmem>> -> memref<80xi32, #tpu.memory_space<vmem>>
        %dma_wait3A_254 = arith.constant 0 : i32
        %dma_wait3A_255 = arith.constant 0 : i32
        %dma_wait3A_256 = tpu.memref_slice %arg2[%dma_wait3A_254, %dma_wait3A_255] : memref<10240x128xf32, #tpu.memory_space<hbm>> -> memref<10240x128xf32, #tpu.memory_space<hbm>>
        tpu.wait_indirect_dma semaphore(%arg13 : memref<!tpu.dma_semaphore, #tpu.memory_space<semaphore_mem>>) src(%dma_wait3A_256 : memref<10240x128xf32, #tpu.memory_space<hbm>>) dst(%arg10 : memref<80x128xf32, #tpu.memory_space<vmem>>)
        %dma_start3A_257 = arith.constant 3 : i32
        %dma_start3A_258 = arith.constant 0 : i32
        %dma_start3A_259 = tpu.memref_slice %arg8[%dma_start3A_257, %dma_start3A_258] : memref<4x80xi32, #tpu.memory_space<vmem>> -> memref<1x80xi32, #tpu.memory_space<vmem>>
        %dma_start3A_260 = tpu.memref_squeeze %dma_start3A_259 : memref<1x80xi32, #tpu.memory_space<vmem>> -> memref<80xi32, #tpu.memory_space<vmem>>
        %dma_start3A_261 = arith.constant 0 : i32
        %dma_start3A_262 = arith.constant 0 : i32
        %dma_start3A_263 = tpu.memref_slice %arg11[%dma_start3A_261, %dma_start3A_262] : memref<10240x128xf32, #tpu.memory_space<vmem_shared>> -> memref<10240x128xf32, #tpu.memory_space<vmem_shared>>
        tpu.enqueue_indirect_dma source(%arg10 : memref<80x128xf32, #tpu.memory_space<vmem>>) target(%dma_start3A_263 : memref<10240x128xf32, #tpu.memory_space<vmem_shared>>) offsets(%dma_start3A_260 : memref<80xi32, #tpu.memory_space<vmem>>) semaphore(%arg15 : memref<!tpu.dma_semaphore, #tpu.memory_space<semaphore_mem>>) {add = true}
        %add3A_264 = arith.constant 2 : i32
        %add3A_265 = arith.addi %scan3A_156, %add3A_264 : i32
        %lt3A_266 = arith.constant 125 : i32
        %lt3A_267 = arith.cmpi slt, %add3A_265, %lt3A_266 : i32
        %convert_element_type3A_268 = arith.extui %lt3A_267 : i1 to i32
        %cond3A_269 = arith.constant 0 : i32
        %cond3A_270 = arith.cmpi ne, %convert_element_type3A_268, %cond3A_269 : i32
        scf.if %cond3A_270 {
          %add3A_271 = arith.constant 2 : i32
          %add3A_272 = arith.addi %scan3A_156, %add3A_271 : i32
          %mul3A_273 = arith.constant 80 : i32
          %mul3A_274 = arith.muli %add3A_272, %mul3A_273 : i32
          %add3A_275 = arith.addi %mul3A_34, %mul3A_274 : i32
          %dma_wait3A_276 = arith.constant 1 : i32
          %dma_wait3A_277 = arith.constant 0 : i32
          %dma_wait3A_278 = tpu.memref_slice %arg7[%dma_wait3A_276, %dma_wait3A_277] : memref<4x80xi32, #tpu.memory_space<vmem>> -> memref<1x80xi32, #tpu.memory_space<vmem>>
          %dma_wait3A_279 = tpu.memref_squeeze %dma_wait3A_278 : memref<1x80xi32, #tpu.memory_space<vmem>> -> memref<80xi32, #tpu.memory_space<vmem>>
          %dma_wait3A_280 = tpu.memref_slice %arg3[%add3A_275] : memref<320000xi32, #tpu.memory_space<hbm>> -> memref<80xi32, #tpu.memory_space<hbm>>
          %dma_wait3A_281 = arith.constant 0 : i32
          %dma_wait3A_282 = tpu.memref_slice %arg7[%dma_wait3A_276, %dma_wait3A_281] : memref<4x80xi32, #tpu.memory_space<vmem>> -> memref<1x80xi32, #tpu.memory_space<vmem>>
          %dma_wait3A_283 = tpu.memref_squeeze %dma_wait3A_282 : memref<1x80xi32, #tpu.memory_space<vmem>> -> memref<80xi32, #tpu.memory_space<vmem>>
          %dma_wait3A_284 = tpu.memref_slice %arg3[%add3A_275] : memref<320000xi32, #tpu.memory_space<hbm>> -> memref<80xi32, #tpu.memory_space<hbm>>
          tpu.wait_dma2 semaphore(%arg16 : memref<!tpu.dma_semaphore, #tpu.memory_space<semaphore_mem>>) src(%dma_wait3A_284 : memref<80xi32, #tpu.memory_space<hbm>>) dst(%dma_wait3A_283 : memref<80xi32, #tpu.memory_space<vmem>>)
          %dma_wait3A_285 = arith.constant 1 : i32
          %dma_wait3A_286 = arith.constant 0 : i32
          %dma_wait3A_287 = tpu.memref_slice %arg8[%dma_wait3A_285, %dma_wait3A_286] : memref<4x80xi32, #tpu.memory_space<vmem>> -> memref<1x80xi32, #tpu.memory_space<vmem>>
          %dma_wait3A_288 = tpu.memref_squeeze %dma_wait3A_287 : memref<1x80xi32, #tpu.memory_space<vmem>> -> memref<80xi32, #tpu.memory_space<vmem>>
          %dma_wait3A_289 = tpu.memref_slice %arg4[%add3A_275] : memref<320000xi32, #tpu.memory_space<hbm>> -> memref<80xi32, #tpu.memory_space<hbm>>
          %dma_wait3A_290 = arith.constant 0 : i32
          %dma_wait3A_291 = tpu.memref_slice %arg8[%dma_wait3A_285, %dma_wait3A_290] : memref<4x80xi32, #tpu.memory_space<vmem>> -> memref<1x80xi32, #tpu.memory_space<vmem>>
          %dma_wait3A_292 = tpu.memref_squeeze %dma_wait3A_291 : memref<1x80xi32, #tpu.memory_space<vmem>> -> memref<80xi32, #tpu.memory_space<vmem>>
          %dma_wait3A_293 = tpu.memref_slice %arg4[%add3A_275] : memref<320000xi32, #tpu.memory_space<hbm>> -> memref<80xi32, #tpu.memory_space<hbm>>
          tpu.wait_dma2 semaphore(%arg16 : memref<!tpu.dma_semaphore, #tpu.memory_space<semaphore_mem>>) src(%dma_wait3A_293 : memref<80xi32, #tpu.memory_space<hbm>>) dst(%dma_wait3A_292 : memref<80xi32, #tpu.memory_space<vmem>>)
        } else {
        }
      } else {
      }
    }
    %scan3A_52 = arith.constant 124 : i32
    %dma_wait3A = arith.constant 3 : i32
    %dma_wait3A_53 = arith.constant 0 : i32
    %dma_wait3A_54 = tpu.memref_slice %arg8[%dma_wait3A, %dma_wait3A_53] : memref<4x80xi32, #tpu.memory_space<vmem>> -> memref<1x80xi32, #tpu.memory_space<vmem>>
    %dma_wait3A_55 = tpu.memref_squeeze %dma_wait3A_54 : memref<1x80xi32, #tpu.memory_space<vmem>> -> memref<80xi32, #tpu.memory_space<vmem>>
    %dma_wait3A_56 = arith.constant 0 : i32
    %dma_wait3A_57 = arith.constant 0 : i32
    %dma_wait3A_58 = tpu.memref_slice %arg11[%dma_wait3A_56, %dma_wait3A_57] : memref<10240x128xf32, #tpu.memory_space<vmem_shared>> -> memref<10240x128xf32, #tpu.memory_space<vmem_shared>>
    tpu.wait_indirect_dma semaphore(%arg15 : memref<!tpu.dma_semaphore, #tpu.memory_space<semaphore_mem>>) src(%arg10 : memref<80x128xf32, #tpu.memory_space<vmem>>) dst(%dma_wait3A_58 : memref<10240x128xf32, #tpu.memory_space<vmem_shared>>)
    %dma_wait3A_59 = arith.constant 0 : i32
    %dma_wait3A_60 = arith.constant 0 : i32
    %dma_wait3A_61 = tpu.memref_slice %arg7[%dma_wait3A_59, %dma_wait3A_60] : memref<4x80xi32, #tpu.memory_space<vmem>> -> memref<1x80xi32, #tpu.memory_space<vmem>>
    %dma_wait3A_62 = tpu.memref_squeeze %dma_wait3A_61 : memref<1x80xi32, #tpu.memory_space<vmem>> -> memref<80xi32, #tpu.memory_space<vmem>>
    %dma_wait3A_63 = arith.constant 0 : i32
    %dma_wait3A_64 = arith.constant 0 : i32
    %dma_wait3A_65 = tpu.memref_slice %arg2[%dma_wait3A_63, %dma_wait3A_64] : memref<10240x128xf32, #tpu.memory_space<hbm>> -> memref<10240x128xf32, #tpu.memory_space<hbm>>
    tpu.wait_indirect_dma semaphore(%arg12 : memref<!tpu.dma_semaphore, #tpu.memory_space<semaphore_mem>>) src(%dma_wait3A_65 : memref<10240x128xf32, #tpu.memory_space<hbm>>) dst(%arg9 : memref<80x128xf32, #tpu.memory_space<vmem>>)
    %run_scoped3A_66 = arith.constant 0 : i32
    "tpu.region"() ({
      %run_scoped3A_156 = tpu.sem_alloc : memref<!tpu.dma_semaphore, #tpu.memory_space<semaphore_mem>>
      %dma_start3A_157 = arith.constant 0 : i32
      %dma_start3A_158 = tpu.memref_slice %arg8[%run_scoped3A_66, %dma_start3A_157] : memref<4x80xi32, #tpu.memory_space<vmem>> -> memref<1x80xi32, #tpu.memory_space<vmem>>
      %dma_start3A_159 = tpu.memref_squeeze %dma_start3A_158 : memref<1x80xi32, #tpu.memory_space<vmem>> -> memref<80xi32, #tpu.memory_space<vmem>>
      %dma_start3A_160 = arith.constant 0 : i32
      %dma_start3A_161 = arith.constant 0 : i32
      %dma_start3A_162 = tpu.memref_slice %arg11[%dma_start3A_160, %dma_start3A_161] : memref<10240x128xf32, #tpu.memory_space<vmem_shared>> -> memref<10240x128xf32, #tpu.memory_space<vmem_shared>>
      tpu.enqueue_indirect_dma source(%arg9 : memref<80x128xf32, #tpu.memory_space<vmem>>) target(%dma_start3A_162 : memref<10240x128xf32, #tpu.memory_space<vmem_shared>>) offsets(%dma_start3A_159 : memref<80xi32, #tpu.memory_space<vmem>>) semaphore(%run_scoped3A_156 : memref<!tpu.dma_semaphore, #tpu.memory_space<semaphore_mem>>) {add = true}
      %dma_wait3A_163 = arith.constant 0 : i32
      %dma_wait3A_164 = tpu.memref_slice %arg8[%run_scoped3A_66, %dma_wait3A_163] : memref<4x80xi32, #tpu.memory_space<vmem>> -> memref<1x80xi32, #tpu.memory_space<vmem>>
      %dma_wait3A_165 = tpu.memref_squeeze %dma_wait3A_164 : memref<1x80xi32, #tpu.memory_space<vmem>> -> memref<80xi32, #tpu.memory_space<vmem>>
      %dma_wait3A_166 = arith.constant 0 : i32
      %dma_wait3A_167 = arith.constant 0 : i32
      %dma_wait3A_168 = tpu.memref_slice %arg11[%dma_wait3A_166, %dma_wait3A_167] : memref<10240x128xf32, #tpu.memory_space<vmem_shared>> -> memref<10240x128xf32, #tpu.memory_space<vmem_shared>>
      tpu.wait_indirect_dma semaphore(%run_scoped3A_156 : memref<!tpu.dma_semaphore, #tpu.memory_space<semaphore_mem>>) src(%arg9 : memref<80x128xf32, #tpu.memory_space<vmem>>) dst(%dma_wait3A_168 : memref<10240x128xf32, #tpu.memory_space<vmem_shared>>)
      tpu.yield
    }) : () -> ()
    %barrier3A_67 = arith.constant 0 : index
    tpu.barrier barrier_id(%barrier3A_67)
    %mul3A_68 = arith.constant 640 : i32
    %mul3A_69 = arith.muli %arg1, %mul3A_68 : i32
    %add3A_70 = arith.constant 0 : i32
    %add3A_71 = arith.addi %mul3A_69, %add3A_70 : i32
    "tpu.region"() ({
      %run_scoped3A_156 = tpu.sem_alloc : memref<!tpu.dma_semaphore, #tpu.memory_space<semaphore_mem>>
      %dma_start3A_157 = arith.constant 0 : i32
      %dma_start3A_158 = tpu.memref_slice %arg11[%add3A_71, %dma_start3A_157] : memref<10240x128xf32, #tpu.memory_space<vmem_shared>> -> memref<80x128xf32, #tpu.memory_space<vmem_shared>>
      %dma_start3A_159 = arith.constant 0 : i32
      %dma_start3A_160 = tpu.memref_slice %arg11[%add3A_71, %dma_start3A_159] : memref<10240x128xf32, #tpu.memory_space<vmem_shared>> -> memref<80x128xf32, #tpu.memory_space<vmem_shared>>
      tpu.enqueue_dma source(%dma_start3A_160 : memref<80x128xf32, #tpu.memory_space<vmem_shared>>) target(%arg9 : memref<80x128xf32, #tpu.memory_space<vmem>>) target_semaphore(%run_scoped3A_156 : memref<!tpu.dma_semaphore, #tpu.memory_space<semaphore_mem>>)
      %dma_wait3A_161 = arith.constant 0 : i32
      %dma_wait3A_162 = tpu.memref_slice %arg11[%add3A_71, %dma_wait3A_161] : memref<10240x128xf32, #tpu.memory_space<vmem_shared>> -> memref<80x128xf32, #tpu.memory_space<vmem_shared>>
      %dma_wait3A_163 = arith.constant 0 : i32
      %dma_wait3A_164 = tpu.memref_slice %arg11[%add3A_71, %dma_wait3A_163] : memref<10240x128xf32, #tpu.memory_space<vmem_shared>> -> memref<80x128xf32, #tpu.memory_space<vmem_shared>>
      tpu.wait_dma2 semaphore(%run_scoped3A_156 : memref<!tpu.dma_semaphore, #tpu.memory_space<semaphore_mem>>) src(%dma_wait3A_164 : memref<80x128xf32, #tpu.memory_space<vmem_shared>>) dst(%arg9 : memref<80x128xf32, #tpu.memory_space<vmem>>)
      tpu.yield
    }) : () -> ()
    %mul3A_72 = arith.constant 10240 : i32
    %mul3A_73 = arith.muli %arg0, %mul3A_72 : i32
    %mul3A_74 = arith.constant 640 : i32
    %mul3A_75 = arith.muli %arg1, %mul3A_74 : i32
    %add3A_76 = arith.addi %mul3A_73, %mul3A_75 : i32
    %add3A_77 = arith.constant 0 : i32
    %add3A_78 = arith.addi %add3A_76, %add3A_77 : i32
    "tpu.region"() ({
      %run_scoped3A_156 = tpu.sem_alloc : memref<!tpu.dma_semaphore, #tpu.memory_space<semaphore_mem>>
      %dma_start3A_157 = arith.constant 0 : i32
      %dma_start3A_158 = tpu.memref_slice %arg6[%add3A_78, %dma_start3A_157] : memref<20480x128xf32, #tpu.memory_space<hbm>> -> memref<80x128xf32, #tpu.memory_space<hbm>>
      %dma_start3A_159 = arith.constant 0 : i32
      %dma_start3A_160 = tpu.memref_slice %arg6[%add3A_78, %dma_start3A_159] : memref<20480x128xf32, #tpu.memory_space<hbm>> -> memref<80x128xf32, #tpu.memory_space<hbm>>
      tpu.enqueue_dma source(%arg9 : memref<80x128xf32, #tpu.memory_space<vmem>>) target(%dma_start3A_160 : memref<80x128xf32, #tpu.memory_space<hbm>>) target_semaphore(%run_scoped3A_156 : memref<!tpu.dma_semaphore, #tpu.memory_space<semaphore_mem>>)
      %dma_wait3A_161 = arith.constant 0 : i32
      %dma_wait3A_162 = tpu.memref_slice %arg6[%add3A_78, %dma_wait3A_161] : memref<20480x128xf32, #tpu.memory_space<hbm>> -> memref<80x128xf32, #tpu.memory_space<hbm>>
      %dma_wait3A_163 = arith.constant 0 : i32
      %dma_wait3A_164 = tpu.memref_slice %arg6[%add3A_78, %dma_wait3A_163] : memref<20480x128xf32, #tpu.memory_space<hbm>> -> memref<80x128xf32, #tpu.memory_space<hbm>>
      tpu.wait_dma2 semaphore(%run_scoped3A_156 : memref<!tpu.dma_semaphore, #tpu.memory_space<semaphore_mem>>) src(%arg9 : memref<80x128xf32, #tpu.memory_space<vmem>>) dst(%dma_wait3A_164 : memref<80x128xf32, #tpu.memory_space<hbm>>)
      tpu.yield
    }) : () -> ()
    %mul3A_79 = arith.constant 640 : i32
    %mul3A_80 = arith.muli %arg1, %mul3A_79 : i32
    %add3A_81 = arith.constant 80 : i32
    %add3A_82 = arith.addi %mul3A_80, %add3A_81 : i32
    "tpu.region"() ({
      %run_scoped3A_156 = tpu.sem_alloc : memref<!tpu.dma_semaphore, #tpu.memory_space<semaphore_mem>>
      %dma_start3A_157 = arith.constant 0 : i32
      %dma_start3A_158 = tpu.memref_slice %arg11[%add3A_82, %dma_start3A_157] : memref<10240x128xf32, #tpu.memory_space<vmem_shared>> -> memref<80x128xf32, #tpu.memory_space<vmem_shared>>
      %dma_start3A_159 = arith.constant 0 : i32
      %dma_start3A_160 = tpu.memref_slice %arg11[%add3A_82, %dma_start3A_159] : memref<10240x128xf32, #tpu.memory_space<vmem_shared>> -> memref<80x128xf32, #tpu.memory_space<vmem_shared>>
      tpu.enqueue_dma source(%dma_start3A_160 : memref<80x128xf32, #tpu.memory_space<vmem_shared>>) target(%arg9 : memref<80x128xf32, #tpu.memory_space<vmem>>) target_semaphore(%run_scoped3A_156 : memref<!tpu.dma_semaphore, #tpu.memory_space<semaphore_mem>>)
      %dma_wait3A_161 = arith.constant 0 : i32
      %dma_wait3A_162 = tpu.memref_slice %arg11[%add3A_82, %dma_wait3A_161] : memref<10240x128xf32, #tpu.memory_space<vmem_shared>> -> memref<80x128xf32, #tpu.memory_space<vmem_shared>>
      %dma_wait3A_163 = arith.constant 0 : i32
      %dma_wait3A_164 = tpu.memref_slice %arg11[%add3A_82, %dma_wait3A_163] : memref<10240x128xf32, #tpu.memory_space<vmem_shared>> -> memref<80x128xf32, #tpu.memory_space<vmem_shared>>
      tpu.wait_dma2 semaphore(%run_scoped3A_156 : memref<!tpu.dma_semaphore, #tpu.memory_space<semaphore_mem>>) src(%dma_wait3A_164 : memref<80x128xf32, #tpu.memory_space<vmem_shared>>) dst(%arg9 : memref<80x128xf32, #tpu.memory_space<vmem>>)
      tpu.yield
    }) : () -> ()
    %mul3A_83 = arith.constant 10240 : i32
    %mul3A_84 = arith.muli %arg0, %mul3A_83 : i32
    %mul3A_85 = arith.constant 640 : i32
    %mul3A_86 = arith.muli %arg1, %mul3A_85 : i32
    %add3A_87 = arith.addi %mul3A_84, %mul3A_86 : i32
    %add3A_88 = arith.constant 80 : i32
    %add3A_89 = arith.addi %add3A_87, %add3A_88 : i32
    "tpu.region"() ({
      %run_scoped3A_156 = tpu.sem_alloc : memref<!tpu.dma_semaphore, #tpu.memory_space<semaphore_mem>>
      %dma_start3A_157 = arith.constant 0 : i32
      %dma_start3A_158 = tpu.memref_slice %arg6[%add3A_89, %dma_start3A_157] : memref<20480x128xf32, #tpu.memory_space<hbm>> -> memref<80x128xf32, #tpu.memory_space<hbm>>
      %dma_start3A_159 = arith.constant 0 : i32
      %dma_start3A_160 = tpu.memref_slice %arg6[%add3A_89, %dma_start3A_159] : memref<20480x128xf32, #tpu.memory_space<hbm>> -> memref<80x128xf32, #tpu.memory_space<hbm>>
      tpu.enqueue_dma source(%arg9 : memref<80x128xf32, #tpu.memory_space<vmem>>) target(%dma_start3A_160 : memref<80x128xf32, #tpu.memory_space<hbm>>) target_semaphore(%run_scoped3A_156 : memref<!tpu.dma_semaphore, #tpu.memory_space<semaphore_mem>>)
      %dma_wait3A_161 = arith.constant 0 : i32
      %dma_wait3A_162 = tpu.memref_slice %arg6[%add3A_89, %dma_wait3A_161] : memref<20480x128xf32, #tpu.memory_space<hbm>> -> memref<80x128xf32, #tpu.memory_space<hbm>>
      %dma_wait3A_163 = arith.constant 0 : i32
      %dma_wait3A_164 = tpu.memref_slice %arg6[%add3A_89, %dma_wait3A_163] : memref<20480x128xf32, #tpu.memory_space<hbm>> -> memref<80x128xf32, #tpu.memory_space<hbm>>
      tpu.wait_dma2 semaphore(%run_scoped3A_156 : memref<!tpu.dma_semaphore, #tpu.memory_space<semaphore_mem>>) src(%arg9 : memref<80x128xf32, #tpu.memory_space<vmem>>) dst(%dma_wait3A_164 : memref<80x128xf32, #tpu.memory_space<hbm>>)
      tpu.yield
    }) : () -> ()
    %mul3A_90 = arith.constant 640 : i32
    %mul3A_91 = arith.muli %arg1, %mul3A_90 : i32
    %add3A_92 = arith.constant 160 : i32
    %add3A_93 = arith.addi %mul3A_91, %add3A_92 : i32
    "tpu.region"() ({
      %run_scoped3A_156 = tpu.sem_alloc : memref<!tpu.dma_semaphore, #tpu.memory_space<semaphore_mem>>
      %dma_start3A_157 = arith.constant 0 : i32
      %dma_start3A_158 = tpu.memref_slice %arg11[%add3A_93, %dma_start3A_157] : memref<10240x128xf32, #tpu.memory_space<vmem_shared>> -> memref<80x128xf32, #tpu.memory_space<vmem_shared>>
      %dma_start3A_159 = arith.constant 0 : i32
      %dma_start3A_160 = tpu.memref_slice %arg11[%add3A_93, %dma_start3A_159] : memref<10240x128xf32, #tpu.memory_space<vmem_shared>> -> memref<80x128xf32, #tpu.memory_space<vmem_shared>>
      tpu.enqueue_dma source(%dma_start3A_160 : memref<80x128xf32, #tpu.memory_space<vmem_shared>>) target(%arg9 : memref<80x128xf32, #tpu.memory_space<vmem>>) target_semaphore(%run_scoped3A_156 : memref<!tpu.dma_semaphore, #tpu.memory_space<semaphore_mem>>)
      %dma_wait3A_161 = arith.constant 0 : i32
      %dma_wait3A_162 = tpu.memref_slice %arg11[%add3A_93, %dma_wait3A_161] : memref<10240x128xf32, #tpu.memory_space<vmem_shared>> -> memref<80x128xf32, #tpu.memory_space<vmem_shared>>
      %dma_wait3A_163 = arith.constant 0 : i32
      %dma_wait3A_164 = tpu.memref_slice %arg11[%add3A_93, %dma_wait3A_163] : memref<10240x128xf32, #tpu.memory_space<vmem_shared>> -> memref<80x128xf32, #tpu.memory_space<vmem_shared>>
      tpu.wait_dma2 semaphore(%run_scoped3A_156 : memref<!tpu.dma_semaphore, #tpu.memory_space<semaphore_mem>>) src(%dma_wait3A_164 : memref<80x128xf32, #tpu.memory_space<vmem_shared>>) dst(%arg9 : memref<80x128xf32, #tpu.memory_space<vmem>>)
      tpu.yield
    }) : () -> ()
    %mul3A_94 = arith.constant 10240 : i32
    %mul3A_95 = arith.muli %arg0, %mul3A_94 : i32
    %mul3A_96 = arith.constant 640 : i32
    %mul3A_97 = arith.muli %arg1, %mul3A_96 : i32
    %add3A_98 = arith.addi %mul3A_95, %mul3A_97 : i32
    %add3A_99 = arith.constant 160 : i32
    %add3A_100 = arith.addi %add3A_98, %add3A_99 : i32
    "tpu.region"() ({
      %run_scoped3A_156 = tpu.sem_alloc : memref<!tpu.dma_semaphore, #tpu.memory_space<semaphore_mem>>
      %dma_start3A_157 = arith.constant 0 : i32
      %dma_start3A_158 = tpu.memref_slice %arg6[%add3A_100, %dma_start3A_157] : memref<20480x128xf32, #tpu.memory_space<hbm>> -> memref<80x128xf32, #tpu.memory_space<hbm>>
      %dma_start3A_159 = arith.constant 0 : i32
      %dma_start3A_160 = tpu.memref_slice %arg6[%add3A_100, %dma_start3A_159] : memref<20480x128xf32, #tpu.memory_space<hbm>> -> memref<80x128xf32, #tpu.memory_space<hbm>>
      tpu.enqueue_dma source(%arg9 : memref<80x128xf32, #tpu.memory_space<vmem>>) target(%dma_start3A_160 : memref<80x128xf32, #tpu.memory_space<hbm>>) target_semaphore(%run_scoped3A_156 : memref<!tpu.dma_semaphore, #tpu.memory_space<semaphore_mem>>)
      %dma_wait3A_161 = arith.constant 0 : i32
      %dma_wait3A_162 = tpu.memref_slice %arg6[%add3A_100, %dma_wait3A_161] : memref<20480x128xf32, #tpu.memory_space<hbm>> -> memref<80x128xf32, #tpu.memory_space<hbm>>
      %dma_wait3A_163 = arith.constant 0 : i32
      %dma_wait3A_164 = tpu.memref_slice %arg6[%add3A_100, %dma_wait3A_163] : memref<20480x128xf32, #tpu.memory_space<hbm>> -> memref<80x128xf32, #tpu.memory_space<hbm>>
      tpu.wait_dma2 semaphore(%run_scoped3A_156 : memref<!tpu.dma_semaphore, #tpu.memory_space<semaphore_mem>>) src(%arg9 : memref<80x128xf32, #tpu.memory_space<vmem>>) dst(%dma_wait3A_164 : memref<80x128xf32, #tpu.memory_space<hbm>>)
      tpu.yield
    }) : () -> ()
    %mul3A_101 = arith.constant 640 : i32
    %mul3A_102 = arith.muli %arg1, %mul3A_101 : i32
    %add3A_103 = arith.constant 240 : i32
    %add3A_104 = arith.addi %mul3A_102, %add3A_103 : i32
    "tpu.region"() ({
      %run_scoped3A_156 = tpu.sem_alloc : memref<!tpu.dma_semaphore, #tpu.memory_space<semaphore_mem>>
      %dma_start3A_157 = arith.constant 0 : i32
      %dma_start3A_158 = tpu.memref_slice %arg11[%add3A_104, %dma_start3A_157] : memref<10240x128xf32, #tpu.memory_space<vmem_shared>> -> memref<80x128xf32, #tpu.memory_space<vmem_shared>>
      %dma_start3A_159 = arith.constant 0 : i32
      %dma_start3A_160 = tpu.memref_slice %arg11[%add3A_104, %dma_start3A_159] : memref<10240x128xf32, #tpu.memory_space<vmem_shared>> -> memref<80x128xf32, #tpu.memory_space<vmem_shared>>
      tpu.enqueue_dma source(%dma_start3A_160 : memref<80x128xf32, #tpu.memory_space<vmem_shared>>) target(%arg9 : memref<80x128xf32, #tpu.memory_space<vmem>>) target_semaphore(%run_scoped3A_156 : memref<!tpu.dma_semaphore, #tpu.memory_space<semaphore_mem>>)
      %dma_wait3A_161 = arith.constant 0 : i32
      %dma_wait3A_162 = tpu.memref_slice %arg11[%add3A_104, %dma_wait3A_161] : memref<10240x128xf32, #tpu.memory_space<vmem_shared>> -> memref<80x128xf32, #tpu.memory_space<vmem_shared>>
      %dma_wait3A_163 = arith.constant 0 : i32
      %dma_wait3A_164 = tpu.memref_slice %arg11[%add3A_104, %dma_wait3A_163] : memref<10240x128xf32, #tpu.memory_space<vmem_shared>> -> memref<80x128xf32, #tpu.memory_space<vmem_shared>>
      tpu.wait_dma2 semaphore(%run_scoped3A_156 : memref<!tpu.dma_semaphore, #tpu.memory_space<semaphore_mem>>) src(%dma_wait3A_164 : memref<80x128xf32, #tpu.memory_space<vmem_shared>>) dst(%arg9 : memref<80x128xf32, #tpu.memory_space<vmem>>)
      tpu.yield
    }) : () -> ()
    %mul3A_105 = arith.constant 10240 : i32
    %mul3A_106 = arith.muli %arg0, %mul3A_105 : i32
    %mul3A_107 = arith.constant 640 : i32
    %mul3A_108 = arith.muli %arg1, %mul3A_107 : i32
    %add3A_109 = arith.addi %mul3A_106, %mul3A_108 : i32
    %add3A_110 = arith.constant 240 : i32
    %add3A_111 = arith.addi %add3A_109, %add3A_110 : i32
    "tpu.region"() ({
      %run_scoped3A_156 = tpu.sem_alloc : memref<!tpu.dma_semaphore, #tpu.memory_space<semaphore_mem>>
      %dma_start3A_157 = arith.constant 0 : i32
      %dma_start3A_158 = tpu.memref_slice %arg6[%add3A_111, %dma_start3A_157] : memref<20480x128xf32, #tpu.memory_space<hbm>> -> memref<80x128xf32, #tpu.memory_space<hbm>>
      %dma_start3A_159 = arith.constant 0 : i32
      %dma_start3A_160 = tpu.memref_slice %arg6[%add3A_111, %dma_start3A_159] : memref<20480x128xf32, #tpu.memory_space<hbm>> -> memref<80x128xf32, #tpu.memory_space<hbm>>
      tpu.enqueue_dma source(%arg9 : memref<80x128xf32, #tpu.memory_space<vmem>>) target(%dma_start3A_160 : memref<80x128xf32, #tpu.memory_space<hbm>>) target_semaphore(%run_scoped3A_156 : memref<!tpu.dma_semaphore, #tpu.memory_space<semaphore_mem>>)
      %dma_wait3A_161 = arith.constant 0 : i32
      %dma_wait3A_162 = tpu.memref_slice %arg6[%add3A_111, %dma_wait3A_161] : memref<20480x128xf32, #tpu.memory_space<hbm>> -> memref<80x128xf32, #tpu.memory_space<hbm>>
      %dma_wait3A_163 = arith.constant 0 : i32
      %dma_wait3A_164 = tpu.memref_slice %arg6[%add3A_111, %dma_wait3A_163] : memref<20480x128xf32, #tpu.memory_space<hbm>> -> memref<80x128xf32, #tpu.memory_space<hbm>>
      tpu.wait_dma2 semaphore(%run_scoped3A_156 : memref<!tpu.dma_semaphore, #tpu.memory_space<semaphore_mem>>) src(%arg9 : memref<80x128xf32, #tpu.memory_space<vmem>>) dst(%dma_wait3A_164 : memref<80x128xf32, #tpu.memory_space<hbm>>)
      tpu.yield
    }) : () -> ()
    %mul3A_112 = arith.constant 640 : i32
    %mul3A_113 = arith.muli %arg1, %mul3A_112 : i32
    %add3A_114 = arith.constant 320 : i32
    %add3A_115 = arith.addi %mul3A_113, %add3A_114 : i32
    "tpu.region"() ({
      %run_scoped3A_156 = tpu.sem_alloc : memref<!tpu.dma_semaphore, #tpu.memory_space<semaphore_mem>>
      %dma_start3A_157 = arith.constant 0 : i32
      %dma_start3A_158 = tpu.memref_slice %arg11[%add3A_115, %dma_start3A_157] : memref<10240x128xf32, #tpu.memory_space<vmem_shared>> -> memref<80x128xf32, #tpu.memory_space<vmem_shared>>
      %dma_start3A_159 = arith.constant 0 : i32
      %dma_start3A_160 = tpu.memref_slice %arg11[%add3A_115, %dma_start3A_159] : memref<10240x128xf32, #tpu.memory_space<vmem_shared>> -> memref<80x128xf32, #tpu.memory_space<vmem_shared>>
      tpu.enqueue_dma source(%dma_start3A_160 : memref<80x128xf32, #tpu.memory_space<vmem_shared>>) target(%arg9 : memref<80x128xf32, #tpu.memory_space<vmem>>) target_semaphore(%run_scoped3A_156 : memref<!tpu.dma_semaphore, #tpu.memory_space<semaphore_mem>>)
      %dma_wait3A_161 = arith.constant 0 : i32
      %dma_wait3A_162 = tpu.memref_slice %arg11[%add3A_115, %dma_wait3A_161] : memref<10240x128xf32, #tpu.memory_space<vmem_shared>> -> memref<80x128xf32, #tpu.memory_space<vmem_shared>>
      %dma_wait3A_163 = arith.constant 0 : i32
      %dma_wait3A_164 = tpu.memref_slice %arg11[%add3A_115, %dma_wait3A_163] : memref<10240x128xf32, #tpu.memory_space<vmem_shared>> -> memref<80x128xf32, #tpu.memory_space<vmem_shared>>
      tpu.wait_dma2 semaphore(%run_scoped3A_156 : memref<!tpu.dma_semaphore, #tpu.memory_space<semaphore_mem>>) src(%dma_wait3A_164 : memref<80x128xf32, #tpu.memory_space<vmem_shared>>) dst(%arg9 : memref<80x128xf32, #tpu.memory_space<vmem>>)
      tpu.yield
    }) : () -> ()
    %mul3A_116 = arith.constant 10240 : i32
    %mul3A_117 = arith.muli %arg0, %mul3A_116 : i32
    %mul3A_118 = arith.constant 640 : i32
    %mul3A_119 = arith.muli %arg1, %mul3A_118 : i32
    %add3A_120 = arith.addi %mul3A_117, %mul3A_119 : i32
    %add3A_121 = arith.constant 320 : i32
    %add3A_122 = arith.addi %add3A_120, %add3A_121 : i32
    "tpu.region"() ({
      %run_scoped3A_156 = tpu.sem_alloc : memref<!tpu.dma_semaphore, #tpu.memory_space<semaphore_mem>>
      %dma_start3A_157 = arith.constant 0 : i32
      %dma_start3A_158 = tpu.memref_slice %arg6[%add3A_122, %dma_start3A_157] : memref<20480x128xf32, #tpu.memory_space<hbm>> -> memref<80x128xf32, #tpu.memory_space<hbm>>
      %dma_start3A_159 = arith.constant 0 : i32
      %dma_start3A_160 = tpu.memref_slice %arg6[%add3A_122, %dma_start3A_159] : memref<20480x128xf32, #tpu.memory_space<hbm>> -> memref<80x128xf32, #tpu.memory_space<hbm>>
      tpu.enqueue_dma source(%arg9 : memref<80x128xf32, #tpu.memory_space<vmem>>) target(%dma_start3A_160 : memref<80x128xf32, #tpu.memory_space<hbm>>) target_semaphore(%run_scoped3A_156 : memref<!tpu.dma_semaphore, #tpu.memory_space<semaphore_mem>>)
      %dma_wait3A_161 = arith.constant 0 : i32
      %dma_wait3A_162 = tpu.memref_slice %arg6[%add3A_122, %dma_wait3A_161] : memref<20480x128xf32, #tpu.memory_space<hbm>> -> memref<80x128xf32, #tpu.memory_space<hbm>>
      %dma_wait3A_163 = arith.constant 0 : i32
      %dma_wait3A_164 = tpu.memref_slice %arg6[%add3A_122, %dma_wait3A_163] : memref<20480x128xf32, #tpu.memory_space<hbm>> -> memref<80x128xf32, #tpu.memory_space<hbm>>
      tpu.wait_dma2 semaphore(%run_scoped3A_156 : memref<!tpu.dma_semaphore, #tpu.memory_space<semaphore_mem>>) src(%arg9 : memref<80x128xf32, #tpu.memory_space<vmem>>) dst(%dma_wait3A_164 : memref<80x128xf32, #tpu.memory_space<hbm>>)
      tpu.yield
    }) : () -> ()
    %mul3A_123 = arith.constant 640 : i32
    %mul3A_124 = arith.muli %arg1, %mul3A_123 : i32
    %add3A_125 = arith.constant 400 : i32
    %add3A_126 = arith.addi %mul3A_124, %add3A_125 : i32
    "tpu.region"() ({
      %run_scoped3A_156 = tpu.sem_alloc : memref<!tpu.dma_semaphore, #tpu.memory_space<semaphore_mem>>
      %dma_start3A_157 = arith.constant 0 : i32
      %dma_start3A_158 = tpu.memref_slice %arg11[%add3A_126, %dma_start3A_157] : memref<10240x128xf32, #tpu.memory_space<vmem_shared>> -> memref<80x128xf32, #tpu.memory_space<vmem_shared>>
      %dma_start3A_159 = arith.constant 0 : i32
      %dma_start3A_160 = tpu.memref_slice %arg11[%add3A_126, %dma_start3A_159] : memref<10240x128xf32, #tpu.memory_space<vmem_shared>> -> memref<80x128xf32, #tpu.memory_space<vmem_shared>>
      tpu.enqueue_dma source(%dma_start3A_160 : memref<80x128xf32, #tpu.memory_space<vmem_shared>>) target(%arg9 : memref<80x128xf32, #tpu.memory_space<vmem>>) target_semaphore(%run_scoped3A_156 : memref<!tpu.dma_semaphore, #tpu.memory_space<semaphore_mem>>)
      %dma_wait3A_161 = arith.constant 0 : i32
      %dma_wait3A_162 = tpu.memref_slice %arg11[%add3A_126, %dma_wait3A_161] : memref<10240x128xf32, #tpu.memory_space<vmem_shared>> -> memref<80x128xf32, #tpu.memory_space<vmem_shared>>
      %dma_wait3A_163 = arith.constant 0 : i32
      %dma_wait3A_164 = tpu.memref_slice %arg11[%add3A_126, %dma_wait3A_163] : memref<10240x128xf32, #tpu.memory_space<vmem_shared>> -> memref<80x128xf32, #tpu.memory_space<vmem_shared>>
      tpu.wait_dma2 semaphore(%run_scoped3A_156 : memref<!tpu.dma_semaphore, #tpu.memory_space<semaphore_mem>>) src(%dma_wait3A_164 : memref<80x128xf32, #tpu.memory_space<vmem_shared>>) dst(%arg9 : memref<80x128xf32, #tpu.memory_space<vmem>>)
      tpu.yield
    }) : () -> ()
    %mul3A_127 = arith.constant 10240 : i32
    %mul3A_128 = arith.muli %arg0, %mul3A_127 : i32
    %mul3A_129 = arith.constant 640 : i32
    %mul3A_130 = arith.muli %arg1, %mul3A_129 : i32
    %add3A_131 = arith.addi %mul3A_128, %mul3A_130 : i32
    %add3A_132 = arith.constant 400 : i32
    %add3A_133 = arith.addi %add3A_131, %add3A_132 : i32
    "tpu.region"() ({
      %run_scoped3A_156 = tpu.sem_alloc : memref<!tpu.dma_semaphore, #tpu.memory_space<semaphore_mem>>
      %dma_start3A_157 = arith.constant 0 : i32
      %dma_start3A_158 = tpu.memref_slice %arg6[%add3A_133, %dma_start3A_157] : memref<20480x128xf32, #tpu.memory_space<hbm>> -> memref<80x128xf32, #tpu.memory_space<hbm>>
      %dma_start3A_159 = arith.constant 0 : i32
      %dma_start3A_160 = tpu.memref_slice %arg6[%add3A_133, %dma_start3A_159] : memref<20480x128xf32, #tpu.memory_space<hbm>> -> memref<80x128xf32, #tpu.memory_space<hbm>>
      tpu.enqueue_dma source(%arg9 : memref<80x128xf32, #tpu.memory_space<vmem>>) target(%dma_start3A_160 : memref<80x128xf32, #tpu.memory_space<hbm>>) target_semaphore(%run_scoped3A_156 : memref<!tpu.dma_semaphore, #tpu.memory_space<semaphore_mem>>)
      %dma_wait3A_161 = arith.constant 0 : i32
      %dma_wait3A_162 = tpu.memref_slice %arg6[%add3A_133, %dma_wait3A_161] : memref<20480x128xf32, #tpu.memory_space<hbm>> -> memref<80x128xf32, #tpu.memory_space<hbm>>
      %dma_wait3A_163 = arith.constant 0 : i32
      %dma_wait3A_164 = tpu.memref_slice %arg6[%add3A_133, %dma_wait3A_163] : memref<20480x128xf32, #tpu.memory_space<hbm>> -> memref<80x128xf32, #tpu.memory_space<hbm>>
      tpu.wait_dma2 semaphore(%run_scoped3A_156 : memref<!tpu.dma_semaphore, #tpu.memory_space<semaphore_mem>>) src(%arg9 : memref<80x128xf32, #tpu.memory_space<vmem>>) dst(%dma_wait3A_164 : memref<80x128xf32, #tpu.memory_space<hbm>>)
      tpu.yield
    }) : () -> ()
    %mul3A_134 = arith.constant 640 : i32
    %mul3A_135 = arith.muli %arg1, %mul3A_134 : i32
    %add3A_136 = arith.constant 480 : i32
    %add3A_137 = arith.addi %mul3A_135, %add3A_136 : i32
    "tpu.region"() ({
      %run_scoped3A_156 = tpu.sem_alloc : memref<!tpu.dma_semaphore, #tpu.memory_space<semaphore_mem>>
      %dma_start3A_157 = arith.constant 0 : i32
      %dma_start3A_158 = tpu.memref_slice %arg11[%add3A_137, %dma_start3A_157] : memref<10240x128xf32, #tpu.memory_space<vmem_shared>> -> memref<80x128xf32, #tpu.memory_space<vmem_shared>>
      %dma_start3A_159 = arith.constant 0 : i32
      %dma_start3A_160 = tpu.memref_slice %arg11[%add3A_137, %dma_start3A_159] : memref<10240x128xf32, #tpu.memory_space<vmem_shared>> -> memref<80x128xf32, #tpu.memory_space<vmem_shared>>
      tpu.enqueue_dma source(%dma_start3A_160 : memref<80x128xf32, #tpu.memory_space<vmem_shared>>) target(%arg9 : memref<80x128xf32, #tpu.memory_space<vmem>>) target_semaphore(%run_scoped3A_156 : memref<!tpu.dma_semaphore, #tpu.memory_space<semaphore_mem>>)
      %dma_wait3A_161 = arith.constant 0 : i32
      %dma_wait3A_162 = tpu.memref_slice %arg11[%add3A_137, %dma_wait3A_161] : memref<10240x128xf32, #tpu.memory_space<vmem_shared>> -> memref<80x128xf32, #tpu.memory_space<vmem_shared>>
      %dma_wait3A_163 = arith.constant 0 : i32
      %dma_wait3A_164 = tpu.memref_slice %arg11[%add3A_137, %dma_wait3A_163] : memref<10240x128xf32, #tpu.memory_space<vmem_shared>> -> memref<80x128xf32, #tpu.memory_space<vmem_shared>>
      tpu.wait_dma2 semaphore(%run_scoped3A_156 : memref<!tpu.dma_semaphore, #tpu.memory_space<semaphore_mem>>) src(%dma_wait3A_164 : memref<80x128xf32, #tpu.memory_space<vmem_shared>>) dst(%arg9 : memref<80x128xf32, #tpu.memory_space<vmem>>)
      tpu.yield
    }) : () -> ()
    %mul3A_138 = arith.constant 10240 : i32
    %mul3A_139 = arith.muli %arg0, %mul3A_138 : i32
    %mul3A_140 = arith.constant 640 : i32
    %mul3A_141 = arith.muli %arg1, %mul3A_140 : i32
    %add3A_142 = arith.addi %mul3A_139, %mul3A_141 : i32
    %add3A_143 = arith.constant 480 : i32
    %add3A_144 = arith.addi %add3A_142, %add3A_143 : i32
    "tpu.region"() ({
      %run_scoped3A_156 = tpu.sem_alloc : memref<!tpu.dma_semaphore, #tpu.memory_space<semaphore_mem>>
      %dma_start3A_157 = arith.constant 0 : i32
      %dma_start3A_158 = tpu.memref_slice %arg6[%add3A_144, %dma_start3A_157] : memref<20480x128xf32, #tpu.memory_space<hbm>> -> memref<80x128xf32, #tpu.memory_space<hbm>>
      %dma_start3A_159 = arith.constant 0 : i32
      %dma_start3A_160 = tpu.memref_slice %arg6[%add3A_144, %dma_start3A_159] : memref<20480x128xf32, #tpu.memory_space<hbm>> -> memref<80x128xf32, #tpu.memory_space<hbm>>
      tpu.enqueue_dma source(%arg9 : memref<80x128xf32, #tpu.memory_space<vmem>>) target(%dma_start3A_160 : memref<80x128xf32, #tpu.memory_space<hbm>>) target_semaphore(%run_scoped3A_156 : memref<!tpu.dma_semaphore, #tpu.memory_space<semaphore_mem>>)
      %dma_wait3A_161 = arith.constant 0 : i32
      %dma_wait3A_162 = tpu.memref_slice %arg6[%add3A_144, %dma_wait3A_161] : memref<20480x128xf32, #tpu.memory_space<hbm>> -> memref<80x128xf32, #tpu.memory_space<hbm>>
      %dma_wait3A_163 = arith.constant 0 : i32
      %dma_wait3A_164 = tpu.memref_slice %arg6[%add3A_144, %dma_wait3A_163] : memref<20480x128xf32, #tpu.memory_space<hbm>> -> memref<80x128xf32, #tpu.memory_space<hbm>>
      tpu.wait_dma2 semaphore(%run_scoped3A_156 : memref<!tpu.dma_semaphore, #tpu.memory_space<semaphore_mem>>) src(%arg9 : memref<80x128xf32, #tpu.memory_space<vmem>>) dst(%dma_wait3A_164 : memref<80x128xf32, #tpu.memory_space<hbm>>)
      tpu.yield
    }) : () -> ()
    %mul3A_145 = arith.constant 640 : i32
    %mul3A_146 = arith.muli %arg1, %mul3A_145 : i32
    %add3A_147 = arith.constant 560 : i32
    %add3A_148 = arith.addi %mul3A_146, %add3A_147 : i32
    "tpu.region"() ({
      %run_scoped3A_156 = tpu.sem_alloc : memref<!tpu.dma_semaphore, #tpu.memory_space<semaphore_mem>>
      %dma_start3A_157 = arith.constant 0 : i32
      %dma_start3A_158 = tpu.memref_slice %arg11[%add3A_148, %dma_start3A_157] : memref<10240x128xf32, #tpu.memory_space<vmem_shared>> -> memref<80x128xf32, #tpu.memory_space<vmem_shared>>
      %dma_start3A_159 = arith.constant 0 : i32
      %dma_start3A_160 = tpu.memref_slice %arg11[%add3A_148, %dma_start3A_159] : memref<10240x128xf32, #tpu.memory_space<vmem_shared>> -> memref<80x128xf32, #tpu.memory_space<vmem_shared>>
      tpu.enqueue_dma source(%dma_start3A_160 : memref<80x128xf32, #tpu.memory_space<vmem_shared>>) target(%arg9 : memref<80x128xf32, #tpu.memory_space<vmem>>) target_semaphore(%run_scoped3A_156 : memref<!tpu.dma_semaphore, #tpu.memory_space<semaphore_mem>>)
      %dma_wait3A_161 = arith.constant 0 : i32
      %dma_wait3A_162 = tpu.memref_slice %arg11[%add3A_148, %dma_wait3A_161] : memref<10240x128xf32, #tpu.memory_space<vmem_shared>> -> memref<80x128xf32, #tpu.memory_space<vmem_shared>>
      %dma_wait3A_163 = arith.constant 0 : i32
      %dma_wait3A_164 = tpu.memref_slice %arg11[%add3A_148, %dma_wait3A_163] : memref<10240x128xf32, #tpu.memory_space<vmem_shared>> -> memref<80x128xf32, #tpu.memory_space<vmem_shared>>
      tpu.wait_dma2 semaphore(%run_scoped3A_156 : memref<!tpu.dma_semaphore, #tpu.memory_space<semaphore_mem>>) src(%dma_wait3A_164 : memref<80x128xf32, #tpu.memory_space<vmem_shared>>) dst(%arg9 : memref<80x128xf32, #tpu.memory_space<vmem>>)
      tpu.yield
    }) : () -> ()
    %mul3A_149 = arith.constant 10240 : i32
    %mul3A_150 = arith.muli %arg0, %mul3A_149 : i32
    %mul3A_151 = arith.constant 640 : i32
    %mul3A_152 = arith.muli %arg1, %mul3A_151 : i32
    %add3A_153 = arith.addi %mul3A_150, %mul3A_152 : i32
    %add3A_154 = arith.constant 560 : i32
    %add3A_155 = arith.addi %add3A_153, %add3A_154 : i32
    "tpu.region"() ({
      %run_scoped3A_156 = tpu.sem_alloc : memref<!tpu.dma_semaphore, #tpu.memory_space<semaphore_mem>>
      %dma_start3A_157 = arith.constant 0 : i32
      %dma_start3A_158 = tpu.memref_slice %arg6[%add3A_155, %dma_start3A_157] : memref<20480x128xf32, #tpu.memory_space<hbm>> -> memref<80x128xf32, #tpu.memory_space<hbm>>
      %dma_start3A_159 = arith.constant 0 : i32
      %dma_start3A_160 = tpu.memref_slice %arg6[%add3A_155, %dma_start3A_159] : memref<20480x128xf32, #tpu.memory_space<hbm>> -> memref<80x128xf32, #tpu.memory_space<hbm>>
      tpu.enqueue_dma source(%arg9 : memref<80x128xf32, #tpu.memory_space<vmem>>) target(%dma_start3A_160 : memref<80x128xf32, #tpu.memory_space<hbm>>) target_semaphore(%run_scoped3A_156 : memref<!tpu.dma_semaphore, #tpu.memory_space<semaphore_mem>>)
      %dma_wait3A_161 = arith.constant 0 : i32
      %dma_wait3A_162 = tpu.memref_slice %arg6[%add3A_155, %dma_wait3A_161] : memref<20480x128xf32, #tpu.memory_space<hbm>> -> memref<80x128xf32, #tpu.memory_space<hbm>>
      %dma_wait3A_163 = arith.constant 0 : i32
      %dma_wait3A_164 = tpu.memref_slice %arg6[%add3A_155, %dma_wait3A_163] : memref<20480x128xf32, #tpu.memory_space<hbm>> -> memref<80x128xf32, #tpu.memory_space<hbm>>
      tpu.wait_dma2 semaphore(%run_scoped3A_156 : memref<!tpu.dma_semaphore, #tpu.memory_space<semaphore_mem>>) src(%arg9 : memref<80x128xf32, #tpu.memory_space<vmem>>) dst(%dma_wait3A_164 : memref<80x128xf32, #tpu.memory_space<hbm>>)
      tpu.yield
    }) : () -> ()
    return
  }
}

#map = affine_map<(d0, d1) -> (0)>
#map1 = affine_map<(d0, d1) -> (0, 0)>
module attributes {stable_mosaic.version = 14 : i64} {
  func.func @_sc_cnt_body(%arg0: i32, %arg1: i32, %arg2: memref<320000xi32, #tpu.memory_space<hbm>>, %arg3: memref<10240x128xf32, #tpu.memory_space<hbm>>, %arg4: memref<80x128xf32, #tpu.memory_space<hbm>>, %arg5: memref<20480x128xf32, #tpu.memory_space<hbm>>, %arg6: memref<4x80xi32, #tpu.memory_space<vmem>>, %arg7: memref<80x128xf32, #tpu.memory_space<vmem>>, %arg8: memref<10240x128xf32, #tpu.memory_space<vmem_shared>>, %arg9: memref<!tpu.dma_semaphore, #tpu.memory_space<semaphore_mem>>, %arg10: memref<!tpu.dma_semaphore, #tpu.memory_space<semaphore_mem>>, %arg11: memref<!tpu.dma_semaphore, #tpu.memory_space<semaphore_mem>>) attributes {dimension_semantics = [#tpu.dimension_semantics<core_parallel>, #tpu.dimension_semantics<subcore_parallel>], iteration_bounds = array<i64: 2, 16>, scalar_prefetch = 0 : i64, scratch_operands = 6 : i64, tpu.core_type = #tpu.core_type<sc_vector_subcore>, window_params = [{transform_indices = #map}, {transform_indices = #map1}, {transform_indices = #map1}, {transform_indices = #map1}]} {
    %mul3A = arith.constant 2 : i32
    %mul3A_0 = arith.muli %arg1, %mul3A : i32
    %add3A = arith.addi %mul3A_0, %arg0 : i32
    "tpu.region"() ({
      %run_scoped3A_145 = tpu.sem_alloc : memref<!tpu.dma_semaphore, #tpu.memory_space<semaphore_mem>>
      %dma_start3A = arith.constant 0 : i32
      %dma_start3A_146 = arith.constant 0 : i32
      %dma_start3A_147 = tpu.memref_slice %arg3[%dma_start3A, %dma_start3A_146] : memref<10240x128xf32, #tpu.memory_space<hbm>> -> memref<80x128xf32, #tpu.memory_space<hbm>>
      %dma_start3A_148 = arith.constant 0 : i32
      %dma_start3A_149 = arith.constant 0 : i32
      %dma_start3A_150 = tpu.memref_slice %arg3[%dma_start3A_148, %dma_start3A_149] : memref<10240x128xf32, #tpu.memory_space<hbm>> -> memref<80x128xf32, #tpu.memory_space<hbm>>
      tpu.enqueue_dma source(%dma_start3A_150 : memref<80x128xf32, #tpu.memory_space<hbm>>) target(%arg7 : memref<80x128xf32, #tpu.memory_space<vmem>>) target_semaphore(%run_scoped3A_145 : memref<!tpu.dma_semaphore, #tpu.memory_space<semaphore_mem>>)
      %dma_wait3A_151 = arith.constant 0 : i32
      %dma_wait3A_152 = arith.constant 0 : i32
      %dma_wait3A_153 = tpu.memref_slice %arg3[%dma_wait3A_151, %dma_wait3A_152] : memref<10240x128xf32, #tpu.memory_space<hbm>> -> memref<80x128xf32, #tpu.memory_space<hbm>>
      %dma_wait3A_154 = arith.constant 0 : i32
      %dma_wait3A_155 = arith.constant 0 : i32
      %dma_wait3A_156 = tpu.memref_slice %arg3[%dma_wait3A_154, %dma_wait3A_155] : memref<10240x128xf32, #tpu.memory_space<hbm>> -> memref<80x128xf32, #tpu.memory_space<hbm>>
      tpu.wait_dma2 semaphore(%run_scoped3A_145 : memref<!tpu.dma_semaphore, #tpu.memory_space<semaphore_mem>>) src(%dma_wait3A_156 : memref<80x128xf32, #tpu.memory_space<hbm>>) dst(%arg7 : memref<80x128xf32, #tpu.memory_space<vmem>>)
      tpu.yield
    }) : () -> ()
    %mul3A_1 = arith.constant 640 : i32
    %mul3A_2 = arith.muli %arg1, %mul3A_1 : i32
    %add3A_3 = arith.constant 0 : i32
    %add3A_4 = arith.addi %mul3A_2, %add3A_3 : i32
    "tpu.region"() ({
      %run_scoped3A_145 = tpu.sem_alloc : memref<!tpu.dma_semaphore, #tpu.memory_space<semaphore_mem>>
      %dma_start3A = arith.constant 0 : i32
      %dma_start3A_146 = tpu.memref_slice %arg8[%add3A_4, %dma_start3A] : memref<10240x128xf32, #tpu.memory_space<vmem_shared>> -> memref<80x128xf32, #tpu.memory_space<vmem_shared>>
      %dma_start3A_147 = arith.constant 0 : i32
      %dma_start3A_148 = tpu.memref_slice %arg8[%add3A_4, %dma_start3A_147] : memref<10240x128xf32, #tpu.memory_space<vmem_shared>> -> memref<80x128xf32, #tpu.memory_space<vmem_shared>>
      tpu.enqueue_dma source(%arg7 : memref<80x128xf32, #tpu.memory_space<vmem>>) target(%dma_start3A_148 : memref<80x128xf32, #tpu.memory_space<vmem_shared>>) target_semaphore(%run_scoped3A_145 : memref<!tpu.dma_semaphore, #tpu.memory_space<semaphore_mem>>)
      %dma_wait3A_149 = arith.constant 0 : i32
      %dma_wait3A_150 = tpu.memref_slice %arg8[%add3A_4, %dma_wait3A_149] : memref<10240x128xf32, #tpu.memory_space<vmem_shared>> -> memref<80x128xf32, #tpu.memory_space<vmem_shared>>
      %dma_wait3A_151 = arith.constant 0 : i32
      %dma_wait3A_152 = tpu.memref_slice %arg8[%add3A_4, %dma_wait3A_151] : memref<10240x128xf32, #tpu.memory_space<vmem_shared>> -> memref<80x128xf32, #tpu.memory_space<vmem_shared>>
      tpu.wait_dma2 semaphore(%run_scoped3A_145 : memref<!tpu.dma_semaphore, #tpu.memory_space<semaphore_mem>>) src(%arg7 : memref<80x128xf32, #tpu.memory_space<vmem>>) dst(%dma_wait3A_152 : memref<80x128xf32, #tpu.memory_space<vmem_shared>>)
      tpu.yield
    }) : () -> ()
    %mul3A_5 = arith.constant 640 : i32
    %mul3A_6 = arith.muli %arg1, %mul3A_5 : i32
    %add3A_7 = arith.constant 80 : i32
    %add3A_8 = arith.addi %mul3A_6, %add3A_7 : i32
    "tpu.region"() ({
      %run_scoped3A_145 = tpu.sem_alloc : memref<!tpu.dma_semaphore, #tpu.memory_space<semaphore_mem>>
      %dma_start3A = arith.constant 0 : i32
      %dma_start3A_146 = tpu.memref_slice %arg8[%add3A_8, %dma_start3A] : memref<10240x128xf32, #tpu.memory_space<vmem_shared>> -> memref<80x128xf32, #tpu.memory_space<vmem_shared>>
      %dma_start3A_147 = arith.constant 0 : i32
      %dma_start3A_148 = tpu.memref_slice %arg8[%add3A_8, %dma_start3A_147] : memref<10240x128xf32, #tpu.memory_space<vmem_shared>> -> memref<80x128xf32, #tpu.memory_space<vmem_shared>>
      tpu.enqueue_dma source(%arg7 : memref<80x128xf32, #tpu.memory_space<vmem>>) target(%dma_start3A_148 : memref<80x128xf32, #tpu.memory_space<vmem_shared>>) target_semaphore(%run_scoped3A_145 : memref<!tpu.dma_semaphore, #tpu.memory_space<semaphore_mem>>)
      %dma_wait3A_149 = arith.constant 0 : i32
      %dma_wait3A_150 = tpu.memref_slice %arg8[%add3A_8, %dma_wait3A_149] : memref<10240x128xf32, #tpu.memory_space<vmem_shared>> -> memref<80x128xf32, #tpu.memory_space<vmem_shared>>
      %dma_wait3A_151 = arith.constant 0 : i32
      %dma_wait3A_152 = tpu.memref_slice %arg8[%add3A_8, %dma_wait3A_151] : memref<10240x128xf32, #tpu.memory_space<vmem_shared>> -> memref<80x128xf32, #tpu.memory_space<vmem_shared>>
      tpu.wait_dma2 semaphore(%run_scoped3A_145 : memref<!tpu.dma_semaphore, #tpu.memory_space<semaphore_mem>>) src(%arg7 : memref<80x128xf32, #tpu.memory_space<vmem>>) dst(%dma_wait3A_152 : memref<80x128xf32, #tpu.memory_space<vmem_shared>>)
      tpu.yield
    }) : () -> ()
    %mul3A_9 = arith.constant 640 : i32
    %mul3A_10 = arith.muli %arg1, %mul3A_9 : i32
    %add3A_11 = arith.constant 160 : i32
    %add3A_12 = arith.addi %mul3A_10, %add3A_11 : i32
    "tpu.region"() ({
      %run_scoped3A_145 = tpu.sem_alloc : memref<!tpu.dma_semaphore, #tpu.memory_space<semaphore_mem>>
      %dma_start3A = arith.constant 0 : i32
      %dma_start3A_146 = tpu.memref_slice %arg8[%add3A_12, %dma_start3A] : memref<10240x128xf32, #tpu.memory_space<vmem_shared>> -> memref<80x128xf32, #tpu.memory_space<vmem_shared>>
      %dma_start3A_147 = arith.constant 0 : i32
      %dma_start3A_148 = tpu.memref_slice %arg8[%add3A_12, %dma_start3A_147] : memref<10240x128xf32, #tpu.memory_space<vmem_shared>> -> memref<80x128xf32, #tpu.memory_space<vmem_shared>>
      tpu.enqueue_dma source(%arg7 : memref<80x128xf32, #tpu.memory_space<vmem>>) target(%dma_start3A_148 : memref<80x128xf32, #tpu.memory_space<vmem_shared>>) target_semaphore(%run_scoped3A_145 : memref<!tpu.dma_semaphore, #tpu.memory_space<semaphore_mem>>)
      %dma_wait3A_149 = arith.constant 0 : i32
      %dma_wait3A_150 = tpu.memref_slice %arg8[%add3A_12, %dma_wait3A_149] : memref<10240x128xf32, #tpu.memory_space<vmem_shared>> -> memref<80x128xf32, #tpu.memory_space<vmem_shared>>
      %dma_wait3A_151 = arith.constant 0 : i32
      %dma_wait3A_152 = tpu.memref_slice %arg8[%add3A_12, %dma_wait3A_151] : memref<10240x128xf32, #tpu.memory_space<vmem_shared>> -> memref<80x128xf32, #tpu.memory_space<vmem_shared>>
      tpu.wait_dma2 semaphore(%run_scoped3A_145 : memref<!tpu.dma_semaphore, #tpu.memory_space<semaphore_mem>>) src(%arg7 : memref<80x128xf32, #tpu.memory_space<vmem>>) dst(%dma_wait3A_152 : memref<80x128xf32, #tpu.memory_space<vmem_shared>>)
      tpu.yield
    }) : () -> ()
    %mul3A_13 = arith.constant 640 : i32
    %mul3A_14 = arith.muli %arg1, %mul3A_13 : i32
    %add3A_15 = arith.constant 240 : i32
    %add3A_16 = arith.addi %mul3A_14, %add3A_15 : i32
    "tpu.region"() ({
      %run_scoped3A_145 = tpu.sem_alloc : memref<!tpu.dma_semaphore, #tpu.memory_space<semaphore_mem>>
      %dma_start3A = arith.constant 0 : i32
      %dma_start3A_146 = tpu.memref_slice %arg8[%add3A_16, %dma_start3A] : memref<10240x128xf32, #tpu.memory_space<vmem_shared>> -> memref<80x128xf32, #tpu.memory_space<vmem_shared>>
      %dma_start3A_147 = arith.constant 0 : i32
      %dma_start3A_148 = tpu.memref_slice %arg8[%add3A_16, %dma_start3A_147] : memref<10240x128xf32, #tpu.memory_space<vmem_shared>> -> memref<80x128xf32, #tpu.memory_space<vmem_shared>>
      tpu.enqueue_dma source(%arg7 : memref<80x128xf32, #tpu.memory_space<vmem>>) target(%dma_start3A_148 : memref<80x128xf32, #tpu.memory_space<vmem_shared>>) target_semaphore(%run_scoped3A_145 : memref<!tpu.dma_semaphore, #tpu.memory_space<semaphore_mem>>)
      %dma_wait3A_149 = arith.constant 0 : i32
      %dma_wait3A_150 = tpu.memref_slice %arg8[%add3A_16, %dma_wait3A_149] : memref<10240x128xf32, #tpu.memory_space<vmem_shared>> -> memref<80x128xf32, #tpu.memory_space<vmem_shared>>
      %dma_wait3A_151 = arith.constant 0 : i32
      %dma_wait3A_152 = tpu.memref_slice %arg8[%add3A_16, %dma_wait3A_151] : memref<10240x128xf32, #tpu.memory_space<vmem_shared>> -> memref<80x128xf32, #tpu.memory_space<vmem_shared>>
      tpu.wait_dma2 semaphore(%run_scoped3A_145 : memref<!tpu.dma_semaphore, #tpu.memory_space<semaphore_mem>>) src(%arg7 : memref<80x128xf32, #tpu.memory_space<vmem>>) dst(%dma_wait3A_152 : memref<80x128xf32, #tpu.memory_space<vmem_shared>>)
      tpu.yield
    }) : () -> ()
    %mul3A_17 = arith.constant 640 : i32
    %mul3A_18 = arith.muli %arg1, %mul3A_17 : i32
    %add3A_19 = arith.constant 320 : i32
    %add3A_20 = arith.addi %mul3A_18, %add3A_19 : i32
    "tpu.region"() ({
      %run_scoped3A_145 = tpu.sem_alloc : memref<!tpu.dma_semaphore, #tpu.memory_space<semaphore_mem>>
      %dma_start3A = arith.constant 0 : i32
      %dma_start3A_146 = tpu.memref_slice %arg8[%add3A_20, %dma_start3A] : memref<10240x128xf32, #tpu.memory_space<vmem_shared>> -> memref<80x128xf32, #tpu.memory_space<vmem_shared>>
      %dma_start3A_147 = arith.constant 0 : i32
      %dma_start3A_148 = tpu.memref_slice %arg8[%add3A_20, %dma_start3A_147] : memref<10240x128xf32, #tpu.memory_space<vmem_shared>> -> memref<80x128xf32, #tpu.memory_space<vmem_shared>>
      tpu.enqueue_dma source(%arg7 : memref<80x128xf32, #tpu.memory_space<vmem>>) target(%dma_start3A_148 : memref<80x128xf32, #tpu.memory_space<vmem_shared>>) target_semaphore(%run_scoped3A_145 : memref<!tpu.dma_semaphore, #tpu.memory_space<semaphore_mem>>)
      %dma_wait3A_149 = arith.constant 0 : i32
      %dma_wait3A_150 = tpu.memref_slice %arg8[%add3A_20, %dma_wait3A_149] : memref<10240x128xf32, #tpu.memory_space<vmem_shared>> -> memref<80x128xf32, #tpu.memory_space<vmem_shared>>
      %dma_wait3A_151 = arith.constant 0 : i32
      %dma_wait3A_152 = tpu.memref_slice %arg8[%add3A_20, %dma_wait3A_151] : memref<10240x128xf32, #tpu.memory_space<vmem_shared>> -> memref<80x128xf32, #tpu.memory_space<vmem_shared>>
      tpu.wait_dma2 semaphore(%run_scoped3A_145 : memref<!tpu.dma_semaphore, #tpu.memory_space<semaphore_mem>>) src(%arg7 : memref<80x128xf32, #tpu.memory_space<vmem>>) dst(%dma_wait3A_152 : memref<80x128xf32, #tpu.memory_space<vmem_shared>>)
      tpu.yield
    }) : () -> ()
    %mul3A_21 = arith.constant 640 : i32
    %mul3A_22 = arith.muli %arg1, %mul3A_21 : i32
    %add3A_23 = arith.constant 400 : i32
    %add3A_24 = arith.addi %mul3A_22, %add3A_23 : i32
    "tpu.region"() ({
      %run_scoped3A_145 = tpu.sem_alloc : memref<!tpu.dma_semaphore, #tpu.memory_space<semaphore_mem>>
      %dma_start3A = arith.constant 0 : i32
      %dma_start3A_146 = tpu.memref_slice %arg8[%add3A_24, %dma_start3A] : memref<10240x128xf32, #tpu.memory_space<vmem_shared>> -> memref<80x128xf32, #tpu.memory_space<vmem_shared>>
      %dma_start3A_147 = arith.constant 0 : i32
      %dma_start3A_148 = tpu.memref_slice %arg8[%add3A_24, %dma_start3A_147] : memref<10240x128xf32, #tpu.memory_space<vmem_shared>> -> memref<80x128xf32, #tpu.memory_space<vmem_shared>>
      tpu.enqueue_dma source(%arg7 : memref<80x128xf32, #tpu.memory_space<vmem>>) target(%dma_start3A_148 : memref<80x128xf32, #tpu.memory_space<vmem_shared>>) target_semaphore(%run_scoped3A_145 : memref<!tpu.dma_semaphore, #tpu.memory_space<semaphore_mem>>)
      %dma_wait3A_149 = arith.constant 0 : i32
      %dma_wait3A_150 = tpu.memref_slice %arg8[%add3A_24, %dma_wait3A_149] : memref<10240x128xf32, #tpu.memory_space<vmem_shared>> -> memref<80x128xf32, #tpu.memory_space<vmem_shared>>
      %dma_wait3A_151 = arith.constant 0 : i32
      %dma_wait3A_152 = tpu.memref_slice %arg8[%add3A_24, %dma_wait3A_151] : memref<10240x128xf32, #tpu.memory_space<vmem_shared>> -> memref<80x128xf32, #tpu.memory_space<vmem_shared>>
      tpu.wait_dma2 semaphore(%run_scoped3A_145 : memref<!tpu.dma_semaphore, #tpu.memory_space<semaphore_mem>>) src(%arg7 : memref<80x128xf32, #tpu.memory_space<vmem>>) dst(%dma_wait3A_152 : memref<80x128xf32, #tpu.memory_space<vmem_shared>>)
      tpu.yield
    }) : () -> ()
    %mul3A_25 = arith.constant 640 : i32
    %mul3A_26 = arith.muli %arg1, %mul3A_25 : i32
    %add3A_27 = arith.constant 480 : i32
    %add3A_28 = arith.addi %mul3A_26, %add3A_27 : i32
    "tpu.region"() ({
      %run_scoped3A_145 = tpu.sem_alloc : memref<!tpu.dma_semaphore, #tpu.memory_space<semaphore_mem>>
      %dma_start3A = arith.constant 0 : i32
      %dma_start3A_146 = tpu.memref_slice %arg8[%add3A_28, %dma_start3A] : memref<10240x128xf32, #tpu.memory_space<vmem_shared>> -> memref<80x128xf32, #tpu.memory_space<vmem_shared>>
      %dma_start3A_147 = arith.constant 0 : i32
      %dma_start3A_148 = tpu.memref_slice %arg8[%add3A_28, %dma_start3A_147] : memref<10240x128xf32, #tpu.memory_space<vmem_shared>> -> memref<80x128xf32, #tpu.memory_space<vmem_shared>>
      tpu.enqueue_dma source(%arg7 : memref<80x128xf32, #tpu.memory_space<vmem>>) target(%dma_start3A_148 : memref<80x128xf32, #tpu.memory_space<vmem_shared>>) target_semaphore(%run_scoped3A_145 : memref<!tpu.dma_semaphore, #tpu.memory_space<semaphore_mem>>)
      %dma_wait3A_149 = arith.constant 0 : i32
      %dma_wait3A_150 = tpu.memref_slice %arg8[%add3A_28, %dma_wait3A_149] : memref<10240x128xf32, #tpu.memory_space<vmem_shared>> -> memref<80x128xf32, #tpu.memory_space<vmem_shared>>
      %dma_wait3A_151 = arith.constant 0 : i32
      %dma_wait3A_152 = tpu.memref_slice %arg8[%add3A_28, %dma_wait3A_151] : memref<10240x128xf32, #tpu.memory_space<vmem_shared>> -> memref<80x128xf32, #tpu.memory_space<vmem_shared>>
      tpu.wait_dma2 semaphore(%run_scoped3A_145 : memref<!tpu.dma_semaphore, #tpu.memory_space<semaphore_mem>>) src(%arg7 : memref<80x128xf32, #tpu.memory_space<vmem>>) dst(%dma_wait3A_152 : memref<80x128xf32, #tpu.memory_space<vmem_shared>>)
      tpu.yield
    }) : () -> ()
    %mul3A_29 = arith.constant 640 : i32
    %mul3A_30 = arith.muli %arg1, %mul3A_29 : i32
    %add3A_31 = arith.constant 560 : i32
    %add3A_32 = arith.addi %mul3A_30, %add3A_31 : i32
    "tpu.region"() ({
      %run_scoped3A_145 = tpu.sem_alloc : memref<!tpu.dma_semaphore, #tpu.memory_space<semaphore_mem>>
      %dma_start3A = arith.constant 0 : i32
      %dma_start3A_146 = tpu.memref_slice %arg8[%add3A_32, %dma_start3A] : memref<10240x128xf32, #tpu.memory_space<vmem_shared>> -> memref<80x128xf32, #tpu.memory_space<vmem_shared>>
      %dma_start3A_147 = arith.constant 0 : i32
      %dma_start3A_148 = tpu.memref_slice %arg8[%add3A_32, %dma_start3A_147] : memref<10240x128xf32, #tpu.memory_space<vmem_shared>> -> memref<80x128xf32, #tpu.memory_space<vmem_shared>>
      tpu.enqueue_dma source(%arg7 : memref<80x128xf32, #tpu.memory_space<vmem>>) target(%dma_start3A_148 : memref<80x128xf32, #tpu.memory_space<vmem_shared>>) target_semaphore(%run_scoped3A_145 : memref<!tpu.dma_semaphore, #tpu.memory_space<semaphore_mem>>)
      %dma_wait3A_149 = arith.constant 0 : i32
      %dma_wait3A_150 = tpu.memref_slice %arg8[%add3A_32, %dma_wait3A_149] : memref<10240x128xf32, #tpu.memory_space<vmem_shared>> -> memref<80x128xf32, #tpu.memory_space<vmem_shared>>
      %dma_wait3A_151 = arith.constant 0 : i32
      %dma_wait3A_152 = tpu.memref_slice %arg8[%add3A_32, %dma_wait3A_151] : memref<10240x128xf32, #tpu.memory_space<vmem_shared>> -> memref<80x128xf32, #tpu.memory_space<vmem_shared>>
      tpu.wait_dma2 semaphore(%run_scoped3A_145 : memref<!tpu.dma_semaphore, #tpu.memory_space<semaphore_mem>>) src(%arg7 : memref<80x128xf32, #tpu.memory_space<vmem>>) dst(%dma_wait3A_152 : memref<80x128xf32, #tpu.memory_space<vmem_shared>>)
      tpu.yield
    }) : () -> ()
    "tpu.region"() ({
      %run_scoped3A_145 = tpu.sem_alloc : memref<!tpu.dma_semaphore, #tpu.memory_space<semaphore_mem>>
      tpu.enqueue_dma source(%arg4 : memref<80x128xf32, #tpu.memory_space<hbm>>) target(%arg7 : memref<80x128xf32, #tpu.memory_space<vmem>>) target_semaphore(%run_scoped3A_145 : memref<!tpu.dma_semaphore, #tpu.memory_space<semaphore_mem>>)
      tpu.wait_dma2 semaphore(%run_scoped3A_145 : memref<!tpu.dma_semaphore, #tpu.memory_space<semaphore_mem>>) src(%arg4 : memref<80x128xf32, #tpu.memory_space<hbm>>) dst(%arg7 : memref<80x128xf32, #tpu.memory_space<vmem>>)
      tpu.yield
    }) : () -> ()
    %barrier3A = arith.constant 0 : index
    tpu.barrier barrier_id(%barrier3A)
    %mul3A_33 = arith.constant 10000 : i32
    %mul3A_34 = arith.muli %add3A, %mul3A_33 : i32
    %run_scoped3A = arith.constant 0 : i32
    "tpu.region"() ({
      %run_scoped3A_145 = tpu.sem_alloc : memref<!tpu.dma_semaphore, #tpu.memory_space<semaphore_mem>>
      %dma_start3A = arith.constant 0 : i32
      %dma_start3A_146 = tpu.memref_slice %arg6[%run_scoped3A, %dma_start3A] : memref<4x80xi32, #tpu.memory_space<vmem>> -> memref<1x80xi32, #tpu.memory_space<vmem>>
      %dma_start3A_147 = tpu.memref_squeeze %dma_start3A_146 : memref<1x80xi32, #tpu.memory_space<vmem>> -> memref<80xi32, #tpu.memory_space<vmem>>
      %dma_start3A_148 = tpu.memref_slice %arg2[%mul3A_34] : memref<320000xi32, #tpu.memory_space<hbm>> -> memref<80xi32, #tpu.memory_space<hbm>>
      %dma_start3A_149 = arith.constant 0 : i32
      %dma_start3A_150 = tpu.memref_slice %arg6[%run_scoped3A, %dma_start3A_149] : memref<4x80xi32, #tpu.memory_space<vmem>> -> memref<1x80xi32, #tpu.memory_space<vmem>>
      %dma_start3A_151 = tpu.memref_squeeze %dma_start3A_150 : memref<1x80xi32, #tpu.memory_space<vmem>> -> memref<80xi32, #tpu.memory_space<vmem>>
      %dma_start3A_152 = tpu.memref_slice %arg2[%mul3A_34] : memref<320000xi32, #tpu.memory_space<hbm>> -> memref<80xi32, #tpu.memory_space<hbm>>
      tpu.enqueue_dma source(%dma_start3A_152 : memref<80xi32, #tpu.memory_space<hbm>>) target(%dma_start3A_151 : memref<80xi32, #tpu.memory_space<vmem>>) target_semaphore(%run_scoped3A_145 : memref<!tpu.dma_semaphore, #tpu.memory_space<semaphore_mem>>)
      %dma_wait3A_153 = arith.constant 0 : i32
      %dma_wait3A_154 = tpu.memref_slice %arg6[%run_scoped3A, %dma_wait3A_153] : memref<4x80xi32, #tpu.memory_space<vmem>> -> memref<1x80xi32, #tpu.memory_space<vmem>>
      %dma_wait3A_155 = tpu.memref_squeeze %dma_wait3A_154 : memref<1x80xi32, #tpu.memory_space<vmem>> -> memref<80xi32, #tpu.memory_space<vmem>>
      %dma_wait3A_156 = tpu.memref_slice %arg2[%mul3A_34] : memref<320000xi32, #tpu.memory_space<hbm>> -> memref<80xi32, #tpu.memory_space<hbm>>
      %dma_wait3A_157 = arith.constant 0 : i32
      %dma_wait3A_158 = tpu.memref_slice %arg6[%run_scoped3A, %dma_wait3A_157] : memref<4x80xi32, #tpu.memory_space<vmem>> -> memref<1x80xi32, #tpu.memory_space<vmem>>
      %dma_wait3A_159 = tpu.memref_squeeze %dma_wait3A_158 : memref<1x80xi32, #tpu.memory_space<vmem>> -> memref<80xi32, #tpu.memory_space<vmem>>
      %dma_wait3A_160 = tpu.memref_slice %arg2[%mul3A_34] : memref<320000xi32, #tpu.memory_space<hbm>> -> memref<80xi32, #tpu.memory_space<hbm>>
      tpu.wait_dma2 semaphore(%run_scoped3A_145 : memref<!tpu.dma_semaphore, #tpu.memory_space<semaphore_mem>>) src(%dma_wait3A_160 : memref<80xi32, #tpu.memory_space<hbm>>) dst(%dma_wait3A_159 : memref<80xi32, #tpu.memory_space<vmem>>)
      tpu.yield
    }) : () -> ()
    %add3A_35 = arith.constant 80 : i32
    %add3A_36 = arith.addi %mul3A_34, %add3A_35 : i32
    %run_scoped3A_37 = arith.constant 1 : i32
    "tpu.region"() ({
      %run_scoped3A_145 = tpu.sem_alloc : memref<!tpu.dma_semaphore, #tpu.memory_space<semaphore_mem>>
      %dma_start3A = arith.constant 0 : i32
      %dma_start3A_146 = tpu.memref_slice %arg6[%run_scoped3A_37, %dma_start3A] : memref<4x80xi32, #tpu.memory_space<vmem>> -> memref<1x80xi32, #tpu.memory_space<vmem>>
      %dma_start3A_147 = tpu.memref_squeeze %dma_start3A_146 : memref<1x80xi32, #tpu.memory_space<vmem>> -> memref<80xi32, #tpu.memory_space<vmem>>
      %dma_start3A_148 = tpu.memref_slice %arg2[%add3A_36] : memref<320000xi32, #tpu.memory_space<hbm>> -> memref<80xi32, #tpu.memory_space<hbm>>
      %dma_start3A_149 = arith.constant 0 : i32
      %dma_start3A_150 = tpu.memref_slice %arg6[%run_scoped3A_37, %dma_start3A_149] : memref<4x80xi32, #tpu.memory_space<vmem>> -> memref<1x80xi32, #tpu.memory_space<vmem>>
      %dma_start3A_151 = tpu.memref_squeeze %dma_start3A_150 : memref<1x80xi32, #tpu.memory_space<vmem>> -> memref<80xi32, #tpu.memory_space<vmem>>
      %dma_start3A_152 = tpu.memref_slice %arg2[%add3A_36] : memref<320000xi32, #tpu.memory_space<hbm>> -> memref<80xi32, #tpu.memory_space<hbm>>
      tpu.enqueue_dma source(%dma_start3A_152 : memref<80xi32, #tpu.memory_space<hbm>>) target(%dma_start3A_151 : memref<80xi32, #tpu.memory_space<vmem>>) target_semaphore(%run_scoped3A_145 : memref<!tpu.dma_semaphore, #tpu.memory_space<semaphore_mem>>)
      %dma_wait3A_153 = arith.constant 0 : i32
      %dma_wait3A_154 = tpu.memref_slice %arg6[%run_scoped3A_37, %dma_wait3A_153] : memref<4x80xi32, #tpu.memory_space<vmem>> -> memref<1x80xi32, #tpu.memory_space<vmem>>
      %dma_wait3A_155 = tpu.memref_squeeze %dma_wait3A_154 : memref<1x80xi32, #tpu.memory_space<vmem>> -> memref<80xi32, #tpu.memory_space<vmem>>
      %dma_wait3A_156 = tpu.memref_slice %arg2[%add3A_36] : memref<320000xi32, #tpu.memory_space<hbm>> -> memref<80xi32, #tpu.memory_space<hbm>>
      %dma_wait3A_157 = arith.constant 0 : i32
      %dma_wait3A_158 = tpu.memref_slice %arg6[%run_scoped3A_37, %dma_wait3A_157] : memref<4x80xi32, #tpu.memory_space<vmem>> -> memref<1x80xi32, #tpu.memory_space<vmem>>
      %dma_wait3A_159 = tpu.memref_squeeze %dma_wait3A_158 : memref<1x80xi32, #tpu.memory_space<vmem>> -> memref<80xi32, #tpu.memory_space<vmem>>
      %dma_wait3A_160 = tpu.memref_slice %arg2[%add3A_36] : memref<320000xi32, #tpu.memory_space<hbm>> -> memref<80xi32, #tpu.memory_space<hbm>>
      tpu.wait_dma2 semaphore(%run_scoped3A_145 : memref<!tpu.dma_semaphore, #tpu.memory_space<semaphore_mem>>) src(%dma_wait3A_160 : memref<80xi32, #tpu.memory_space<hbm>>) dst(%dma_wait3A_159 : memref<80xi32, #tpu.memory_space<vmem>>)
      tpu.yield
    }) : () -> ()
    %scan3A = arith.constant 0 : i32
    %scan3A_38 = arith.constant 0 : i32
    %scan3A_39 = arith.constant 125 : i32
    %scan3A_40 = arith.addi %scan3A_38, %scan3A_39 : i32
    %scan3A_41 = arith.constant 1 : i32
    scf.for %scan3A_145 = %scan3A_38 to %scan3A_40 step %scan3A_41  : i32 {
      %jit3A = arith.constant 4 : i32
      %eq3A = arith.constant 0 : i32
      %eq3A_146 = arith.cmpi eq, %jit3A, %eq3A : i32
      %jit3A_147 = arith.constant 1 : i32
      %select_n3A = arith.select %eq3A_146, %jit3A_147, %jit3A : i32
      %rem3A = arith.remsi %scan3A_145, %select_n3A : i32
      %ne3A = arith.constant 0 : i32
      %ne3A_148 = arith.cmpi ne, %rem3A, %ne3A : i32
      %lt3A = arith.constant 0 : i32
      %lt3A_149 = arith.cmpi slt, %rem3A, %lt3A : i32
      %lt3A_150 = arith.constant 0 : i32
      %lt3A_151 = arith.cmpi slt, %select_n3A, %lt3A_150 : i32
      %ne3A_152 = arith.xori %lt3A_149, %lt3A_151 : i1
      %and3A = arith.andi %ne3A_152, %ne3A_148 : i1
      %add3A_153 = arith.addi %rem3A, %select_n3A : i32
      %select_n3A_154 = arith.select %and3A, %add3A_153, %rem3A : i32
      %eq3A_155 = arith.constant 0 : i32
      %eq3A_156 = arith.cmpi eq, %select_n3A_154, %eq3A_155 : i32
      %convert_element_type3A = arith.extui %eq3A_156 : i1 to i32
      %cond3A = arith.constant 0 : i32
      %cond3A_157 = arith.cmpi ne, %convert_element_type3A, %cond3A : i32
      scf.if %cond3A_157 {
        %gt3A = arith.constant 1 : i32
        %gt3A_221 = arith.cmpi sgt, %scan3A_145, %gt3A : i32
        %convert_element_type3A_222 = arith.extui %gt3A_221 : i1 to i32
        %cond3A_223 = arith.constant 0 : i32
        %cond3A_224 = arith.cmpi ne, %convert_element_type3A_222, %cond3A_223 : i32
        scf.if %cond3A_224 {
          %dma_wait3A_245 = arith.constant 2 : i32
          %dma_wait3A_246 = arith.constant 0 : i32
          %dma_wait3A_247 = tpu.memref_slice %arg6[%dma_wait3A_245, %dma_wait3A_246] : memref<4x80xi32, #tpu.memory_space<vmem>> -> memref<1x80xi32, #tpu.memory_space<vmem>>
          %dma_wait3A_248 = tpu.memref_squeeze %dma_wait3A_247 : memref<1x80xi32, #tpu.memory_space<vmem>> -> memref<80xi32, #tpu.memory_space<vmem>>
          %dma_wait3A_249 = arith.constant 0 : i32
          %dma_wait3A_250 = arith.constant 0 : i32
          %dma_wait3A_251 = tpu.memref_slice %arg8[%dma_wait3A_249, %dma_wait3A_250] : memref<10240x128xf32, #tpu.memory_space<vmem_shared>> -> memref<10240x128xf32, #tpu.memory_space<vmem_shared>>
          tpu.wait_indirect_dma semaphore(%arg9 : memref<!tpu.dma_semaphore, #tpu.memory_space<semaphore_mem>>) src(%arg7 : memref<80x128xf32, #tpu.memory_space<vmem>>) dst(%dma_wait3A_251 : memref<10240x128xf32, #tpu.memory_space<vmem_shared>>)
        } else {
        }
        %add3A_225 = arith.constant 2 : i32
        %add3A_226 = arith.addi %scan3A_145, %add3A_225 : i32
        %lt3A_227 = arith.constant 125 : i32
        %lt3A_228 = arith.cmpi slt, %add3A_226, %lt3A_227 : i32
        %convert_element_type3A_229 = arith.extui %lt3A_228 : i1 to i32
        %cond3A_230 = arith.constant 0 : i32
        %cond3A_231 = arith.cmpi ne, %convert_element_type3A_229, %cond3A_230 : i32
        scf.if %cond3A_231 {
          %add3A_245 = arith.constant 2 : i32
          %add3A_246 = arith.addi %scan3A_145, %add3A_245 : i32
          %mul3A_247 = arith.constant 80 : i32
          %mul3A_248 = arith.muli %add3A_246, %mul3A_247 : i32
          %add3A_249 = arith.addi %mul3A_34, %mul3A_248 : i32
          %dma_start3A_250 = arith.constant 2 : i32
          %dma_start3A_251 = arith.constant 0 : i32
          %dma_start3A_252 = tpu.memref_slice %arg6[%dma_start3A_250, %dma_start3A_251] : memref<4x80xi32, #tpu.memory_space<vmem>> -> memref<1x80xi32, #tpu.memory_space<vmem>>
          %dma_start3A_253 = tpu.memref_squeeze %dma_start3A_252 : memref<1x80xi32, #tpu.memory_space<vmem>> -> memref<80xi32, #tpu.memory_space<vmem>>
          %dma_start3A_254 = tpu.memref_slice %arg2[%add3A_249] : memref<320000xi32, #tpu.memory_space<hbm>> -> memref<80xi32, #tpu.memory_space<hbm>>
          %dma_start3A_255 = arith.constant 0 : i32
          %dma_start3A_256 = tpu.memref_slice %arg6[%dma_start3A_250, %dma_start3A_255] : memref<4x80xi32, #tpu.memory_space<vmem>> -> memref<1x80xi32, #tpu.memory_space<vmem>>
          %dma_start3A_257 = tpu.memref_squeeze %dma_start3A_256 : memref<1x80xi32, #tpu.memory_space<vmem>> -> memref<80xi32, #tpu.memory_space<vmem>>
          %dma_start3A_258 = tpu.memref_slice %arg2[%add3A_249] : memref<320000xi32, #tpu.memory_space<hbm>> -> memref<80xi32, #tpu.memory_space<hbm>>
          tpu.enqueue_dma source(%dma_start3A_258 : memref<80xi32, #tpu.memory_space<hbm>>) target(%dma_start3A_257 : memref<80xi32, #tpu.memory_space<vmem>>) target_semaphore(%arg11 : memref<!tpu.dma_semaphore, #tpu.memory_space<semaphore_mem>>)
        } else {
        }
        %dma_start3A = arith.constant 0 : i32
        %dma_start3A_232 = arith.constant 0 : i32
        %dma_start3A_233 = tpu.memref_slice %arg6[%dma_start3A, %dma_start3A_232] : memref<4x80xi32, #tpu.memory_space<vmem>> -> memref<1x80xi32, #tpu.memory_space<vmem>>
        %dma_start3A_234 = tpu.memref_squeeze %dma_start3A_233 : memref<1x80xi32, #tpu.memory_space<vmem>> -> memref<80xi32, #tpu.memory_space<vmem>>
        %dma_start3A_235 = arith.constant 0 : i32
        %dma_start3A_236 = arith.constant 0 : i32
        %dma_start3A_237 = tpu.memref_slice %arg8[%dma_start3A_235, %dma_start3A_236] : memref<10240x128xf32, #tpu.memory_space<vmem_shared>> -> memref<10240x128xf32, #tpu.memory_space<vmem_shared>>
        tpu.enqueue_indirect_dma source(%arg7 : memref<80x128xf32, #tpu.memory_space<vmem>>) target(%dma_start3A_237 : memref<10240x128xf32, #tpu.memory_space<vmem_shared>>) offsets(%dma_start3A_234 : memref<80xi32, #tpu.memory_space<vmem>>) semaphore(%arg9 : memref<!tpu.dma_semaphore, #tpu.memory_space<semaphore_mem>>) {add = true}
        %add3A_238 = arith.constant 2 : i32
        %add3A_239 = arith.addi %scan3A_145, %add3A_238 : i32
        %lt3A_240 = arith.constant 125 : i32
        %lt3A_241 = arith.cmpi slt, %add3A_239, %lt3A_240 : i32
        %convert_element_type3A_242 = arith.extui %lt3A_241 : i1 to i32
        %cond3A_243 = arith.constant 0 : i32
        %cond3A_244 = arith.cmpi ne, %convert_element_type3A_242, %cond3A_243 : i32
        scf.if %cond3A_244 {
          %add3A_245 = arith.constant 2 : i32
          %add3A_246 = arith.addi %scan3A_145, %add3A_245 : i32
          %mul3A_247 = arith.constant 80 : i32
          %mul3A_248 = arith.muli %add3A_246, %mul3A_247 : i32
          %add3A_249 = arith.addi %mul3A_34, %mul3A_248 : i32
          %dma_wait3A_250 = arith.constant 2 : i32
          %dma_wait3A_251 = arith.constant 0 : i32
          %dma_wait3A_252 = tpu.memref_slice %arg6[%dma_wait3A_250, %dma_wait3A_251] : memref<4x80xi32, #tpu.memory_space<vmem>> -> memref<1x80xi32, #tpu.memory_space<vmem>>
          %dma_wait3A_253 = tpu.memref_squeeze %dma_wait3A_252 : memref<1x80xi32, #tpu.memory_space<vmem>> -> memref<80xi32, #tpu.memory_space<vmem>>
          %dma_wait3A_254 = tpu.memref_slice %arg2[%add3A_249] : memref<320000xi32, #tpu.memory_space<hbm>> -> memref<80xi32, #tpu.memory_space<hbm>>
          %dma_wait3A_255 = arith.constant 0 : i32
          %dma_wait3A_256 = tpu.memref_slice %arg6[%dma_wait3A_250, %dma_wait3A_255] : memref<4x80xi32, #tpu.memory_space<vmem>> -> memref<1x80xi32, #tpu.memory_space<vmem>>
          %dma_wait3A_257 = tpu.memref_squeeze %dma_wait3A_256 : memref<1x80xi32, #tpu.memory_space<vmem>> -> memref<80xi32, #tpu.memory_space<vmem>>
          %dma_wait3A_258 = tpu.memref_slice %arg2[%add3A_249] : memref<320000xi32, #tpu.memory_space<hbm>> -> memref<80xi32, #tpu.memory_space<hbm>>
          tpu.wait_dma2 semaphore(%arg11 : memref<!tpu.dma_semaphore, #tpu.memory_space<semaphore_mem>>) src(%dma_wait3A_258 : memref<80xi32, #tpu.memory_space<hbm>>) dst(%dma_wait3A_257 : memref<80xi32, #tpu.memory_space<vmem>>)
        } else {
        }
      } else {
      }
      %jit3A_158 = arith.constant 4 : i32
      %eq3A_159 = arith.constant 0 : i32
      %eq3A_160 = arith.cmpi eq, %jit3A_158, %eq3A_159 : i32
      %jit3A_161 = arith.constant 1 : i32
      %select_n3A_162 = arith.select %eq3A_160, %jit3A_161, %jit3A_158 : i32
      %rem3A_163 = arith.remsi %scan3A_145, %select_n3A_162 : i32
      %ne3A_164 = arith.constant 0 : i32
      %ne3A_165 = arith.cmpi ne, %rem3A_163, %ne3A_164 : i32
      %lt3A_166 = arith.constant 0 : i32
      %lt3A_167 = arith.cmpi slt, %rem3A_163, %lt3A_166 : i32
      %lt3A_168 = arith.constant 0 : i32
      %lt3A_169 = arith.cmpi slt, %select_n3A_162, %lt3A_168 : i32
      %ne3A_170 = arith.xori %lt3A_167, %lt3A_169 : i1
      %and3A_171 = arith.andi %ne3A_170, %ne3A_165 : i1
      %add3A_172 = arith.addi %rem3A_163, %select_n3A_162 : i32
      %select_n3A_173 = arith.select %and3A_171, %add3A_172, %rem3A_163 : i32
      %eq3A_174 = arith.constant 1 : i32
      %eq3A_175 = arith.cmpi eq, %select_n3A_173, %eq3A_174 : i32
      %convert_element_type3A_176 = arith.extui %eq3A_175 : i1 to i32
      %cond3A_177 = arith.constant 0 : i32
      %cond3A_178 = arith.cmpi ne, %convert_element_type3A_176, %cond3A_177 : i32
      scf.if %cond3A_178 {
        %gt3A = arith.constant 1 : i32
        %gt3A_221 = arith.cmpi sgt, %scan3A_145, %gt3A : i32
        %convert_element_type3A_222 = arith.extui %gt3A_221 : i1 to i32
        %cond3A_223 = arith.constant 0 : i32
        %cond3A_224 = arith.cmpi ne, %convert_element_type3A_222, %cond3A_223 : i32
        scf.if %cond3A_224 {
          %dma_wait3A_245 = arith.constant 3 : i32
          %dma_wait3A_246 = arith.constant 0 : i32
          %dma_wait3A_247 = tpu.memref_slice %arg6[%dma_wait3A_245, %dma_wait3A_246] : memref<4x80xi32, #tpu.memory_space<vmem>> -> memref<1x80xi32, #tpu.memory_space<vmem>>
          %dma_wait3A_248 = tpu.memref_squeeze %dma_wait3A_247 : memref<1x80xi32, #tpu.memory_space<vmem>> -> memref<80xi32, #tpu.memory_space<vmem>>
          %dma_wait3A_249 = arith.constant 0 : i32
          %dma_wait3A_250 = arith.constant 0 : i32
          %dma_wait3A_251 = tpu.memref_slice %arg8[%dma_wait3A_249, %dma_wait3A_250] : memref<10240x128xf32, #tpu.memory_space<vmem_shared>> -> memref<10240x128xf32, #tpu.memory_space<vmem_shared>>
          tpu.wait_indirect_dma semaphore(%arg10 : memref<!tpu.dma_semaphore, #tpu.memory_space<semaphore_mem>>) src(%arg7 : memref<80x128xf32, #tpu.memory_space<vmem>>) dst(%dma_wait3A_251 : memref<10240x128xf32, #tpu.memory_space<vmem_shared>>)
        } else {
        }
        %add3A_225 = arith.constant 2 : i32
        %add3A_226 = arith.addi %scan3A_145, %add3A_225 : i32
        %lt3A_227 = arith.constant 125 : i32
        %lt3A_228 = arith.cmpi slt, %add3A_226, %lt3A_227 : i32
        %convert_element_type3A_229 = arith.extui %lt3A_228 : i1 to i32
        %cond3A_230 = arith.constant 0 : i32
        %cond3A_231 = arith.cmpi ne, %convert_element_type3A_229, %cond3A_230 : i32
        scf.if %cond3A_231 {
          %add3A_245 = arith.constant 2 : i32
          %add3A_246 = arith.addi %scan3A_145, %add3A_245 : i32
          %mul3A_247 = arith.constant 80 : i32
          %mul3A_248 = arith.muli %add3A_246, %mul3A_247 : i32
          %add3A_249 = arith.addi %mul3A_34, %mul3A_248 : i32
          %dma_start3A_250 = arith.constant 3 : i32
          %dma_start3A_251 = arith.constant 0 : i32
          %dma_start3A_252 = tpu.memref_slice %arg6[%dma_start3A_250, %dma_start3A_251] : memref<4x80xi32, #tpu.memory_space<vmem>> -> memref<1x80xi32, #tpu.memory_space<vmem>>
          %dma_start3A_253 = tpu.memref_squeeze %dma_start3A_252 : memref<1x80xi32, #tpu.memory_space<vmem>> -> memref<80xi32, #tpu.memory_space<vmem>>
          %dma_start3A_254 = tpu.memref_slice %arg2[%add3A_249] : memref<320000xi32, #tpu.memory_space<hbm>> -> memref<80xi32, #tpu.memory_space<hbm>>
          %dma_start3A_255 = arith.constant 0 : i32
          %dma_start3A_256 = tpu.memref_slice %arg6[%dma_start3A_250, %dma_start3A_255] : memref<4x80xi32, #tpu.memory_space<vmem>> -> memref<1x80xi32, #tpu.memory_space<vmem>>
          %dma_start3A_257 = tpu.memref_squeeze %dma_start3A_256 : memref<1x80xi32, #tpu.memory_space<vmem>> -> memref<80xi32, #tpu.memory_space<vmem>>
          %dma_start3A_258 = tpu.memref_slice %arg2[%add3A_249] : memref<320000xi32, #tpu.memory_space<hbm>> -> memref<80xi32, #tpu.memory_space<hbm>>
          tpu.enqueue_dma source(%dma_start3A_258 : memref<80xi32, #tpu.memory_space<hbm>>) target(%dma_start3A_257 : memref<80xi32, #tpu.memory_space<vmem>>) target_semaphore(%arg11 : memref<!tpu.dma_semaphore, #tpu.memory_space<semaphore_mem>>)
        } else {
        }
        %dma_start3A = arith.constant 1 : i32
        %dma_start3A_232 = arith.constant 0 : i32
        %dma_start3A_233 = tpu.memref_slice %arg6[%dma_start3A, %dma_start3A_232] : memref<4x80xi32, #tpu.memory_space<vmem>> -> memref<1x80xi32, #tpu.memory_space<vmem>>
        %dma_start3A_234 = tpu.memref_squeeze %dma_start3A_233 : memref<1x80xi32, #tpu.memory_space<vmem>> -> memref<80xi32, #tpu.memory_space<vmem>>
        %dma_start3A_235 = arith.constant 0 : i32
        %dma_start3A_236 = arith.constant 0 : i32
        %dma_start3A_237 = tpu.memref_slice %arg8[%dma_start3A_235, %dma_start3A_236] : memref<10240x128xf32, #tpu.memory_space<vmem_shared>> -> memref<10240x128xf32, #tpu.memory_space<vmem_shared>>
        tpu.enqueue_indirect_dma source(%arg7 : memref<80x128xf32, #tpu.memory_space<vmem>>) target(%dma_start3A_237 : memref<10240x128xf32, #tpu.memory_space<vmem_shared>>) offsets(%dma_start3A_234 : memref<80xi32, #tpu.memory_space<vmem>>) semaphore(%arg10 : memref<!tpu.dma_semaphore, #tpu.memory_space<semaphore_mem>>) {add = true}
        %add3A_238 = arith.constant 2 : i32
        %add3A_239 = arith.addi %scan3A_145, %add3A_238 : i32
        %lt3A_240 = arith.constant 125 : i32
        %lt3A_241 = arith.cmpi slt, %add3A_239, %lt3A_240 : i32
        %convert_element_type3A_242 = arith.extui %lt3A_241 : i1 to i32
        %cond3A_243 = arith.constant 0 : i32
        %cond3A_244 = arith.cmpi ne, %convert_element_type3A_242, %cond3A_243 : i32
        scf.if %cond3A_244 {
          %add3A_245 = arith.constant 2 : i32
          %add3A_246 = arith.addi %scan3A_145, %add3A_245 : i32
          %mul3A_247 = arith.constant 80 : i32
          %mul3A_248 = arith.muli %add3A_246, %mul3A_247 : i32
          %add3A_249 = arith.addi %mul3A_34, %mul3A_248 : i32
          %dma_wait3A_250 = arith.constant 3 : i32
          %dma_wait3A_251 = arith.constant 0 : i32
          %dma_wait3A_252 = tpu.memref_slice %arg6[%dma_wait3A_250, %dma_wait3A_251] : memref<4x80xi32, #tpu.memory_space<vmem>> -> memref<1x80xi32, #tpu.memory_space<vmem>>
          %dma_wait3A_253 = tpu.memref_squeeze %dma_wait3A_252 : memref<1x80xi32, #tpu.memory_space<vmem>> -> memref<80xi32, #tpu.memory_space<vmem>>
          %dma_wait3A_254 = tpu.memref_slice %arg2[%add3A_249] : memref<320000xi32, #tpu.memory_space<hbm>> -> memref<80xi32, #tpu.memory_space<hbm>>
          %dma_wait3A_255 = arith.constant 0 : i32
          %dma_wait3A_256 = tpu.memref_slice %arg6[%dma_wait3A_250, %dma_wait3A_255] : memref<4x80xi32, #tpu.memory_space<vmem>> -> memref<1x80xi32, #tpu.memory_space<vmem>>
          %dma_wait3A_257 = tpu.memref_squeeze %dma_wait3A_256 : memref<1x80xi32, #tpu.memory_space<vmem>> -> memref<80xi32, #tpu.memory_space<vmem>>
          %dma_wait3A_258 = tpu.memref_slice %arg2[%add3A_249] : memref<320000xi32, #tpu.memory_space<hbm>> -> memref<80xi32, #tpu.memory_space<hbm>>
          tpu.wait_dma2 semaphore(%arg11 : memref<!tpu.dma_semaphore, #tpu.memory_space<semaphore_mem>>) src(%dma_wait3A_258 : memref<80xi32, #tpu.memory_space<hbm>>) dst(%dma_wait3A_257 : memref<80xi32, #tpu.memory_space<vmem>>)
        } else {
        }
      } else {
      }
      %jit3A_179 = arith.constant 4 : i32
      %eq3A_180 = arith.constant 0 : i32
      %eq3A_181 = arith.cmpi eq, %jit3A_179, %eq3A_180 : i32
      %jit3A_182 = arith.constant 1 : i32
      %select_n3A_183 = arith.select %eq3A_181, %jit3A_182, %jit3A_179 : i32
      %rem3A_184 = arith.remsi %scan3A_145, %select_n3A_183 : i32
      %ne3A_185 = arith.constant 0 : i32
      %ne3A_186 = arith.cmpi ne, %rem3A_184, %ne3A_185 : i32
      %lt3A_187 = arith.constant 0 : i32
      %lt3A_188 = arith.cmpi slt, %rem3A_184, %lt3A_187 : i32
      %lt3A_189 = arith.constant 0 : i32
      %lt3A_190 = arith.cmpi slt, %select_n3A_183, %lt3A_189 : i32
      %ne3A_191 = arith.xori %lt3A_188, %lt3A_190 : i1
      %and3A_192 = arith.andi %ne3A_191, %ne3A_186 : i1
      %add3A_193 = arith.addi %rem3A_184, %select_n3A_183 : i32
      %select_n3A_194 = arith.select %and3A_192, %add3A_193, %rem3A_184 : i32
      %eq3A_195 = arith.constant 2 : i32
      %eq3A_196 = arith.cmpi eq, %select_n3A_194, %eq3A_195 : i32
      %convert_element_type3A_197 = arith.extui %eq3A_196 : i1 to i32
      %cond3A_198 = arith.constant 0 : i32
      %cond3A_199 = arith.cmpi ne, %convert_element_type3A_197, %cond3A_198 : i32
      scf.if %cond3A_199 {
        %gt3A = arith.constant 1 : i32
        %gt3A_221 = arith.cmpi sgt, %scan3A_145, %gt3A : i32
        %convert_element_type3A_222 = arith.extui %gt3A_221 : i1 to i32
        %cond3A_223 = arith.constant 0 : i32
        %cond3A_224 = arith.cmpi ne, %convert_element_type3A_222, %cond3A_223 : i32
        scf.if %cond3A_224 {
          %dma_wait3A_245 = arith.constant 0 : i32
          %dma_wait3A_246 = arith.constant 0 : i32
          %dma_wait3A_247 = tpu.memref_slice %arg6[%dma_wait3A_245, %dma_wait3A_246] : memref<4x80xi32, #tpu.memory_space<vmem>> -> memref<1x80xi32, #tpu.memory_space<vmem>>
          %dma_wait3A_248 = tpu.memref_squeeze %dma_wait3A_247 : memref<1x80xi32, #tpu.memory_space<vmem>> -> memref<80xi32, #tpu.memory_space<vmem>>
          %dma_wait3A_249 = arith.constant 0 : i32
          %dma_wait3A_250 = arith.constant 0 : i32
          %dma_wait3A_251 = tpu.memref_slice %arg8[%dma_wait3A_249, %dma_wait3A_250] : memref<10240x128xf32, #tpu.memory_space<vmem_shared>> -> memref<10240x128xf32, #tpu.memory_space<vmem_shared>>
          tpu.wait_indirect_dma semaphore(%arg9 : memref<!tpu.dma_semaphore, #tpu.memory_space<semaphore_mem>>) src(%arg7 : memref<80x128xf32, #tpu.memory_space<vmem>>) dst(%dma_wait3A_251 : memref<10240x128xf32, #tpu.memory_space<vmem_shared>>)
        } else {
        }
        %add3A_225 = arith.constant 2 : i32
        %add3A_226 = arith.addi %scan3A_145, %add3A_225 : i32
        %lt3A_227 = arith.constant 125 : i32
        %lt3A_228 = arith.cmpi slt, %add3A_226, %lt3A_227 : i32
        %convert_element_type3A_229 = arith.extui %lt3A_228 : i1 to i32
        %cond3A_230 = arith.constant 0 : i32
        %cond3A_231 = arith.cmpi ne, %convert_element_type3A_229, %cond3A_230 : i32
        scf.if %cond3A_231 {
          %add3A_245 = arith.constant 2 : i32
          %add3A_246 = arith.addi %scan3A_145, %add3A_245 : i32
          %mul3A_247 = arith.constant 80 : i32
          %mul3A_248 = arith.muli %add3A_246, %mul3A_247 : i32
          %add3A_249 = arith.addi %mul3A_34, %mul3A_248 : i32
          %dma_start3A_250 = arith.constant 0 : i32
          %dma_start3A_251 = arith.constant 0 : i32
          %dma_start3A_252 = tpu.memref_slice %arg6[%dma_start3A_250, %dma_start3A_251] : memref<4x80xi32, #tpu.memory_space<vmem>> -> memref<1x80xi32, #tpu.memory_space<vmem>>
          %dma_start3A_253 = tpu.memref_squeeze %dma_start3A_252 : memref<1x80xi32, #tpu.memory_space<vmem>> -> memref<80xi32, #tpu.memory_space<vmem>>
          %dma_start3A_254 = tpu.memref_slice %arg2[%add3A_249] : memref<320000xi32, #tpu.memory_space<hbm>> -> memref<80xi32, #tpu.memory_space<hbm>>
          %dma_start3A_255 = arith.constant 0 : i32
          %dma_start3A_256 = tpu.memref_slice %arg6[%dma_start3A_250, %dma_start3A_255] : memref<4x80xi32, #tpu.memory_space<vmem>> -> memref<1x80xi32, #tpu.memory_space<vmem>>
          %dma_start3A_257 = tpu.memref_squeeze %dma_start3A_256 : memref<1x80xi32, #tpu.memory_space<vmem>> -> memref<80xi32, #tpu.memory_space<vmem>>
          %dma_start3A_258 = tpu.memref_slice %arg2[%add3A_249] : memref<320000xi32, #tpu.memory_space<hbm>> -> memref<80xi32, #tpu.memory_space<hbm>>
          tpu.enqueue_dma source(%dma_start3A_258 : memref<80xi32, #tpu.memory_space<hbm>>) target(%dma_start3A_257 : memref<80xi32, #tpu.memory_space<vmem>>) target_semaphore(%arg11 : memref<!tpu.dma_semaphore, #tpu.memory_space<semaphore_mem>>)
        } else {
        }
        %dma_start3A = arith.constant 2 : i32
        %dma_start3A_232 = arith.constant 0 : i32
        %dma_start3A_233 = tpu.memref_slice %arg6[%dma_start3A, %dma_start3A_232] : memref<4x80xi32, #tpu.memory_space<vmem>> -> memref<1x80xi32, #tpu.memory_space<vmem>>
        %dma_start3A_234 = tpu.memref_squeeze %dma_start3A_233 : memref<1x80xi32, #tpu.memory_space<vmem>> -> memref<80xi32, #tpu.memory_space<vmem>>
        %dma_start3A_235 = arith.constant 0 : i32
        %dma_start3A_236 = arith.constant 0 : i32
        %dma_start3A_237 = tpu.memref_slice %arg8[%dma_start3A_235, %dma_start3A_236] : memref<10240x128xf32, #tpu.memory_space<vmem_shared>> -> memref<10240x128xf32, #tpu.memory_space<vmem_shared>>
        tpu.enqueue_indirect_dma source(%arg7 : memref<80x128xf32, #tpu.memory_space<vmem>>) target(%dma_start3A_237 : memref<10240x128xf32, #tpu.memory_space<vmem_shared>>) offsets(%dma_start3A_234 : memref<80xi32, #tpu.memory_space<vmem>>) semaphore(%arg9 : memref<!tpu.dma_semaphore, #tpu.memory_space<semaphore_mem>>) {add = true}
        %add3A_238 = arith.constant 2 : i32
        %add3A_239 = arith.addi %scan3A_145, %add3A_238 : i32
        %lt3A_240 = arith.constant 125 : i32
        %lt3A_241 = arith.cmpi slt, %add3A_239, %lt3A_240 : i32
        %convert_element_type3A_242 = arith.extui %lt3A_241 : i1 to i32
        %cond3A_243 = arith.constant 0 : i32
        %cond3A_244 = arith.cmpi ne, %convert_element_type3A_242, %cond3A_243 : i32
        scf.if %cond3A_244 {
          %add3A_245 = arith.constant 2 : i32
          %add3A_246 = arith.addi %scan3A_145, %add3A_245 : i32
          %mul3A_247 = arith.constant 80 : i32
          %mul3A_248 = arith.muli %add3A_246, %mul3A_247 : i32
          %add3A_249 = arith.addi %mul3A_34, %mul3A_248 : i32
          %dma_wait3A_250 = arith.constant 0 : i32
          %dma_wait3A_251 = arith.constant 0 : i32
          %dma_wait3A_252 = tpu.memref_slice %arg6[%dma_wait3A_250, %dma_wait3A_251] : memref<4x80xi32, #tpu.memory_space<vmem>> -> memref<1x80xi32, #tpu.memory_space<vmem>>
          %dma_wait3A_253 = tpu.memref_squeeze %dma_wait3A_252 : memref<1x80xi32, #tpu.memory_space<vmem>> -> memref<80xi32, #tpu.memory_space<vmem>>
          %dma_wait3A_254 = tpu.memref_slice %arg2[%add3A_249] : memref<320000xi32, #tpu.memory_space<hbm>> -> memref<80xi32, #tpu.memory_space<hbm>>
          %dma_wait3A_255 = arith.constant 0 : i32
          %dma_wait3A_256 = tpu.memref_slice %arg6[%dma_wait3A_250, %dma_wait3A_255] : memref<4x80xi32, #tpu.memory_space<vmem>> -> memref<1x80xi32, #tpu.memory_space<vmem>>
          %dma_wait3A_257 = tpu.memref_squeeze %dma_wait3A_256 : memref<1x80xi32, #tpu.memory_space<vmem>> -> memref<80xi32, #tpu.memory_space<vmem>>
          %dma_wait3A_258 = tpu.memref_slice %arg2[%add3A_249] : memref<320000xi32, #tpu.memory_space<hbm>> -> memref<80xi32, #tpu.memory_space<hbm>>
          tpu.wait_dma2 semaphore(%arg11 : memref<!tpu.dma_semaphore, #tpu.memory_space<semaphore_mem>>) src(%dma_wait3A_258 : memref<80xi32, #tpu.memory_space<hbm>>) dst(%dma_wait3A_257 : memref<80xi32, #tpu.memory_space<vmem>>)
        } else {
        }
      } else {
      }
      %jit3A_200 = arith.constant 4 : i32
      %eq3A_201 = arith.constant 0 : i32
      %eq3A_202 = arith.cmpi eq, %jit3A_200, %eq3A_201 : i32
      %jit3A_203 = arith.constant 1 : i32
      %select_n3A_204 = arith.select %eq3A_202, %jit3A_203, %jit3A_200 : i32
      %rem3A_205 = arith.remsi %scan3A_145, %select_n3A_204 : i32
      %ne3A_206 = arith.constant 0 : i32
      %ne3A_207 = arith.cmpi ne, %rem3A_205, %ne3A_206 : i32
      %lt3A_208 = arith.constant 0 : i32
      %lt3A_209 = arith.cmpi slt, %rem3A_205, %lt3A_208 : i32
      %lt3A_210 = arith.constant 0 : i32
      %lt3A_211 = arith.cmpi slt, %select_n3A_204, %lt3A_210 : i32
      %ne3A_212 = arith.xori %lt3A_209, %lt3A_211 : i1
      %and3A_213 = arith.andi %ne3A_212, %ne3A_207 : i1
      %add3A_214 = arith.addi %rem3A_205, %select_n3A_204 : i32
      %select_n3A_215 = arith.select %and3A_213, %add3A_214, %rem3A_205 : i32
      %eq3A_216 = arith.constant 3 : i32
      %eq3A_217 = arith.cmpi eq, %select_n3A_215, %eq3A_216 : i32
      %convert_element_type3A_218 = arith.extui %eq3A_217 : i1 to i32
      %cond3A_219 = arith.constant 0 : i32
      %cond3A_220 = arith.cmpi ne, %convert_element_type3A_218, %cond3A_219 : i32
      scf.if %cond3A_220 {
        %gt3A = arith.constant 1 : i32
        %gt3A_221 = arith.cmpi sgt, %scan3A_145, %gt3A : i32
        %convert_element_type3A_222 = arith.extui %gt3A_221 : i1 to i32
        %cond3A_223 = arith.constant 0 : i32
        %cond3A_224 = arith.cmpi ne, %convert_element_type3A_222, %cond3A_223 : i32
        scf.if %cond3A_224 {
          %dma_wait3A_245 = arith.constant 1 : i32
          %dma_wait3A_246 = arith.constant 0 : i32
          %dma_wait3A_247 = tpu.memref_slice %arg6[%dma_wait3A_245, %dma_wait3A_246] : memref<4x80xi32, #tpu.memory_space<vmem>> -> memref<1x80xi32, #tpu.memory_space<vmem>>
          %dma_wait3A_248 = tpu.memref_squeeze %dma_wait3A_247 : memref<1x80xi32, #tpu.memory_space<vmem>> -> memref<80xi32, #tpu.memory_space<vmem>>
          %dma_wait3A_249 = arith.constant 0 : i32
          %dma_wait3A_250 = arith.constant 0 : i32
          %dma_wait3A_251 = tpu.memref_slice %arg8[%dma_wait3A_249, %dma_wait3A_250] : memref<10240x128xf32, #tpu.memory_space<vmem_shared>> -> memref<10240x128xf32, #tpu.memory_space<vmem_shared>>
          tpu.wait_indirect_dma semaphore(%arg10 : memref<!tpu.dma_semaphore, #tpu.memory_space<semaphore_mem>>) src(%arg7 : memref<80x128xf32, #tpu.memory_space<vmem>>) dst(%dma_wait3A_251 : memref<10240x128xf32, #tpu.memory_space<vmem_shared>>)
        } else {
        }
        %add3A_225 = arith.constant 2 : i32
        %add3A_226 = arith.addi %scan3A_145, %add3A_225 : i32
        %lt3A_227 = arith.constant 125 : i32
        %lt3A_228 = arith.cmpi slt, %add3A_226, %lt3A_227 : i32
        %convert_element_type3A_229 = arith.extui %lt3A_228 : i1 to i32
        %cond3A_230 = arith.constant 0 : i32
        %cond3A_231 = arith.cmpi ne, %convert_element_type3A_229, %cond3A_230 : i32
        scf.if %cond3A_231 {
          %add3A_245 = arith.constant 2 : i32
          %add3A_246 = arith.addi %scan3A_145, %add3A_245 : i32
          %mul3A_247 = arith.constant 80 : i32
          %mul3A_248 = arith.muli %add3A_246, %mul3A_247 : i32
          %add3A_249 = arith.addi %mul3A_34, %mul3A_248 : i32
          %dma_start3A_250 = arith.constant 1 : i32
          %dma_start3A_251 = arith.constant 0 : i32
          %dma_start3A_252 = tpu.memref_slice %arg6[%dma_start3A_250, %dma_start3A_251] : memref<4x80xi32, #tpu.memory_space<vmem>> -> memref<1x80xi32, #tpu.memory_space<vmem>>
          %dma_start3A_253 = tpu.memref_squeeze %dma_start3A_252 : memref<1x80xi32, #tpu.memory_space<vmem>> -> memref<80xi32, #tpu.memory_space<vmem>>
          %dma_start3A_254 = tpu.memref_slice %arg2[%add3A_249] : memref<320000xi32, #tpu.memory_space<hbm>> -> memref<80xi32, #tpu.memory_space<hbm>>
          %dma_start3A_255 = arith.constant 0 : i32
          %dma_start3A_256 = tpu.memref_slice %arg6[%dma_start3A_250, %dma_start3A_255] : memref<4x80xi32, #tpu.memory_space<vmem>> -> memref<1x80xi32, #tpu.memory_space<vmem>>
          %dma_start3A_257 = tpu.memref_squeeze %dma_start3A_256 : memref<1x80xi32, #tpu.memory_space<vmem>> -> memref<80xi32, #tpu.memory_space<vmem>>
          %dma_start3A_258 = tpu.memref_slice %arg2[%add3A_249] : memref<320000xi32, #tpu.memory_space<hbm>> -> memref<80xi32, #tpu.memory_space<hbm>>
          tpu.enqueue_dma source(%dma_start3A_258 : memref<80xi32, #tpu.memory_space<hbm>>) target(%dma_start3A_257 : memref<80xi32, #tpu.memory_space<vmem>>) target_semaphore(%arg11 : memref<!tpu.dma_semaphore, #tpu.memory_space<semaphore_mem>>)
        } else {
        }
        %dma_start3A = arith.constant 3 : i32
        %dma_start3A_232 = arith.constant 0 : i32
        %dma_start3A_233 = tpu.memref_slice %arg6[%dma_start3A, %dma_start3A_232] : memref<4x80xi32, #tpu.memory_space<vmem>> -> memref<1x80xi32, #tpu.memory_space<vmem>>
        %dma_start3A_234 = tpu.memref_squeeze %dma_start3A_233 : memref<1x80xi32, #tpu.memory_space<vmem>> -> memref<80xi32, #tpu.memory_space<vmem>>
        %dma_start3A_235 = arith.constant 0 : i32
        %dma_start3A_236 = arith.constant 0 : i32
        %dma_start3A_237 = tpu.memref_slice %arg8[%dma_start3A_235, %dma_start3A_236] : memref<10240x128xf32, #tpu.memory_space<vmem_shared>> -> memref<10240x128xf32, #tpu.memory_space<vmem_shared>>
        tpu.enqueue_indirect_dma source(%arg7 : memref<80x128xf32, #tpu.memory_space<vmem>>) target(%dma_start3A_237 : memref<10240x128xf32, #tpu.memory_space<vmem_shared>>) offsets(%dma_start3A_234 : memref<80xi32, #tpu.memory_space<vmem>>) semaphore(%arg10 : memref<!tpu.dma_semaphore, #tpu.memory_space<semaphore_mem>>) {add = true}
        %add3A_238 = arith.constant 2 : i32
        %add3A_239 = arith.addi %scan3A_145, %add3A_238 : i32
        %lt3A_240 = arith.constant 125 : i32
        %lt3A_241 = arith.cmpi slt, %add3A_239, %lt3A_240 : i32
        %convert_element_type3A_242 = arith.extui %lt3A_241 : i1 to i32
        %cond3A_243 = arith.constant 0 : i32
        %cond3A_244 = arith.cmpi ne, %convert_element_type3A_242, %cond3A_243 : i32
        scf.if %cond3A_244 {
          %add3A_245 = arith.constant 2 : i32
          %add3A_246 = arith.addi %scan3A_145, %add3A_245 : i32
          %mul3A_247 = arith.constant 80 : i32
          %mul3A_248 = arith.muli %add3A_246, %mul3A_247 : i32
          %add3A_249 = arith.addi %mul3A_34, %mul3A_248 : i32
          %dma_wait3A_250 = arith.constant 1 : i32
          %dma_wait3A_251 = arith.constant 0 : i32
          %dma_wait3A_252 = tpu.memref_slice %arg6[%dma_wait3A_250, %dma_wait3A_251] : memref<4x80xi32, #tpu.memory_space<vmem>> -> memref<1x80xi32, #tpu.memory_space<vmem>>
          %dma_wait3A_253 = tpu.memref_squeeze %dma_wait3A_252 : memref<1x80xi32, #tpu.memory_space<vmem>> -> memref<80xi32, #tpu.memory_space<vmem>>
          %dma_wait3A_254 = tpu.memref_slice %arg2[%add3A_249] : memref<320000xi32, #tpu.memory_space<hbm>> -> memref<80xi32, #tpu.memory_space<hbm>>
          %dma_wait3A_255 = arith.constant 0 : i32
          %dma_wait3A_256 = tpu.memref_slice %arg6[%dma_wait3A_250, %dma_wait3A_255] : memref<4x80xi32, #tpu.memory_space<vmem>> -> memref<1x80xi32, #tpu.memory_space<vmem>>
          %dma_wait3A_257 = tpu.memref_squeeze %dma_wait3A_256 : memref<1x80xi32, #tpu.memory_space<vmem>> -> memref<80xi32, #tpu.memory_space<vmem>>
          %dma_wait3A_258 = tpu.memref_slice %arg2[%add3A_249] : memref<320000xi32, #tpu.memory_space<hbm>> -> memref<80xi32, #tpu.memory_space<hbm>>
          tpu.wait_dma2 semaphore(%arg11 : memref<!tpu.dma_semaphore, #tpu.memory_space<semaphore_mem>>) src(%dma_wait3A_258 : memref<80xi32, #tpu.memory_space<hbm>>) dst(%dma_wait3A_257 : memref<80xi32, #tpu.memory_space<vmem>>)
        } else {
        }
      } else {
      }
    }
    %scan3A_42 = arith.constant 125 : i32
    %dma_wait3A = arith.constant 3 : i32
    %dma_wait3A_43 = arith.constant 0 : i32
    %dma_wait3A_44 = tpu.memref_slice %arg6[%dma_wait3A, %dma_wait3A_43] : memref<4x80xi32, #tpu.memory_space<vmem>> -> memref<1x80xi32, #tpu.memory_space<vmem>>
    %dma_wait3A_45 = tpu.memref_squeeze %dma_wait3A_44 : memref<1x80xi32, #tpu.memory_space<vmem>> -> memref<80xi32, #tpu.memory_space<vmem>>
    %dma_wait3A_46 = arith.constant 0 : i32
    %dma_wait3A_47 = arith.constant 0 : i32
    %dma_wait3A_48 = tpu.memref_slice %arg8[%dma_wait3A_46, %dma_wait3A_47] : memref<10240x128xf32, #tpu.memory_space<vmem_shared>> -> memref<10240x128xf32, #tpu.memory_space<vmem_shared>>
    tpu.wait_indirect_dma semaphore(%arg10 : memref<!tpu.dma_semaphore, #tpu.memory_space<semaphore_mem>>) src(%arg7 : memref<80x128xf32, #tpu.memory_space<vmem>>) dst(%dma_wait3A_48 : memref<10240x128xf32, #tpu.memory_space<vmem_shared>>)
    %dma_wait3A_49 = arith.constant 0 : i32
    %dma_wait3A_50 = arith.constant 0 : i32
    %dma_wait3A_51 = tpu.memref_slice %arg6[%dma_wait3A_49, %dma_wait3A_50] : memref<4x80xi32, #tpu.memory_space<vmem>> -> memref<1x80xi32, #tpu.memory_space<vmem>>
    %dma_wait3A_52 = tpu.memref_squeeze %dma_wait3A_51 : memref<1x80xi32, #tpu.memory_space<vmem>> -> memref<80xi32, #tpu.memory_space<vmem>>
    %dma_wait3A_53 = arith.constant 0 : i32
    %dma_wait3A_54 = arith.constant 0 : i32
    %dma_wait3A_55 = tpu.memref_slice %arg8[%dma_wait3A_53, %dma_wait3A_54] : memref<10240x128xf32, #tpu.memory_space<vmem_shared>> -> memref<10240x128xf32, #tpu.memory_space<vmem_shared>>
    tpu.wait_indirect_dma semaphore(%arg9 : memref<!tpu.dma_semaphore, #tpu.memory_space<semaphore_mem>>) src(%arg7 : memref<80x128xf32, #tpu.memory_space<vmem>>) dst(%dma_wait3A_55 : memref<10240x128xf32, #tpu.memory_space<vmem_shared>>)
    %barrier3A_56 = arith.constant 0 : index
    tpu.barrier barrier_id(%barrier3A_56)
    %mul3A_57 = arith.constant 640 : i32
    %mul3A_58 = arith.muli %arg1, %mul3A_57 : i32
    %add3A_59 = arith.constant 0 : i32
    %add3A_60 = arith.addi %mul3A_58, %add3A_59 : i32
    "tpu.region"() ({
      %run_scoped3A_145 = tpu.sem_alloc : memref<!tpu.dma_semaphore, #tpu.memory_space<semaphore_mem>>
      %dma_start3A = arith.constant 0 : i32
      %dma_start3A_146 = tpu.memref_slice %arg8[%add3A_60, %dma_start3A] : memref<10240x128xf32, #tpu.memory_space<vmem_shared>> -> memref<80x128xf32, #tpu.memory_space<vmem_shared>>
      %dma_start3A_147 = arith.constant 0 : i32
      %dma_start3A_148 = tpu.memref_slice %arg8[%add3A_60, %dma_start3A_147] : memref<10240x128xf32, #tpu.memory_space<vmem_shared>> -> memref<80x128xf32, #tpu.memory_space<vmem_shared>>
      tpu.enqueue_dma source(%dma_start3A_148 : memref<80x128xf32, #tpu.memory_space<vmem_shared>>) target(%arg7 : memref<80x128xf32, #tpu.memory_space<vmem>>) target_semaphore(%run_scoped3A_145 : memref<!tpu.dma_semaphore, #tpu.memory_space<semaphore_mem>>)
      %dma_wait3A_149 = arith.constant 0 : i32
      %dma_wait3A_150 = tpu.memref_slice %arg8[%add3A_60, %dma_wait3A_149] : memref<10240x128xf32, #tpu.memory_space<vmem_shared>> -> memref<80x128xf32, #tpu.memory_space<vmem_shared>>
      %dma_wait3A_151 = arith.constant 0 : i32
      %dma_wait3A_152 = tpu.memref_slice %arg8[%add3A_60, %dma_wait3A_151] : memref<10240x128xf32, #tpu.memory_space<vmem_shared>> -> memref<80x128xf32, #tpu.memory_space<vmem_shared>>
      tpu.wait_dma2 semaphore(%run_scoped3A_145 : memref<!tpu.dma_semaphore, #tpu.memory_space<semaphore_mem>>) src(%dma_wait3A_152 : memref<80x128xf32, #tpu.memory_space<vmem_shared>>) dst(%arg7 : memref<80x128xf32, #tpu.memory_space<vmem>>)
      tpu.yield
    }) : () -> ()
    %mul3A_61 = arith.constant 10240 : i32
    %mul3A_62 = arith.muli %arg0, %mul3A_61 : i32
    %mul3A_63 = arith.constant 640 : i32
    %mul3A_64 = arith.muli %arg1, %mul3A_63 : i32
    %add3A_65 = arith.addi %mul3A_62, %mul3A_64 : i32
    %add3A_66 = arith.constant 0 : i32
    %add3A_67 = arith.addi %add3A_65, %add3A_66 : i32
    "tpu.region"() ({
      %run_scoped3A_145 = tpu.sem_alloc : memref<!tpu.dma_semaphore, #tpu.memory_space<semaphore_mem>>
      %dma_start3A = arith.constant 0 : i32
      %dma_start3A_146 = tpu.memref_slice %arg5[%add3A_67, %dma_start3A] : memref<20480x128xf32, #tpu.memory_space<hbm>> -> memref<80x128xf32, #tpu.memory_space<hbm>>
      %dma_start3A_147 = arith.constant 0 : i32
      %dma_start3A_148 = tpu.memref_slice %arg5[%add3A_67, %dma_start3A_147] : memref<20480x128xf32, #tpu.memory_space<hbm>> -> memref<80x128xf32, #tpu.memory_space<hbm>>
      tpu.enqueue_dma source(%arg7 : memref<80x128xf32, #tpu.memory_space<vmem>>) target(%dma_start3A_148 : memref<80x128xf32, #tpu.memory_space<hbm>>) target_semaphore(%run_scoped3A_145 : memref<!tpu.dma_semaphore, #tpu.memory_space<semaphore_mem>>)
      %dma_wait3A_149 = arith.constant 0 : i32
      %dma_wait3A_150 = tpu.memref_slice %arg5[%add3A_67, %dma_wait3A_149] : memref<20480x128xf32, #tpu.memory_space<hbm>> -> memref<80x128xf32, #tpu.memory_space<hbm>>
      %dma_wait3A_151 = arith.constant 0 : i32
      %dma_wait3A_152 = tpu.memref_slice %arg5[%add3A_67, %dma_wait3A_151] : memref<20480x128xf32, #tpu.memory_space<hbm>> -> memref<80x128xf32, #tpu.memory_space<hbm>>
      tpu.wait_dma2 semaphore(%run_scoped3A_145 : memref<!tpu.dma_semaphore, #tpu.memory_space<semaphore_mem>>) src(%arg7 : memref<80x128xf32, #tpu.memory_space<vmem>>) dst(%dma_wait3A_152 : memref<80x128xf32, #tpu.memory_space<hbm>>)
      tpu.yield
    }) : () -> ()
    %mul3A_68 = arith.constant 640 : i32
    %mul3A_69 = arith.muli %arg1, %mul3A_68 : i32
    %add3A_70 = arith.constant 80 : i32
    %add3A_71 = arith.addi %mul3A_69, %add3A_70 : i32
    "tpu.region"() ({
      %run_scoped3A_145 = tpu.sem_alloc : memref<!tpu.dma_semaphore, #tpu.memory_space<semaphore_mem>>
      %dma_start3A = arith.constant 0 : i32
      %dma_start3A_146 = tpu.memref_slice %arg8[%add3A_71, %dma_start3A] : memref<10240x128xf32, #tpu.memory_space<vmem_shared>> -> memref<80x128xf32, #tpu.memory_space<vmem_shared>>
      %dma_start3A_147 = arith.constant 0 : i32
      %dma_start3A_148 = tpu.memref_slice %arg8[%add3A_71, %dma_start3A_147] : memref<10240x128xf32, #tpu.memory_space<vmem_shared>> -> memref<80x128xf32, #tpu.memory_space<vmem_shared>>
      tpu.enqueue_dma source(%dma_start3A_148 : memref<80x128xf32, #tpu.memory_space<vmem_shared>>) target(%arg7 : memref<80x128xf32, #tpu.memory_space<vmem>>) target_semaphore(%run_scoped3A_145 : memref<!tpu.dma_semaphore, #tpu.memory_space<semaphore_mem>>)
      %dma_wait3A_149 = arith.constant 0 : i32
      %dma_wait3A_150 = tpu.memref_slice %arg8[%add3A_71, %dma_wait3A_149] : memref<10240x128xf32, #tpu.memory_space<vmem_shared>> -> memref<80x128xf32, #tpu.memory_space<vmem_shared>>
      %dma_wait3A_151 = arith.constant 0 : i32
      %dma_wait3A_152 = tpu.memref_slice %arg8[%add3A_71, %dma_wait3A_151] : memref<10240x128xf32, #tpu.memory_space<vmem_shared>> -> memref<80x128xf32, #tpu.memory_space<vmem_shared>>
      tpu.wait_dma2 semaphore(%run_scoped3A_145 : memref<!tpu.dma_semaphore, #tpu.memory_space<semaphore_mem>>) src(%dma_wait3A_152 : memref<80x128xf32, #tpu.memory_space<vmem_shared>>) dst(%arg7 : memref<80x128xf32, #tpu.memory_space<vmem>>)
      tpu.yield
    }) : () -> ()
    %mul3A_72 = arith.constant 10240 : i32
    %mul3A_73 = arith.muli %arg0, %mul3A_72 : i32
    %mul3A_74 = arith.constant 640 : i32
    %mul3A_75 = arith.muli %arg1, %mul3A_74 : i32
    %add3A_76 = arith.addi %mul3A_73, %mul3A_75 : i32
    %add3A_77 = arith.constant 80 : i32
    %add3A_78 = arith.addi %add3A_76, %add3A_77 : i32
    "tpu.region"() ({
      %run_scoped3A_145 = tpu.sem_alloc : memref<!tpu.dma_semaphore, #tpu.memory_space<semaphore_mem>>
      %dma_start3A = arith.constant 0 : i32
      %dma_start3A_146 = tpu.memref_slice %arg5[%add3A_78, %dma_start3A] : memref<20480x128xf32, #tpu.memory_space<hbm>> -> memref<80x128xf32, #tpu.memory_space<hbm>>
      %dma_start3A_147 = arith.constant 0 : i32
      %dma_start3A_148 = tpu.memref_slice %arg5[%add3A_78, %dma_start3A_147] : memref<20480x128xf32, #tpu.memory_space<hbm>> -> memref<80x128xf32, #tpu.memory_space<hbm>>
      tpu.enqueue_dma source(%arg7 : memref<80x128xf32, #tpu.memory_space<vmem>>) target(%dma_start3A_148 : memref<80x128xf32, #tpu.memory_space<hbm>>) target_semaphore(%run_scoped3A_145 : memref<!tpu.dma_semaphore, #tpu.memory_space<semaphore_mem>>)
      %dma_wait3A_149 = arith.constant 0 : i32
      %dma_wait3A_150 = tpu.memref_slice %arg5[%add3A_78, %dma_wait3A_149] : memref<20480x128xf32, #tpu.memory_space<hbm>> -> memref<80x128xf32, #tpu.memory_space<hbm>>
      %dma_wait3A_151 = arith.constant 0 : i32
      %dma_wait3A_152 = tpu.memref_slice %arg5[%add3A_78, %dma_wait3A_151] : memref<20480x128xf32, #tpu.memory_space<hbm>> -> memref<80x128xf32, #tpu.memory_space<hbm>>
      tpu.wait_dma2 semaphore(%run_scoped3A_145 : memref<!tpu.dma_semaphore, #tpu.memory_space<semaphore_mem>>) src(%arg7 : memref<80x128xf32, #tpu.memory_space<vmem>>) dst(%dma_wait3A_152 : memref<80x128xf32, #tpu.memory_space<hbm>>)
      tpu.yield
    }) : () -> ()
    %mul3A_79 = arith.constant 640 : i32
    %mul3A_80 = arith.muli %arg1, %mul3A_79 : i32
    %add3A_81 = arith.constant 160 : i32
    %add3A_82 = arith.addi %mul3A_80, %add3A_81 : i32
    "tpu.region"() ({
      %run_scoped3A_145 = tpu.sem_alloc : memref<!tpu.dma_semaphore, #tpu.memory_space<semaphore_mem>>
      %dma_start3A = arith.constant 0 : i32
      %dma_start3A_146 = tpu.memref_slice %arg8[%add3A_82, %dma_start3A] : memref<10240x128xf32, #tpu.memory_space<vmem_shared>> -> memref<80x128xf32, #tpu.memory_space<vmem_shared>>
      %dma_start3A_147 = arith.constant 0 : i32
      %dma_start3A_148 = tpu.memref_slice %arg8[%add3A_82, %dma_start3A_147] : memref<10240x128xf32, #tpu.memory_space<vmem_shared>> -> memref<80x128xf32, #tpu.memory_space<vmem_shared>>
      tpu.enqueue_dma source(%dma_start3A_148 : memref<80x128xf32, #tpu.memory_space<vmem_shared>>) target(%arg7 : memref<80x128xf32, #tpu.memory_space<vmem>>) target_semaphore(%run_scoped3A_145 : memref<!tpu.dma_semaphore, #tpu.memory_space<semaphore_mem>>)
      %dma_wait3A_149 = arith.constant 0 : i32
      %dma_wait3A_150 = tpu.memref_slice %arg8[%add3A_82, %dma_wait3A_149] : memref<10240x128xf32, #tpu.memory_space<vmem_shared>> -> memref<80x128xf32, #tpu.memory_space<vmem_shared>>
      %dma_wait3A_151 = arith.constant 0 : i32
      %dma_wait3A_152 = tpu.memref_slice %arg8[%add3A_82, %dma_wait3A_151] : memref<10240x128xf32, #tpu.memory_space<vmem_shared>> -> memref<80x128xf32, #tpu.memory_space<vmem_shared>>
      tpu.wait_dma2 semaphore(%run_scoped3A_145 : memref<!tpu.dma_semaphore, #tpu.memory_space<semaphore_mem>>) src(%dma_wait3A_152 : memref<80x128xf32, #tpu.memory_space<vmem_shared>>) dst(%arg7 : memref<80x128xf32, #tpu.memory_space<vmem>>)
      tpu.yield
    }) : () -> ()
    %mul3A_83 = arith.constant 10240 : i32
    %mul3A_84 = arith.muli %arg0, %mul3A_83 : i32
    %mul3A_85 = arith.constant 640 : i32
    %mul3A_86 = arith.muli %arg1, %mul3A_85 : i32
    %add3A_87 = arith.addi %mul3A_84, %mul3A_86 : i32
    %add3A_88 = arith.constant 160 : i32
    %add3A_89 = arith.addi %add3A_87, %add3A_88 : i32
    "tpu.region"() ({
      %run_scoped3A_145 = tpu.sem_alloc : memref<!tpu.dma_semaphore, #tpu.memory_space<semaphore_mem>>
      %dma_start3A = arith.constant 0 : i32
      %dma_start3A_146 = tpu.memref_slice %arg5[%add3A_89, %dma_start3A] : memref<20480x128xf32, #tpu.memory_space<hbm>> -> memref<80x128xf32, #tpu.memory_space<hbm>>
      %dma_start3A_147 = arith.constant 0 : i32
      %dma_start3A_148 = tpu.memref_slice %arg5[%add3A_89, %dma_start3A_147] : memref<20480x128xf32, #tpu.memory_space<hbm>> -> memref<80x128xf32, #tpu.memory_space<hbm>>
      tpu.enqueue_dma source(%arg7 : memref<80x128xf32, #tpu.memory_space<vmem>>) target(%dma_start3A_148 : memref<80x128xf32, #tpu.memory_space<hbm>>) target_semaphore(%run_scoped3A_145 : memref<!tpu.dma_semaphore, #tpu.memory_space<semaphore_mem>>)
      %dma_wait3A_149 = arith.constant 0 : i32
      %dma_wait3A_150 = tpu.memref_slice %arg5[%add3A_89, %dma_wait3A_149] : memref<20480x128xf32, #tpu.memory_space<hbm>> -> memref<80x128xf32, #tpu.memory_space<hbm>>
      %dma_wait3A_151 = arith.constant 0 : i32
      %dma_wait3A_152 = tpu.memref_slice %arg5[%add3A_89, %dma_wait3A_151] : memref<20480x128xf32, #tpu.memory_space<hbm>> -> memref<80x128xf32, #tpu.memory_space<hbm>>
      tpu.wait_dma2 semaphore(%run_scoped3A_145 : memref<!tpu.dma_semaphore, #tpu.memory_space<semaphore_mem>>) src(%arg7 : memref<80x128xf32, #tpu.memory_space<vmem>>) dst(%dma_wait3A_152 : memref<80x128xf32, #tpu.memory_space<hbm>>)
      tpu.yield
    }) : () -> ()
    %mul3A_90 = arith.constant 640 : i32
    %mul3A_91 = arith.muli %arg1, %mul3A_90 : i32
    %add3A_92 = arith.constant 240 : i32
    %add3A_93 = arith.addi %mul3A_91, %add3A_92 : i32
    "tpu.region"() ({
      %run_scoped3A_145 = tpu.sem_alloc : memref<!tpu.dma_semaphore, #tpu.memory_space<semaphore_mem>>
      %dma_start3A = arith.constant 0 : i32
      %dma_start3A_146 = tpu.memref_slice %arg8[%add3A_93, %dma_start3A] : memref<10240x128xf32, #tpu.memory_space<vmem_shared>> -> memref<80x128xf32, #tpu.memory_space<vmem_shared>>
      %dma_start3A_147 = arith.constant 0 : i32
      %dma_start3A_148 = tpu.memref_slice %arg8[%add3A_93, %dma_start3A_147] : memref<10240x128xf32, #tpu.memory_space<vmem_shared>> -> memref<80x128xf32, #tpu.memory_space<vmem_shared>>
      tpu.enqueue_dma source(%dma_start3A_148 : memref<80x128xf32, #tpu.memory_space<vmem_shared>>) target(%arg7 : memref<80x128xf32, #tpu.memory_space<vmem>>) target_semaphore(%run_scoped3A_145 : memref<!tpu.dma_semaphore, #tpu.memory_space<semaphore_mem>>)
      %dma_wait3A_149 = arith.constant 0 : i32
      %dma_wait3A_150 = tpu.memref_slice %arg8[%add3A_93, %dma_wait3A_149] : memref<10240x128xf32, #tpu.memory_space<vmem_shared>> -> memref<80x128xf32, #tpu.memory_space<vmem_shared>>
      %dma_wait3A_151 = arith.constant 0 : i32
      %dma_wait3A_152 = tpu.memref_slice %arg8[%add3A_93, %dma_wait3A_151] : memref<10240x128xf32, #tpu.memory_space<vmem_shared>> -> memref<80x128xf32, #tpu.memory_space<vmem_shared>>
      tpu.wait_dma2 semaphore(%run_scoped3A_145 : memref<!tpu.dma_semaphore, #tpu.memory_space<semaphore_mem>>) src(%dma_wait3A_152 : memref<80x128xf32, #tpu.memory_space<vmem_shared>>) dst(%arg7 : memref<80x128xf32, #tpu.memory_space<vmem>>)
      tpu.yield
    }) : () -> ()
    %mul3A_94 = arith.constant 10240 : i32
    %mul3A_95 = arith.muli %arg0, %mul3A_94 : i32
    %mul3A_96 = arith.constant 640 : i32
    %mul3A_97 = arith.muli %arg1, %mul3A_96 : i32
    %add3A_98 = arith.addi %mul3A_95, %mul3A_97 : i32
    %add3A_99 = arith.constant 240 : i32
    %add3A_100 = arith.addi %add3A_98, %add3A_99 : i32
    "tpu.region"() ({
      %run_scoped3A_145 = tpu.sem_alloc : memref<!tpu.dma_semaphore, #tpu.memory_space<semaphore_mem>>
      %dma_start3A = arith.constant 0 : i32
      %dma_start3A_146 = tpu.memref_slice %arg5[%add3A_100, %dma_start3A] : memref<20480x128xf32, #tpu.memory_space<hbm>> -> memref<80x128xf32, #tpu.memory_space<hbm>>
      %dma_start3A_147 = arith.constant 0 : i32
      %dma_start3A_148 = tpu.memref_slice %arg5[%add3A_100, %dma_start3A_147] : memref<20480x128xf32, #tpu.memory_space<hbm>> -> memref<80x128xf32, #tpu.memory_space<hbm>>
      tpu.enqueue_dma source(%arg7 : memref<80x128xf32, #tpu.memory_space<vmem>>) target(%dma_start3A_148 : memref<80x128xf32, #tpu.memory_space<hbm>>) target_semaphore(%run_scoped3A_145 : memref<!tpu.dma_semaphore, #tpu.memory_space<semaphore_mem>>)
      %dma_wait3A_149 = arith.constant 0 : i32
      %dma_wait3A_150 = tpu.memref_slice %arg5[%add3A_100, %dma_wait3A_149] : memref<20480x128xf32, #tpu.memory_space<hbm>> -> memref<80x128xf32, #tpu.memory_space<hbm>>
      %dma_wait3A_151 = arith.constant 0 : i32
      %dma_wait3A_152 = tpu.memref_slice %arg5[%add3A_100, %dma_wait3A_151] : memref<20480x128xf32, #tpu.memory_space<hbm>> -> memref<80x128xf32, #tpu.memory_space<hbm>>
      tpu.wait_dma2 semaphore(%run_scoped3A_145 : memref<!tpu.dma_semaphore, #tpu.memory_space<semaphore_mem>>) src(%arg7 : memref<80x128xf32, #tpu.memory_space<vmem>>) dst(%dma_wait3A_152 : memref<80x128xf32, #tpu.memory_space<hbm>>)
      tpu.yield
    }) : () -> ()
    %mul3A_101 = arith.constant 640 : i32
    %mul3A_102 = arith.muli %arg1, %mul3A_101 : i32
    %add3A_103 = arith.constant 320 : i32
    %add3A_104 = arith.addi %mul3A_102, %add3A_103 : i32
    "tpu.region"() ({
      %run_scoped3A_145 = tpu.sem_alloc : memref<!tpu.dma_semaphore, #tpu.memory_space<semaphore_mem>>
      %dma_start3A = arith.constant 0 : i32
      %dma_start3A_146 = tpu.memref_slice %arg8[%add3A_104, %dma_start3A] : memref<10240x128xf32, #tpu.memory_space<vmem_shared>> -> memref<80x128xf32, #tpu.memory_space<vmem_shared>>
      %dma_start3A_147 = arith.constant 0 : i32
      %dma_start3A_148 = tpu.memref_slice %arg8[%add3A_104, %dma_start3A_147] : memref<10240x128xf32, #tpu.memory_space<vmem_shared>> -> memref<80x128xf32, #tpu.memory_space<vmem_shared>>
      tpu.enqueue_dma source(%dma_start3A_148 : memref<80x128xf32, #tpu.memory_space<vmem_shared>>) target(%arg7 : memref<80x128xf32, #tpu.memory_space<vmem>>) target_semaphore(%run_scoped3A_145 : memref<!tpu.dma_semaphore, #tpu.memory_space<semaphore_mem>>)
      %dma_wait3A_149 = arith.constant 0 : i32
      %dma_wait3A_150 = tpu.memref_slice %arg8[%add3A_104, %dma_wait3A_149] : memref<10240x128xf32, #tpu.memory_space<vmem_shared>> -> memref<80x128xf32, #tpu.memory_space<vmem_shared>>
      %dma_wait3A_151 = arith.constant 0 : i32
      %dma_wait3A_152 = tpu.memref_slice %arg8[%add3A_104, %dma_wait3A_151] : memref<10240x128xf32, #tpu.memory_space<vmem_shared>> -> memref<80x128xf32, #tpu.memory_space<vmem_shared>>
      tpu.wait_dma2 semaphore(%run_scoped3A_145 : memref<!tpu.dma_semaphore, #tpu.memory_space<semaphore_mem>>) src(%dma_wait3A_152 : memref<80x128xf32, #tpu.memory_space<vmem_shared>>) dst(%arg7 : memref<80x128xf32, #tpu.memory_space<vmem>>)
      tpu.yield
    }) : () -> ()
    %mul3A_105 = arith.constant 10240 : i32
    %mul3A_106 = arith.muli %arg0, %mul3A_105 : i32
    %mul3A_107 = arith.constant 640 : i32
    %mul3A_108 = arith.muli %arg1, %mul3A_107 : i32
    %add3A_109 = arith.addi %mul3A_106, %mul3A_108 : i32
    %add3A_110 = arith.constant 320 : i32
    %add3A_111 = arith.addi %add3A_109, %add3A_110 : i32
    "tpu.region"() ({
      %run_scoped3A_145 = tpu.sem_alloc : memref<!tpu.dma_semaphore, #tpu.memory_space<semaphore_mem>>
      %dma_start3A = arith.constant 0 : i32
      %dma_start3A_146 = tpu.memref_slice %arg5[%add3A_111, %dma_start3A] : memref<20480x128xf32, #tpu.memory_space<hbm>> -> memref<80x128xf32, #tpu.memory_space<hbm>>
      %dma_start3A_147 = arith.constant 0 : i32
      %dma_start3A_148 = tpu.memref_slice %arg5[%add3A_111, %dma_start3A_147] : memref<20480x128xf32, #tpu.memory_space<hbm>> -> memref<80x128xf32, #tpu.memory_space<hbm>>
      tpu.enqueue_dma source(%arg7 : memref<80x128xf32, #tpu.memory_space<vmem>>) target(%dma_start3A_148 : memref<80x128xf32, #tpu.memory_space<hbm>>) target_semaphore(%run_scoped3A_145 : memref<!tpu.dma_semaphore, #tpu.memory_space<semaphore_mem>>)
      %dma_wait3A_149 = arith.constant 0 : i32
      %dma_wait3A_150 = tpu.memref_slice %arg5[%add3A_111, %dma_wait3A_149] : memref<20480x128xf32, #tpu.memory_space<hbm>> -> memref<80x128xf32, #tpu.memory_space<hbm>>
      %dma_wait3A_151 = arith.constant 0 : i32
      %dma_wait3A_152 = tpu.memref_slice %arg5[%add3A_111, %dma_wait3A_151] : memref<20480x128xf32, #tpu.memory_space<hbm>> -> memref<80x128xf32, #tpu.memory_space<hbm>>
      tpu.wait_dma2 semaphore(%run_scoped3A_145 : memref<!tpu.dma_semaphore, #tpu.memory_space<semaphore_mem>>) src(%arg7 : memref<80x128xf32, #tpu.memory_space<vmem>>) dst(%dma_wait3A_152 : memref<80x128xf32, #tpu.memory_space<hbm>>)
      tpu.yield
    }) : () -> ()
    %mul3A_112 = arith.constant 640 : i32
    %mul3A_113 = arith.muli %arg1, %mul3A_112 : i32
    %add3A_114 = arith.constant 400 : i32
    %add3A_115 = arith.addi %mul3A_113, %add3A_114 : i32
    "tpu.region"() ({
      %run_scoped3A_145 = tpu.sem_alloc : memref<!tpu.dma_semaphore, #tpu.memory_space<semaphore_mem>>
      %dma_start3A = arith.constant 0 : i32
      %dma_start3A_146 = tpu.memref_slice %arg8[%add3A_115, %dma_start3A] : memref<10240x128xf32, #tpu.memory_space<vmem_shared>> -> memref<80x128xf32, #tpu.memory_space<vmem_shared>>
      %dma_start3A_147 = arith.constant 0 : i32
      %dma_start3A_148 = tpu.memref_slice %arg8[%add3A_115, %dma_start3A_147] : memref<10240x128xf32, #tpu.memory_space<vmem_shared>> -> memref<80x128xf32, #tpu.memory_space<vmem_shared>>
      tpu.enqueue_dma source(%dma_start3A_148 : memref<80x128xf32, #tpu.memory_space<vmem_shared>>) target(%arg7 : memref<80x128xf32, #tpu.memory_space<vmem>>) target_semaphore(%run_scoped3A_145 : memref<!tpu.dma_semaphore, #tpu.memory_space<semaphore_mem>>)
      %dma_wait3A_149 = arith.constant 0 : i32
      %dma_wait3A_150 = tpu.memref_slice %arg8[%add3A_115, %dma_wait3A_149] : memref<10240x128xf32, #tpu.memory_space<vmem_shared>> -> memref<80x128xf32, #tpu.memory_space<vmem_shared>>
      %dma_wait3A_151 = arith.constant 0 : i32
      %dma_wait3A_152 = tpu.memref_slice %arg8[%add3A_115, %dma_wait3A_151] : memref<10240x128xf32, #tpu.memory_space<vmem_shared>> -> memref<80x128xf32, #tpu.memory_space<vmem_shared>>
      tpu.wait_dma2 semaphore(%run_scoped3A_145 : memref<!tpu.dma_semaphore, #tpu.memory_space<semaphore_mem>>) src(%dma_wait3A_152 : memref<80x128xf32, #tpu.memory_space<vmem_shared>>) dst(%arg7 : memref<80x128xf32, #tpu.memory_space<vmem>>)
      tpu.yield
    }) : () -> ()
    %mul3A_116 = arith.constant 10240 : i32
    %mul3A_117 = arith.muli %arg0, %mul3A_116 : i32
    %mul3A_118 = arith.constant 640 : i32
    %mul3A_119 = arith.muli %arg1, %mul3A_118 : i32
    %add3A_120 = arith.addi %mul3A_117, %mul3A_119 : i32
    %add3A_121 = arith.constant 400 : i32
    %add3A_122 = arith.addi %add3A_120, %add3A_121 : i32
    "tpu.region"() ({
      %run_scoped3A_145 = tpu.sem_alloc : memref<!tpu.dma_semaphore, #tpu.memory_space<semaphore_mem>>
      %dma_start3A = arith.constant 0 : i32
      %dma_start3A_146 = tpu.memref_slice %arg5[%add3A_122, %dma_start3A] : memref<20480x128xf32, #tpu.memory_space<hbm>> -> memref<80x128xf32, #tpu.memory_space<hbm>>
      %dma_start3A_147 = arith.constant 0 : i32
      %dma_start3A_148 = tpu.memref_slice %arg5[%add3A_122, %dma_start3A_147] : memref<20480x128xf32, #tpu.memory_space<hbm>> -> memref<80x128xf32, #tpu.memory_space<hbm>>
      tpu.enqueue_dma source(%arg7 : memref<80x128xf32, #tpu.memory_space<vmem>>) target(%dma_start3A_148 : memref<80x128xf32, #tpu.memory_space<hbm>>) target_semaphore(%run_scoped3A_145 : memref<!tpu.dma_semaphore, #tpu.memory_space<semaphore_mem>>)
      %dma_wait3A_149 = arith.constant 0 : i32
      %dma_wait3A_150 = tpu.memref_slice %arg5[%add3A_122, %dma_wait3A_149] : memref<20480x128xf32, #tpu.memory_space<hbm>> -> memref<80x128xf32, #tpu.memory_space<hbm>>
      %dma_wait3A_151 = arith.constant 0 : i32
      %dma_wait3A_152 = tpu.memref_slice %arg5[%add3A_122, %dma_wait3A_151] : memref<20480x128xf32, #tpu.memory_space<hbm>> -> memref<80x128xf32, #tpu.memory_space<hbm>>
      tpu.wait_dma2 semaphore(%run_scoped3A_145 : memref<!tpu.dma_semaphore, #tpu.memory_space<semaphore_mem>>) src(%arg7 : memref<80x128xf32, #tpu.memory_space<vmem>>) dst(%dma_wait3A_152 : memref<80x128xf32, #tpu.memory_space<hbm>>)
      tpu.yield
    }) : () -> ()
    %mul3A_123 = arith.constant 640 : i32
    %mul3A_124 = arith.muli %arg1, %mul3A_123 : i32
    %add3A_125 = arith.constant 480 : i32
    %add3A_126 = arith.addi %mul3A_124, %add3A_125 : i32
    "tpu.region"() ({
      %run_scoped3A_145 = tpu.sem_alloc : memref<!tpu.dma_semaphore, #tpu.memory_space<semaphore_mem>>
      %dma_start3A = arith.constant 0 : i32
      %dma_start3A_146 = tpu.memref_slice %arg8[%add3A_126, %dma_start3A] : memref<10240x128xf32, #tpu.memory_space<vmem_shared>> -> memref<80x128xf32, #tpu.memory_space<vmem_shared>>
      %dma_start3A_147 = arith.constant 0 : i32
      %dma_start3A_148 = tpu.memref_slice %arg8[%add3A_126, %dma_start3A_147] : memref<10240x128xf32, #tpu.memory_space<vmem_shared>> -> memref<80x128xf32, #tpu.memory_space<vmem_shared>>
      tpu.enqueue_dma source(%dma_start3A_148 : memref<80x128xf32, #tpu.memory_space<vmem_shared>>) target(%arg7 : memref<80x128xf32, #tpu.memory_space<vmem>>) target_semaphore(%run_scoped3A_145 : memref<!tpu.dma_semaphore, #tpu.memory_space<semaphore_mem>>)
      %dma_wait3A_149 = arith.constant 0 : i32
      %dma_wait3A_150 = tpu.memref_slice %arg8[%add3A_126, %dma_wait3A_149] : memref<10240x128xf32, #tpu.memory_space<vmem_shared>> -> memref<80x128xf32, #tpu.memory_space<vmem_shared>>
      %dma_wait3A_151 = arith.constant 0 : i32
      %dma_wait3A_152 = tpu.memref_slice %arg8[%add3A_126, %dma_wait3A_151] : memref<10240x128xf32, #tpu.memory_space<vmem_shared>> -> memref<80x128xf32, #tpu.memory_space<vmem_shared>>
      tpu.wait_dma2 semaphore(%run_scoped3A_145 : memref<!tpu.dma_semaphore, #tpu.memory_space<semaphore_mem>>) src(%dma_wait3A_152 : memref<80x128xf32, #tpu.memory_space<vmem_shared>>) dst(%arg7 : memref<80x128xf32, #tpu.memory_space<vmem>>)
      tpu.yield
    }) : () -> ()
    %mul3A_127 = arith.constant 10240 : i32
    %mul3A_128 = arith.muli %arg0, %mul3A_127 : i32
    %mul3A_129 = arith.constant 640 : i32
    %mul3A_130 = arith.muli %arg1, %mul3A_129 : i32
    %add3A_131 = arith.addi %mul3A_128, %mul3A_130 : i32
    %add3A_132 = arith.constant 480 : i32
    %add3A_133 = arith.addi %add3A_131, %add3A_132 : i32
    "tpu.region"() ({
      %run_scoped3A_145 = tpu.sem_alloc : memref<!tpu.dma_semaphore, #tpu.memory_space<semaphore_mem>>
      %dma_start3A = arith.constant 0 : i32
      %dma_start3A_146 = tpu.memref_slice %arg5[%add3A_133, %dma_start3A] : memref<20480x128xf32, #tpu.memory_space<hbm>> -> memref<80x128xf32, #tpu.memory_space<hbm>>
      %dma_start3A_147 = arith.constant 0 : i32
      %dma_start3A_148 = tpu.memref_slice %arg5[%add3A_133, %dma_start3A_147] : memref<20480x128xf32, #tpu.memory_space<hbm>> -> memref<80x128xf32, #tpu.memory_space<hbm>>
      tpu.enqueue_dma source(%arg7 : memref<80x128xf32, #tpu.memory_space<vmem>>) target(%dma_start3A_148 : memref<80x128xf32, #tpu.memory_space<hbm>>) target_semaphore(%run_scoped3A_145 : memref<!tpu.dma_semaphore, #tpu.memory_space<semaphore_mem>>)
      %dma_wait3A_149 = arith.constant 0 : i32
      %dma_wait3A_150 = tpu.memref_slice %arg5[%add3A_133, %dma_wait3A_149] : memref<20480x128xf32, #tpu.memory_space<hbm>> -> memref<80x128xf32, #tpu.memory_space<hbm>>
      %dma_wait3A_151 = arith.constant 0 : i32
      %dma_wait3A_152 = tpu.memref_slice %arg5[%add3A_133, %dma_wait3A_151] : memref<20480x128xf32, #tpu.memory_space<hbm>> -> memref<80x128xf32, #tpu.memory_space<hbm>>
      tpu.wait_dma2 semaphore(%run_scoped3A_145 : memref<!tpu.dma_semaphore, #tpu.memory_space<semaphore_mem>>) src(%arg7 : memref<80x128xf32, #tpu.memory_space<vmem>>) dst(%dma_wait3A_152 : memref<80x128xf32, #tpu.memory_space<hbm>>)
      tpu.yield
    }) : () -> ()
    %mul3A_134 = arith.constant 640 : i32
    %mul3A_135 = arith.muli %arg1, %mul3A_134 : i32
    %add3A_136 = arith.constant 560 : i32
    %add3A_137 = arith.addi %mul3A_135, %add3A_136 : i32
    "tpu.region"() ({
      %run_scoped3A_145 = tpu.sem_alloc : memref<!tpu.dma_semaphore, #tpu.memory_space<semaphore_mem>>
      %dma_start3A = arith.constant 0 : i32
      %dma_start3A_146 = tpu.memref_slice %arg8[%add3A_137, %dma_start3A] : memref<10240x128xf32, #tpu.memory_space<vmem_shared>> -> memref<80x128xf32, #tpu.memory_space<vmem_shared>>
      %dma_start3A_147 = arith.constant 0 : i32
      %dma_start3A_148 = tpu.memref_slice %arg8[%add3A_137, %dma_start3A_147] : memref<10240x128xf32, #tpu.memory_space<vmem_shared>> -> memref<80x128xf32, #tpu.memory_space<vmem_shared>>
      tpu.enqueue_dma source(%dma_start3A_148 : memref<80x128xf32, #tpu.memory_space<vmem_shared>>) target(%arg7 : memref<80x128xf32, #tpu.memory_space<vmem>>) target_semaphore(%run_scoped3A_145 : memref<!tpu.dma_semaphore, #tpu.memory_space<semaphore_mem>>)
      %dma_wait3A_149 = arith.constant 0 : i32
      %dma_wait3A_150 = tpu.memref_slice %arg8[%add3A_137, %dma_wait3A_149] : memref<10240x128xf32, #tpu.memory_space<vmem_shared>> -> memref<80x128xf32, #tpu.memory_space<vmem_shared>>
      %dma_wait3A_151 = arith.constant 0 : i32
      %dma_wait3A_152 = tpu.memref_slice %arg8[%add3A_137, %dma_wait3A_151] : memref<10240x128xf32, #tpu.memory_space<vmem_shared>> -> memref<80x128xf32, #tpu.memory_space<vmem_shared>>
      tpu.wait_dma2 semaphore(%run_scoped3A_145 : memref<!tpu.dma_semaphore, #tpu.memory_space<semaphore_mem>>) src(%dma_wait3A_152 : memref<80x128xf32, #tpu.memory_space<vmem_shared>>) dst(%arg7 : memref<80x128xf32, #tpu.memory_space<vmem>>)
      tpu.yield
    }) : () -> ()
    %mul3A_138 = arith.constant 10240 : i32
    %mul3A_139 = arith.muli %arg0, %mul3A_138 : i32
    %mul3A_140 = arith.constant 640 : i32
    %mul3A_141 = arith.muli %arg1, %mul3A_140 : i32
    %add3A_142 = arith.addi %mul3A_139, %mul3A_141 : i32
    %add3A_143 = arith.constant 560 : i32
    %add3A_144 = arith.addi %add3A_142, %add3A_143 : i32
    "tpu.region"() ({
      %run_scoped3A_145 = tpu.sem_alloc : memref<!tpu.dma_semaphore, #tpu.memory_space<semaphore_mem>>
      %dma_start3A = arith.constant 0 : i32
      %dma_start3A_146 = tpu.memref_slice %arg5[%add3A_144, %dma_start3A] : memref<20480x128xf32, #tpu.memory_space<hbm>> -> memref<80x128xf32, #tpu.memory_space<hbm>>
      %dma_start3A_147 = arith.constant 0 : i32
      %dma_start3A_148 = tpu.memref_slice %arg5[%add3A_144, %dma_start3A_147] : memref<20480x128xf32, #tpu.memory_space<hbm>> -> memref<80x128xf32, #tpu.memory_space<hbm>>
      tpu.enqueue_dma source(%arg7 : memref<80x128xf32, #tpu.memory_space<vmem>>) target(%dma_start3A_148 : memref<80x128xf32, #tpu.memory_space<hbm>>) target_semaphore(%run_scoped3A_145 : memref<!tpu.dma_semaphore, #tpu.memory_space<semaphore_mem>>)
      %dma_wait3A_149 = arith.constant 0 : i32
      %dma_wait3A_150 = tpu.memref_slice %arg5[%add3A_144, %dma_wait3A_149] : memref<20480x128xf32, #tpu.memory_space<hbm>> -> memref<80x128xf32, #tpu.memory_space<hbm>>
      %dma_wait3A_151 = arith.constant 0 : i32
      %dma_wait3A_152 = tpu.memref_slice %arg5[%add3A_144, %dma_wait3A_151] : memref<20480x128xf32, #tpu.memory_space<hbm>> -> memref<80x128xf32, #tpu.memory_space<hbm>>
      tpu.wait_dma2 semaphore(%run_scoped3A_145 : memref<!tpu.dma_semaphore, #tpu.memory_space<semaphore_mem>>) src(%arg7 : memref<80x128xf32, #tpu.memory_space<vmem>>) dst(%dma_wait3A_152 : memref<80x128xf32, #tpu.memory_space<hbm>>)
      tpu.yield
    }) : () -> ()
    return
  }
}

#map = affine_map<(d0, d1) -> (0, 0)>
#map1 = affine_map<(d0, d1) -> (0)>
module attributes {stable_mosaic.version = 14 : i64} {
  func.func @body(%arg0: i32, %arg1: i32, %arg2: memref<10240x128xf32, #tpu.memory_space<hbm>>, %arg3: memref<320000xi32, #tpu.memory_space<hbm>>, %arg4: memref<320000xi32, #tpu.memory_space<hbm>>, %arg5: memref<10240x128xf32, #tpu.memory_space<hbm>>, %arg6: memref<20480x128xf32, #tpu.memory_space<hbm>>, %arg7: memref<4x80xi32, #tpu.memory_space<vmem>>, %arg8: memref<4x80xi32, #tpu.memory_space<vmem>>, %arg9: memref<80x128xf32, #tpu.memory_space<vmem>>, %arg10: memref<80x128xf32, #tpu.memory_space<vmem>>, %arg11: memref<10240x128xf32, #tpu.memory_space<vmem_shared>>, %arg12: memref<!tpu.dma_semaphore, #tpu.memory_space<semaphore_mem>>, %arg13: memref<!tpu.dma_semaphore, #tpu.memory_space<semaphore_mem>>, %arg14: memref<!tpu.dma_semaphore, #tpu.memory_space<semaphore_mem>>, %arg15: memref<!tpu.dma_semaphore, #tpu.memory_space<semaphore_mem>>, %arg16: memref<!tpu.dma_semaphore, #tpu.memory_space<semaphore_mem>>) attributes {dimension_semantics = [#tpu.dimension_semantics<core_parallel>, #tpu.dimension_semantics<subcore_parallel>], iteration_bounds = array<i64: 2, 16>, scalar_prefetch = 0 : i64, scratch_operands = 10 : i64, tpu.core_type = #tpu.core_type<sc_vector_subcore>, window_params = [{transform_indices = #map}, {transform_indices = #map1}, {transform_indices = #map1}, {transform_indices = #map}, {transform_indices = #map}]} {
    %mul3A = arith.constant 2 : i32
    %mul3A_0 = arith.muli %arg1, %mul3A : i32
    %add3A = arith.addi %mul3A_0, %arg0 : i32
    "tpu.region"() ({
      %run_scoped3A_156 = tpu.sem_alloc : memref<!tpu.dma_semaphore, #tpu.memory_space<semaphore_mem>>
      %dma_start3A_157 = arith.constant 0 : i32
      %dma_start3A_158 = arith.constant 0 : i32
      %dma_start3A_159 = tpu.memref_slice %arg5[%dma_start3A_157, %dma_start3A_158] : memref<10240x128xf32, #tpu.memory_space<hbm>> -> memref<80x128xf32, #tpu.memory_space<hbm>>
      %dma_start3A_160 = arith.constant 0 : i32
      %dma_start3A_161 = arith.constant 0 : i32
      %dma_start3A_162 = tpu.memref_slice %arg5[%dma_start3A_160, %dma_start3A_161] : memref<10240x128xf32, #tpu.memory_space<hbm>> -> memref<80x128xf32, #tpu.memory_space<hbm>>
      tpu.enqueue_dma source(%dma_start3A_162 : memref<80x128xf32, #tpu.memory_space<hbm>>) target(%arg9 : memref<80x128xf32, #tpu.memory_space<vmem>>) target_semaphore(%run_scoped3A_156 : memref<!tpu.dma_semaphore, #tpu.memory_space<semaphore_mem>>)
      %dma_wait3A_163 = arith.constant 0 : i32
      %dma_wait3A_164 = arith.constant 0 : i32
      %dma_wait3A_165 = tpu.memref_slice %arg5[%dma_wait3A_163, %dma_wait3A_164] : memref<10240x128xf32, #tpu.memory_space<hbm>> -> memref<80x128xf32, #tpu.memory_space<hbm>>
      %dma_wait3A_166 = arith.constant 0 : i32
      %dma_wait3A_167 = arith.constant 0 : i32
      %dma_wait3A_168 = tpu.memref_slice %arg5[%dma_wait3A_166, %dma_wait3A_167] : memref<10240x128xf32, #tpu.memory_space<hbm>> -> memref<80x128xf32, #tpu.memory_space<hbm>>
      tpu.wait_dma2 semaphore(%run_scoped3A_156 : memref<!tpu.dma_semaphore, #tpu.memory_space<semaphore_mem>>) src(%dma_wait3A_168 : memref<80x128xf32, #tpu.memory_space<hbm>>) dst(%arg9 : memref<80x128xf32, #tpu.memory_space<vmem>>)
      tpu.yield
    }) : () -> ()
    %mul3A_1 = arith.constant 640 : i32
    %mul3A_2 = arith.muli %arg1, %mul3A_1 : i32
    %add3A_3 = arith.constant 0 : i32
    %add3A_4 = arith.addi %mul3A_2, %add3A_3 : i32
    "tpu.region"() ({
      %run_scoped3A_156 = tpu.sem_alloc : memref<!tpu.dma_semaphore, #tpu.memory_space<semaphore_mem>>
      %dma_start3A_157 = arith.constant 0 : i32
      %dma_start3A_158 = tpu.memref_slice %arg11[%add3A_4, %dma_start3A_157] : memref<10240x128xf32, #tpu.memory_space<vmem_shared>> -> memref<80x128xf32, #tpu.memory_space<vmem_shared>>
      %dma_start3A_159 = arith.constant 0 : i32
      %dma_start3A_160 = tpu.memref_slice %arg11[%add3A_4, %dma_start3A_159] : memref<10240x128xf32, #tpu.memory_space<vmem_shared>> -> memref<80x128xf32, #tpu.memory_space<vmem_shared>>
      tpu.enqueue_dma source(%arg9 : memref<80x128xf32, #tpu.memory_space<vmem>>) target(%dma_start3A_160 : memref<80x128xf32, #tpu.memory_space<vmem_shared>>) target_semaphore(%run_scoped3A_156 : memref<!tpu.dma_semaphore, #tpu.memory_space<semaphore_mem>>)
      %dma_wait3A_161 = arith.constant 0 : i32
      %dma_wait3A_162 = tpu.memref_slice %arg11[%add3A_4, %dma_wait3A_161] : memref<10240x128xf32, #tpu.memory_space<vmem_shared>> -> memref<80x128xf32, #tpu.memory_space<vmem_shared>>
      %dma_wait3A_163 = arith.constant 0 : i32
      %dma_wait3A_164 = tpu.memref_slice %arg11[%add3A_4, %dma_wait3A_163] : memref<10240x128xf32, #tpu.memory_space<vmem_shared>> -> memref<80x128xf32, #tpu.memory_space<vmem_shared>>
      tpu.wait_dma2 semaphore(%run_scoped3A_156 : memref<!tpu.dma_semaphore, #tpu.memory_space<semaphore_mem>>) src(%arg9 : memref<80x128xf32, #tpu.memory_space<vmem>>) dst(%dma_wait3A_164 : memref<80x128xf32, #tpu.memory_space<vmem_shared>>)
      tpu.yield
    }) : () -> ()
    %mul3A_5 = arith.constant 640 : i32
    %mul3A_6 = arith.muli %arg1, %mul3A_5 : i32
    %add3A_7 = arith.constant 80 : i32
    %add3A_8 = arith.addi %mul3A_6, %add3A_7 : i32
    "tpu.region"() ({
      %run_scoped3A_156 = tpu.sem_alloc : memref<!tpu.dma_semaphore, #tpu.memory_space<semaphore_mem>>
      %dma_start3A_157 = arith.constant 0 : i32
      %dma_start3A_158 = tpu.memref_slice %arg11[%add3A_8, %dma_start3A_157] : memref<10240x128xf32, #tpu.memory_space<vmem_shared>> -> memref<80x128xf32, #tpu.memory_space<vmem_shared>>
      %dma_start3A_159 = arith.constant 0 : i32
      %dma_start3A_160 = tpu.memref_slice %arg11[%add3A_8, %dma_start3A_159] : memref<10240x128xf32, #tpu.memory_space<vmem_shared>> -> memref<80x128xf32, #tpu.memory_space<vmem_shared>>
      tpu.enqueue_dma source(%arg9 : memref<80x128xf32, #tpu.memory_space<vmem>>) target(%dma_start3A_160 : memref<80x128xf32, #tpu.memory_space<vmem_shared>>) target_semaphore(%run_scoped3A_156 : memref<!tpu.dma_semaphore, #tpu.memory_space<semaphore_mem>>)
      %dma_wait3A_161 = arith.constant 0 : i32
      %dma_wait3A_162 = tpu.memref_slice %arg11[%add3A_8, %dma_wait3A_161] : memref<10240x128xf32, #tpu.memory_space<vmem_shared>> -> memref<80x128xf32, #tpu.memory_space<vmem_shared>>
      %dma_wait3A_163 = arith.constant 0 : i32
      %dma_wait3A_164 = tpu.memref_slice %arg11[%add3A_8, %dma_wait3A_163] : memref<10240x128xf32, #tpu.memory_space<vmem_shared>> -> memref<80x128xf32, #tpu.memory_space<vmem_shared>>
      tpu.wait_dma2 semaphore(%run_scoped3A_156 : memref<!tpu.dma_semaphore, #tpu.memory_space<semaphore_mem>>) src(%arg9 : memref<80x128xf32, #tpu.memory_space<vmem>>) dst(%dma_wait3A_164 : memref<80x128xf32, #tpu.memory_space<vmem_shared>>)
      tpu.yield
    }) : () -> ()
    %mul3A_9 = arith.constant 640 : i32
    %mul3A_10 = arith.muli %arg1, %mul3A_9 : i32
    %add3A_11 = arith.constant 160 : i32
    %add3A_12 = arith.addi %mul3A_10, %add3A_11 : i32
    "tpu.region"() ({
      %run_scoped3A_156 = tpu.sem_alloc : memref<!tpu.dma_semaphore, #tpu.memory_space<semaphore_mem>>
      %dma_start3A_157 = arith.constant 0 : i32
      %dma_start3A_158 = tpu.memref_slice %arg11[%add3A_12, %dma_start3A_157] : memref<10240x128xf32, #tpu.memory_space<vmem_shared>> -> memref<80x128xf32, #tpu.memory_space<vmem_shared>>
      %dma_start3A_159 = arith.constant 0 : i32
      %dma_start3A_160 = tpu.memref_slice %arg11[%add3A_12, %dma_start3A_159] : memref<10240x128xf32, #tpu.memory_space<vmem_shared>> -> memref<80x128xf32, #tpu.memory_space<vmem_shared>>
      tpu.enqueue_dma source(%arg9 : memref<80x128xf32, #tpu.memory_space<vmem>>) target(%dma_start3A_160 : memref<80x128xf32, #tpu.memory_space<vmem_shared>>) target_semaphore(%run_scoped3A_156 : memref<!tpu.dma_semaphore, #tpu.memory_space<semaphore_mem>>)
      %dma_wait3A_161 = arith.constant 0 : i32
      %dma_wait3A_162 = tpu.memref_slice %arg11[%add3A_12, %dma_wait3A_161] : memref<10240x128xf32, #tpu.memory_space<vmem_shared>> -> memref<80x128xf32, #tpu.memory_space<vmem_shared>>
      %dma_wait3A_163 = arith.constant 0 : i32
      %dma_wait3A_164 = tpu.memref_slice %arg11[%add3A_12, %dma_wait3A_163] : memref<10240x128xf32, #tpu.memory_space<vmem_shared>> -> memref<80x128xf32, #tpu.memory_space<vmem_shared>>
      tpu.wait_dma2 semaphore(%run_scoped3A_156 : memref<!tpu.dma_semaphore, #tpu.memory_space<semaphore_mem>>) src(%arg9 : memref<80x128xf32, #tpu.memory_space<vmem>>) dst(%dma_wait3A_164 : memref<80x128xf32, #tpu.memory_space<vmem_shared>>)
      tpu.yield
    }) : () -> ()
    %mul3A_13 = arith.constant 640 : i32
    %mul3A_14 = arith.muli %arg1, %mul3A_13 : i32
    %add3A_15 = arith.constant 240 : i32
    %add3A_16 = arith.addi %mul3A_14, %add3A_15 : i32
    "tpu.region"() ({
      %run_scoped3A_156 = tpu.sem_alloc : memref<!tpu.dma_semaphore, #tpu.memory_space<semaphore_mem>>
      %dma_start3A_157 = arith.constant 0 : i32
      %dma_start3A_158 = tpu.memref_slice %arg11[%add3A_16, %dma_start3A_157] : memref<10240x128xf32, #tpu.memory_space<vmem_shared>> -> memref<80x128xf32, #tpu.memory_space<vmem_shared>>
      %dma_start3A_159 = arith.constant 0 : i32
      %dma_start3A_160 = tpu.memref_slice %arg11[%add3A_16, %dma_start3A_159] : memref<10240x128xf32, #tpu.memory_space<vmem_shared>> -> memref<80x128xf32, #tpu.memory_space<vmem_shared>>
      tpu.enqueue_dma source(%arg9 : memref<80x128xf32, #tpu.memory_space<vmem>>) target(%dma_start3A_160 : memref<80x128xf32, #tpu.memory_space<vmem_shared>>) target_semaphore(%run_scoped3A_156 : memref<!tpu.dma_semaphore, #tpu.memory_space<semaphore_mem>>)
      %dma_wait3A_161 = arith.constant 0 : i32
      %dma_wait3A_162 = tpu.memref_slice %arg11[%add3A_16, %dma_wait3A_161] : memref<10240x128xf32, #tpu.memory_space<vmem_shared>> -> memref<80x128xf32, #tpu.memory_space<vmem_shared>>
      %dma_wait3A_163 = arith.constant 0 : i32
      %dma_wait3A_164 = tpu.memref_slice %arg11[%add3A_16, %dma_wait3A_163] : memref<10240x128xf32, #tpu.memory_space<vmem_shared>> -> memref<80x128xf32, #tpu.memory_space<vmem_shared>>
      tpu.wait_dma2 semaphore(%run_scoped3A_156 : memref<!tpu.dma_semaphore, #tpu.memory_space<semaphore_mem>>) src(%arg9 : memref<80x128xf32, #tpu.memory_space<vmem>>) dst(%dma_wait3A_164 : memref<80x128xf32, #tpu.memory_space<vmem_shared>>)
      tpu.yield
    }) : () -> ()
    %mul3A_17 = arith.constant 640 : i32
    %mul3A_18 = arith.muli %arg1, %mul3A_17 : i32
    %add3A_19 = arith.constant 320 : i32
    %add3A_20 = arith.addi %mul3A_18, %add3A_19 : i32
    "tpu.region"() ({
      %run_scoped3A_156 = tpu.sem_alloc : memref<!tpu.dma_semaphore, #tpu.memory_space<semaphore_mem>>
      %dma_start3A_157 = arith.constant 0 : i32
      %dma_start3A_158 = tpu.memref_slice %arg11[%add3A_20, %dma_start3A_157] : memref<10240x128xf32, #tpu.memory_space<vmem_shared>> -> memref<80x128xf32, #tpu.memory_space<vmem_shared>>
      %dma_start3A_159 = arith.constant 0 : i32
      %dma_start3A_160 = tpu.memref_slice %arg11[%add3A_20, %dma_start3A_159] : memref<10240x128xf32, #tpu.memory_space<vmem_shared>> -> memref<80x128xf32, #tpu.memory_space<vmem_shared>>
      tpu.enqueue_dma source(%arg9 : memref<80x128xf32, #tpu.memory_space<vmem>>) target(%dma_start3A_160 : memref<80x128xf32, #tpu.memory_space<vmem_shared>>) target_semaphore(%run_scoped3A_156 : memref<!tpu.dma_semaphore, #tpu.memory_space<semaphore_mem>>)
      %dma_wait3A_161 = arith.constant 0 : i32
      %dma_wait3A_162 = tpu.memref_slice %arg11[%add3A_20, %dma_wait3A_161] : memref<10240x128xf32, #tpu.memory_space<vmem_shared>> -> memref<80x128xf32, #tpu.memory_space<vmem_shared>>
      %dma_wait3A_163 = arith.constant 0 : i32
      %dma_wait3A_164 = tpu.memref_slice %arg11[%add3A_20, %dma_wait3A_163] : memref<10240x128xf32, #tpu.memory_space<vmem_shared>> -> memref<80x128xf32, #tpu.memory_space<vmem_shared>>
      tpu.wait_dma2 semaphore(%run_scoped3A_156 : memref<!tpu.dma_semaphore, #tpu.memory_space<semaphore_mem>>) src(%arg9 : memref<80x128xf32, #tpu.memory_space<vmem>>) dst(%dma_wait3A_164 : memref<80x128xf32, #tpu.memory_space<vmem_shared>>)
      tpu.yield
    }) : () -> ()
    %mul3A_21 = arith.constant 640 : i32
    %mul3A_22 = arith.muli %arg1, %mul3A_21 : i32
    %add3A_23 = arith.constant 400 : i32
    %add3A_24 = arith.addi %mul3A_22, %add3A_23 : i32
    "tpu.region"() ({
      %run_scoped3A_156 = tpu.sem_alloc : memref<!tpu.dma_semaphore, #tpu.memory_space<semaphore_mem>>
      %dma_start3A_157 = arith.constant 0 : i32
      %dma_start3A_158 = tpu.memref_slice %arg11[%add3A_24, %dma_start3A_157] : memref<10240x128xf32, #tpu.memory_space<vmem_shared>> -> memref<80x128xf32, #tpu.memory_space<vmem_shared>>
      %dma_start3A_159 = arith.constant 0 : i32
      %dma_start3A_160 = tpu.memref_slice %arg11[%add3A_24, %dma_start3A_159] : memref<10240x128xf32, #tpu.memory_space<vmem_shared>> -> memref<80x128xf32, #tpu.memory_space<vmem_shared>>
      tpu.enqueue_dma source(%arg9 : memref<80x128xf32, #tpu.memory_space<vmem>>) target(%dma_start3A_160 : memref<80x128xf32, #tpu.memory_space<vmem_shared>>) target_semaphore(%run_scoped3A_156 : memref<!tpu.dma_semaphore, #tpu.memory_space<semaphore_mem>>)
      %dma_wait3A_161 = arith.constant 0 : i32
      %dma_wait3A_162 = tpu.memref_slice %arg11[%add3A_24, %dma_wait3A_161] : memref<10240x128xf32, #tpu.memory_space<vmem_shared>> -> memref<80x128xf32, #tpu.memory_space<vmem_shared>>
      %dma_wait3A_163 = arith.constant 0 : i32
      %dma_wait3A_164 = tpu.memref_slice %arg11[%add3A_24, %dma_wait3A_163] : memref<10240x128xf32, #tpu.memory_space<vmem_shared>> -> memref<80x128xf32, #tpu.memory_space<vmem_shared>>
      tpu.wait_dma2 semaphore(%run_scoped3A_156 : memref<!tpu.dma_semaphore, #tpu.memory_space<semaphore_mem>>) src(%arg9 : memref<80x128xf32, #tpu.memory_space<vmem>>) dst(%dma_wait3A_164 : memref<80x128xf32, #tpu.memory_space<vmem_shared>>)
      tpu.yield
    }) : () -> ()
    %mul3A_25 = arith.constant 640 : i32
    %mul3A_26 = arith.muli %arg1, %mul3A_25 : i32
    %add3A_27 = arith.constant 480 : i32
    %add3A_28 = arith.addi %mul3A_26, %add3A_27 : i32
    "tpu.region"() ({
      %run_scoped3A_156 = tpu.sem_alloc : memref<!tpu.dma_semaphore, #tpu.memory_space<semaphore_mem>>
      %dma_start3A_157 = arith.constant 0 : i32
      %dma_start3A_158 = tpu.memref_slice %arg11[%add3A_28, %dma_start3A_157] : memref<10240x128xf32, #tpu.memory_space<vmem_shared>> -> memref<80x128xf32, #tpu.memory_space<vmem_shared>>
      %dma_start3A_159 = arith.constant 0 : i32
      %dma_start3A_160 = tpu.memref_slice %arg11[%add3A_28, %dma_start3A_159] : memref<10240x128xf32, #tpu.memory_space<vmem_shared>> -> memref<80x128xf32, #tpu.memory_space<vmem_shared>>
      tpu.enqueue_dma source(%arg9 : memref<80x128xf32, #tpu.memory_space<vmem>>) target(%dma_start3A_160 : memref<80x128xf32, #tpu.memory_space<vmem_shared>>) target_semaphore(%run_scoped3A_156 : memref<!tpu.dma_semaphore, #tpu.memory_space<semaphore_mem>>)
      %dma_wait3A_161 = arith.constant 0 : i32
      %dma_wait3A_162 = tpu.memref_slice %arg11[%add3A_28, %dma_wait3A_161] : memref<10240x128xf32, #tpu.memory_space<vmem_shared>> -> memref<80x128xf32, #tpu.memory_space<vmem_shared>>
      %dma_wait3A_163 = arith.constant 0 : i32
      %dma_wait3A_164 = tpu.memref_slice %arg11[%add3A_28, %dma_wait3A_163] : memref<10240x128xf32, #tpu.memory_space<vmem_shared>> -> memref<80x128xf32, #tpu.memory_space<vmem_shared>>
      tpu.wait_dma2 semaphore(%run_scoped3A_156 : memref<!tpu.dma_semaphore, #tpu.memory_space<semaphore_mem>>) src(%arg9 : memref<80x128xf32, #tpu.memory_space<vmem>>) dst(%dma_wait3A_164 : memref<80x128xf32, #tpu.memory_space<vmem_shared>>)
      tpu.yield
    }) : () -> ()
    %mul3A_29 = arith.constant 640 : i32
    %mul3A_30 = arith.muli %arg1, %mul3A_29 : i32
    %add3A_31 = arith.constant 560 : i32
    %add3A_32 = arith.addi %mul3A_30, %add3A_31 : i32
    "tpu.region"() ({
      %run_scoped3A_156 = tpu.sem_alloc : memref<!tpu.dma_semaphore, #tpu.memory_space<semaphore_mem>>
      %dma_start3A_157 = arith.constant 0 : i32
      %dma_start3A_158 = tpu.memref_slice %arg11[%add3A_32, %dma_start3A_157] : memref<10240x128xf32, #tpu.memory_space<vmem_shared>> -> memref<80x128xf32, #tpu.memory_space<vmem_shared>>
      %dma_start3A_159 = arith.constant 0 : i32
      %dma_start3A_160 = tpu.memref_slice %arg11[%add3A_32, %dma_start3A_159] : memref<10240x128xf32, #tpu.memory_space<vmem_shared>> -> memref<80x128xf32, #tpu.memory_space<vmem_shared>>
      tpu.enqueue_dma source(%arg9 : memref<80x128xf32, #tpu.memory_space<vmem>>) target(%dma_start3A_160 : memref<80x128xf32, #tpu.memory_space<vmem_shared>>) target_semaphore(%run_scoped3A_156 : memref<!tpu.dma_semaphore, #tpu.memory_space<semaphore_mem>>)
      %dma_wait3A_161 = arith.constant 0 : i32
      %dma_wait3A_162 = tpu.memref_slice %arg11[%add3A_32, %dma_wait3A_161] : memref<10240x128xf32, #tpu.memory_space<vmem_shared>> -> memref<80x128xf32, #tpu.memory_space<vmem_shared>>
      %dma_wait3A_163 = arith.constant 0 : i32
      %dma_wait3A_164 = tpu.memref_slice %arg11[%add3A_32, %dma_wait3A_163] : memref<10240x128xf32, #tpu.memory_space<vmem_shared>> -> memref<80x128xf32, #tpu.memory_space<vmem_shared>>
      tpu.wait_dma2 semaphore(%run_scoped3A_156 : memref<!tpu.dma_semaphore, #tpu.memory_space<semaphore_mem>>) src(%arg9 : memref<80x128xf32, #tpu.memory_space<vmem>>) dst(%dma_wait3A_164 : memref<80x128xf32, #tpu.memory_space<vmem_shared>>)
      tpu.yield
    }) : () -> ()
    %barrier3A = arith.constant 0 : index
    tpu.barrier barrier_id(%barrier3A)
    %mul3A_33 = arith.constant 10000 : i32
    %mul3A_34 = arith.muli %add3A, %mul3A_33 : i32
    %run_scoped3A = arith.constant 0 : i32
    "tpu.region"() ({
      %run_scoped3A_156 = tpu.sem_alloc : memref<!tpu.dma_semaphore, #tpu.memory_space<semaphore_mem>>
      %dma_start3A_157 = arith.constant 0 : i32
      %dma_start3A_158 = tpu.memref_slice %arg7[%run_scoped3A, %dma_start3A_157] : memref<4x80xi32, #tpu.memory_space<vmem>> -> memref<1x80xi32, #tpu.memory_space<vmem>>
      %dma_start3A_159 = tpu.memref_squeeze %dma_start3A_158 : memref<1x80xi32, #tpu.memory_space<vmem>> -> memref<80xi32, #tpu.memory_space<vmem>>
      %dma_start3A_160 = tpu.memref_slice %arg3[%mul3A_34] : memref<320000xi32, #tpu.memory_space<hbm>> -> memref<80xi32, #tpu.memory_space<hbm>>
      %dma_start3A_161 = arith.constant 0 : i32
      %dma_start3A_162 = tpu.memref_slice %arg7[%run_scoped3A, %dma_start3A_161] : memref<4x80xi32, #tpu.memory_space<vmem>> -> memref<1x80xi32, #tpu.memory_space<vmem>>
      %dma_start3A_163 = tpu.memref_squeeze %dma_start3A_162 : memref<1x80xi32, #tpu.memory_space<vmem>> -> memref<80xi32, #tpu.memory_space<vmem>>
      %dma_start3A_164 = tpu.memref_slice %arg3[%mul3A_34] : memref<320000xi32, #tpu.memory_space<hbm>> -> memref<80xi32, #tpu.memory_space<hbm>>
      tpu.enqueue_dma source(%dma_start3A_164 : memref<80xi32, #tpu.memory_space<hbm>>) target(%dma_start3A_163 : memref<80xi32, #tpu.memory_space<vmem>>) target_semaphore(%run_scoped3A_156 : memref<!tpu.dma_semaphore, #tpu.memory_space<semaphore_mem>>)
      %dma_wait3A_165 = arith.constant 0 : i32
      %dma_wait3A_166 = tpu.memref_slice %arg7[%run_scoped3A, %dma_wait3A_165] : memref<4x80xi32, #tpu.memory_space<vmem>> -> memref<1x80xi32, #tpu.memory_space<vmem>>
      %dma_wait3A_167 = tpu.memref_squeeze %dma_wait3A_166 : memref<1x80xi32, #tpu.memory_space<vmem>> -> memref<80xi32, #tpu.memory_space<vmem>>
      %dma_wait3A_168 = tpu.memref_slice %arg3[%mul3A_34] : memref<320000xi32, #tpu.memory_space<hbm>> -> memref<80xi32, #tpu.memory_space<hbm>>
      %dma_wait3A_169 = arith.constant 0 : i32
      %dma_wait3A_170 = tpu.memref_slice %arg7[%run_scoped3A, %dma_wait3A_169] : memref<4x80xi32, #tpu.memory_space<vmem>> -> memref<1x80xi32, #tpu.memory_space<vmem>>
      %dma_wait3A_171 = tpu.memref_squeeze %dma_wait3A_170 : memref<1x80xi32, #tpu.memory_space<vmem>> -> memref<80xi32, #tpu.memory_space<vmem>>
      %dma_wait3A_172 = tpu.memref_slice %arg3[%mul3A_34] : memref<320000xi32, #tpu.memory_space<hbm>> -> memref<80xi32, #tpu.memory_space<hbm>>
      tpu.wait_dma2 semaphore(%run_scoped3A_156 : memref<!tpu.dma_semaphore, #tpu.memory_space<semaphore_mem>>) src(%dma_wait3A_172 : memref<80xi32, #tpu.memory_space<hbm>>) dst(%dma_wait3A_171 : memref<80xi32, #tpu.memory_space<vmem>>)
      tpu.yield
    }) : () -> ()
    %run_scoped3A_35 = arith.constant 0 : i32
    "tpu.region"() ({
      %run_scoped3A_156 = tpu.sem_alloc : memref<!tpu.dma_semaphore, #tpu.memory_space<semaphore_mem>>
      %dma_start3A_157 = arith.constant 0 : i32
      %dma_start3A_158 = tpu.memref_slice %arg8[%run_scoped3A_35, %dma_start3A_157] : memref<4x80xi32, #tpu.memory_space<vmem>> -> memref<1x80xi32, #tpu.memory_space<vmem>>
      %dma_start3A_159 = tpu.memref_squeeze %dma_start3A_158 : memref<1x80xi32, #tpu.memory_space<vmem>> -> memref<80xi32, #tpu.memory_space<vmem>>
      %dma_start3A_160 = tpu.memref_slice %arg4[%mul3A_34] : memref<320000xi32, #tpu.memory_space<hbm>> -> memref<80xi32, #tpu.memory_space<hbm>>
      %dma_start3A_161 = arith.constant 0 : i32
      %dma_start3A_162 = tpu.memref_slice %arg8[%run_scoped3A_35, %dma_start3A_161] : memref<4x80xi32, #tpu.memory_space<vmem>> -> memref<1x80xi32, #tpu.memory_space<vmem>>
      %dma_start3A_163 = tpu.memref_squeeze %dma_start3A_162 : memref<1x80xi32, #tpu.memory_space<vmem>> -> memref<80xi32, #tpu.memory_space<vmem>>
      %dma_start3A_164 = tpu.memref_slice %arg4[%mul3A_34] : memref<320000xi32, #tpu.memory_space<hbm>> -> memref<80xi32, #tpu.memory_space<hbm>>
      tpu.enqueue_dma source(%dma_start3A_164 : memref<80xi32, #tpu.memory_space<hbm>>) target(%dma_start3A_163 : memref<80xi32, #tpu.memory_space<vmem>>) target_semaphore(%run_scoped3A_156 : memref<!tpu.dma_semaphore, #tpu.memory_space<semaphore_mem>>)
      %dma_wait3A_165 = arith.constant 0 : i32
      %dma_wait3A_166 = tpu.memref_slice %arg8[%run_scoped3A_35, %dma_wait3A_165] : memref<4x80xi32, #tpu.memory_space<vmem>> -> memref<1x80xi32, #tpu.memory_space<vmem>>
      %dma_wait3A_167 = tpu.memref_squeeze %dma_wait3A_166 : memref<1x80xi32, #tpu.memory_space<vmem>> -> memref<80xi32, #tpu.memory_space<vmem>>
      %dma_wait3A_168 = tpu.memref_slice %arg4[%mul3A_34] : memref<320000xi32, #tpu.memory_space<hbm>> -> memref<80xi32, #tpu.memory_space<hbm>>
      %dma_wait3A_169 = arith.constant 0 : i32
      %dma_wait3A_170 = tpu.memref_slice %arg8[%run_scoped3A_35, %dma_wait3A_169] : memref<4x80xi32, #tpu.memory_space<vmem>> -> memref<1x80xi32, #tpu.memory_space<vmem>>
      %dma_wait3A_171 = tpu.memref_squeeze %dma_wait3A_170 : memref<1x80xi32, #tpu.memory_space<vmem>> -> memref<80xi32, #tpu.memory_space<vmem>>
      %dma_wait3A_172 = tpu.memref_slice %arg4[%mul3A_34] : memref<320000xi32, #tpu.memory_space<hbm>> -> memref<80xi32, #tpu.memory_space<hbm>>
      tpu.wait_dma2 semaphore(%run_scoped3A_156 : memref<!tpu.dma_semaphore, #tpu.memory_space<semaphore_mem>>) src(%dma_wait3A_172 : memref<80xi32, #tpu.memory_space<hbm>>) dst(%dma_wait3A_171 : memref<80xi32, #tpu.memory_space<vmem>>)
      tpu.yield
    }) : () -> ()
    %add3A_36 = arith.constant 80 : i32
    %add3A_37 = arith.addi %mul3A_34, %add3A_36 : i32
    %run_scoped3A_38 = arith.constant 1 : i32
    "tpu.region"() ({
      %run_scoped3A_156 = tpu.sem_alloc : memref<!tpu.dma_semaphore, #tpu.memory_space<semaphore_mem>>
      %dma_start3A_157 = arith.constant 0 : i32
      %dma_start3A_158 = tpu.memref_slice %arg7[%run_scoped3A_38, %dma_start3A_157] : memref<4x80xi32, #tpu.memory_space<vmem>> -> memref<1x80xi32, #tpu.memory_space<vmem>>
      %dma_start3A_159 = tpu.memref_squeeze %dma_start3A_158 : memref<1x80xi32, #tpu.memory_space<vmem>> -> memref<80xi32, #tpu.memory_space<vmem>>
      %dma_start3A_160 = tpu.memref_slice %arg3[%add3A_37] : memref<320000xi32, #tpu.memory_space<hbm>> -> memref<80xi32, #tpu.memory_space<hbm>>
      %dma_start3A_161 = arith.constant 0 : i32
      %dma_start3A_162 = tpu.memref_slice %arg7[%run_scoped3A_38, %dma_start3A_161] : memref<4x80xi32, #tpu.memory_space<vmem>> -> memref<1x80xi32, #tpu.memory_space<vmem>>
      %dma_start3A_163 = tpu.memref_squeeze %dma_start3A_162 : memref<1x80xi32, #tpu.memory_space<vmem>> -> memref<80xi32, #tpu.memory_space<vmem>>
      %dma_start3A_164 = tpu.memref_slice %arg3[%add3A_37] : memref<320000xi32, #tpu.memory_space<hbm>> -> memref<80xi32, #tpu.memory_space<hbm>>
      tpu.enqueue_dma source(%dma_start3A_164 : memref<80xi32, #tpu.memory_space<hbm>>) target(%dma_start3A_163 : memref<80xi32, #tpu.memory_space<vmem>>) target_semaphore(%run_scoped3A_156 : memref<!tpu.dma_semaphore, #tpu.memory_space<semaphore_mem>>)
      %dma_wait3A_165 = arith.constant 0 : i32
      %dma_wait3A_166 = tpu.memref_slice %arg7[%run_scoped3A_38, %dma_wait3A_165] : memref<4x80xi32, #tpu.memory_space<vmem>> -> memref<1x80xi32, #tpu.memory_space<vmem>>
      %dma_wait3A_167 = tpu.memref_squeeze %dma_wait3A_166 : memref<1x80xi32, #tpu.memory_space<vmem>> -> memref<80xi32, #tpu.memory_space<vmem>>
      %dma_wait3A_168 = tpu.memref_slice %arg3[%add3A_37] : memref<320000xi32, #tpu.memory_space<hbm>> -> memref<80xi32, #tpu.memory_space<hbm>>
      %dma_wait3A_169 = arith.constant 0 : i32
      %dma_wait3A_170 = tpu.memref_slice %arg7[%run_scoped3A_38, %dma_wait3A_169] : memref<4x80xi32, #tpu.memory_space<vmem>> -> memref<1x80xi32, #tpu.memory_space<vmem>>
      %dma_wait3A_171 = tpu.memref_squeeze %dma_wait3A_170 : memref<1x80xi32, #tpu.memory_space<vmem>> -> memref<80xi32, #tpu.memory_space<vmem>>
      %dma_wait3A_172 = tpu.memref_slice %arg3[%add3A_37] : memref<320000xi32, #tpu.memory_space<hbm>> -> memref<80xi32, #tpu.memory_space<hbm>>
      tpu.wait_dma2 semaphore(%run_scoped3A_156 : memref<!tpu.dma_semaphore, #tpu.memory_space<semaphore_mem>>) src(%dma_wait3A_172 : memref<80xi32, #tpu.memory_space<hbm>>) dst(%dma_wait3A_171 : memref<80xi32, #tpu.memory_space<vmem>>)
      tpu.yield
    }) : () -> ()
    %add3A_39 = arith.constant 80 : i32
    %add3A_40 = arith.addi %mul3A_34, %add3A_39 : i32
    %run_scoped3A_41 = arith.constant 1 : i32
    "tpu.region"() ({
      %run_scoped3A_156 = tpu.sem_alloc : memref<!tpu.dma_semaphore, #tpu.memory_space<semaphore_mem>>
      %dma_start3A_157 = arith.constant 0 : i32
      %dma_start3A_158 = tpu.memref_slice %arg8[%run_scoped3A_41, %dma_start3A_157] : memref<4x80xi32, #tpu.memory_space<vmem>> -> memref<1x80xi32, #tpu.memory_space<vmem>>
      %dma_start3A_159 = tpu.memref_squeeze %dma_start3A_158 : memref<1x80xi32, #tpu.memory_space<vmem>> -> memref<80xi32, #tpu.memory_space<vmem>>
      %dma_start3A_160 = tpu.memref_slice %arg4[%add3A_40] : memref<320000xi32, #tpu.memory_space<hbm>> -> memref<80xi32, #tpu.memory_space<hbm>>
      %dma_start3A_161 = arith.constant 0 : i32
      %dma_start3A_162 = tpu.memref_slice %arg8[%run_scoped3A_41, %dma_start3A_161] : memref<4x80xi32, #tpu.memory_space<vmem>> -> memref<1x80xi32, #tpu.memory_space<vmem>>
      %dma_start3A_163 = tpu.memref_squeeze %dma_start3A_162 : memref<1x80xi32, #tpu.memory_space<vmem>> -> memref<80xi32, #tpu.memory_space<vmem>>
      %dma_start3A_164 = tpu.memref_slice %arg4[%add3A_40] : memref<320000xi32, #tpu.memory_space<hbm>> -> memref<80xi32, #tpu.memory_space<hbm>>
      tpu.enqueue_dma source(%dma_start3A_164 : memref<80xi32, #tpu.memory_space<hbm>>) target(%dma_start3A_163 : memref<80xi32, #tpu.memory_space<vmem>>) target_semaphore(%run_scoped3A_156 : memref<!tpu.dma_semaphore, #tpu.memory_space<semaphore_mem>>)
      %dma_wait3A_165 = arith.constant 0 : i32
      %dma_wait3A_166 = tpu.memref_slice %arg8[%run_scoped3A_41, %dma_wait3A_165] : memref<4x80xi32, #tpu.memory_space<vmem>> -> memref<1x80xi32, #tpu.memory_space<vmem>>
      %dma_wait3A_167 = tpu.memref_squeeze %dma_wait3A_166 : memref<1x80xi32, #tpu.memory_space<vmem>> -> memref<80xi32, #tpu.memory_space<vmem>>
      %dma_wait3A_168 = tpu.memref_slice %arg4[%add3A_40] : memref<320000xi32, #tpu.memory_space<hbm>> -> memref<80xi32, #tpu.memory_space<hbm>>
      %dma_wait3A_169 = arith.constant 0 : i32
      %dma_wait3A_170 = tpu.memref_slice %arg8[%run_scoped3A_41, %dma_wait3A_169] : memref<4x80xi32, #tpu.memory_space<vmem>> -> memref<1x80xi32, #tpu.memory_space<vmem>>
      %dma_wait3A_171 = tpu.memref_squeeze %dma_wait3A_170 : memref<1x80xi32, #tpu.memory_space<vmem>> -> memref<80xi32, #tpu.memory_space<vmem>>
      %dma_wait3A_172 = tpu.memref_slice %arg4[%add3A_40] : memref<320000xi32, #tpu.memory_space<hbm>> -> memref<80xi32, #tpu.memory_space<hbm>>
      tpu.wait_dma2 semaphore(%run_scoped3A_156 : memref<!tpu.dma_semaphore, #tpu.memory_space<semaphore_mem>>) src(%dma_wait3A_172 : memref<80xi32, #tpu.memory_space<hbm>>) dst(%dma_wait3A_171 : memref<80xi32, #tpu.memory_space<vmem>>)
      tpu.yield
    }) : () -> ()
    %dma_start3A = arith.constant 0 : i32
    %dma_start3A_42 = arith.constant 0 : i32
    %dma_start3A_43 = tpu.memref_slice %arg7[%dma_start3A, %dma_start3A_42] : memref<4x80xi32, #tpu.memory_space<vmem>> -> memref<1x80xi32, #tpu.memory_space<vmem>>
    %dma_start3A_44 = tpu.memref_squeeze %dma_start3A_43 : memref<1x80xi32, #tpu.memory_space<vmem>> -> memref<80xi32, #tpu.memory_space<vmem>>
    %dma_start3A_45 = arith.constant 0 : i32
    %dma_start3A_46 = arith.constant 0 : i32
    %dma_start3A_47 = tpu.memref_slice %arg2[%dma_start3A_45, %dma_start3A_46] : memref<10240x128xf32, #tpu.memory_space<hbm>> -> memref<10240x128xf32, #tpu.memory_space<hbm>>
    tpu.enqueue_indirect_dma source(%dma_start3A_47 : memref<10240x128xf32, #tpu.memory_space<hbm>>) target(%arg9 : memref<80x128xf32, #tpu.memory_space<vmem>>) offsets(%dma_start3A_44 : memref<80xi32, #tpu.memory_space<vmem>>) semaphore(%arg12 : memref<!tpu.dma_semaphore, #tpu.memory_space<semaphore_mem>>)
    %scan3A = arith.constant 0 : i32
    %scan3A_48 = arith.constant 0 : i32
    %scan3A_49 = arith.constant 124 : i32
    %scan3A_50 = arith.addi %scan3A_48, %scan3A_49 : i32
    %scan3A_51 = arith.constant 1 : i32
    scf.for %scan3A_156 = %scan3A_48 to %scan3A_50 step %scan3A_51  : i32 {
      %jit3A = arith.constant 4 : i32
      %eq3A = arith.constant 0 : i32
      %eq3A_157 = arith.cmpi eq, %jit3A, %eq3A : i32
      %jit3A_158 = arith.constant 1 : i32
      %select_n3A = arith.select %eq3A_157, %jit3A_158, %jit3A : i32
      %rem3A = arith.remsi %scan3A_156, %select_n3A : i32
      %ne3A = arith.constant 0 : i32
      %ne3A_159 = arith.cmpi ne, %rem3A, %ne3A : i32
      %lt3A = arith.constant 0 : i32
      %lt3A_160 = arith.cmpi slt, %rem3A, %lt3A : i32
      %lt3A_161 = arith.constant 0 : i32
      %lt3A_162 = arith.cmpi slt, %select_n3A, %lt3A_161 : i32
      %ne3A_163 = arith.xori %lt3A_160, %lt3A_162 : i1
      %and3A = arith.andi %ne3A_163, %ne3A_159 : i1
      %add3A_164 = arith.addi %rem3A, %select_n3A : i32
      %select_n3A_165 = arith.select %and3A, %add3A_164, %rem3A : i32
      %eq3A_166 = arith.constant 0 : i32
      %eq3A_167 = arith.cmpi eq, %select_n3A_165, %eq3A_166 : i32
      %convert_element_type3A = arith.extui %eq3A_167 : i1 to i32
      %cond3A = arith.constant 0 : i32
      %cond3A_168 = arith.cmpi ne, %convert_element_type3A, %cond3A : i32
      scf.if %cond3A_168 {
        %gt3A = arith.constant 0 : i32
        %gt3A_232 = arith.cmpi sgt, %scan3A_156, %gt3A : i32
        %convert_element_type3A_233 = arith.extui %gt3A_232 : i1 to i32
        %cond3A_234 = arith.constant 0 : i32
        %cond3A_235 = arith.cmpi ne, %convert_element_type3A_233, %cond3A_234 : i32
        scf.if %cond3A_235 {
          %dma_wait3A_271 = arith.constant 3 : i32
          %dma_wait3A_272 = arith.constant 0 : i32
          %dma_wait3A_273 = tpu.memref_slice %arg8[%dma_wait3A_271, %dma_wait3A_272] : memref<4x80xi32, #tpu.memory_space<vmem>> -> memref<1x80xi32, #tpu.memory_space<vmem>>
          %dma_wait3A_274 = tpu.memref_squeeze %dma_wait3A_273 : memref<1x80xi32, #tpu.memory_space<vmem>> -> memref<80xi32, #tpu.memory_space<vmem>>
          %dma_wait3A_275 = arith.constant 0 : i32
          %dma_wait3A_276 = arith.constant 0 : i32
          %dma_wait3A_277 = tpu.memref_slice %arg11[%dma_wait3A_275, %dma_wait3A_276] : memref<10240x128xf32, #tpu.memory_space<vmem_shared>> -> memref<10240x128xf32, #tpu.memory_space<vmem_shared>>
          tpu.wait_indirect_dma semaphore(%arg15 : memref<!tpu.dma_semaphore, #tpu.memory_space<semaphore_mem>>) src(%arg10 : memref<80x128xf32, #tpu.memory_space<vmem>>) dst(%dma_wait3A_277 : memref<10240x128xf32, #tpu.memory_space<vmem_shared>>)
        } else {
        }
        %dma_start3A_236 = arith.constant 1 : i32
        %dma_start3A_237 = arith.constant 0 : i32
        %dma_start3A_238 = tpu.memref_slice %arg7[%dma_start3A_236, %dma_start3A_237] : memref<4x80xi32, #tpu.memory_space<vmem>> -> memref<1x80xi32, #tpu.memory_space<vmem>>
        %dma_start3A_239 = tpu.memref_squeeze %dma_start3A_238 : memref<1x80xi32, #tpu.memory_space<vmem>> -> memref<80xi32, #tpu.memory_space<vmem>>
        %dma_start3A_240 = arith.constant 0 : i32
        %dma_start3A_241 = arith.constant 0 : i32
        %dma_start3A_242 = tpu.memref_slice %arg2[%dma_start3A_240, %dma_start3A_241] : memref<10240x128xf32, #tpu.memory_space<hbm>> -> memref<10240x128xf32, #tpu.memory_space<hbm>>
        tpu.enqueue_indirect_dma source(%dma_start3A_242 : memref<10240x128xf32, #tpu.memory_space<hbm>>) target(%arg10 : memref<80x128xf32, #tpu.memory_space<vmem>>) offsets(%dma_start3A_239 : memref<80xi32, #tpu.memory_space<vmem>>) semaphore(%arg13 : memref<!tpu.dma_semaphore, #tpu.memory_space<semaphore_mem>>)
        %add3A_243 = arith.constant 2 : i32
        %add3A_244 = arith.addi %scan3A_156, %add3A_243 : i32
        %lt3A_245 = arith.constant 125 : i32
        %lt3A_246 = arith.cmpi slt, %add3A_244, %lt3A_245 : i32
        %convert_element_type3A_247 = arith.extui %lt3A_246 : i1 to i32
        %cond3A_248 = arith.constant 0 : i32
        %cond3A_249 = arith.cmpi ne, %convert_element_type3A_247, %cond3A_248 : i32
        scf.if %cond3A_249 {
          %add3A_271 = arith.constant 2 : i32
          %add3A_272 = arith.addi %scan3A_156, %add3A_271 : i32
          %mul3A_273 = arith.constant 80 : i32
          %mul3A_274 = arith.muli %add3A_272, %mul3A_273 : i32
          %add3A_275 = arith.addi %mul3A_34, %mul3A_274 : i32
          %dma_start3A_276 = arith.constant 2 : i32
          %dma_start3A_277 = arith.constant 0 : i32
          %dma_start3A_278 = tpu.memref_slice %arg7[%dma_start3A_276, %dma_start3A_277] : memref<4x80xi32, #tpu.memory_space<vmem>> -> memref<1x80xi32, #tpu.memory_space<vmem>>
          %dma_start3A_279 = tpu.memref_squeeze %dma_start3A_278 : memref<1x80xi32, #tpu.memory_space<vmem>> -> memref<80xi32, #tpu.memory_space<vmem>>
          %dma_start3A_280 = tpu.memref_slice %arg3[%add3A_275] : memref<320000xi32, #tpu.memory_space<hbm>> -> memref<80xi32, #tpu.memory_space<hbm>>
          %dma_start3A_281 = arith.constant 0 : i32
          %dma_start3A_282 = tpu.memref_slice %arg7[%dma_start3A_276, %dma_start3A_281] : memref<4x80xi32, #tpu.memory_space<vmem>> -> memref<1x80xi32, #tpu.memory_space<vmem>>
          %dma_start3A_283 = tpu.memref_squeeze %dma_start3A_282 : memref<1x80xi32, #tpu.memory_space<vmem>> -> memref<80xi32, #tpu.memory_space<vmem>>
          %dma_start3A_284 = tpu.memref_slice %arg3[%add3A_275] : memref<320000xi32, #tpu.memory_space<hbm>> -> memref<80xi32, #tpu.memory_space<hbm>>
          tpu.enqueue_dma source(%dma_start3A_284 : memref<80xi32, #tpu.memory_space<hbm>>) target(%dma_start3A_283 : memref<80xi32, #tpu.memory_space<vmem>>) target_semaphore(%arg16 : memref<!tpu.dma_semaphore, #tpu.memory_space<semaphore_mem>>)
          %dma_start3A_285 = arith.constant 2 : i32
          %dma_start3A_286 = arith.constant 0 : i32
          %dma_start3A_287 = tpu.memref_slice %arg8[%dma_start3A_285, %dma_start3A_286] : memref<4x80xi32, #tpu.memory_space<vmem>> -> memref<1x80xi32, #tpu.memory_space<vmem>>
          %dma_start3A_288 = tpu.memref_squeeze %dma_start3A_287 : memref<1x80xi32, #tpu.memory_space<vmem>> -> memref<80xi32, #tpu.memory_space<vmem>>
          %dma_start3A_289 = tpu.memref_slice %arg4[%add3A_275] : memref<320000xi32, #tpu.memory_space<hbm>> -> memref<80xi32, #tpu.memory_space<hbm>>
          %dma_start3A_290 = arith.constant 0 : i32
          %dma_start3A_291 = tpu.memref_slice %arg8[%dma_start3A_285, %dma_start3A_290] : memref<4x80xi32, #tpu.memory_space<vmem>> -> memref<1x80xi32, #tpu.memory_space<vmem>>
          %dma_start3A_292 = tpu.memref_squeeze %dma_start3A_291 : memref<1x80xi32, #tpu.memory_space<vmem>> -> memref<80xi32, #tpu.memory_space<vmem>>
          %dma_start3A_293 = tpu.memref_slice %arg4[%add3A_275] : memref<320000xi32, #tpu.memory_space<hbm>> -> memref<80xi32, #tpu.memory_space<hbm>>
          tpu.enqueue_dma source(%dma_start3A_293 : memref<80xi32, #tpu.memory_space<hbm>>) target(%dma_start3A_292 : memref<80xi32, #tpu.memory_space<vmem>>) target_semaphore(%arg16 : memref<!tpu.dma_semaphore, #tpu.memory_space<semaphore_mem>>)
        } else {
        }
        %dma_wait3A_250 = arith.constant 0 : i32
        %dma_wait3A_251 = arith.constant 0 : i32
        %dma_wait3A_252 = tpu.memref_slice %arg7[%dma_wait3A_250, %dma_wait3A_251] : memref<4x80xi32, #tpu.memory_space<vmem>> -> memref<1x80xi32, #tpu.memory_space<vmem>>
        %dma_wait3A_253 = tpu.memref_squeeze %dma_wait3A_252 : memref<1x80xi32, #tpu.memory_space<vmem>> -> memref<80xi32, #tpu.memory_space<vmem>>
        %dma_wait3A_254 = arith.constant 0 : i32
        %dma_wait3A_255 = arith.constant 0 : i32
        %dma_wait3A_256 = tpu.memref_slice %arg2[%dma_wait3A_254, %dma_wait3A_255] : memref<10240x128xf32, #tpu.memory_space<hbm>> -> memref<10240x128xf32, #tpu.memory_space<hbm>>
        tpu.wait_indirect_dma semaphore(%arg12 : memref<!tpu.dma_semaphore, #tpu.memory_space<semaphore_mem>>) src(%dma_wait3A_256 : memref<10240x128xf32, #tpu.memory_space<hbm>>) dst(%arg9 : memref<80x128xf32, #tpu.memory_space<vmem>>)
        %dma_start3A_257 = arith.constant 0 : i32
        %dma_start3A_258 = arith.constant 0 : i32
        %dma_start3A_259 = tpu.memref_slice %arg8[%dma_start3A_257, %dma_start3A_258] : memref<4x80xi32, #tpu.memory_space<vmem>> -> memref<1x80xi32, #tpu.memory_space<vmem>>
        %dma_start3A_260 = tpu.memref_squeeze %dma_start3A_259 : memref<1x80xi32, #tpu.memory_space<vmem>> -> memref<80xi32, #tpu.memory_space<vmem>>
        %dma_start3A_261 = arith.constant 0 : i32
        %dma_start3A_262 = arith.constant 0 : i32
        %dma_start3A_263 = tpu.memref_slice %arg11[%dma_start3A_261, %dma_start3A_262] : memref<10240x128xf32, #tpu.memory_space<vmem_shared>> -> memref<10240x128xf32, #tpu.memory_space<vmem_shared>>
        tpu.enqueue_indirect_dma source(%arg9 : memref<80x128xf32, #tpu.memory_space<vmem>>) target(%dma_start3A_263 : memref<10240x128xf32, #tpu.memory_space<vmem_shared>>) offsets(%dma_start3A_260 : memref<80xi32, #tpu.memory_space<vmem>>) semaphore(%arg14 : memref<!tpu.dma_semaphore, #tpu.memory_space<semaphore_mem>>) {add = true}
        %add3A_264 = arith.constant 2 : i32
        %add3A_265 = arith.addi %scan3A_156, %add3A_264 : i32
        %lt3A_266 = arith.constant 125 : i32
        %lt3A_267 = arith.cmpi slt, %add3A_265, %lt3A_266 : i32
        %convert_element_type3A_268 = arith.extui %lt3A_267 : i1 to i32
        %cond3A_269 = arith.constant 0 : i32
        %cond3A_270 = arith.cmpi ne, %convert_element_type3A_268, %cond3A_269 : i32
        scf.if %cond3A_270 {
          %add3A_271 = arith.constant 2 : i32
          %add3A_272 = arith.addi %scan3A_156, %add3A_271 : i32
          %mul3A_273 = arith.constant 80 : i32
          %mul3A_274 = arith.muli %add3A_272, %mul3A_273 : i32
          %add3A_275 = arith.addi %mul3A_34, %mul3A_274 : i32
          %dma_wait3A_276 = arith.constant 2 : i32
          %dma_wait3A_277 = arith.constant 0 : i32
          %dma_wait3A_278 = tpu.memref_slice %arg7[%dma_wait3A_276, %dma_wait3A_277] : memref<4x80xi32, #tpu.memory_space<vmem>> -> memref<1x80xi32, #tpu.memory_space<vmem>>
          %dma_wait3A_279 = tpu.memref_squeeze %dma_wait3A_278 : memref<1x80xi32, #tpu.memory_space<vmem>> -> memref<80xi32, #tpu.memory_space<vmem>>
          %dma_wait3A_280 = tpu.memref_slice %arg3[%add3A_275] : memref<320000xi32, #tpu.memory_space<hbm>> -> memref<80xi32, #tpu.memory_space<hbm>>
          %dma_wait3A_281 = arith.constant 0 : i32
          %dma_wait3A_282 = tpu.memref_slice %arg7[%dma_wait3A_276, %dma_wait3A_281] : memref<4x80xi32, #tpu.memory_space<vmem>> -> memref<1x80xi32, #tpu.memory_space<vmem>>
          %dma_wait3A_283 = tpu.memref_squeeze %dma_wait3A_282 : memref<1x80xi32, #tpu.memory_space<vmem>> -> memref<80xi32, #tpu.memory_space<vmem>>
          %dma_wait3A_284 = tpu.memref_slice %arg3[%add3A_275] : memref<320000xi32, #tpu.memory_space<hbm>> -> memref<80xi32, #tpu.memory_space<hbm>>
          tpu.wait_dma2 semaphore(%arg16 : memref<!tpu.dma_semaphore, #tpu.memory_space<semaphore_mem>>) src(%dma_wait3A_284 : memref<80xi32, #tpu.memory_space<hbm>>) dst(%dma_wait3A_283 : memref<80xi32, #tpu.memory_space<vmem>>)
          %dma_wait3A_285 = arith.constant 2 : i32
          %dma_wait3A_286 = arith.constant 0 : i32
          %dma_wait3A_287 = tpu.memref_slice %arg8[%dma_wait3A_285, %dma_wait3A_286] : memref<4x80xi32, #tpu.memory_space<vmem>> -> memref<1x80xi32, #tpu.memory_space<vmem>>
          %dma_wait3A_288 = tpu.memref_squeeze %dma_wait3A_287 : memref<1x80xi32, #tpu.memory_space<vmem>> -> memref<80xi32, #tpu.memory_space<vmem>>
          %dma_wait3A_289 = tpu.memref_slice %arg4[%add3A_275] : memref<320000xi32, #tpu.memory_space<hbm>> -> memref<80xi32, #tpu.memory_space<hbm>>
          %dma_wait3A_290 = arith.constant 0 : i32
          %dma_wait3A_291 = tpu.memref_slice %arg8[%dma_wait3A_285, %dma_wait3A_290] : memref<4x80xi32, #tpu.memory_space<vmem>> -> memref<1x80xi32, #tpu.memory_space<vmem>>
          %dma_wait3A_292 = tpu.memref_squeeze %dma_wait3A_291 : memref<1x80xi32, #tpu.memory_space<vmem>> -> memref<80xi32, #tpu.memory_space<vmem>>
          %dma_wait3A_293 = tpu.memref_slice %arg4[%add3A_275] : memref<320000xi32, #tpu.memory_space<hbm>> -> memref<80xi32, #tpu.memory_space<hbm>>
          tpu.wait_dma2 semaphore(%arg16 : memref<!tpu.dma_semaphore, #tpu.memory_space<semaphore_mem>>) src(%dma_wait3A_293 : memref<80xi32, #tpu.memory_space<hbm>>) dst(%dma_wait3A_292 : memref<80xi32, #tpu.memory_space<vmem>>)
        } else {
        }
      } else {
      }
      %jit3A_169 = arith.constant 4 : i32
      %eq3A_170 = arith.constant 0 : i32
      %eq3A_171 = arith.cmpi eq, %jit3A_169, %eq3A_170 : i32
      %jit3A_172 = arith.constant 1 : i32
      %select_n3A_173 = arith.select %eq3A_171, %jit3A_172, %jit3A_169 : i32
      %rem3A_174 = arith.remsi %scan3A_156, %select_n3A_173 : i32
      %ne3A_175 = arith.constant 0 : i32
      %ne3A_176 = arith.cmpi ne, %rem3A_174, %ne3A_175 : i32
      %lt3A_177 = arith.constant 0 : i32
      %lt3A_178 = arith.cmpi slt, %rem3A_174, %lt3A_177 : i32
      %lt3A_179 = arith.constant 0 : i32
      %lt3A_180 = arith.cmpi slt, %select_n3A_173, %lt3A_179 : i32
      %ne3A_181 = arith.xori %lt3A_178, %lt3A_180 : i1
      %and3A_182 = arith.andi %ne3A_181, %ne3A_176 : i1
      %add3A_183 = arith.addi %rem3A_174, %select_n3A_173 : i32
      %select_n3A_184 = arith.select %and3A_182, %add3A_183, %rem3A_174 : i32
      %eq3A_185 = arith.constant 1 : i32
      %eq3A_186 = arith.cmpi eq, %select_n3A_184, %eq3A_185 : i32
      %convert_element_type3A_187 = arith.extui %eq3A_186 : i1 to i32
      %cond3A_188 = arith.constant 0 : i32
      %cond3A_189 = arith.cmpi ne, %convert_element_type3A_187, %cond3A_188 : i32
      scf.if %cond3A_189 {
        %gt3A = arith.constant 0 : i32
        %gt3A_232 = arith.cmpi sgt, %scan3A_156, %gt3A : i32
        %convert_element_type3A_233 = arith.extui %gt3A_232 : i1 to i32
        %cond3A_234 = arith.constant 0 : i32
        %cond3A_235 = arith.cmpi ne, %convert_element_type3A_233, %cond3A_234 : i32
        scf.if %cond3A_235 {
          %dma_wait3A_271 = arith.constant 0 : i32
          %dma_wait3A_272 = arith.constant 0 : i32
          %dma_wait3A_273 = tpu.memref_slice %arg8[%dma_wait3A_271, %dma_wait3A_272] : memref<4x80xi32, #tpu.memory_space<vmem>> -> memref<1x80xi32, #tpu.memory_space<vmem>>
          %dma_wait3A_274 = tpu.memref_squeeze %dma_wait3A_273 : memref<1x80xi32, #tpu.memory_space<vmem>> -> memref<80xi32, #tpu.memory_space<vmem>>
          %dma_wait3A_275 = arith.constant 0 : i32
          %dma_wait3A_276 = arith.constant 0 : i32
          %dma_wait3A_277 = tpu.memref_slice %arg11[%dma_wait3A_275, %dma_wait3A_276] : memref<10240x128xf32, #tpu.memory_space<vmem_shared>> -> memref<10240x128xf32, #tpu.memory_space<vmem_shared>>
          tpu.wait_indirect_dma semaphore(%arg14 : memref<!tpu.dma_semaphore, #tpu.memory_space<semaphore_mem>>) src(%arg9 : memref<80x128xf32, #tpu.memory_space<vmem>>) dst(%dma_wait3A_277 : memref<10240x128xf32, #tpu.memory_space<vmem_shared>>)
        } else {
        }
        %dma_start3A_236 = arith.constant 2 : i32
        %dma_start3A_237 = arith.constant 0 : i32
        %dma_start3A_238 = tpu.memref_slice %arg7[%dma_start3A_236, %dma_start3A_237] : memref<4x80xi32, #tpu.memory_space<vmem>> -> memref<1x80xi32, #tpu.memory_space<vmem>>
        %dma_start3A_239 = tpu.memref_squeeze %dma_start3A_238 : memref<1x80xi32, #tpu.memory_space<vmem>> -> memref<80xi32, #tpu.memory_space<vmem>>
        %dma_start3A_240 = arith.constant 0 : i32
        %dma_start3A_241 = arith.constant 0 : i32
        %dma_start3A_242 = tpu.memref_slice %arg2[%dma_start3A_240, %dma_start3A_241] : memref<10240x128xf32, #tpu.memory_space<hbm>> -> memref<10240x128xf32, #tpu.memory_space<hbm>>
        tpu.enqueue_indirect_dma source(%dma_start3A_242 : memref<10240x128xf32, #tpu.memory_space<hbm>>) target(%arg9 : memref<80x128xf32, #tpu.memory_space<vmem>>) offsets(%dma_start3A_239 : memref<80xi32, #tpu.memory_space<vmem>>) semaphore(%arg12 : memref<!tpu.dma_semaphore, #tpu.memory_space<semaphore_mem>>)
        %add3A_243 = arith.constant 2 : i32
        %add3A_244 = arith.addi %scan3A_156, %add3A_243 : i32
        %lt3A_245 = arith.constant 125 : i32
        %lt3A_246 = arith.cmpi slt, %add3A_244, %lt3A_245 : i32
        %convert_element_type3A_247 = arith.extui %lt3A_246 : i1 to i32
        %cond3A_248 = arith.constant 0 : i32
        %cond3A_249 = arith.cmpi ne, %convert_element_type3A_247, %cond3A_248 : i32
        scf.if %cond3A_249 {
          %add3A_271 = arith.constant 2 : i32
          %add3A_272 = arith.addi %scan3A_156, %add3A_271 : i32
          %mul3A_273 = arith.constant 80 : i32
          %mul3A_274 = arith.muli %add3A_272, %mul3A_273 : i32
          %add3A_275 = arith.addi %mul3A_34, %mul3A_274 : i32
          %dma_start3A_276 = arith.constant 3 : i32
          %dma_start3A_277 = arith.constant 0 : i32
          %dma_start3A_278 = tpu.memref_slice %arg7[%dma_start3A_276, %dma_start3A_277] : memref<4x80xi32, #tpu.memory_space<vmem>> -> memref<1x80xi32, #tpu.memory_space<vmem>>
          %dma_start3A_279 = tpu.memref_squeeze %dma_start3A_278 : memref<1x80xi32, #tpu.memory_space<vmem>> -> memref<80xi32, #tpu.memory_space<vmem>>
          %dma_start3A_280 = tpu.memref_slice %arg3[%add3A_275] : memref<320000xi32, #tpu.memory_space<hbm>> -> memref<80xi32, #tpu.memory_space<hbm>>
          %dma_start3A_281 = arith.constant 0 : i32
          %dma_start3A_282 = tpu.memref_slice %arg7[%dma_start3A_276, %dma_start3A_281] : memref<4x80xi32, #tpu.memory_space<vmem>> -> memref<1x80xi32, #tpu.memory_space<vmem>>
          %dma_start3A_283 = tpu.memref_squeeze %dma_start3A_282 : memref<1x80xi32, #tpu.memory_space<vmem>> -> memref<80xi32, #tpu.memory_space<vmem>>
          %dma_start3A_284 = tpu.memref_slice %arg3[%add3A_275] : memref<320000xi32, #tpu.memory_space<hbm>> -> memref<80xi32, #tpu.memory_space<hbm>>
          tpu.enqueue_dma source(%dma_start3A_284 : memref<80xi32, #tpu.memory_space<hbm>>) target(%dma_start3A_283 : memref<80xi32, #tpu.memory_space<vmem>>) target_semaphore(%arg16 : memref<!tpu.dma_semaphore, #tpu.memory_space<semaphore_mem>>)
          %dma_start3A_285 = arith.constant 3 : i32
          %dma_start3A_286 = arith.constant 0 : i32
          %dma_start3A_287 = tpu.memref_slice %arg8[%dma_start3A_285, %dma_start3A_286] : memref<4x80xi32, #tpu.memory_space<vmem>> -> memref<1x80xi32, #tpu.memory_space<vmem>>
          %dma_start3A_288 = tpu.memref_squeeze %dma_start3A_287 : memref<1x80xi32, #tpu.memory_space<vmem>> -> memref<80xi32, #tpu.memory_space<vmem>>
          %dma_start3A_289 = tpu.memref_slice %arg4[%add3A_275] : memref<320000xi32, #tpu.memory_space<hbm>> -> memref<80xi32, #tpu.memory_space<hbm>>
          %dma_start3A_290 = arith.constant 0 : i32
          %dma_start3A_291 = tpu.memref_slice %arg8[%dma_start3A_285, %dma_start3A_290] : memref<4x80xi32, #tpu.memory_space<vmem>> -> memref<1x80xi32, #tpu.memory_space<vmem>>
          %dma_start3A_292 = tpu.memref_squeeze %dma_start3A_291 : memref<1x80xi32, #tpu.memory_space<vmem>> -> memref<80xi32, #tpu.memory_space<vmem>>
          %dma_start3A_293 = tpu.memref_slice %arg4[%add3A_275] : memref<320000xi32, #tpu.memory_space<hbm>> -> memref<80xi32, #tpu.memory_space<hbm>>
          tpu.enqueue_dma source(%dma_start3A_293 : memref<80xi32, #tpu.memory_space<hbm>>) target(%dma_start3A_292 : memref<80xi32, #tpu.memory_space<vmem>>) target_semaphore(%arg16 : memref<!tpu.dma_semaphore, #tpu.memory_space<semaphore_mem>>)
        } else {
        }
        %dma_wait3A_250 = arith.constant 1 : i32
        %dma_wait3A_251 = arith.constant 0 : i32
        %dma_wait3A_252 = tpu.memref_slice %arg7[%dma_wait3A_250, %dma_wait3A_251] : memref<4x80xi32, #tpu.memory_space<vmem>> -> memref<1x80xi32, #tpu.memory_space<vmem>>
        %dma_wait3A_253 = tpu.memref_squeeze %dma_wait3A_252 : memref<1x80xi32, #tpu.memory_space<vmem>> -> memref<80xi32, #tpu.memory_space<vmem>>
        %dma_wait3A_254 = arith.constant 0 : i32
        %dma_wait3A_255 = arith.constant 0 : i32
        %dma_wait3A_256 = tpu.memref_slice %arg2[%dma_wait3A_254, %dma_wait3A_255] : memref<10240x128xf32, #tpu.memory_space<hbm>> -> memref<10240x128xf32, #tpu.memory_space<hbm>>
        tpu.wait_indirect_dma semaphore(%arg13 : memref<!tpu.dma_semaphore, #tpu.memory_space<semaphore_mem>>) src(%dma_wait3A_256 : memref<10240x128xf32, #tpu.memory_space<hbm>>) dst(%arg10 : memref<80x128xf32, #tpu.memory_space<vmem>>)
        %dma_start3A_257 = arith.constant 1 : i32
        %dma_start3A_258 = arith.constant 0 : i32
        %dma_start3A_259 = tpu.memref_slice %arg8[%dma_start3A_257, %dma_start3A_258] : memref<4x80xi32, #tpu.memory_space<vmem>> -> memref<1x80xi32, #tpu.memory_space<vmem>>
        %dma_start3A_260 = tpu.memref_squeeze %dma_start3A_259 : memref<1x80xi32, #tpu.memory_space<vmem>> -> memref<80xi32, #tpu.memory_space<vmem>>
        %dma_start3A_261 = arith.constant 0 : i32
        %dma_start3A_262 = arith.constant 0 : i32
        %dma_start3A_263 = tpu.memref_slice %arg11[%dma_start3A_261, %dma_start3A_262] : memref<10240x128xf32, #tpu.memory_space<vmem_shared>> -> memref<10240x128xf32, #tpu.memory_space<vmem_shared>>
        tpu.enqueue_indirect_dma source(%arg10 : memref<80x128xf32, #tpu.memory_space<vmem>>) target(%dma_start3A_263 : memref<10240x128xf32, #tpu.memory_space<vmem_shared>>) offsets(%dma_start3A_260 : memref<80xi32, #tpu.memory_space<vmem>>) semaphore(%arg15 : memref<!tpu.dma_semaphore, #tpu.memory_space<semaphore_mem>>) {add = true}
        %add3A_264 = arith.constant 2 : i32
        %add3A_265 = arith.addi %scan3A_156, %add3A_264 : i32
        %lt3A_266 = arith.constant 125 : i32
        %lt3A_267 = arith.cmpi slt, %add3A_265, %lt3A_266 : i32
        %convert_element_type3A_268 = arith.extui %lt3A_267 : i1 to i32
        %cond3A_269 = arith.constant 0 : i32
        %cond3A_270 = arith.cmpi ne, %convert_element_type3A_268, %cond3A_269 : i32
        scf.if %cond3A_270 {
          %add3A_271 = arith.constant 2 : i32
          %add3A_272 = arith.addi %scan3A_156, %add3A_271 : i32
          %mul3A_273 = arith.constant 80 : i32
          %mul3A_274 = arith.muli %add3A_272, %mul3A_273 : i32
          %add3A_275 = arith.addi %mul3A_34, %mul3A_274 : i32
          %dma_wait3A_276 = arith.constant 3 : i32
          %dma_wait3A_277 = arith.constant 0 : i32
          %dma_wait3A_278 = tpu.memref_slice %arg7[%dma_wait3A_276, %dma_wait3A_277] : memref<4x80xi32, #tpu.memory_space<vmem>> -> memref<1x80xi32, #tpu.memory_space<vmem>>
          %dma_wait3A_279 = tpu.memref_squeeze %dma_wait3A_278 : memref<1x80xi32, #tpu.memory_space<vmem>> -> memref<80xi32, #tpu.memory_space<vmem>>
          %dma_wait3A_280 = tpu.memref_slice %arg3[%add3A_275] : memref<320000xi32, #tpu.memory_space<hbm>> -> memref<80xi32, #tpu.memory_space<hbm>>
          %dma_wait3A_281 = arith.constant 0 : i32
          %dma_wait3A_282 = tpu.memref_slice %arg7[%dma_wait3A_276, %dma_wait3A_281] : memref<4x80xi32, #tpu.memory_space<vmem>> -> memref<1x80xi32, #tpu.memory_space<vmem>>
          %dma_wait3A_283 = tpu.memref_squeeze %dma_wait3A_282 : memref<1x80xi32, #tpu.memory_space<vmem>> -> memref<80xi32, #tpu.memory_space<vmem>>
          %dma_wait3A_284 = tpu.memref_slice %arg3[%add3A_275] : memref<320000xi32, #tpu.memory_space<hbm>> -> memref<80xi32, #tpu.memory_space<hbm>>
          tpu.wait_dma2 semaphore(%arg16 : memref<!tpu.dma_semaphore, #tpu.memory_space<semaphore_mem>>) src(%dma_wait3A_284 : memref<80xi32, #tpu.memory_space<hbm>>) dst(%dma_wait3A_283 : memref<80xi32, #tpu.memory_space<vmem>>)
          %dma_wait3A_285 = arith.constant 3 : i32
          %dma_wait3A_286 = arith.constant 0 : i32
          %dma_wait3A_287 = tpu.memref_slice %arg8[%dma_wait3A_285, %dma_wait3A_286] : memref<4x80xi32, #tpu.memory_space<vmem>> -> memref<1x80xi32, #tpu.memory_space<vmem>>
          %dma_wait3A_288 = tpu.memref_squeeze %dma_wait3A_287 : memref<1x80xi32, #tpu.memory_space<vmem>> -> memref<80xi32, #tpu.memory_space<vmem>>
          %dma_wait3A_289 = tpu.memref_slice %arg4[%add3A_275] : memref<320000xi32, #tpu.memory_space<hbm>> -> memref<80xi32, #tpu.memory_space<hbm>>
          %dma_wait3A_290 = arith.constant 0 : i32
          %dma_wait3A_291 = tpu.memref_slice %arg8[%dma_wait3A_285, %dma_wait3A_290] : memref<4x80xi32, #tpu.memory_space<vmem>> -> memref<1x80xi32, #tpu.memory_space<vmem>>
          %dma_wait3A_292 = tpu.memref_squeeze %dma_wait3A_291 : memref<1x80xi32, #tpu.memory_space<vmem>> -> memref<80xi32, #tpu.memory_space<vmem>>
          %dma_wait3A_293 = tpu.memref_slice %arg4[%add3A_275] : memref<320000xi32, #tpu.memory_space<hbm>> -> memref<80xi32, #tpu.memory_space<hbm>>
          tpu.wait_dma2 semaphore(%arg16 : memref<!tpu.dma_semaphore, #tpu.memory_space<semaphore_mem>>) src(%dma_wait3A_293 : memref<80xi32, #tpu.memory_space<hbm>>) dst(%dma_wait3A_292 : memref<80xi32, #tpu.memory_space<vmem>>)
        } else {
        }
      } else {
      }
      %jit3A_190 = arith.constant 4 : i32
      %eq3A_191 = arith.constant 0 : i32
      %eq3A_192 = arith.cmpi eq, %jit3A_190, %eq3A_191 : i32
      %jit3A_193 = arith.constant 1 : i32
      %select_n3A_194 = arith.select %eq3A_192, %jit3A_193, %jit3A_190 : i32
      %rem3A_195 = arith.remsi %scan3A_156, %select_n3A_194 : i32
      %ne3A_196 = arith.constant 0 : i32
      %ne3A_197 = arith.cmpi ne, %rem3A_195, %ne3A_196 : i32
      %lt3A_198 = arith.constant 0 : i32
      %lt3A_199 = arith.cmpi slt, %rem3A_195, %lt3A_198 : i32
      %lt3A_200 = arith.constant 0 : i32
      %lt3A_201 = arith.cmpi slt, %select_n3A_194, %lt3A_200 : i32
      %ne3A_202 = arith.xori %lt3A_199, %lt3A_201 : i1
      %and3A_203 = arith.andi %ne3A_202, %ne3A_197 : i1
      %add3A_204 = arith.addi %rem3A_195, %select_n3A_194 : i32
      %select_n3A_205 = arith.select %and3A_203, %add3A_204, %rem3A_195 : i32
      %eq3A_206 = arith.constant 2 : i32
      %eq3A_207 = arith.cmpi eq, %select_n3A_205, %eq3A_206 : i32
      %convert_element_type3A_208 = arith.extui %eq3A_207 : i1 to i32
      %cond3A_209 = arith.constant 0 : i32
      %cond3A_210 = arith.cmpi ne, %convert_element_type3A_208, %cond3A_209 : i32
      scf.if %cond3A_210 {
        %gt3A = arith.constant 0 : i32
        %gt3A_232 = arith.cmpi sgt, %scan3A_156, %gt3A : i32
        %convert_element_type3A_233 = arith.extui %gt3A_232 : i1 to i32
        %cond3A_234 = arith.constant 0 : i32
        %cond3A_235 = arith.cmpi ne, %convert_element_type3A_233, %cond3A_234 : i32
        scf.if %cond3A_235 {
          %dma_wait3A_271 = arith.constant 1 : i32
          %dma_wait3A_272 = arith.constant 0 : i32
          %dma_wait3A_273 = tpu.memref_slice %arg8[%dma_wait3A_271, %dma_wait3A_272] : memref<4x80xi32, #tpu.memory_space<vmem>> -> memref<1x80xi32, #tpu.memory_space<vmem>>
          %dma_wait3A_274 = tpu.memref_squeeze %dma_wait3A_273 : memref<1x80xi32, #tpu.memory_space<vmem>> -> memref<80xi32, #tpu.memory_space<vmem>>
          %dma_wait3A_275 = arith.constant 0 : i32
          %dma_wait3A_276 = arith.constant 0 : i32
          %dma_wait3A_277 = tpu.memref_slice %arg11[%dma_wait3A_275, %dma_wait3A_276] : memref<10240x128xf32, #tpu.memory_space<vmem_shared>> -> memref<10240x128xf32, #tpu.memory_space<vmem_shared>>
          tpu.wait_indirect_dma semaphore(%arg15 : memref<!tpu.dma_semaphore, #tpu.memory_space<semaphore_mem>>) src(%arg10 : memref<80x128xf32, #tpu.memory_space<vmem>>) dst(%dma_wait3A_277 : memref<10240x128xf32, #tpu.memory_space<vmem_shared>>)
        } else {
        }
        %dma_start3A_236 = arith.constant 3 : i32
        %dma_start3A_237 = arith.constant 0 : i32
        %dma_start3A_238 = tpu.memref_slice %arg7[%dma_start3A_236, %dma_start3A_237] : memref<4x80xi32, #tpu.memory_space<vmem>> -> memref<1x80xi32, #tpu.memory_space<vmem>>
        %dma_start3A_239 = tpu.memref_squeeze %dma_start3A_238 : memref<1x80xi32, #tpu.memory_space<vmem>> -> memref<80xi32, #tpu.memory_space<vmem>>
        %dma_start3A_240 = arith.constant 0 : i32
        %dma_start3A_241 = arith.constant 0 : i32
        %dma_start3A_242 = tpu.memref_slice %arg2[%dma_start3A_240, %dma_start3A_241] : memref<10240x128xf32, #tpu.memory_space<hbm>> -> memref<10240x128xf32, #tpu.memory_space<hbm>>
        tpu.enqueue_indirect_dma source(%dma_start3A_242 : memref<10240x128xf32, #tpu.memory_space<hbm>>) target(%arg10 : memref<80x128xf32, #tpu.memory_space<vmem>>) offsets(%dma_start3A_239 : memref<80xi32, #tpu.memory_space<vmem>>) semaphore(%arg13 : memref<!tpu.dma_semaphore, #tpu.memory_space<semaphore_mem>>)
        %add3A_243 = arith.constant 2 : i32
        %add3A_244 = arith.addi %scan3A_156, %add3A_243 : i32
        %lt3A_245 = arith.constant 125 : i32
        %lt3A_246 = arith.cmpi slt, %add3A_244, %lt3A_245 : i32
        %convert_element_type3A_247 = arith.extui %lt3A_246 : i1 to i32
        %cond3A_248 = arith.constant 0 : i32
        %cond3A_249 = arith.cmpi ne, %convert_element_type3A_247, %cond3A_248 : i32
        scf.if %cond3A_249 {
          %add3A_271 = arith.constant 2 : i32
          %add3A_272 = arith.addi %scan3A_156, %add3A_271 : i32
          %mul3A_273 = arith.constant 80 : i32
          %mul3A_274 = arith.muli %add3A_272, %mul3A_273 : i32
          %add3A_275 = arith.addi %mul3A_34, %mul3A_274 : i32
          %dma_start3A_276 = arith.constant 0 : i32
          %dma_start3A_277 = arith.constant 0 : i32
          %dma_start3A_278 = tpu.memref_slice %arg7[%dma_start3A_276, %dma_start3A_277] : memref<4x80xi32, #tpu.memory_space<vmem>> -> memref<1x80xi32, #tpu.memory_space<vmem>>
          %dma_start3A_279 = tpu.memref_squeeze %dma_start3A_278 : memref<1x80xi32, #tpu.memory_space<vmem>> -> memref<80xi32, #tpu.memory_space<vmem>>
          %dma_start3A_280 = tpu.memref_slice %arg3[%add3A_275] : memref<320000xi32, #tpu.memory_space<hbm>> -> memref<80xi32, #tpu.memory_space<hbm>>
          %dma_start3A_281 = arith.constant 0 : i32
          %dma_start3A_282 = tpu.memref_slice %arg7[%dma_start3A_276, %dma_start3A_281] : memref<4x80xi32, #tpu.memory_space<vmem>> -> memref<1x80xi32, #tpu.memory_space<vmem>>
          %dma_start3A_283 = tpu.memref_squeeze %dma_start3A_282 : memref<1x80xi32, #tpu.memory_space<vmem>> -> memref<80xi32, #tpu.memory_space<vmem>>
          %dma_start3A_284 = tpu.memref_slice %arg3[%add3A_275] : memref<320000xi32, #tpu.memory_space<hbm>> -> memref<80xi32, #tpu.memory_space<hbm>>
          tpu.enqueue_dma source(%dma_start3A_284 : memref<80xi32, #tpu.memory_space<hbm>>) target(%dma_start3A_283 : memref<80xi32, #tpu.memory_space<vmem>>) target_semaphore(%arg16 : memref<!tpu.dma_semaphore, #tpu.memory_space<semaphore_mem>>)
          %dma_start3A_285 = arith.constant 0 : i32
          %dma_start3A_286 = arith.constant 0 : i32
          %dma_start3A_287 = tpu.memref_slice %arg8[%dma_start3A_285, %dma_start3A_286] : memref<4x80xi32, #tpu.memory_space<vmem>> -> memref<1x80xi32, #tpu.memory_space<vmem>>
          %dma_start3A_288 = tpu.memref_squeeze %dma_start3A_287 : memref<1x80xi32, #tpu.memory_space<vmem>> -> memref<80xi32, #tpu.memory_space<vmem>>
          %dma_start3A_289 = tpu.memref_slice %arg4[%add3A_275] : memref<320000xi32, #tpu.memory_space<hbm>> -> memref<80xi32, #tpu.memory_space<hbm>>
          %dma_start3A_290 = arith.constant 0 : i32
          %dma_start3A_291 = tpu.memref_slice %arg8[%dma_start3A_285, %dma_start3A_290] : memref<4x80xi32, #tpu.memory_space<vmem>> -> memref<1x80xi32, #tpu.memory_space<vmem>>
          %dma_start3A_292 = tpu.memref_squeeze %dma_start3A_291 : memref<1x80xi32, #tpu.memory_space<vmem>> -> memref<80xi32, #tpu.memory_space<vmem>>
          %dma_start3A_293 = tpu.memref_slice %arg4[%add3A_275] : memref<320000xi32, #tpu.memory_space<hbm>> -> memref<80xi32, #tpu.memory_space<hbm>>
          tpu.enqueue_dma source(%dma_start3A_293 : memref<80xi32, #tpu.memory_space<hbm>>) target(%dma_start3A_292 : memref<80xi32, #tpu.memory_space<vmem>>) target_semaphore(%arg16 : memref<!tpu.dma_semaphore, #tpu.memory_space<semaphore_mem>>)
        } else {
        }
        %dma_wait3A_250 = arith.constant 2 : i32
        %dma_wait3A_251 = arith.constant 0 : i32
        %dma_wait3A_252 = tpu.memref_slice %arg7[%dma_wait3A_250, %dma_wait3A_251] : memref<4x80xi32, #tpu.memory_space<vmem>> -> memref<1x80xi32, #tpu.memory_space<vmem>>
        %dma_wait3A_253 = tpu.memref_squeeze %dma_wait3A_252 : memref<1x80xi32, #tpu.memory_space<vmem>> -> memref<80xi32, #tpu.memory_space<vmem>>
        %dma_wait3A_254 = arith.constant 0 : i32
        %dma_wait3A_255 = arith.constant 0 : i32
        %dma_wait3A_256 = tpu.memref_slice %arg2[%dma_wait3A_254, %dma_wait3A_255] : memref<10240x128xf32, #tpu.memory_space<hbm>> -> memref<10240x128xf32, #tpu.memory_space<hbm>>
        tpu.wait_indirect_dma semaphore(%arg12 : memref<!tpu.dma_semaphore, #tpu.memory_space<semaphore_mem>>) src(%dma_wait3A_256 : memref<10240x128xf32, #tpu.memory_space<hbm>>) dst(%arg9 : memref<80x128xf32, #tpu.memory_space<vmem>>)
        %dma_start3A_257 = arith.constant 2 : i32
        %dma_start3A_258 = arith.constant 0 : i32
        %dma_start3A_259 = tpu.memref_slice %arg8[%dma_start3A_257, %dma_start3A_258] : memref<4x80xi32, #tpu.memory_space<vmem>> -> memref<1x80xi32, #tpu.memory_space<vmem>>
        %dma_start3A_260 = tpu.memref_squeeze %dma_start3A_259 : memref<1x80xi32, #tpu.memory_space<vmem>> -> memref<80xi32, #tpu.memory_space<vmem>>
        %dma_start3A_261 = arith.constant 0 : i32
        %dma_start3A_262 = arith.constant 0 : i32
        %dma_start3A_263 = tpu.memref_slice %arg11[%dma_start3A_261, %dma_start3A_262] : memref<10240x128xf32, #tpu.memory_space<vmem_shared>> -> memref<10240x128xf32, #tpu.memory_space<vmem_shared>>
        tpu.enqueue_indirect_dma source(%arg9 : memref<80x128xf32, #tpu.memory_space<vmem>>) target(%dma_start3A_263 : memref<10240x128xf32, #tpu.memory_space<vmem_shared>>) offsets(%dma_start3A_260 : memref<80xi32, #tpu.memory_space<vmem>>) semaphore(%arg14 : memref<!tpu.dma_semaphore, #tpu.memory_space<semaphore_mem>>) {add = true}
        %add3A_264 = arith.constant 2 : i32
        %add3A_265 = arith.addi %scan3A_156, %add3A_264 : i32
        %lt3A_266 = arith.constant 125 : i32
        %lt3A_267 = arith.cmpi slt, %add3A_265, %lt3A_266 : i32
        %convert_element_type3A_268 = arith.extui %lt3A_267 : i1 to i32
        %cond3A_269 = arith.constant 0 : i32
        %cond3A_270 = arith.cmpi ne, %convert_element_type3A_268, %cond3A_269 : i32
        scf.if %cond3A_270 {
          %add3A_271 = arith.constant 2 : i32
          %add3A_272 = arith.addi %scan3A_156, %add3A_271 : i32
          %mul3A_273 = arith.constant 80 : i32
          %mul3A_274 = arith.muli %add3A_272, %mul3A_273 : i32
          %add3A_275 = arith.addi %mul3A_34, %mul3A_274 : i32
          %dma_wait3A_276 = arith.constant 0 : i32
          %dma_wait3A_277 = arith.constant 0 : i32
          %dma_wait3A_278 = tpu.memref_slice %arg7[%dma_wait3A_276, %dma_wait3A_277] : memref<4x80xi32, #tpu.memory_space<vmem>> -> memref<1x80xi32, #tpu.memory_space<vmem>>
          %dma_wait3A_279 = tpu.memref_squeeze %dma_wait3A_278 : memref<1x80xi32, #tpu.memory_space<vmem>> -> memref<80xi32, #tpu.memory_space<vmem>>
          %dma_wait3A_280 = tpu.memref_slice %arg3[%add3A_275] : memref<320000xi32, #tpu.memory_space<hbm>> -> memref<80xi32, #tpu.memory_space<hbm>>
          %dma_wait3A_281 = arith.constant 0 : i32
          %dma_wait3A_282 = tpu.memref_slice %arg7[%dma_wait3A_276, %dma_wait3A_281] : memref<4x80xi32, #tpu.memory_space<vmem>> -> memref<1x80xi32, #tpu.memory_space<vmem>>
          %dma_wait3A_283 = tpu.memref_squeeze %dma_wait3A_282 : memref<1x80xi32, #tpu.memory_space<vmem>> -> memref<80xi32, #tpu.memory_space<vmem>>
          %dma_wait3A_284 = tpu.memref_slice %arg3[%add3A_275] : memref<320000xi32, #tpu.memory_space<hbm>> -> memref<80xi32, #tpu.memory_space<hbm>>
          tpu.wait_dma2 semaphore(%arg16 : memref<!tpu.dma_semaphore, #tpu.memory_space<semaphore_mem>>) src(%dma_wait3A_284 : memref<80xi32, #tpu.memory_space<hbm>>) dst(%dma_wait3A_283 : memref<80xi32, #tpu.memory_space<vmem>>)
          %dma_wait3A_285 = arith.constant 0 : i32
          %dma_wait3A_286 = arith.constant 0 : i32
          %dma_wait3A_287 = tpu.memref_slice %arg8[%dma_wait3A_285, %dma_wait3A_286] : memref<4x80xi32, #tpu.memory_space<vmem>> -> memref<1x80xi32, #tpu.memory_space<vmem>>
          %dma_wait3A_288 = tpu.memref_squeeze %dma_wait3A_287 : memref<1x80xi32, #tpu.memory_space<vmem>> -> memref<80xi32, #tpu.memory_space<vmem>>
          %dma_wait3A_289 = tpu.memref_slice %arg4[%add3A_275] : memref<320000xi32, #tpu.memory_space<hbm>> -> memref<80xi32, #tpu.memory_space<hbm>>
          %dma_wait3A_290 = arith.constant 0 : i32
          %dma_wait3A_291 = tpu.memref_slice %arg8[%dma_wait3A_285, %dma_wait3A_290] : memref<4x80xi32, #tpu.memory_space<vmem>> -> memref<1x80xi32, #tpu.memory_space<vmem>>
          %dma_wait3A_292 = tpu.memref_squeeze %dma_wait3A_291 : memref<1x80xi32, #tpu.memory_space<vmem>> -> memref<80xi32, #tpu.memory_space<vmem>>
          %dma_wait3A_293 = tpu.memref_slice %arg4[%add3A_275] : memref<320000xi32, #tpu.memory_space<hbm>> -> memref<80xi32, #tpu.memory_space<hbm>>
          tpu.wait_dma2 semaphore(%arg16 : memref<!tpu.dma_semaphore, #tpu.memory_space<semaphore_mem>>) src(%dma_wait3A_293 : memref<80xi32, #tpu.memory_space<hbm>>) dst(%dma_wait3A_292 : memref<80xi32, #tpu.memory_space<vmem>>)
        } else {
        }
      } else {
      }
      %jit3A_211 = arith.constant 4 : i32
      %eq3A_212 = arith.constant 0 : i32
      %eq3A_213 = arith.cmpi eq, %jit3A_211, %eq3A_212 : i32
      %jit3A_214 = arith.constant 1 : i32
      %select_n3A_215 = arith.select %eq3A_213, %jit3A_214, %jit3A_211 : i32
      %rem3A_216 = arith.remsi %scan3A_156, %select_n3A_215 : i32
      %ne3A_217 = arith.constant 0 : i32
      %ne3A_218 = arith.cmpi ne, %rem3A_216, %ne3A_217 : i32
      %lt3A_219 = arith.constant 0 : i32
      %lt3A_220 = arith.cmpi slt, %rem3A_216, %lt3A_219 : i32
      %lt3A_221 = arith.constant 0 : i32
      %lt3A_222 = arith.cmpi slt, %select_n3A_215, %lt3A_221 : i32
      %ne3A_223 = arith.xori %lt3A_220, %lt3A_222 : i1
      %and3A_224 = arith.andi %ne3A_223, %ne3A_218 : i1
      %add3A_225 = arith.addi %rem3A_216, %select_n3A_215 : i32
      %select_n3A_226 = arith.select %and3A_224, %add3A_225, %rem3A_216 : i32
      %eq3A_227 = arith.constant 3 : i32
      %eq3A_228 = arith.cmpi eq, %select_n3A_226, %eq3A_227 : i32
      %convert_element_type3A_229 = arith.extui %eq3A_228 : i1 to i32
      %cond3A_230 = arith.constant 0 : i32
      %cond3A_231 = arith.cmpi ne, %convert_element_type3A_229, %cond3A_230 : i32
      scf.if %cond3A_231 {
        %gt3A = arith.constant 0 : i32
        %gt3A_232 = arith.cmpi sgt, %scan3A_156, %gt3A : i32
        %convert_element_type3A_233 = arith.extui %gt3A_232 : i1 to i32
        %cond3A_234 = arith.constant 0 : i32
        %cond3A_235 = arith.cmpi ne, %convert_element_type3A_233, %cond3A_234 : i32
        scf.if %cond3A_235 {
          %dma_wait3A_271 = arith.constant 2 : i32
          %dma_wait3A_272 = arith.constant 0 : i32
          %dma_wait3A_273 = tpu.memref_slice %arg8[%dma_wait3A_271, %dma_wait3A_272] : memref<4x80xi32, #tpu.memory_space<vmem>> -> memref<1x80xi32, #tpu.memory_space<vmem>>
          %dma_wait3A_274 = tpu.memref_squeeze %dma_wait3A_273 : memref<1x80xi32, #tpu.memory_space<vmem>> -> memref<80xi32, #tpu.memory_space<vmem>>
          %dma_wait3A_275 = arith.constant 0 : i32
          %dma_wait3A_276 = arith.constant 0 : i32
          %dma_wait3A_277 = tpu.memref_slice %arg11[%dma_wait3A_275, %dma_wait3A_276] : memref<10240x128xf32, #tpu.memory_space<vmem_shared>> -> memref<10240x128xf32, #tpu.memory_space<vmem_shared>>
          tpu.wait_indirect_dma semaphore(%arg14 : memref<!tpu.dma_semaphore, #tpu.memory_space<semaphore_mem>>) src(%arg9 : memref<80x128xf32, #tpu.memory_space<vmem>>) dst(%dma_wait3A_277 : memref<10240x128xf32, #tpu.memory_space<vmem_shared>>)
        } else {
        }
        %dma_start3A_236 = arith.constant 0 : i32
        %dma_start3A_237 = arith.constant 0 : i32
        %dma_start3A_238 = tpu.memref_slice %arg7[%dma_start3A_236, %dma_start3A_237] : memref<4x80xi32, #tpu.memory_space<vmem>> -> memref<1x80xi32, #tpu.memory_space<vmem>>
        %dma_start3A_239 = tpu.memref_squeeze %dma_start3A_238 : memref<1x80xi32, #tpu.memory_space<vmem>> -> memref<80xi32, #tpu.memory_space<vmem>>
        %dma_start3A_240 = arith.constant 0 : i32
        %dma_start3A_241 = arith.constant 0 : i32
        %dma_start3A_242 = tpu.memref_slice %arg2[%dma_start3A_240, %dma_start3A_241] : memref<10240x128xf32, #tpu.memory_space<hbm>> -> memref<10240x128xf32, #tpu.memory_space<hbm>>
        tpu.enqueue_indirect_dma source(%dma_start3A_242 : memref<10240x128xf32, #tpu.memory_space<hbm>>) target(%arg9 : memref<80x128xf32, #tpu.memory_space<vmem>>) offsets(%dma_start3A_239 : memref<80xi32, #tpu.memory_space<vmem>>) semaphore(%arg12 : memref<!tpu.dma_semaphore, #tpu.memory_space<semaphore_mem>>)
        %add3A_243 = arith.constant 2 : i32
        %add3A_244 = arith.addi %scan3A_156, %add3A_243 : i32
        %lt3A_245 = arith.constant 125 : i32
        %lt3A_246 = arith.cmpi slt, %add3A_244, %lt3A_245 : i32
        %convert_element_type3A_247 = arith.extui %lt3A_246 : i1 to i32
        %cond3A_248 = arith.constant 0 : i32
        %cond3A_249 = arith.cmpi ne, %convert_element_type3A_247, %cond3A_248 : i32
        scf.if %cond3A_249 {
          %add3A_271 = arith.constant 2 : i32
          %add3A_272 = arith.addi %scan3A_156, %add3A_271 : i32
          %mul3A_273 = arith.constant 80 : i32
          %mul3A_274 = arith.muli %add3A_272, %mul3A_273 : i32
          %add3A_275 = arith.addi %mul3A_34, %mul3A_274 : i32
          %dma_start3A_276 = arith.constant 1 : i32
          %dma_start3A_277 = arith.constant 0 : i32
          %dma_start3A_278 = tpu.memref_slice %arg7[%dma_start3A_276, %dma_start3A_277] : memref<4x80xi32, #tpu.memory_space<vmem>> -> memref<1x80xi32, #tpu.memory_space<vmem>>
          %dma_start3A_279 = tpu.memref_squeeze %dma_start3A_278 : memref<1x80xi32, #tpu.memory_space<vmem>> -> memref<80xi32, #tpu.memory_space<vmem>>
          %dma_start3A_280 = tpu.memref_slice %arg3[%add3A_275] : memref<320000xi32, #tpu.memory_space<hbm>> -> memref<80xi32, #tpu.memory_space<hbm>>
          %dma_start3A_281 = arith.constant 0 : i32
          %dma_start3A_282 = tpu.memref_slice %arg7[%dma_start3A_276, %dma_start3A_281] : memref<4x80xi32, #tpu.memory_space<vmem>> -> memref<1x80xi32, #tpu.memory_space<vmem>>
          %dma_start3A_283 = tpu.memref_squeeze %dma_start3A_282 : memref<1x80xi32, #tpu.memory_space<vmem>> -> memref<80xi32, #tpu.memory_space<vmem>>
          %dma_start3A_284 = tpu.memref_slice %arg3[%add3A_275] : memref<320000xi32, #tpu.memory_space<hbm>> -> memref<80xi32, #tpu.memory_space<hbm>>
          tpu.enqueue_dma source(%dma_start3A_284 : memref<80xi32, #tpu.memory_space<hbm>>) target(%dma_start3A_283 : memref<80xi32, #tpu.memory_space<vmem>>) target_semaphore(%arg16 : memref<!tpu.dma_semaphore, #tpu.memory_space<semaphore_mem>>)
          %dma_start3A_285 = arith.constant 1 : i32
          %dma_start3A_286 = arith.constant 0 : i32
          %dma_start3A_287 = tpu.memref_slice %arg8[%dma_start3A_285, %dma_start3A_286] : memref<4x80xi32, #tpu.memory_space<vmem>> -> memref<1x80xi32, #tpu.memory_space<vmem>>
          %dma_start3A_288 = tpu.memref_squeeze %dma_start3A_287 : memref<1x80xi32, #tpu.memory_space<vmem>> -> memref<80xi32, #tpu.memory_space<vmem>>
          %dma_start3A_289 = tpu.memref_slice %arg4[%add3A_275] : memref<320000xi32, #tpu.memory_space<hbm>> -> memref<80xi32, #tpu.memory_space<hbm>>
          %dma_start3A_290 = arith.constant 0 : i32
          %dma_start3A_291 = tpu.memref_slice %arg8[%dma_start3A_285, %dma_start3A_290] : memref<4x80xi32, #tpu.memory_space<vmem>> -> memref<1x80xi32, #tpu.memory_space<vmem>>
          %dma_start3A_292 = tpu.memref_squeeze %dma_start3A_291 : memref<1x80xi32, #tpu.memory_space<vmem>> -> memref<80xi32, #tpu.memory_space<vmem>>
          %dma_start3A_293 = tpu.memref_slice %arg4[%add3A_275] : memref<320000xi32, #tpu.memory_space<hbm>> -> memref<80xi32, #tpu.memory_space<hbm>>
          tpu.enqueue_dma source(%dma_start3A_293 : memref<80xi32, #tpu.memory_space<hbm>>) target(%dma_start3A_292 : memref<80xi32, #tpu.memory_space<vmem>>) target_semaphore(%arg16 : memref<!tpu.dma_semaphore, #tpu.memory_space<semaphore_mem>>)
        } else {
        }
        %dma_wait3A_250 = arith.constant 3 : i32
        %dma_wait3A_251 = arith.constant 0 : i32
        %dma_wait3A_252 = tpu.memref_slice %arg7[%dma_wait3A_250, %dma_wait3A_251] : memref<4x80xi32, #tpu.memory_space<vmem>> -> memref<1x80xi32, #tpu.memory_space<vmem>>
        %dma_wait3A_253 = tpu.memref_squeeze %dma_wait3A_252 : memref<1x80xi32, #tpu.memory_space<vmem>> -> memref<80xi32, #tpu.memory_space<vmem>>
        %dma_wait3A_254 = arith.constant 0 : i32
        %dma_wait3A_255 = arith.constant 0 : i32
        %dma_wait3A_256 = tpu.memref_slice %arg2[%dma_wait3A_254, %dma_wait3A_255] : memref<10240x128xf32, #tpu.memory_space<hbm>> -> memref<10240x128xf32, #tpu.memory_space<hbm>>
        tpu.wait_indirect_dma semaphore(%arg13 : memref<!tpu.dma_semaphore, #tpu.memory_space<semaphore_mem>>) src(%dma_wait3A_256 : memref<10240x128xf32, #tpu.memory_space<hbm>>) dst(%arg10 : memref<80x128xf32, #tpu.memory_space<vmem>>)
        %dma_start3A_257 = arith.constant 3 : i32
        %dma_start3A_258 = arith.constant 0 : i32
        %dma_start3A_259 = tpu.memref_slice %arg8[%dma_start3A_257, %dma_start3A_258] : memref<4x80xi32, #tpu.memory_space<vmem>> -> memref<1x80xi32, #tpu.memory_space<vmem>>
        %dma_start3A_260 = tpu.memref_squeeze %dma_start3A_259 : memref<1x80xi32, #tpu.memory_space<vmem>> -> memref<80xi32, #tpu.memory_space<vmem>>
        %dma_start3A_261 = arith.constant 0 : i32
        %dma_start3A_262 = arith.constant 0 : i32
        %dma_start3A_263 = tpu.memref_slice %arg11[%dma_start3A_261, %dma_start3A_262] : memref<10240x128xf32, #tpu.memory_space<vmem_shared>> -> memref<10240x128xf32, #tpu.memory_space<vmem_shared>>
        tpu.enqueue_indirect_dma source(%arg10 : memref<80x128xf32, #tpu.memory_space<vmem>>) target(%dma_start3A_263 : memref<10240x128xf32, #tpu.memory_space<vmem_shared>>) offsets(%dma_start3A_260 : memref<80xi32, #tpu.memory_space<vmem>>) semaphore(%arg15 : memref<!tpu.dma_semaphore, #tpu.memory_space<semaphore_mem>>) {add = true}
        %add3A_264 = arith.constant 2 : i32
        %add3A_265 = arith.addi %scan3A_156, %add3A_264 : i32
        %lt3A_266 = arith.constant 125 : i32
        %lt3A_267 = arith.cmpi slt, %add3A_265, %lt3A_266 : i32
        %convert_element_type3A_268 = arith.extui %lt3A_267 : i1 to i32
        %cond3A_269 = arith.constant 0 : i32
        %cond3A_270 = arith.cmpi ne, %convert_element_type3A_268, %cond3A_269 : i32
        scf.if %cond3A_270 {
          %add3A_271 = arith.constant 2 : i32
          %add3A_272 = arith.addi %scan3A_156, %add3A_271 : i32
          %mul3A_273 = arith.constant 80 : i32
          %mul3A_274 = arith.muli %add3A_272, %mul3A_273 : i32
          %add3A_275 = arith.addi %mul3A_34, %mul3A_274 : i32
          %dma_wait3A_276 = arith.constant 1 : i32
          %dma_wait3A_277 = arith.constant 0 : i32
          %dma_wait3A_278 = tpu.memref_slice %arg7[%dma_wait3A_276, %dma_wait3A_277] : memref<4x80xi32, #tpu.memory_space<vmem>> -> memref<1x80xi32, #tpu.memory_space<vmem>>
          %dma_wait3A_279 = tpu.memref_squeeze %dma_wait3A_278 : memref<1x80xi32, #tpu.memory_space<vmem>> -> memref<80xi32, #tpu.memory_space<vmem>>
          %dma_wait3A_280 = tpu.memref_slice %arg3[%add3A_275] : memref<320000xi32, #tpu.memory_space<hbm>> -> memref<80xi32, #tpu.memory_space<hbm>>
          %dma_wait3A_281 = arith.constant 0 : i32
          %dma_wait3A_282 = tpu.memref_slice %arg7[%dma_wait3A_276, %dma_wait3A_281] : memref<4x80xi32, #tpu.memory_space<vmem>> -> memref<1x80xi32, #tpu.memory_space<vmem>>
          %dma_wait3A_283 = tpu.memref_squeeze %dma_wait3A_282 : memref<1x80xi32, #tpu.memory_space<vmem>> -> memref<80xi32, #tpu.memory_space<vmem>>
          %dma_wait3A_284 = tpu.memref_slice %arg3[%add3A_275] : memref<320000xi32, #tpu.memory_space<hbm>> -> memref<80xi32, #tpu.memory_space<hbm>>
          tpu.wait_dma2 semaphore(%arg16 : memref<!tpu.dma_semaphore, #tpu.memory_space<semaphore_mem>>) src(%dma_wait3A_284 : memref<80xi32, #tpu.memory_space<hbm>>) dst(%dma_wait3A_283 : memref<80xi32, #tpu.memory_space<vmem>>)
          %dma_wait3A_285 = arith.constant 1 : i32
          %dma_wait3A_286 = arith.constant 0 : i32
          %dma_wait3A_287 = tpu.memref_slice %arg8[%dma_wait3A_285, %dma_wait3A_286] : memref<4x80xi32, #tpu.memory_space<vmem>> -> memref<1x80xi32, #tpu.memory_space<vmem>>
          %dma_wait3A_288 = tpu.memref_squeeze %dma_wait3A_287 : memref<1x80xi32, #tpu.memory_space<vmem>> -> memref<80xi32, #tpu.memory_space<vmem>>
          %dma_wait3A_289 = tpu.memref_slice %arg4[%add3A_275] : memref<320000xi32, #tpu.memory_space<hbm>> -> memref<80xi32, #tpu.memory_space<hbm>>
          %dma_wait3A_290 = arith.constant 0 : i32
          %dma_wait3A_291 = tpu.memref_slice %arg8[%dma_wait3A_285, %dma_wait3A_290] : memref<4x80xi32, #tpu.memory_space<vmem>> -> memref<1x80xi32, #tpu.memory_space<vmem>>
          %dma_wait3A_292 = tpu.memref_squeeze %dma_wait3A_291 : memref<1x80xi32, #tpu.memory_space<vmem>> -> memref<80xi32, #tpu.memory_space<vmem>>
          %dma_wait3A_293 = tpu.memref_slice %arg4[%add3A_275] : memref<320000xi32, #tpu.memory_space<hbm>> -> memref<80xi32, #tpu.memory_space<hbm>>
          tpu.wait_dma2 semaphore(%arg16 : memref<!tpu.dma_semaphore, #tpu.memory_space<semaphore_mem>>) src(%dma_wait3A_293 : memref<80xi32, #tpu.memory_space<hbm>>) dst(%dma_wait3A_292 : memref<80xi32, #tpu.memory_space<vmem>>)
        } else {
        }
      } else {
      }
    }
    %scan3A_52 = arith.constant 124 : i32
    %dma_wait3A = arith.constant 3 : i32
    %dma_wait3A_53 = arith.constant 0 : i32
    %dma_wait3A_54 = tpu.memref_slice %arg8[%dma_wait3A, %dma_wait3A_53] : memref<4x80xi32, #tpu.memory_space<vmem>> -> memref<1x80xi32, #tpu.memory_space<vmem>>
    %dma_wait3A_55 = tpu.memref_squeeze %dma_wait3A_54 : memref<1x80xi32, #tpu.memory_space<vmem>> -> memref<80xi32, #tpu.memory_space<vmem>>
    %dma_wait3A_56 = arith.constant 0 : i32
    %dma_wait3A_57 = arith.constant 0 : i32
    %dma_wait3A_58 = tpu.memref_slice %arg11[%dma_wait3A_56, %dma_wait3A_57] : memref<10240x128xf32, #tpu.memory_space<vmem_shared>> -> memref<10240x128xf32, #tpu.memory_space<vmem_shared>>
    tpu.wait_indirect_dma semaphore(%arg15 : memref<!tpu.dma_semaphore, #tpu.memory_space<semaphore_mem>>) src(%arg10 : memref<80x128xf32, #tpu.memory_space<vmem>>) dst(%dma_wait3A_58 : memref<10240x128xf32, #tpu.memory_space<vmem_shared>>)
    %dma_wait3A_59 = arith.constant 0 : i32
    %dma_wait3A_60 = arith.constant 0 : i32
    %dma_wait3A_61 = tpu.memref_slice %arg7[%dma_wait3A_59, %dma_wait3A_60] : memref<4x80xi32, #tpu.memory_space<vmem>> -> memref<1x80xi32, #tpu.memory_space<vmem>>
    %dma_wait3A_62 = tpu.memref_squeeze %dma_wait3A_61 : memref<1x80xi32, #tpu.memory_space<vmem>> -> memref<80xi32, #tpu.memory_space<vmem>>
    %dma_wait3A_63 = arith.constant 0 : i32
    %dma_wait3A_64 = arith.constant 0 : i32
    %dma_wait3A_65 = tpu.memref_slice %arg2[%dma_wait3A_63, %dma_wait3A_64] : memref<10240x128xf32, #tpu.memory_space<hbm>> -> memref<10240x128xf32, #tpu.memory_space<hbm>>
    tpu.wait_indirect_dma semaphore(%arg12 : memref<!tpu.dma_semaphore, #tpu.memory_space<semaphore_mem>>) src(%dma_wait3A_65 : memref<10240x128xf32, #tpu.memory_space<hbm>>) dst(%arg9 : memref<80x128xf32, #tpu.memory_space<vmem>>)
    %run_scoped3A_66 = arith.constant 0 : i32
    "tpu.region"() ({
      %run_scoped3A_156 = tpu.sem_alloc : memref<!tpu.dma_semaphore, #tpu.memory_space<semaphore_mem>>
      %dma_start3A_157 = arith.constant 0 : i32
      %dma_start3A_158 = tpu.memref_slice %arg8[%run_scoped3A_66, %dma_start3A_157] : memref<4x80xi32, #tpu.memory_space<vmem>> -> memref<1x80xi32, #tpu.memory_space<vmem>>
      %dma_start3A_159 = tpu.memref_squeeze %dma_start3A_158 : memref<1x80xi32, #tpu.memory_space<vmem>> -> memref<80xi32, #tpu.memory_space<vmem>>
      %dma_start3A_160 = arith.constant 0 : i32
      %dma_start3A_161 = arith.constant 0 : i32
      %dma_start3A_162 = tpu.memref_slice %arg11[%dma_start3A_160, %dma_start3A_161] : memref<10240x128xf32, #tpu.memory_space<vmem_shared>> -> memref<10240x128xf32, #tpu.memory_space<vmem_shared>>
      tpu.enqueue_indirect_dma source(%arg9 : memref<80x128xf32, #tpu.memory_space<vmem>>) target(%dma_start3A_162 : memref<10240x128xf32, #tpu.memory_space<vmem_shared>>) offsets(%dma_start3A_159 : memref<80xi32, #tpu.memory_space<vmem>>) semaphore(%run_scoped3A_156 : memref<!tpu.dma_semaphore, #tpu.memory_space<semaphore_mem>>) {add = true}
      %dma_wait3A_163 = arith.constant 0 : i32
      %dma_wait3A_164 = tpu.memref_slice %arg8[%run_scoped3A_66, %dma_wait3A_163] : memref<4x80xi32, #tpu.memory_space<vmem>> -> memref<1x80xi32, #tpu.memory_space<vmem>>
      %dma_wait3A_165 = tpu.memref_squeeze %dma_wait3A_164 : memref<1x80xi32, #tpu.memory_space<vmem>> -> memref<80xi32, #tpu.memory_space<vmem>>
      %dma_wait3A_166 = arith.constant 0 : i32
      %dma_wait3A_167 = arith.constant 0 : i32
      %dma_wait3A_168 = tpu.memref_slice %arg11[%dma_wait3A_166, %dma_wait3A_167] : memref<10240x128xf32, #tpu.memory_space<vmem_shared>> -> memref<10240x128xf32, #tpu.memory_space<vmem_shared>>
      tpu.wait_indirect_dma semaphore(%run_scoped3A_156 : memref<!tpu.dma_semaphore, #tpu.memory_space<semaphore_mem>>) src(%arg9 : memref<80x128xf32, #tpu.memory_space<vmem>>) dst(%dma_wait3A_168 : memref<10240x128xf32, #tpu.memory_space<vmem_shared>>)
      tpu.yield
    }) : () -> ()
    %barrier3A_67 = arith.constant 0 : index
    tpu.barrier barrier_id(%barrier3A_67)
    %mul3A_68 = arith.constant 640 : i32
    %mul3A_69 = arith.muli %arg1, %mul3A_68 : i32
    %add3A_70 = arith.constant 0 : i32
    %add3A_71 = arith.addi %mul3A_69, %add3A_70 : i32
    "tpu.region"() ({
      %run_scoped3A_156 = tpu.sem_alloc : memref<!tpu.dma_semaphore, #tpu.memory_space<semaphore_mem>>
      %dma_start3A_157 = arith.constant 0 : i32
      %dma_start3A_158 = tpu.memref_slice %arg11[%add3A_71, %dma_start3A_157] : memref<10240x128xf32, #tpu.memory_space<vmem_shared>> -> memref<80x128xf32, #tpu.memory_space<vmem_shared>>
      %dma_start3A_159 = arith.constant 0 : i32
      %dma_start3A_160 = tpu.memref_slice %arg11[%add3A_71, %dma_start3A_159] : memref<10240x128xf32, #tpu.memory_space<vmem_shared>> -> memref<80x128xf32, #tpu.memory_space<vmem_shared>>
      tpu.enqueue_dma source(%dma_start3A_160 : memref<80x128xf32, #tpu.memory_space<vmem_shared>>) target(%arg9 : memref<80x128xf32, #tpu.memory_space<vmem>>) target_semaphore(%run_scoped3A_156 : memref<!tpu.dma_semaphore, #tpu.memory_space<semaphore_mem>>)
      %dma_wait3A_161 = arith.constant 0 : i32
      %dma_wait3A_162 = tpu.memref_slice %arg11[%add3A_71, %dma_wait3A_161] : memref<10240x128xf32, #tpu.memory_space<vmem_shared>> -> memref<80x128xf32, #tpu.memory_space<vmem_shared>>
      %dma_wait3A_163 = arith.constant 0 : i32
      %dma_wait3A_164 = tpu.memref_slice %arg11[%add3A_71, %dma_wait3A_163] : memref<10240x128xf32, #tpu.memory_space<vmem_shared>> -> memref<80x128xf32, #tpu.memory_space<vmem_shared>>
      tpu.wait_dma2 semaphore(%run_scoped3A_156 : memref<!tpu.dma_semaphore, #tpu.memory_space<semaphore_mem>>) src(%dma_wait3A_164 : memref<80x128xf32, #tpu.memory_space<vmem_shared>>) dst(%arg9 : memref<80x128xf32, #tpu.memory_space<vmem>>)
      tpu.yield
    }) : () -> ()
    %mul3A_72 = arith.constant 10240 : i32
    %mul3A_73 = arith.muli %arg0, %mul3A_72 : i32
    %mul3A_74 = arith.constant 640 : i32
    %mul3A_75 = arith.muli %arg1, %mul3A_74 : i32
    %add3A_76 = arith.addi %mul3A_73, %mul3A_75 : i32
    %add3A_77 = arith.constant 0 : i32
    %add3A_78 = arith.addi %add3A_76, %add3A_77 : i32
    "tpu.region"() ({
      %run_scoped3A_156 = tpu.sem_alloc : memref<!tpu.dma_semaphore, #tpu.memory_space<semaphore_mem>>
      %dma_start3A_157 = arith.constant 0 : i32
      %dma_start3A_158 = tpu.memref_slice %arg6[%add3A_78, %dma_start3A_157] : memref<20480x128xf32, #tpu.memory_space<hbm>> -> memref<80x128xf32, #tpu.memory_space<hbm>>
      %dma_start3A_159 = arith.constant 0 : i32
      %dma_start3A_160 = tpu.memref_slice %arg6[%add3A_78, %dma_start3A_159] : memref<20480x128xf32, #tpu.memory_space<hbm>> -> memref<80x128xf32, #tpu.memory_space<hbm>>
      tpu.enqueue_dma source(%arg9 : memref<80x128xf32, #tpu.memory_space<vmem>>) target(%dma_start3A_160 : memref<80x128xf32, #tpu.memory_space<hbm>>) target_semaphore(%run_scoped3A_156 : memref<!tpu.dma_semaphore, #tpu.memory_space<semaphore_mem>>)
      %dma_wait3A_161 = arith.constant 0 : i32
      %dma_wait3A_162 = tpu.memref_slice %arg6[%add3A_78, %dma_wait3A_161] : memref<20480x128xf32, #tpu.memory_space<hbm>> -> memref<80x128xf32, #tpu.memory_space<hbm>>
      %dma_wait3A_163 = arith.constant 0 : i32
      %dma_wait3A_164 = tpu.memref_slice %arg6[%add3A_78, %dma_wait3A_163] : memref<20480x128xf32, #tpu.memory_space<hbm>> -> memref<80x128xf32, #tpu.memory_space<hbm>>
      tpu.wait_dma2 semaphore(%run_scoped3A_156 : memref<!tpu.dma_semaphore, #tpu.memory_space<semaphore_mem>>) src(%arg9 : memref<80x128xf32, #tpu.memory_space<vmem>>) dst(%dma_wait3A_164 : memref<80x128xf32, #tpu.memory_space<hbm>>)
      tpu.yield
    }) : () -> ()
    %mul3A_79 = arith.constant 640 : i32
    %mul3A_80 = arith.muli %arg1, %mul3A_79 : i32
    %add3A_81 = arith.constant 80 : i32
    %add3A_82 = arith.addi %mul3A_80, %add3A_81 : i32
    "tpu.region"() ({
      %run_scoped3A_156 = tpu.sem_alloc : memref<!tpu.dma_semaphore, #tpu.memory_space<semaphore_mem>>
      %dma_start3A_157 = arith.constant 0 : i32
      %dma_start3A_158 = tpu.memref_slice %arg11[%add3A_82, %dma_start3A_157] : memref<10240x128xf32, #tpu.memory_space<vmem_shared>> -> memref<80x128xf32, #tpu.memory_space<vmem_shared>>
      %dma_start3A_159 = arith.constant 0 : i32
      %dma_start3A_160 = tpu.memref_slice %arg11[%add3A_82, %dma_start3A_159] : memref<10240x128xf32, #tpu.memory_space<vmem_shared>> -> memref<80x128xf32, #tpu.memory_space<vmem_shared>>
      tpu.enqueue_dma source(%dma_start3A_160 : memref<80x128xf32, #tpu.memory_space<vmem_shared>>) target(%arg9 : memref<80x128xf32, #tpu.memory_space<vmem>>) target_semaphore(%run_scoped3A_156 : memref<!tpu.dma_semaphore, #tpu.memory_space<semaphore_mem>>)
      %dma_wait3A_161 = arith.constant 0 : i32
      %dma_wait3A_162 = tpu.memref_slice %arg11[%add3A_82, %dma_wait3A_161] : memref<10240x128xf32, #tpu.memory_space<vmem_shared>> -> memref<80x128xf32, #tpu.memory_space<vmem_shared>>
      %dma_wait3A_163 = arith.constant 0 : i32
      %dma_wait3A_164 = tpu.memref_slice %arg11[%add3A_82, %dma_wait3A_163] : memref<10240x128xf32, #tpu.memory_space<vmem_shared>> -> memref<80x128xf32, #tpu.memory_space<vmem_shared>>
      tpu.wait_dma2 semaphore(%run_scoped3A_156 : memref<!tpu.dma_semaphore, #tpu.memory_space<semaphore_mem>>) src(%dma_wait3A_164 : memref<80x128xf32, #tpu.memory_space<vmem_shared>>) dst(%arg9 : memref<80x128xf32, #tpu.memory_space<vmem>>)
      tpu.yield
    }) : () -> ()
    %mul3A_83 = arith.constant 10240 : i32
    %mul3A_84 = arith.muli %arg0, %mul3A_83 : i32
    %mul3A_85 = arith.constant 640 : i32
    %mul3A_86 = arith.muli %arg1, %mul3A_85 : i32
    %add3A_87 = arith.addi %mul3A_84, %mul3A_86 : i32
    %add3A_88 = arith.constant 80 : i32
    %add3A_89 = arith.addi %add3A_87, %add3A_88 : i32
    "tpu.region"() ({
      %run_scoped3A_156 = tpu.sem_alloc : memref<!tpu.dma_semaphore, #tpu.memory_space<semaphore_mem>>
      %dma_start3A_157 = arith.constant 0 : i32
      %dma_start3A_158 = tpu.memref_slice %arg6[%add3A_89, %dma_start3A_157] : memref<20480x128xf32, #tpu.memory_space<hbm>> -> memref<80x128xf32, #tpu.memory_space<hbm>>
      %dma_start3A_159 = arith.constant 0 : i32
      %dma_start3A_160 = tpu.memref_slice %arg6[%add3A_89, %dma_start3A_159] : memref<20480x128xf32, #tpu.memory_space<hbm>> -> memref<80x128xf32, #tpu.memory_space<hbm>>
      tpu.enqueue_dma source(%arg9 : memref<80x128xf32, #tpu.memory_space<vmem>>) target(%dma_start3A_160 : memref<80x128xf32, #tpu.memory_space<hbm>>) target_semaphore(%run_scoped3A_156 : memref<!tpu.dma_semaphore, #tpu.memory_space<semaphore_mem>>)
      %dma_wait3A_161 = arith.constant 0 : i32
      %dma_wait3A_162 = tpu.memref_slice %arg6[%add3A_89, %dma_wait3A_161] : memref<20480x128xf32, #tpu.memory_space<hbm>> -> memref<80x128xf32, #tpu.memory_space<hbm>>
      %dma_wait3A_163 = arith.constant 0 : i32
      %dma_wait3A_164 = tpu.memref_slice %arg6[%add3A_89, %dma_wait3A_163] : memref<20480x128xf32, #tpu.memory_space<hbm>> -> memref<80x128xf32, #tpu.memory_space<hbm>>
      tpu.wait_dma2 semaphore(%run_scoped3A_156 : memref<!tpu.dma_semaphore, #tpu.memory_space<semaphore_mem>>) src(%arg9 : memref<80x128xf32, #tpu.memory_space<vmem>>) dst(%dma_wait3A_164 : memref<80x128xf32, #tpu.memory_space<hbm>>)
      tpu.yield
    }) : () -> ()
    %mul3A_90 = arith.constant 640 : i32
    %mul3A_91 = arith.muli %arg1, %mul3A_90 : i32
    %add3A_92 = arith.constant 160 : i32
    %add3A_93 = arith.addi %mul3A_91, %add3A_92 : i32
    "tpu.region"() ({
      %run_scoped3A_156 = tpu.sem_alloc : memref<!tpu.dma_semaphore, #tpu.memory_space<semaphore_mem>>
      %dma_start3A_157 = arith.constant 0 : i32
      %dma_start3A_158 = tpu.memref_slice %arg11[%add3A_93, %dma_start3A_157] : memref<10240x128xf32, #tpu.memory_space<vmem_shared>> -> memref<80x128xf32, #tpu.memory_space<vmem_shared>>
      %dma_start3A_159 = arith.constant 0 : i32
      %dma_start3A_160 = tpu.memref_slice %arg11[%add3A_93, %dma_start3A_159] : memref<10240x128xf32, #tpu.memory_space<vmem_shared>> -> memref<80x128xf32, #tpu.memory_space<vmem_shared>>
      tpu.enqueue_dma source(%dma_start3A_160 : memref<80x128xf32, #tpu.memory_space<vmem_shared>>) target(%arg9 : memref<80x128xf32, #tpu.memory_space<vmem>>) target_semaphore(%run_scoped3A_156 : memref<!tpu.dma_semaphore, #tpu.memory_space<semaphore_mem>>)
      %dma_wait3A_161 = arith.constant 0 : i32
      %dma_wait3A_162 = tpu.memref_slice %arg11[%add3A_93, %dma_wait3A_161] : memref<10240x128xf32, #tpu.memory_space<vmem_shared>> -> memref<80x128xf32, #tpu.memory_space<vmem_shared>>
      %dma_wait3A_163 = arith.constant 0 : i32
      %dma_wait3A_164 = tpu.memref_slice %arg11[%add3A_93, %dma_wait3A_163] : memref<10240x128xf32, #tpu.memory_space<vmem_shared>> -> memref<80x128xf32, #tpu.memory_space<vmem_shared>>
      tpu.wait_dma2 semaphore(%run_scoped3A_156 : memref<!tpu.dma_semaphore, #tpu.memory_space<semaphore_mem>>) src(%dma_wait3A_164 : memref<80x128xf32, #tpu.memory_space<vmem_shared>>) dst(%arg9 : memref<80x128xf32, #tpu.memory_space<vmem>>)
      tpu.yield
    }) : () -> ()
    %mul3A_94 = arith.constant 10240 : i32
    %mul3A_95 = arith.muli %arg0, %mul3A_94 : i32
    %mul3A_96 = arith.constant 640 : i32
    %mul3A_97 = arith.muli %arg1, %mul3A_96 : i32
    %add3A_98 = arith.addi %mul3A_95, %mul3A_97 : i32
    %add3A_99 = arith.constant 160 : i32
    %add3A_100 = arith.addi %add3A_98, %add3A_99 : i32
    "tpu.region"() ({
      %run_scoped3A_156 = tpu.sem_alloc : memref<!tpu.dma_semaphore, #tpu.memory_space<semaphore_mem>>
      %dma_start3A_157 = arith.constant 0 : i32
      %dma_start3A_158 = tpu.memref_slice %arg6[%add3A_100, %dma_start3A_157] : memref<20480x128xf32, #tpu.memory_space<hbm>> -> memref<80x128xf32, #tpu.memory_space<hbm>>
      %dma_start3A_159 = arith.constant 0 : i32
      %dma_start3A_160 = tpu.memref_slice %arg6[%add3A_100, %dma_start3A_159] : memref<20480x128xf32, #tpu.memory_space<hbm>> -> memref<80x128xf32, #tpu.memory_space<hbm>>
      tpu.enqueue_dma source(%arg9 : memref<80x128xf32, #tpu.memory_space<vmem>>) target(%dma_start3A_160 : memref<80x128xf32, #tpu.memory_space<hbm>>) target_semaphore(%run_scoped3A_156 : memref<!tpu.dma_semaphore, #tpu.memory_space<semaphore_mem>>)
      %dma_wait3A_161 = arith.constant 0 : i32
      %dma_wait3A_162 = tpu.memref_slice %arg6[%add3A_100, %dma_wait3A_161] : memref<20480x128xf32, #tpu.memory_space<hbm>> -> memref<80x128xf32, #tpu.memory_space<hbm>>
      %dma_wait3A_163 = arith.constant 0 : i32
      %dma_wait3A_164 = tpu.memref_slice %arg6[%add3A_100, %dma_wait3A_163] : memref<20480x128xf32, #tpu.memory_space<hbm>> -> memref<80x128xf32, #tpu.memory_space<hbm>>
      tpu.wait_dma2 semaphore(%run_scoped3A_156 : memref<!tpu.dma_semaphore, #tpu.memory_space<semaphore_mem>>) src(%arg9 : memref<80x128xf32, #tpu.memory_space<vmem>>) dst(%dma_wait3A_164 : memref<80x128xf32, #tpu.memory_space<hbm>>)
      tpu.yield
    }) : () -> ()
    %mul3A_101 = arith.constant 640 : i32
    %mul3A_102 = arith.muli %arg1, %mul3A_101 : i32
    %add3A_103 = arith.constant 240 : i32
    %add3A_104 = arith.addi %mul3A_102, %add3A_103 : i32
    "tpu.region"() ({
      %run_scoped3A_156 = tpu.sem_alloc : memref<!tpu.dma_semaphore, #tpu.memory_space<semaphore_mem>>
      %dma_start3A_157 = arith.constant 0 : i32
      %dma_start3A_158 = tpu.memref_slice %arg11[%add3A_104, %dma_start3A_157] : memref<10240x128xf32, #tpu.memory_space<vmem_shared>> -> memref<80x128xf32, #tpu.memory_space<vmem_shared>>
      %dma_start3A_159 = arith.constant 0 : i32
      %dma_start3A_160 = tpu.memref_slice %arg11[%add3A_104, %dma_start3A_159] : memref<10240x128xf32, #tpu.memory_space<vmem_shared>> -> memref<80x128xf32, #tpu.memory_space<vmem_shared>>
      tpu.enqueue_dma source(%dma_start3A_160 : memref<80x128xf32, #tpu.memory_space<vmem_shared>>) target(%arg9 : memref<80x128xf32, #tpu.memory_space<vmem>>) target_semaphore(%run_scoped3A_156 : memref<!tpu.dma_semaphore, #tpu.memory_space<semaphore_mem>>)
      %dma_wait3A_161 = arith.constant 0 : i32
      %dma_wait3A_162 = tpu.memref_slice %arg11[%add3A_104, %dma_wait3A_161] : memref<10240x128xf32, #tpu.memory_space<vmem_shared>> -> memref<80x128xf32, #tpu.memory_space<vmem_shared>>
      %dma_wait3A_163 = arith.constant 0 : i32
      %dma_wait3A_164 = tpu.memref_slice %arg11[%add3A_104, %dma_wait3A_163] : memref<10240x128xf32, #tpu.memory_space<vmem_shared>> -> memref<80x128xf32, #tpu.memory_space<vmem_shared>>
      tpu.wait_dma2 semaphore(%run_scoped3A_156 : memref<!tpu.dma_semaphore, #tpu.memory_space<semaphore_mem>>) src(%dma_wait3A_164 : memref<80x128xf32, #tpu.memory_space<vmem_shared>>) dst(%arg9 : memref<80x128xf32, #tpu.memory_space<vmem>>)
      tpu.yield
    }) : () -> ()
    %mul3A_105 = arith.constant 10240 : i32
    %mul3A_106 = arith.muli %arg0, %mul3A_105 : i32
    %mul3A_107 = arith.constant 640 : i32
    %mul3A_108 = arith.muli %arg1, %mul3A_107 : i32
    %add3A_109 = arith.addi %mul3A_106, %mul3A_108 : i32
    %add3A_110 = arith.constant 240 : i32
    %add3A_111 = arith.addi %add3A_109, %add3A_110 : i32
    "tpu.region"() ({
      %run_scoped3A_156 = tpu.sem_alloc : memref<!tpu.dma_semaphore, #tpu.memory_space<semaphore_mem>>
      %dma_start3A_157 = arith.constant 0 : i32
      %dma_start3A_158 = tpu.memref_slice %arg6[%add3A_111, %dma_start3A_157] : memref<20480x128xf32, #tpu.memory_space<hbm>> -> memref<80x128xf32, #tpu.memory_space<hbm>>
      %dma_start3A_159 = arith.constant 0 : i32
      %dma_start3A_160 = tpu.memref_slice %arg6[%add3A_111, %dma_start3A_159] : memref<20480x128xf32, #tpu.memory_space<hbm>> -> memref<80x128xf32, #tpu.memory_space<hbm>>
      tpu.enqueue_dma source(%arg9 : memref<80x128xf32, #tpu.memory_space<vmem>>) target(%dma_start3A_160 : memref<80x128xf32, #tpu.memory_space<hbm>>) target_semaphore(%run_scoped3A_156 : memref<!tpu.dma_semaphore, #tpu.memory_space<semaphore_mem>>)
      %dma_wait3A_161 = arith.constant 0 : i32
      %dma_wait3A_162 = tpu.memref_slice %arg6[%add3A_111, %dma_wait3A_161] : memref<20480x128xf32, #tpu.memory_space<hbm>> -> memref<80x128xf32, #tpu.memory_space<hbm>>
      %dma_wait3A_163 = arith.constant 0 : i32
      %dma_wait3A_164 = tpu.memref_slice %arg6[%add3A_111, %dma_wait3A_163] : memref<20480x128xf32, #tpu.memory_space<hbm>> -> memref<80x128xf32, #tpu.memory_space<hbm>>
      tpu.wait_dma2 semaphore(%run_scoped3A_156 : memref<!tpu.dma_semaphore, #tpu.memory_space<semaphore_mem>>) src(%arg9 : memref<80x128xf32, #tpu.memory_space<vmem>>) dst(%dma_wait3A_164 : memref<80x128xf32, #tpu.memory_space<hbm>>)
      tpu.yield
    }) : () -> ()
    %mul3A_112 = arith.constant 640 : i32
    %mul3A_113 = arith.muli %arg1, %mul3A_112 : i32
    %add3A_114 = arith.constant 320 : i32
    %add3A_115 = arith.addi %mul3A_113, %add3A_114 : i32
    "tpu.region"() ({
      %run_scoped3A_156 = tpu.sem_alloc : memref<!tpu.dma_semaphore, #tpu.memory_space<semaphore_mem>>
      %dma_start3A_157 = arith.constant 0 : i32
      %dma_start3A_158 = tpu.memref_slice %arg11[%add3A_115, %dma_start3A_157] : memref<10240x128xf32, #tpu.memory_space<vmem_shared>> -> memref<80x128xf32, #tpu.memory_space<vmem_shared>>
      %dma_start3A_159 = arith.constant 0 : i32
      %dma_start3A_160 = tpu.memref_slice %arg11[%add3A_115, %dma_start3A_159] : memref<10240x128xf32, #tpu.memory_space<vmem_shared>> -> memref<80x128xf32, #tpu.memory_space<vmem_shared>>
      tpu.enqueue_dma source(%dma_start3A_160 : memref<80x128xf32, #tpu.memory_space<vmem_shared>>) target(%arg9 : memref<80x128xf32, #tpu.memory_space<vmem>>) target_semaphore(%run_scoped3A_156 : memref<!tpu.dma_semaphore, #tpu.memory_space<semaphore_mem>>)
      %dma_wait3A_161 = arith.constant 0 : i32
      %dma_wait3A_162 = tpu.memref_slice %arg11[%add3A_115, %dma_wait3A_161] : memref<10240x128xf32, #tpu.memory_space<vmem_shared>> -> memref<80x128xf32, #tpu.memory_space<vmem_shared>>
      %dma_wait3A_163 = arith.constant 0 : i32
      %dma_wait3A_164 = tpu.memref_slice %arg11[%add3A_115, %dma_wait3A_163] : memref<10240x128xf32, #tpu.memory_space<vmem_shared>> -> memref<80x128xf32, #tpu.memory_space<vmem_shared>>
      tpu.wait_dma2 semaphore(%run_scoped3A_156 : memref<!tpu.dma_semaphore, #tpu.memory_space<semaphore_mem>>) src(%dma_wait3A_164 : memref<80x128xf32, #tpu.memory_space<vmem_shared>>) dst(%arg9 : memref<80x128xf32, #tpu.memory_space<vmem>>)
      tpu.yield
    }) : () -> ()
    %mul3A_116 = arith.constant 10240 : i32
    %mul3A_117 = arith.muli %arg0, %mul3A_116 : i32
    %mul3A_118 = arith.constant 640 : i32
    %mul3A_119 = arith.muli %arg1, %mul3A_118 : i32
    %add3A_120 = arith.addi %mul3A_117, %mul3A_119 : i32
    %add3A_121 = arith.constant 320 : i32
    %add3A_122 = arith.addi %add3A_120, %add3A_121 : i32
    "tpu.region"() ({
      %run_scoped3A_156 = tpu.sem_alloc : memref<!tpu.dma_semaphore, #tpu.memory_space<semaphore_mem>>
      %dma_start3A_157 = arith.constant 0 : i32
      %dma_start3A_158 = tpu.memref_slice %arg6[%add3A_122, %dma_start3A_157] : memref<20480x128xf32, #tpu.memory_space<hbm>> -> memref<80x128xf32, #tpu.memory_space<hbm>>
      %dma_start3A_159 = arith.constant 0 : i32
      %dma_start3A_160 = tpu.memref_slice %arg6[%add3A_122, %dma_start3A_159] : memref<20480x128xf32, #tpu.memory_space<hbm>> -> memref<80x128xf32, #tpu.memory_space<hbm>>
      tpu.enqueue_dma source(%arg9 : memref<80x128xf32, #tpu.memory_space<vmem>>) target(%dma_start3A_160 : memref<80x128xf32, #tpu.memory_space<hbm>>) target_semaphore(%run_scoped3A_156 : memref<!tpu.dma_semaphore, #tpu.memory_space<semaphore_mem>>)
      %dma_wait3A_161 = arith.constant 0 : i32
      %dma_wait3A_162 = tpu.memref_slice %arg6[%add3A_122, %dma_wait3A_161] : memref<20480x128xf32, #tpu.memory_space<hbm>> -> memref<80x128xf32, #tpu.memory_space<hbm>>
      %dma_wait3A_163 = arith.constant 0 : i32
      %dma_wait3A_164 = tpu.memref_slice %arg6[%add3A_122, %dma_wait3A_163] : memref<20480x128xf32, #tpu.memory_space<hbm>> -> memref<80x128xf32, #tpu.memory_space<hbm>>
      tpu.wait_dma2 semaphore(%run_scoped3A_156 : memref<!tpu.dma_semaphore, #tpu.memory_space<semaphore_mem>>) src(%arg9 : memref<80x128xf32, #tpu.memory_space<vmem>>) dst(%dma_wait3A_164 : memref<80x128xf32, #tpu.memory_space<hbm>>)
      tpu.yield
    }) : () -> ()
    %mul3A_123 = arith.constant 640 : i32
    %mul3A_124 = arith.muli %arg1, %mul3A_123 : i32
    %add3A_125 = arith.constant 400 : i32
    %add3A_126 = arith.addi %mul3A_124, %add3A_125 : i32
    "tpu.region"() ({
      %run_scoped3A_156 = tpu.sem_alloc : memref<!tpu.dma_semaphore, #tpu.memory_space<semaphore_mem>>
      %dma_start3A_157 = arith.constant 0 : i32
      %dma_start3A_158 = tpu.memref_slice %arg11[%add3A_126, %dma_start3A_157] : memref<10240x128xf32, #tpu.memory_space<vmem_shared>> -> memref<80x128xf32, #tpu.memory_space<vmem_shared>>
      %dma_start3A_159 = arith.constant 0 : i32
      %dma_start3A_160 = tpu.memref_slice %arg11[%add3A_126, %dma_start3A_159] : memref<10240x128xf32, #tpu.memory_space<vmem_shared>> -> memref<80x128xf32, #tpu.memory_space<vmem_shared>>
      tpu.enqueue_dma source(%dma_start3A_160 : memref<80x128xf32, #tpu.memory_space<vmem_shared>>) target(%arg9 : memref<80x128xf32, #tpu.memory_space<vmem>>) target_semaphore(%run_scoped3A_156 : memref<!tpu.dma_semaphore, #tpu.memory_space<semaphore_mem>>)
      %dma_wait3A_161 = arith.constant 0 : i32
      %dma_wait3A_162 = tpu.memref_slice %arg11[%add3A_126, %dma_wait3A_161] : memref<10240x128xf32, #tpu.memory_space<vmem_shared>> -> memref<80x128xf32, #tpu.memory_space<vmem_shared>>
      %dma_wait3A_163 = arith.constant 0 : i32
      %dma_wait3A_164 = tpu.memref_slice %arg11[%add3A_126, %dma_wait3A_163] : memref<10240x128xf32, #tpu.memory_space<vmem_shared>> -> memref<80x128xf32, #tpu.memory_space<vmem_shared>>
      tpu.wait_dma2 semaphore(%run_scoped3A_156 : memref<!tpu.dma_semaphore, #tpu.memory_space<semaphore_mem>>) src(%dma_wait3A_164 : memref<80x128xf32, #tpu.memory_space<vmem_shared>>) dst(%arg9 : memref<80x128xf32, #tpu.memory_space<vmem>>)
      tpu.yield
    }) : () -> ()
    %mul3A_127 = arith.constant 10240 : i32
    %mul3A_128 = arith.muli %arg0, %mul3A_127 : i32
    %mul3A_129 = arith.constant 640 : i32
    %mul3A_130 = arith.muli %arg1, %mul3A_129 : i32
    %add3A_131 = arith.addi %mul3A_128, %mul3A_130 : i32
    %add3A_132 = arith.constant 400 : i32
    %add3A_133 = arith.addi %add3A_131, %add3A_132 : i32
    "tpu.region"() ({
      %run_scoped3A_156 = tpu.sem_alloc : memref<!tpu.dma_semaphore, #tpu.memory_space<semaphore_mem>>
      %dma_start3A_157 = arith.constant 0 : i32
      %dma_start3A_158 = tpu.memref_slice %arg6[%add3A_133, %dma_start3A_157] : memref<20480x128xf32, #tpu.memory_space<hbm>> -> memref<80x128xf32, #tpu.memory_space<hbm>>
      %dma_start3A_159 = arith.constant 0 : i32
      %dma_start3A_160 = tpu.memref_slice %arg6[%add3A_133, %dma_start3A_159] : memref<20480x128xf32, #tpu.memory_space<hbm>> -> memref<80x128xf32, #tpu.memory_space<hbm>>
      tpu.enqueue_dma source(%arg9 : memref<80x128xf32, #tpu.memory_space<vmem>>) target(%dma_start3A_160 : memref<80x128xf32, #tpu.memory_space<hbm>>) target_semaphore(%run_scoped3A_156 : memref<!tpu.dma_semaphore, #tpu.memory_space<semaphore_mem>>)
      %dma_wait3A_161 = arith.constant 0 : i32
      %dma_wait3A_162 = tpu.memref_slice %arg6[%add3A_133, %dma_wait3A_161] : memref<20480x128xf32, #tpu.memory_space<hbm>> -> memref<80x128xf32, #tpu.memory_space<hbm>>
      %dma_wait3A_163 = arith.constant 0 : i32
      %dma_wait3A_164 = tpu.memref_slice %arg6[%add3A_133, %dma_wait3A_163] : memref<20480x128xf32, #tpu.memory_space<hbm>> -> memref<80x128xf32, #tpu.memory_space<hbm>>
      tpu.wait_dma2 semaphore(%run_scoped3A_156 : memref<!tpu.dma_semaphore, #tpu.memory_space<semaphore_mem>>) src(%arg9 : memref<80x128xf32, #tpu.memory_space<vmem>>) dst(%dma_wait3A_164 : memref<80x128xf32, #tpu.memory_space<hbm>>)
      tpu.yield
    }) : () -> ()
    %mul3A_134 = arith.constant 640 : i32
    %mul3A_135 = arith.muli %arg1, %mul3A_134 : i32
    %add3A_136 = arith.constant 480 : i32
    %add3A_137 = arith.addi %mul3A_135, %add3A_136 : i32
    "tpu.region"() ({
      %run_scoped3A_156 = tpu.sem_alloc : memref<!tpu.dma_semaphore, #tpu.memory_space<semaphore_mem>>
      %dma_start3A_157 = arith.constant 0 : i32
      %dma_start3A_158 = tpu.memref_slice %arg11[%add3A_137, %dma_start3A_157] : memref<10240x128xf32, #tpu.memory_space<vmem_shared>> -> memref<80x128xf32, #tpu.memory_space<vmem_shared>>
      %dma_start3A_159 = arith.constant 0 : i32
      %dma_start3A_160 = tpu.memref_slice %arg11[%add3A_137, %dma_start3A_159] : memref<10240x128xf32, #tpu.memory_space<vmem_shared>> -> memref<80x128xf32, #tpu.memory_space<vmem_shared>>
      tpu.enqueue_dma source(%dma_start3A_160 : memref<80x128xf32, #tpu.memory_space<vmem_shared>>) target(%arg9 : memref<80x128xf32, #tpu.memory_space<vmem>>) target_semaphore(%run_scoped3A_156 : memref<!tpu.dma_semaphore, #tpu.memory_space<semaphore_mem>>)
      %dma_wait3A_161 = arith.constant 0 : i32
      %dma_wait3A_162 = tpu.memref_slice %arg11[%add3A_137, %dma_wait3A_161] : memref<10240x128xf32, #tpu.memory_space<vmem_shared>> -> memref<80x128xf32, #tpu.memory_space<vmem_shared>>
      %dma_wait3A_163 = arith.constant 0 : i32
      %dma_wait3A_164 = tpu.memref_slice %arg11[%add3A_137, %dma_wait3A_163] : memref<10240x128xf32, #tpu.memory_space<vmem_shared>> -> memref<80x128xf32, #tpu.memory_space<vmem_shared>>
      tpu.wait_dma2 semaphore(%run_scoped3A_156 : memref<!tpu.dma_semaphore, #tpu.memory_space<semaphore_mem>>) src(%dma_wait3A_164 : memref<80x128xf32, #tpu.memory_space<vmem_shared>>) dst(%arg9 : memref<80x128xf32, #tpu.memory_space<vmem>>)
      tpu.yield
    }) : () -> ()
    %mul3A_138 = arith.constant 10240 : i32
    %mul3A_139 = arith.muli %arg0, %mul3A_138 : i32
    %mul3A_140 = arith.constant 640 : i32
    %mul3A_141 = arith.muli %arg1, %mul3A_140 : i32
    %add3A_142 = arith.addi %mul3A_139, %mul3A_141 : i32
    %add3A_143 = arith.constant 480 : i32
    %add3A_144 = arith.addi %add3A_142, %add3A_143 : i32
    "tpu.region"() ({
      %run_scoped3A_156 = tpu.sem_alloc : memref<!tpu.dma_semaphore, #tpu.memory_space<semaphore_mem>>
      %dma_start3A_157 = arith.constant 0 : i32
      %dma_start3A_158 = tpu.memref_slice %arg6[%add3A_144, %dma_start3A_157] : memref<20480x128xf32, #tpu.memory_space<hbm>> -> memref<80x128xf32, #tpu.memory_space<hbm>>
      %dma_start3A_159 = arith.constant 0 : i32
      %dma_start3A_160 = tpu.memref_slice %arg6[%add3A_144, %dma_start3A_159] : memref<20480x128xf32, #tpu.memory_space<hbm>> -> memref<80x128xf32, #tpu.memory_space<hbm>>
      tpu.enqueue_dma source(%arg9 : memref<80x128xf32, #tpu.memory_space<vmem>>) target(%dma_start3A_160 : memref<80x128xf32, #tpu.memory_space<hbm>>) target_semaphore(%run_scoped3A_156 : memref<!tpu.dma_semaphore, #tpu.memory_space<semaphore_mem>>)
      %dma_wait3A_161 = arith.constant 0 : i32
      %dma_wait3A_162 = tpu.memref_slice %arg6[%add3A_144, %dma_wait3A_161] : memref<20480x128xf32, #tpu.memory_space<hbm>> -> memref<80x128xf32, #tpu.memory_space<hbm>>
      %dma_wait3A_163 = arith.constant 0 : i32
      %dma_wait3A_164 = tpu.memref_slice %arg6[%add3A_144, %dma_wait3A_163] : memref<20480x128xf32, #tpu.memory_space<hbm>> -> memref<80x128xf32, #tpu.memory_space<hbm>>
      tpu.wait_dma2 semaphore(%run_scoped3A_156 : memref<!tpu.dma_semaphore, #tpu.memory_space<semaphore_mem>>) src(%arg9 : memref<80x128xf32, #tpu.memory_space<vmem>>) dst(%dma_wait3A_164 : memref<80x128xf32, #tpu.memory_space<hbm>>)
      tpu.yield
    }) : () -> ()
    %mul3A_145 = arith.constant 640 : i32
    %mul3A_146 = arith.muli %arg1, %mul3A_145 : i32
    %add3A_147 = arith.constant 560 : i32
    %add3A_148 = arith.addi %mul3A_146, %add3A_147 : i32
    "tpu.region"() ({
      %run_scoped3A_156 = tpu.sem_alloc : memref<!tpu.dma_semaphore, #tpu.memory_space<semaphore_mem>>
      %dma_start3A_157 = arith.constant 0 : i32
      %dma_start3A_158 = tpu.memref_slice %arg11[%add3A_148, %dma_start3A_157] : memref<10240x128xf32, #tpu.memory_space<vmem_shared>> -> memref<80x128xf32, #tpu.memory_space<vmem_shared>>
      %dma_start3A_159 = arith.constant 0 : i32
      %dma_start3A_160 = tpu.memref_slice %arg11[%add3A_148, %dma_start3A_159] : memref<10240x128xf32, #tpu.memory_space<vmem_shared>> -> memref<80x128xf32, #tpu.memory_space<vmem_shared>>
      tpu.enqueue_dma source(%dma_start3A_160 : memref<80x128xf32, #tpu.memory_space<vmem_shared>>) target(%arg9 : memref<80x128xf32, #tpu.memory_space<vmem>>) target_semaphore(%run_scoped3A_156 : memref<!tpu.dma_semaphore, #tpu.memory_space<semaphore_mem>>)
      %dma_wait3A_161 = arith.constant 0 : i32
      %dma_wait3A_162 = tpu.memref_slice %arg11[%add3A_148, %dma_wait3A_161] : memref<10240x128xf32, #tpu.memory_space<vmem_shared>> -> memref<80x128xf32, #tpu.memory_space<vmem_shared>>
      %dma_wait3A_163 = arith.constant 0 : i32
      %dma_wait3A_164 = tpu.memref_slice %arg11[%add3A_148, %dma_wait3A_163] : memref<10240x128xf32, #tpu.memory_space<vmem_shared>> -> memref<80x128xf32, #tpu.memory_space<vmem_shared>>
      tpu.wait_dma2 semaphore(%run_scoped3A_156 : memref<!tpu.dma_semaphore, #tpu.memory_space<semaphore_mem>>) src(%dma_wait3A_164 : memref<80x128xf32, #tpu.memory_space<vmem_shared>>) dst(%arg9 : memref<80x128xf32, #tpu.memory_space<vmem>>)
      tpu.yield
    }) : () -> ()
    %mul3A_149 = arith.constant 10240 : i32
    %mul3A_150 = arith.muli %arg0, %mul3A_149 : i32
    %mul3A_151 = arith.constant 640 : i32
    %mul3A_152 = arith.muli %arg1, %mul3A_151 : i32
    %add3A_153 = arith.addi %mul3A_150, %mul3A_152 : i32
    %add3A_154 = arith.constant 560 : i32
    %add3A_155 = arith.addi %add3A_153, %add3A_154 : i32
    "tpu.region"() ({
      %run_scoped3A_156 = tpu.sem_alloc : memref<!tpu.dma_semaphore, #tpu.memory_space<semaphore_mem>>
      %dma_start3A_157 = arith.constant 0 : i32
      %dma_start3A_158 = tpu.memref_slice %arg6[%add3A_155, %dma_start3A_157] : memref<20480x128xf32, #tpu.memory_space<hbm>> -> memref<80x128xf32, #tpu.memory_space<hbm>>
      %dma_start3A_159 = arith.constant 0 : i32
      %dma_start3A_160 = tpu.memref_slice %arg6[%add3A_155, %dma_start3A_159] : memref<20480x128xf32, #tpu.memory_space<hbm>> -> memref<80x128xf32, #tpu.memory_space<hbm>>
      tpu.enqueue_dma source(%arg9 : memref<80x128xf32, #tpu.memory_space<vmem>>) target(%dma_start3A_160 : memref<80x128xf32, #tpu.memory_space<hbm>>) target_semaphore(%run_scoped3A_156 : memref<!tpu.dma_semaphore, #tpu.memory_space<semaphore_mem>>)
      %dma_wait3A_161 = arith.constant 0 : i32
      %dma_wait3A_162 = tpu.memref_slice %arg6[%add3A_155, %dma_wait3A_161] : memref<20480x128xf32, #tpu.memory_space<hbm>> -> memref<80x128xf32, #tpu.memory_space<hbm>>
      %dma_wait3A_163 = arith.constant 0 : i32
      %dma_wait3A_164 = tpu.memref_slice %arg6[%add3A_155, %dma_wait3A_163] : memref<20480x128xf32, #tpu.memory_space<hbm>> -> memref<80x128xf32, #tpu.memory_space<hbm>>
      tpu.wait_dma2 semaphore(%run_scoped3A_156 : memref<!tpu.dma_semaphore, #tpu.memory_space<semaphore_mem>>) src(%arg9 : memref<80x128xf32, #tpu.memory_space<vmem>>) dst(%dma_wait3A_164 : memref<80x128xf32, #tpu.memory_space<hbm>>)
      tpu.yield
    }) : () -> ()
    return
  }
}

module attributes {stable_mosaic.version = 14 : i64} {
  func.func @_tc_layer1_body(%arg0: i32, %arg1: memref<512x128xf32, #tpu.memory_space<vmem>>, %arg2: memref<512x128xf32, #tpu.memory_space<vmem>>, %arg3: memref<512x16xf32, #tpu.memory_space<vmem>>, %arg4: memref<512x16xf32, #tpu.memory_space<vmem>>, %arg5: memref<512x128xf32, #tpu.memory_space<vmem>>, %arg6: memref<128x128xf32, #tpu.memory_space<vmem>>, %arg7: memref<128x128xf32, #tpu.memory_space<vmem>>, %arg8: memref<1x128xf32, #tpu.memory_space<vmem>>, %arg9: memref<512x128xf32, #tpu.memory_space<vmem>>) attributes {dimension_semantics = [#tpu.dimension_semantics<arbitrary>], iteration_bounds = array<i64: 20>, scalar_prefetch = 0 : i64, scratch_operands = 0 : i64, tpu.core_type = #tpu.core_type<tc>, window_params = [{transform_indices = @transform_0, window_bounds = array<i64: 512, 128>}, {transform_indices = @transform_1, window_bounds = array<i64: 512, 128>}, {transform_indices = @transform_2, window_bounds = array<i64: 512, 16>}, {transform_indices = @transform_3, window_bounds = array<i64: 512, 16>}, {transform_indices = @transform_4, window_bounds = array<i64: 512, 128>}, {pipeline_mode = #tpu.pipeline_mode<synchronous>, transform_indices = @transform_5, window_bounds = array<i64: 128, 128>}, {pipeline_mode = #tpu.pipeline_mode<synchronous>, transform_indices = @transform_6, window_bounds = array<i64: 128, 128>}, {pipeline_mode = #tpu.pipeline_mode<synchronous>, transform_indices = @transform_7, window_bounds = array<i64: 1, 128>}, {transform_indices = @transform_8, window_bounds = array<i64: 512, 128>}]} {
    %get3A = arith.constant 0 : index
    %get3A_0 = arith.constant 0 : index
    %get3A_1 = vector.load %arg3[%get3A, %get3A_0] : memref<512x16xf32, #tpu.memory_space<vmem>>, vector<512x1xf32>
    %get3A_2 = arith.constant 0 : index
    %get3A_3 = arith.constant 0 : index
    %get3A_4 = vector.load %arg4[%get3A_2, %get3A_3] : memref<512x16xf32, #tpu.memory_space<vmem>>, vector<512x1xf32>
    %add3A = arith.addf %get3A_1, %get3A_4 : vector<512x1xf32>
    %get3A_5 = arith.constant 0 : index
    %get3A_6 = arith.constant 0 : index
    %get3A_7 = vector.load %arg1[%get3A_5, %get3A_6] : memref<512x128xf32, #tpu.memory_space<vmem>>, vector<512x128xf32>
    %get3A_8 = arith.constant 0 : index
    %get3A_9 = arith.constant 0 : index
    %get3A_10 = vector.load %arg2[%get3A_8, %get3A_9] : memref<512x128xf32, #tpu.memory_space<vmem>>, vector<512x128xf32>
    %add3A_11 = arith.addf %get3A_7, %get3A_10 : vector<512x128xf32>
    %max3A = arith.constant 1.000000e+00 : f32
    %max3A_12 = vector.broadcast %max3A : f32 to vector<512x1xf32>
    %max3A_13 = arith.maximumf %add3A, %max3A_12 : vector<512x1xf32>
    %div3A = vector.broadcast %max3A_13 : vector<512x1xf32> to vector<512x128xf32>
    %div3A_14 = arith.divf %add3A_11, %div3A : vector<512x128xf32>
    %get3A_15 = arith.constant 0 : index
    %get3A_16 = arith.constant 0 : index
    %get3A_17 = vector.load %arg6[%get3A_15, %get3A_16] : memref<128x128xf32, #tpu.memory_space<vmem>>, vector<128x128xf32>
    %dot_general3A = arith.constant dense<0.000000e+00> : vector<512x128xf32>
    %dot_general3A_18 = tpu.matmul %div3A_14, %get3A_17, %dot_general3A {dimension_numbers = #tpu.dot_dimension_numbers<[1], [0], [0], [1], [0, 0, 1, 1], [], []>, transpose_lhs_hint = false} : vector<512x128xf32>, vector<128x128xf32>, vector<512x128xf32> -> vector<512x128xf32>
    %get3A_19 = arith.constant 0 : index
    %get3A_20 = arith.constant 0 : index
    %get3A_21 = vector.load %arg5[%get3A_19, %get3A_20] : memref<512x128xf32, #tpu.memory_space<vmem>>, vector<512x128xf32>
    %get3A_22 = arith.constant 0 : index
    %get3A_23 = arith.constant 0 : index
    %get3A_24 = vector.load %arg7[%get3A_22, %get3A_23] : memref<128x128xf32, #tpu.memory_space<vmem>>, vector<128x128xf32>
    %dot_general3A_25 = arith.constant dense<0.000000e+00> : vector<512x128xf32>
    %dot_general3A_26 = tpu.matmul %get3A_21, %get3A_24, %dot_general3A_25 {dimension_numbers = #tpu.dot_dimension_numbers<[1], [0], [0], [1], [0, 0, 1, 1], [], []>, transpose_lhs_hint = false} : vector<512x128xf32>, vector<128x128xf32>, vector<512x128xf32> -> vector<512x128xf32>
    %add3A_27 = arith.addf %dot_general3A_18, %dot_general3A_26 : vector<512x128xf32>
    %get3A_28 = arith.constant 0 : index
    %get3A_29 = arith.constant 0 : index
    %get3A_30 = vector.load %arg8[%get3A_28, %get3A_29] : memref<1x128xf32, #tpu.memory_space<vmem>>, vector<1x128xf32>
    %add3A_31 = vector.broadcast %get3A_30 : vector<1x128xf32> to vector<512x128xf32>
    %add3A_32 = arith.addf %add3A_27, %add3A_31 : vector<512x128xf32>
    %max3A_33 = arith.constant 0.000000e+00 : f32
    %max3A_34 = vector.broadcast %max3A_33 : f32 to vector<512x128xf32>
    %max3A_35 = arith.maximumf %add3A_32, %max3A_34 : vector<512x128xf32>
    %swap3A = arith.constant 0 : index
    %swap3A_36 = arith.constant 0 : index
    %swap3A_37 = vector.load %arg9[%swap3A, %swap3A_36] : memref<512x128xf32, #tpu.memory_space<vmem>>, vector<512x128xf32>
    tpu.vector_store %arg9[%swap3A, %swap3A_36], %max3A_35 {strides = array<i32>} : memref<512x128xf32, #tpu.memory_space<vmem>>, vector<512x128xf32>,
    return
  }
  func.func @transform_0(%arg0: i32) -> (i32, i32) {
    %c0_i32 = arith.constant 0 : i32
    %c0_i32_0 = arith.constant 0 : i32
    return %arg0, %c0_i32 : i32, i32
  }
  func.func @transform_1(%arg0: i32) -> (i32, i32) {
    %add3A = arith.constant 20 : i32
    %add3A_0 = arith.addi %arg0, %add3A : i32
    %c0_i32 = arith.constant 0 : i32
    %c0_i32_1 = arith.constant 0 : i32
    return %add3A_0, %c0_i32 : i32, i32
  }
  func.func @transform_2(%arg0: i32) -> (i32, i32) {
    %c0_i32 = arith.constant 0 : i32
    %c0_i32_0 = arith.constant 0 : i32
    return %arg0, %c0_i32 : i32, i32
  }
  func.func @transform_3(%arg0: i32) -> (i32, i32) {
    %add3A = arith.constant 20 : i32
    %add3A_0 = arith.addi %arg0, %add3A : i32
    %c0_i32 = arith.constant 0 : i32
    %c0_i32_1 = arith.constant 0 : i32
    return %add3A_0, %c0_i32 : i32, i32
  }
  func.func @transform_4(%arg0: i32) -> (i32, i32) {
    %c0_i32 = arith.constant 0 : i32
    %c0_i32_0 = arith.constant 0 : i32
    return %arg0, %c0_i32 : i32, i32
  }
  func.func @transform_5(%arg0: i32) -> (i32, i32) {
    %c0_i32 = arith.constant 0 : i32
    %c0_i32_0 = arith.constant 0 : i32
    %c0_i32_1 = arith.constant 0 : i32
    return %c0_i32, %c0_i32_0 : i32, i32
  }
  func.func @transform_6(%arg0: i32) -> (i32, i32) {
    %c0_i32 = arith.constant 0 : i32
    %c0_i32_0 = arith.constant 0 : i32
    %c0_i32_1 = arith.constant 0 : i32
    return %c0_i32, %c0_i32_0 : i32, i32
  }
  func.func @transform_7(%arg0: i32) -> (i32, i32) {
    %c0_i32 = arith.constant 0 : i32
    %c0_i32_0 = arith.constant 0 : i32
    %c0_i32_1 = arith.constant 0 : i32
    return %c0_i32, %c0_i32_0 : i32, i32
  }
  func.func @transform_8(%arg0: i32) -> (i32, i32) {
    %c0_i32 = arith.constant 0 : i32
    %c0_i32_0 = arith.constant 0 : i32
    return %arg0, %c0_i32 : i32, i32
  }
}

module attributes {stable_mosaic.version = 14 : i64} {
  func.func @_tc_layer2_body(%arg0: i32, %arg1: memref<512x128xf32, #tpu.memory_space<vmem>>, %arg2: memref<512x128xf32, #tpu.memory_space<vmem>>, %arg3: memref<512x16xf32, #tpu.memory_space<vmem>>, %arg4: memref<512x16xf32, #tpu.memory_space<vmem>>, %arg5: memref<512x128xf32, #tpu.memory_space<vmem>>, %arg6: memref<1x1x512xi32, #tpu.memory_space<vmem>>, %arg7: memref<128x128xf32, #tpu.memory_space<vmem>>, %arg8: memref<128x128xf32, #tpu.memory_space<vmem>>, %arg9: memref<1x128xf32, #tpu.memory_space<vmem>>, %arg10: memref<128x64xf32, #tpu.memory_space<vmem>>, %arg11: memref<1x64xf32, #tpu.memory_space<vmem>>, %arg12: memref<64x128xf32, #tpu.memory_space<vmem>>, %arg13: memref<1x128xf32, #tpu.memory_space<vmem>>, %arg14: memref<16x128xf32, #tpu.memory_space<vmem>>, %arg15: memref<16x128xf32, #tpu.memory_space<vmem>>, %arg16: memref<16x128xf32, #tpu.memory_space<vmem>>) attributes {dimension_semantics = [#tpu.dimension_semantics<arbitrary>], iteration_bounds = array<i64: 20>, scalar_prefetch = 0 : i64, scratch_operands = 2 : i64, tpu.core_type = #tpu.core_type<tc>, window_params = [{transform_indices = @transform_0, window_bounds = array<i64: 512, 128>}, {transform_indices = @transform_1, window_bounds = array<i64: 512, 128>}, {transform_indices = @transform_2, window_bounds = array<i64: 512, 16>}, {transform_indices = @transform_3, window_bounds = array<i64: 512, 16>}, {transform_indices = @transform_4, window_bounds = array<i64: 512, 128>}, {transform_indices = @transform_5, window_bounds = array<i64: 1, 1, 512>}, {pipeline_mode = #tpu.pipeline_mode<synchronous>, transform_indices = @transform_6, window_bounds = array<i64: 128, 128>}, {pipeline_mode = #tpu.pipeline_mode<synchronous>, transform_indices = @transform_7, window_bounds = array<i64: 128, 128>}, {pipeline_mode = #tpu.pipeline_mode<synchronous>, transform_indices = @transform_8, window_bounds = array<i64: 1, 128>}, {pipeline_mode = #tpu.pipeline_mode<synchronous>, transform_indices = @transform_9, window_bounds = array<i64: 128, 64>}, {pipeline_mode = #tpu.pipeline_mode<synchronous>, transform_indices = @transform_10, window_bounds = array<i64: 1, 64>}, {pipeline_mode = #tpu.pipeline_mode<synchronous>, transform_indices = @transform_11, window_bounds = array<i64: 64, 128>}, {pipeline_mode = #tpu.pipeline_mode<synchronous>, transform_indices = @transform_12, window_bounds = array<i64: 1, 128>}, {pipeline_mode = #tpu.pipeline_mode<synchronous>, transform_indices = @transform_13, window_bounds = array<i64: 16, 128>}]} {
    %eq3A = arith.constant 0 : i32
    %eq3A_0 = arith.cmpi eq, %arg0, %eq3A : i32
    %convert_element_type3A = arith.extui %eq3A_0 : i1 to i32
    %cond3A = arith.constant 0 : i32
    %cond3A_1 = arith.cmpi ne, %convert_element_type3A, %cond3A : i32
    scf.if %cond3A_1 {
      %broadcast_in_dim3A_70 = arith.constant 0.000000e+00 : f32
      %broadcast_in_dim3A_71 = vector.broadcast %broadcast_in_dim3A_70 : f32 to vector<16x128xf32>
      %swap3A_72 = arith.constant 0 : index
      %swap3A_73 = arith.constant 0 : index
      %swap3A_74 = vector.load %arg15[%swap3A_72, %swap3A_73] : memref<16x128xf32, #tpu.memory_space<vmem>>, vector<16x128xf32>
      tpu.vector_store %arg15[%swap3A_72, %swap3A_73], %broadcast_in_dim3A_71 {strides = array<i32>} : memref<16x128xf32, #tpu.memory_space<vmem>>, vector<16x128xf32>,
      %broadcast_in_dim3A_75 = arith.constant 0.000000e+00 : f32
      %broadcast_in_dim3A_76 = vector.broadcast %broadcast_in_dim3A_75 : f32 to vector<16x128xf32>
      %swap3A_77 = arith.constant 0 : index
      %swap3A_78 = arith.constant 0 : index
      %swap3A_79 = vector.load %arg16[%swap3A_77, %swap3A_78] : memref<16x128xf32, #tpu.memory_space<vmem>>, vector<16x128xf32>
      tpu.vector_store %arg16[%swap3A_77, %swap3A_78], %broadcast_in_dim3A_76 {strides = array<i32>} : memref<16x128xf32, #tpu.memory_space<vmem>>, vector<16x128xf32>,
    } else {
    }
    %get3A = arith.constant 0 : index
    %get3A_2 = arith.constant 0 : index
    %get3A_3 = vector.load %arg3[%get3A, %get3A_2] : memref<512x16xf32, #tpu.memory_space<vmem>>, vector<512x1xf32>
    %get3A_4 = arith.constant 0 : index
    %get3A_5 = arith.constant 0 : index
    %get3A_6 = vector.load %arg4[%get3A_4, %get3A_5] : memref<512x16xf32, #tpu.memory_space<vmem>>, vector<512x1xf32>
    %add3A = arith.addf %get3A_3, %get3A_6 : vector<512x1xf32>
    %get3A_7 = arith.constant 0 : index
    %get3A_8 = arith.constant 0 : index
    %get3A_9 = vector.load %arg1[%get3A_7, %get3A_8] : memref<512x128xf32, #tpu.memory_space<vmem>>, vector<512x128xf32>
    %get3A_10 = arith.constant 0 : index
    %get3A_11 = arith.constant 0 : index
    %get3A_12 = vector.load %arg2[%get3A_10, %get3A_11] : memref<512x128xf32, #tpu.memory_space<vmem>>, vector<512x128xf32>
    %add3A_13 = arith.addf %get3A_9, %get3A_12 : vector<512x128xf32>
    %max3A = arith.constant 1.000000e+00 : f32
    %max3A_14 = vector.broadcast %max3A : f32 to vector<512x1xf32>
    %max3A_15 = arith.maximumf %add3A, %max3A_14 : vector<512x1xf32>
    %div3A = vector.broadcast %max3A_15 : vector<512x1xf32> to vector<512x128xf32>
    %div3A_16 = arith.divf %add3A_13, %div3A : vector<512x128xf32>
    %get3A_17 = arith.constant 0 : index
    %get3A_18 = arith.constant 0 : index
    %get3A_19 = vector.load %arg7[%get3A_17, %get3A_18] : memref<128x128xf32, #tpu.memory_space<vmem>>, vector<128x128xf32>
    %dot_general3A = arith.constant dense<0.000000e+00> : vector<512x128xf32>
    %dot_general3A_20 = tpu.matmul %div3A_16, %get3A_19, %dot_general3A {dimension_numbers = #tpu.dot_dimension_numbers<[1], [0], [0], [1], [0, 0, 1, 1], [], []>, transpose_lhs_hint = false} : vector<512x128xf32>, vector<128x128xf32>, vector<512x128xf32> -> vector<512x128xf32>
    %get3A_21 = arith.constant 0 : index
    %get3A_22 = arith.constant 0 : index
    %get3A_23 = vector.load %arg5[%get3A_21, %get3A_22] : memref<512x128xf32, #tpu.memory_space<vmem>>, vector<512x128xf32>
    %get3A_24 = arith.constant 0 : index
    %get3A_25 = arith.constant 0 : index
    %get3A_26 = vector.load %arg8[%get3A_24, %get3A_25] : memref<128x128xf32, #tpu.memory_space<vmem>>, vector<128x128xf32>
    %dot_general3A_27 = arith.constant dense<0.000000e+00> : vector<512x128xf32>
    %dot_general3A_28 = tpu.matmul %get3A_23, %get3A_26, %dot_general3A_27 {dimension_numbers = #tpu.dot_dimension_numbers<[1], [0], [0], [1], [0, 0, 1, 1], [], []>, transpose_lhs_hint = false} : vector<512x128xf32>, vector<128x128xf32>, vector<512x128xf32> -> vector<512x128xf32>
    %add3A_29 = arith.addf %dot_general3A_20, %dot_general3A_28 : vector<512x128xf32>
    %get3A_30 = arith.constant 0 : index
    %get3A_31 = arith.constant 0 : index
    %get3A_32 = vector.load %arg9[%get3A_30, %get3A_31] : memref<1x128xf32, #tpu.memory_space<vmem>>, vector<1x128xf32>
    %add3A_33 = vector.broadcast %get3A_32 : vector<1x128xf32> to vector<512x128xf32>
    %add3A_34 = arith.addf %add3A_29, %add3A_33 : vector<512x128xf32>
    %max3A_35 = arith.constant 0.000000e+00 : f32
    %max3A_36 = vector.broadcast %max3A_35 : f32 to vector<512x128xf32>
    %max3A_37 = arith.maximumf %add3A_34, %max3A_36 : vector<512x128xf32>
    %get3A_38 = arith.constant 0 : index
    %get3A_39 = arith.constant 0 : index
    %get3A_40 = arith.constant 0 : index
    %get3A_41 = vector.load %arg6[%get3A_38, %get3A_39, %get3A_40] : memref<1x1x512xi32, #tpu.memory_space<vmem>>, vector<1x1x512xi32>
    %get3A_42 = vector.shape_cast %get3A_41 : vector<1x1x512xi32> to vector<512xi32>
    %iota3A = tpu.iota {dimensions = array<i32: 0>} : vector<16x512xi32>
    %broadcast_in_dim3A = vector.shape_cast %get3A_42 : vector<512xi32> to vector<1x512xi32>
    %eq3A_43 = vector.broadcast %broadcast_in_dim3A : vector<1x512xi32> to vector<16x512xi32>
    %eq3A_44 = arith.cmpi eq, %iota3A, %eq3A_43 : vector<16x512xi32>
    %convert_element_type3A_45 = arith.extui %eq3A_44 : vector<16x512xi1> to vector<16x512xi32>
    %convert_element_type3A_46 = arith.sitofp %convert_element_type3A_45 : vector<16x512xi32> to vector<16x512xf32>
    %get3A_47 = arith.constant 0 : index
    %get3A_48 = arith.constant 0 : index
    %get3A_49 = vector.load %arg15[%get3A_47, %get3A_48] : memref<16x128xf32, #tpu.memory_space<vmem>>, vector<16x128xf32>
    %dot_general3A_50 = arith.constant dense<0.000000e+00> : vector<16x128xf32>
    %dot_general3A_51 = tpu.matmul %convert_element_type3A_46, %max3A_37, %dot_general3A_50 {dimension_numbers = #tpu.dot_dimension_numbers<[1], [0], [0], [1], [0, 0, 1, 1], [], []>, transpose_lhs_hint = false} : vector<16x512xf32>, vector<512x128xf32>, vector<16x128xf32> -> vector<16x128xf32>
    %add3A_52 = arith.addf %get3A_49, %dot_general3A_51 : vector<16x128xf32>
    %swap3A = arith.constant 0 : index
    %swap3A_53 = arith.constant 0 : index
    %swap3A_54 = vector.load %arg15[%swap3A, %swap3A_53] : memref<16x128xf32, #tpu.memory_space<vmem>>, vector<16x128xf32>
    tpu.vector_store %arg15[%swap3A, %swap3A_53], %add3A_52 {strides = array<i32>} : memref<16x128xf32, #tpu.memory_space<vmem>>, vector<16x128xf32>,
    %get3A_55 = arith.constant 0 : index
    %get3A_56 = arith.constant 0 : index
    %get3A_57 = vector.load %arg16[%get3A_55, %get3A_56] : memref<16x128xf32, #tpu.memory_space<vmem>>, vector<16x128xf32>
    %reduce_sum3A = arith.constant dense<0.000000e+00> : vector<16xf32>
    %reduce_sum3A_58 = vector.multi_reduction <add>, %convert_element_type3A_46, %reduce_sum3A [1] : vector<16x512xf32> to vector<16xf32>
    %broadcast_in_dim3A_59 = vector.shape_cast %reduce_sum3A_58 : vector<16xf32> to vector<16x1xf32>
    %add3A_60 = vector.broadcast %broadcast_in_dim3A_59 : vector<16x1xf32> to vector<16x128xf32>
    %add3A_61 = arith.addf %get3A_57, %add3A_60 : vector<16x128xf32>
    %swap3A_62 = arith.constant 0 : index
    %swap3A_63 = arith.constant 0 : index
    %swap3A_64 = vector.load %arg16[%swap3A_62, %swap3A_63] : memref<16x128xf32, #tpu.memory_space<vmem>>, vector<16x128xf32>
    tpu.vector_store %arg16[%swap3A_62, %swap3A_63], %add3A_61 {strides = array<i32>} : memref<16x128xf32, #tpu.memory_space<vmem>>, vector<16x128xf32>,
    %eq3A_65 = arith.constant 19 : i32
    %eq3A_66 = arith.cmpi eq, %arg0, %eq3A_65 : i32
    %convert_element_type3A_67 = arith.extui %eq3A_66 : i1 to i32
    %cond3A_68 = arith.constant 0 : i32
    %cond3A_69 = arith.cmpi ne, %convert_element_type3A_67, %cond3A_68 : i32
    scf.if %cond3A_69 {
      %get3A_70 = arith.constant 0 : index
      %get3A_71 = arith.constant 0 : index
      %get3A_72 = vector.load %arg15[%get3A_70, %get3A_71] : memref<16x128xf32, #tpu.memory_space<vmem>>, vector<16x128xf32>
      %get3A_73 = arith.constant 0 : index
      %get3A_74 = arith.constant 0 : index
      %get3A_75 = vector.load %arg16[%get3A_73, %get3A_74] : memref<16x128xf32, #tpu.memory_space<vmem>>, vector<16x128xf32>
      %max3A_76 = arith.constant 1.000000e+00 : f32
      %max3A_77 = vector.broadcast %max3A_76 : f32 to vector<16x128xf32>
      %max3A_78 = arith.maximumf %get3A_75, %max3A_77 : vector<16x128xf32>
      %div3A_79 = arith.divf %get3A_72, %max3A_78 : vector<16x128xf32>
      %get3A_80 = arith.constant 0 : index
      %get3A_81 = arith.constant 0 : index
      %get3A_82 = vector.load %arg10[%get3A_80, %get3A_81] : memref<128x64xf32, #tpu.memory_space<vmem>>, vector<128x64xf32>
      %dot_general3A_83 = arith.constant dense<0.000000e+00> : vector<16x64xf32>
      %dot_general3A_84 = tpu.matmul %div3A_79, %get3A_82, %dot_general3A_83 {dimension_numbers = #tpu.dot_dimension_numbers<[1], [0], [0], [1], [0, 0, 1, 1], [], []>, transpose_lhs_hint = false} : vector<16x128xf32>, vector<128x64xf32>, vector<16x64xf32> -> vector<16x64xf32>
      %get3A_85 = arith.constant 0 : index
      %get3A_86 = arith.constant 0 : index
      %get3A_87 = vector.load %arg11[%get3A_85, %get3A_86] : memref<1x64xf32, #tpu.memory_space<vmem>>, vector<1x64xf32>
      %add3A_88 = vector.broadcast %get3A_87 : vector<1x64xf32> to vector<16x64xf32>
      %add3A_89 = arith.addf %dot_general3A_84, %add3A_88 : vector<16x64xf32>
      %max3A_90 = arith.constant 0.000000e+00 : f32
      %max3A_91 = vector.broadcast %max3A_90 : f32 to vector<16x64xf32>
      %max3A_92 = arith.maximumf %add3A_89, %max3A_91 : vector<16x64xf32>
      %get3A_93 = arith.constant 0 : index
      %get3A_94 = arith.constant 0 : index
      %get3A_95 = vector.load %arg12[%get3A_93, %get3A_94] : memref<64x128xf32, #tpu.memory_space<vmem>>, vector<64x128xf32>
      %dot_general3A_96 = arith.constant dense<0.000000e+00> : vector<16x128xf32>
      %dot_general3A_97 = tpu.matmul %max3A_92, %get3A_95, %dot_general3A_96 {dimension_numbers = #tpu.dot_dimension_numbers<[1], [0], [0], [1], [0, 0, 1, 1], [], []>, transpose_lhs_hint = false} : vector<16x64xf32>, vector<64x128xf32>, vector<16x128xf32> -> vector<16x128xf32>
      %get3A_98 = arith.constant 0 : index
      %get3A_99 = arith.constant 0 : index
      %get3A_100 = vector.load %arg13[%get3A_98, %get3A_99] : memref<1x128xf32, #tpu.memory_space<vmem>>, vector<1x128xf32>
      %add3A_101 = vector.broadcast %get3A_100 : vector<1x128xf32> to vector<16x128xf32>
      %add3A_102 = arith.addf %dot_general3A_97, %add3A_101 : vector<16x128xf32>
      %swap3A_103 = arith.constant 0 : index
      %swap3A_104 = arith.constant 0 : index
      %swap3A_105 = vector.load %arg14[%swap3A_103, %swap3A_104] : memref<16x128xf32, #tpu.memory_space<vmem>>, vector<16x128xf32>
      tpu.vector_store %arg14[%swap3A_103, %swap3A_104], %add3A_102 {strides = array<i32>} : memref<16x128xf32, #tpu.memory_space<vmem>>, vector<16x128xf32>,
    } else {
    }
    return
  }
  func.func @transform_0(%arg0: i32) -> (i32, i32) {
    %c0_i32 = arith.constant 0 : i32
    %c0_i32_0 = arith.constant 0 : i32
    return %arg0, %c0_i32 : i32, i32
  }
  func.func @transform_1(%arg0: i32) -> (i32, i32) {
    %add3A = arith.constant 20 : i32
    %add3A_0 = arith.addi %arg0, %add3A : i32
    %c0_i32 = arith.constant 0 : i32
    %c0_i32_1 = arith.constant 0 : i32
    return %add3A_0, %c0_i32 : i32, i32
  }
  func.func @transform_2(%arg0: i32) -> (i32, i32) {
    %c0_i32 = arith.constant 0 : i32
    %c0_i32_0 = arith.constant 0 : i32
    return %arg0, %c0_i32 : i32, i32
  }
  func.func @transform_3(%arg0: i32) -> (i32, i32) {
    %add3A = arith.constant 20 : i32
    %add3A_0 = arith.addi %arg0, %add3A : i32
    %c0_i32 = arith.constant 0 : i32
    %c0_i32_1 = arith.constant 0 : i32
    return %add3A_0, %c0_i32 : i32, i32
  }
  func.func @transform_4(%arg0: i32) -> (i32, i32) {
    %c0_i32 = arith.constant 0 : i32
    %c0_i32_0 = arith.constant 0 : i32
    return %arg0, %c0_i32 : i32, i32
  }
  func.func @transform_5(%arg0: i32) -> (i32, i32, i32) {
    %c0_i32 = arith.constant 0 : i32
    %c0_i32_0 = arith.constant 0 : i32
    %c0_i32_1 = arith.constant 0 : i32
    return %arg0, %c0_i32, %c0_i32_0 : i32, i32, i32
  }
  func.func @transform_6(%arg0: i32) -> (i32, i32) {
    %c0_i32 = arith.constant 0 : i32
    %c0_i32_0 = arith.constant 0 : i32
    %c0_i32_1 = arith.constant 0 : i32
    return %c0_i32, %c0_i32_0 : i32, i32
  }
  func.func @transform_7(%arg0: i32) -> (i32, i32) {
    %c0_i32 = arith.constant 0 : i32
    %c0_i32_0 = arith.constant 0 : i32
    %c0_i32_1 = arith.constant 0 : i32
    return %c0_i32, %c0_i32_0 : i32, i32
  }
  func.func @transform_8(%arg0: i32) -> (i32, i32) {
    %c0_i32 = arith.constant 0 : i32
    %c0_i32_0 = arith.constant 0 : i32
    %c0_i32_1 = arith.constant 0 : i32
    return %c0_i32, %c0_i32_0 : i32, i32
  }
  func.func @transform_9(%arg0: i32) -> (i32, i32) {
    %c0_i32 = arith.constant 0 : i32
    %c0_i32_0 = arith.constant 0 : i32
    %c0_i32_1 = arith.constant 0 : i32
    return %c0_i32, %c0_i32_0 : i32, i32
  }
  func.func @transform_10(%arg0: i32) -> (i32, i32) {
    %c0_i32 = arith.constant 0 : i32
    %c0_i32_0 = arith.constant 0 : i32
    %c0_i32_1 = arith.constant 0 : i32
    return %c0_i32, %c0_i32_0 : i32, i32
  }
  func.func @transform_11(%arg0: i32) -> (i32, i32) {
    %c0_i32 = arith.constant 0 : i32
    %c0_i32_0 = arith.constant 0 : i32
    %c0_i32_1 = arith.constant 0 : i32
    return %c0_i32, %c0_i32_0 : i32, i32
  }
  func.func @transform_12(%arg0: i32) -> (i32, i32) {
    %c0_i32 = arith.constant 0 : i32
    %c0_i32_0 = arith.constant 0 : i32
    %c0_i32_1 = arith.constant 0 : i32
    return %c0_i32, %c0_i32_0 : i32, i32
  }
  func.func @transform_13(%arg0: i32) -> (i32, i32) {
    %c0_i32 = arith.constant 0 : i32
    %c0_i32_0 = arith.constant 0 : i32
    %c0_i32_1 = arith.constant 0 : i32
    return %c0_i32, %c0_i32_0 : i32, i32
  }
}

</mosaic_0001>

<sc_bundles>
// kernel: kernel.10.cloned.1.call-start
scs
__scs_entry_jumppad:
0x0: {  	(pc) =	sbr.rel $0x88, $3  }
0x1: {  	(tag) =	ssettag $0x0;
	lr =	simm.s32 $0x1  }
0x2: {  	[smem:$0x3F94] =	sst lr;
	_ =	strace $0xD0000000  }
0x3: {  	_ = 	snop  }
0x4: {  	_ = 	snop  }
0x5: {  	_ = 	snop  }
0x6: {  	_ = 	snop  }
0x7: {  	_ = 	snop  }
__scs_overlays_trampoline_lowered:
0x8: {  	[smem:$0x3FA3] =	sst s0  }
0x9: {  	[smem:$0x3FA4] =	sst s1  }
0xa: {  	[smem:$0x3FA5] =	sst s2  }
0xb: {  	[smem:$0x3FA6] =	sst s3  }
0xc: {  	[smem:$0x3FA7] =	sst s4  }
0xd: {  	[smem:$0x3FA8] =	sst s5  }
0xe: {  	[smem:$0x3FA9] =	sst s6  }
0xf: {  	[smem:$0x3FAA] =	sst s7  }
0x10: {  	[smem:$0x3FAB] =	sst s8  }
0x11: {  	[smem:$0x3FAC] =	sst s9;
	s0 =	simm.s32 @!p0 $0x0  }
0x12: {  	s1 =	sld [smem:$0x3F92];
	s0 =	simm.s32 @p0 $0x1  }
0x13: {  	[smem:$0x3FAD] =	sst s0;
	s0 =	simm.s32 @!p1 $0x0  }
0x14: {  	s2 =	sld [smem:$0x3F91];
	s0 =	simm.s32 @p1 $0x1  }
0x15: {  	[smem:$0x3FAE] =	sst s0;
	s0 =	simm.s32 @!p2 $0x0  }
0x16: {  	s3 =	sld [smem:$0x3FDB];
	s0 =	simm.s32 @p2 $0x1  }
0x17: {  	s4 =	simm.s32 $0x1BF5;
	[smem:$0x3FB0] =	sst s0  }
0x18: {  	s0 =	sld [smem:$0x3F93];
	_ =	swait.ge [sflag:s4], $0x0  }
0x19: {  	s7 =	sld [smem:$0x3F94]  }
0x1a: {  	s8 =	sadd.s32 $0xFFFFE003, lr  }
0x1b: {  	s9 =	sadd.s32 $0xFFFFFEF7, lr;
	s5 =	simm.s32 $0xFFFFFFFF;
	p2 =	slt.u32 s8, $0xFFFFF086  }
0x1c: {  	p1 =	slt.u32 s9, $0xF7A;
	s5 =	simm.s32 @!p2 $0x0  }
0x1d: {  	s5 =	simm.s32 @p1 $0x1;
	p0 =	seq.s32 s7, s2  }
0x1e: {  	s7 =	smul.u32 @!p0 $0xF7A, s2;
	p2 =	seq.s32 @!p0 s5, $0x0  }
0x1f: {  	s9 =	smul.u32 $0xF7A, s1;
	s8 =	simm.s32 @!p0 $0x1BF5;
	p2 =	por !p2, p0  }
0x20: {  	[sflag:s8] =	ssyncset.s32 @!p0 $0xFFFFF086;
	s6 =	sadd.s32 @!p0 s3, s7;
	s7 =	simm.s32 @!p0 $0x108  }
0x21: {  	s3 =	sadd.s32 s3, s9;
	s6 =	sadd.s32 @!p0 $0x88, s6;
	s7 =	simm.s32 @p2 $0x1082  }
0x22: {  	[simem:s7], [sflag:s8] =	dma.local @!p0 [hbm:s6], $0xF7A  }
0x23: {  	s9 =	sor.u32 $0xD0000000, s2;
	s6 =	simm.s32 $0x108;
	_ =	swait.ge @!p0 [sflag:s8], $0x0  }
0x24: {  	s3 =	sadd.s32 $0x88, s3;
	s6 =	simm.s32 @!p1 $0x1082;
	[sflag:s4] =	ssyncset.s32 $0xFFFFF086  }
0x25: {  	[simem:s6], [sflag:s4] =	dma.local [hbm:s3], $0xF7A  }
0x26: {  	[smem:$0x3F94] =	sst s1;
	(tag) =	ssettag s2;
	_ =	strace s9  }
0x27: {  	s1 =	sld [smem:$0x3FA4]  }
0x28: {  	s2 =	sld [smem:$0x3FA5]  }
0x29: {  	s4 =	sld [smem:$0x3FA7]  }
0x2a: {  	p0 =	seq.s32 s5, $0x0;
	s5 =	sld [smem:$0x3FA8]  }
0x2b: {  	s6 =	sld [smem:$0x3FA9]  }
0x2c: {  	s7 =	sld [smem:$0x3FAA]  }
0x2d: {  	s3 =	simm.s32 $0x108;
	s8 =	sld [smem:$0x3FAB]  }
0x2e: {  	s3 =	simm.s32 @!p0 $0x1082;
	s9 =	sld [smem:$0x3FAC]  }
0x2f: {  	lr =	sadd.s32 s0, s3;
	s0 =	sld [smem:$0x3FA3]  }
0x30: {  	s3 =	sld [smem:$0x3FA6]  }
0x31: {  	[smem:$0x3FAF] =	sst s10  }
0x32: {  	s10 =	sld [smem:$0x3FAD];
	_ =	sdelay $0x3  }
0x33: {  	p0 =	seq.s32 s10, $0x1;
	s10 =	sld [smem:$0x3FAF];
	_ =	sdelay $0x3  }
0x34: {  	[smem:$0x3FAF] =	sst s10  }
0x35: {  	s10 =	sld [smem:$0x3FAE];
	_ =	sdelay $0x3  }
0x36: {  	p1 =	seq.s32 s10, $0x1;
	s10 =	sld [smem:$0x3FAF];
	_ =	sdelay $0x3  }
0x37: {  	[smem:$0x3FAF] =	sst s10  }
0x38: {  	s10 =	sld [smem:$0x3FB0]  }
0x39: {  	_ = 	snop;
	(pc) =	sbr.ind lr, $3  }
0x3a: {  	_ = 	snop  }
0x3b: {  	_ = 	snop  }
0x3c: {  	p2 =	seq.s32 s10, $0x1;
	s10 =	sld [smem:$0x3FAF]  }
0x3d: {  	_ =	shalt  }
0x3e: {  	_ =	shalt  }
0x3f: {  	_ =	shalt  }
0x40: {  	_ =	shalt  }
0x41: {  	_ =	shalt  }
0x42: {  	_ =	shalt  }
0x43: {  	_ =	shalt  }
0x44: {  	_ =	shalt  }
0x45: {  	_ =	shalt  }
0x46: {  	_ =	shalt  }
0x47: {  	_ =	shalt  }
0x48: {  	_ =	shalt  }
0x49: {  	_ =	shalt  }
0x4a: {  	_ =	shalt  }
0x4b: {  	_ =	shalt  }
0x4c: {  	_ =	shalt  }
0x4d: {  	_ =	shalt  }
0x4e: {  	_ =	shalt  }
0x4f: {  	_ =	shalt  }
0x50: {  	_ =	shalt  }
0x51: {  	_ =	shalt  }
0x52: {  	_ =	shalt  }
0x53: {  	_ =	shalt  }
0x54: {  	_ =	shalt  }
0x55: {  	_ =	shalt  }
0x56: {  	_ =	shalt  }
0x57: {  	_ =	shalt  }
0x58: {  	_ =	shalt  }
0x59: {  	_ =	shalt  }
0x5a: {  	_ =	shalt  }
0x5b: {  	_ =	shalt  }
0x5c: {  	_ =	shalt  }
0x5d: {  	_ =	shalt  }
0x5e: {  	_ =	shalt  }
0x5f: {  	_ =	shalt  }
0x60: {  	_ =	shalt  }
0x61: {  	_ =	shalt  }
0x62: {  	_ =	shalt  }
0x63: {  	_ =	shalt  }
0x64: {  	_ =	shalt  }
0x65: {  	_ =	shalt  }
0x66: {  	_ =	shalt  }
0x67: {  	_ =	shalt  }
0x68: {  	_ =	shalt  }
0x69: {  	_ =	shalt  }
0x6a: {  	_ =	shalt  }
0x6b: {  	_ =	shalt  }
0x6c: {  	_ =	shalt  }
0x6d: {  	_ =	shalt  }
0x6e: {  	_ =	shalt  }
0x6f: {  	_ =	shalt  }
0x70: {  	_ =	shalt  }
0x71: {  	_ =	shalt  }
0x72: {  	_ =	shalt  }
0x73: {  	_ =	shalt  }
0x74: {  	_ =	shalt  }
0x75: {  	_ =	shalt  }
0x76: {  	_ =	shalt  }
0x77: {  	_ =	shalt  }
0x78: {  	_ =	shalt  }
0x79: {  	_ =	shalt  }
0x7a: {  	_ =	shalt  }
0x7b: {  	_ =	shalt  }
0x7c: {  	_ =	shalt  }
0x7d: {  	_ =	shalt  }
0x7e: {  	_ =	shalt  }
0x7f: {  	_ =	shalt  }
0x80: {  	_ =	shalt  }
0x81: {  	_ =	shalt  }
0x82: {  	_ =	shalt  }
0x83: {  	_ =	shalt  }
0x84: {  	_ =	shalt  }
0x85: {  	_ =	shalt  }
0x86: {  	_ =	shalt  }
0x87: {  	_ =	shalt  }
.Lfunc_end0:
.L_simem_size_0:
called_computation.1_lowered:
.L_overlay_start_0:
0x88: {  	s2 =	sld [smem:$0x3FD9]  }
0x89: {  	s3 =	sld [smem:$0x3FFE];
	_ =	sdelay $0x1  }
0x8a: {  	s1 =	srdreg.scid  }
0x8b: {  	s0 =	sand.u32 $0x1, s1  }
0x8c: {  	s17 =	sshll.u32 s0, $0xA;
	s2 =	sadd.s32 s3, s2  }
0x8d: {  	s2 =	sadd.s32 s2, s17  }
0x8e: {  	[smem:$0x3FBB] =	sst s2  }
0x8f: {  	_ = 	snop  }
0x90: {  	(tm) =	ssettm $0x1  }
0x91: {  	s18 =	sld [smem:$0x3FFB];
	_ =	sdelay $0x3  }
0x92: {  	_ =	strace s18  }
0x93: {  	s2 =	sld [smem:$0x3FFC];
	_ =	sdelay $0x3  }
0x94: {  	_ =	strace s2  }
0x95: {  	s2 =	sld [smem:$0x3FFD];
	_ =	sdelay $0x3  }
0x96: {  	_ =	strace s2  }
0x97: {  	_ =	strace $0x8FFFFFFF  }
0x98: {  	s19 =	sld [smem:$0x3FDB];
	_ =	sdelay $0x1  }
0x99: {  	s20 =	simm.s32 $_scs_section_size  }
0x9a: {  	s4 =	simm.s32 $_size__tile_overlayer_lowered;
	s5 =	simm.s32 $_tile_overlayer_lowered  }
0x9b: {  	s6 =	simm.s32 $0x1BFF;
	s21 =	sshll.u32 s5, $0x1;
	s3 =	sadd.s32 s20, s19  }
0x9c: {  	s22 =	simm.s32 $0x0;
	s4 =	sshll.u32 s4, $0x1;
	s5 =	sadd.s32 s21, s3  }
0x9d: {  	[timem:s22], [sflag:s6] =	dma.local [hbm:s5], s4  }
0x9e: {  	_ =	swait.ge [sflag:s6], s4  }
0x9f: {  	s4 =	ssub.s32 $0x0, s4;
	[sflag:s6] =	ssyncset.done $0x0  }
0xa0: {  	[sflag:s6] =	ssyncadd.s32 s4;
	_ =	sdelay $0x1  }
0xa1: {  	s23 =	simm.s32 $0x1B8B  }
0xa2: {  	_ =	swait.ge [sflag:s23], $0x1  }
0xa3: {  	[sflag:s23] =	ssyncset.done $0x0  }
0xa4: {  	[sflag:s23] =	ssyncadd.s32 $0xFFFFFFFF  }
0xa5: {  	s4 =	sld [smem:$0x0]  }
0xa6: {  	s5 =	sand.u32 $0xFFFFFFFE, s1  }
0xa7: {  	p0 =	sne.s32 s1, s5  }
0xa8: {  	s5 =	sshll.u32 @p0 s5, $0xE  }
0xa9: {  	s5 =	sadd.s32 @p0 $0x11B8D, s5;
	s6 =	sshll.u32 @p0 s4, $0x11  }
0xaa: {  	s5 =	sor.u32 @p0 s6, s5  }
0xab: {  	[sflag:s5] =	ssyncadd.remote.s32 @p0 $0x1;
	_ =	sdelay $0x1  }
0xac: {  	s5 =	simm.s32 @p0 $0x1B8D  }
0xad: {  	_ =	swait.eq @p0 [sflag:s5], $0x1  }
0xae: {  	[sflag:s5] =	ssyncadd.s32 @p0 $0xFFFFFFFF  }
0xaf: {  	s6 =	sshll.u32 @!p0 s1, $0xE  }
0xb0: {  	s6 =	sor.u32 @!p0 $0x4000, s6;
	s5 =	simm.s32 @!p0 $0x1B8D  }
0xb1: {  	s4 =	sshll.u32 @!p0 s4, $0x11;
	s6 =	sadd.s32 @!p0 $0x11B8D, s6;
	_ =	swait.eq @!p0 [sflag:s5], $0x1  }
0xb2: {  	s4 =	sor.u32 @!p0 s4, s6;
	[sflag:s5] =	ssyncadd.s32 @!p0 $0xFFFFFFFF  }
0xb3: {  	s25 =	simm.s32 $0x1B8E;
	s24 =	sld [smem:$0x3FFE];
	[sflag:s4] =	ssyncadd.remote.s32 @!p0 $0x1  }
0xb4: {  	s26 =	simm.s32 $execute0_lowered;
	[smem:$0x3FD2] =	sst s25  }
0xb5: {  	s5 =	sshll.u32 s26, $0x1;
	_ =	strace $0x80000049;
	[dreg:$0x1] =	wrdreg $0xFFFFFFFF  }
0xb6: {  	s28 =	simm.s32 $_size_execute0_lowered;
	s3 =	sadd.s32 s3, s5;
	[dreg:$0x0] =	wrdreg $0x0  }
0xb7: {  	s5 =	sshll.u32 s28, $0x1;
	[dreg:$0x2] =	wrdreg s3  }
0xb8: {  	[dreg:$0x3] =	wrdreg s5  }
0xb9: {  	[dreg:$0x4] =	wrdreg $0xC0  }
0xba: {  	_ =	task [dreg:s22], $0x5FFFF  }
0xbb: {  	[dreg:$0x1] =	wrdreg $0xFFFFFFFF  }
0xbc: {  	[dreg:$0x0] =	wrdreg $0x60  }
0xbd: {  	[dreg:$0x2] =	wrdreg s24  }
0xbe: {  	[dreg:$0x3] =	wrdreg $0x2A000  }
0xbf: {  	[dreg:$0x4] =	wrdreg $0xA  }
0xc0: {  	_ =	task.clear_ibuf [dreg:s22], $0x5FFFF;
	_ =	strace $0x90000049  }
0xc1: {  	s29 =	simm.s32 $0xA;
	_ =	strace $0x8000004B  }
0xc2: {  	_ =	swait.ge [sflag:s29], $0x1  }
0xc3: {  	[sflag:s29] =	ssyncadd.s32 $0xFFFFFFFF  }
0xc4: {  	_ =	strace $0x9000004B  }
0xc5: {  	_ =	sfence  }
0xc6: {  	s30 =	sld [smem:$0x0];
	_ =	sdelay $0x2  }
0xc7: {  	s31 =	sshll.u32 s1, $0xD;
	s1 =	sshrl.u32 s1, $0x2  }
0xc8: {  	s4 =	sand.u32 $0x4000, s31;
	s1 =	sadd.s32 s1, s30  }
0xc9: {  	s0 =	sor.u32 s4, s0;
	s1 =	sshll.u32 s1, $0x11  }
0xca: {  	s0 =	sor.u32 s1, s0  }
0xcb: {  	s0 =	sadd.s32 $0x8F2B, s0  }
0xcc: {  	[sflag:s0] =	ssyncadd.remote.s32 $0x1  }
0xcd: {  	_ =	sfence.sel $0xFFFF  }
0xce: {  	[dreg:$0x0] =	wrdreg $0xFFFFFFFF;
	(pc) =	sbr.abs _section_cstart, $3  }
0xcf: {  	[dreg:$0x1] =	wrdreg $0xFFFFFFFF  }
0xd0: {  	_ =	task.clear_ibuf [dreg:s22], $0x2FFFF;
	_ =	strace $0x9FFFFFFF  }
0xd1: {  	(tm) =	ssettm $0x7FFFFFFF  }
tec
execute0_lowered:
.L_overlay_start_1:
0x0: {  	(tag) =	ssettag $0x1  }
0x1: {  	s0 =	rddreg [dreg:$0x0];
	s1 =	srdreg.scid  }
0x2: {  	s11 =	stileid.u32;
	s2 =	rddreg [dreg:$0x1]  }
0x3: {  	s3 =	simm.s32 $0x0;
	s28 =	simm.s32 $0x4;
	s29 =	simm.s32 $0x80  }
0x4: {  	s30 =	simm.s32 $0x100;
	s31 =	simm.s32 $0x50;
	s1 =	sand.u32 $0x1, s1  }
0x5: {  	s4 =	smul.u32 $0x280, s11;
	[smem:$0x7FF] =	sst s3;
	s15 =	sadd.s32 $0x2600, s0  }
0x6: {  	s19 =	sadd.s32 $0x3E200, s0;
	s20 =	smul.u32 $0x50000, s11;
	s6 =	sadd.s32 $0xB6200, s0  }
0x7: {  	s16 =	smul.u32 $0x4E20, s11;
	_ =	strace $0x8000004A;
	[dreg:$0x3] =	wrdreg s19  }
0x8: {  	s7 =	sshll.u32 s11, $0x1;
	s5 =	smul.u32 $0x2800, s1;
	[dreg:$0x4] =	wrdreg s6  }
0x9: {  	s21 =	ssub.s32 $0x2, s1;
	s9 =	sor.u32 s1, s7;
	s1 =	smul.u32 $0x2710, s1  }
0xa: {  	s22 =	sshrl.u32 s21, $0x1;
	s23 =	smul.u32 $0x2710, s9;
	s4 =	sadd.s32 s4, s5  }
0xb: {  	s5 =	sshrl.u32 s20, $0x2;
	s1 =	sadd.s32 s1, s16;
	s4 =	sshll.u32 s4, $0x4  }
0xc: {  	s6 =	sadd.s32 s5, s2;
	s5 =	sshrl.u32 s23, $0x3;
	s1 =	sadd.s32 $0xA0, s1  }
0xd: {  	s0 =	sadd.s32 s4, s0;
	s4 =	ssub.s32 s21, s22;
	s7 =	sadd.s32 $0x2800, s6  }
0xe: {  	s8 =	sadd.s32 $0x5000, s6;
	s9 =	sadd.s32 $0x7800, s6;
	s10 =	sadd.s32 $0xA000, s6  }
0xf: {  	s11 =	sadd.s32 $0xC800, s6;
	s12 =	sadd.s32 $0xF000, s6;
	s14 =	sadd.s32 s15, s5  }
0x10: {  	s13 =	sadd.s32 $0x11800, s6;
	s1 =	sshrl.u32 s1, $0x3;
	s5 =	sadd.s32 $0xA, s14  }
0x11: {  	s24 =	sadd.s32 $0xB6800, s0;
	s25 =	sadd.s32 $0xB6D00, s0;
	s26 =	sadd.s32 $0xB7200, s0  }
0x12: {  	s19 =	sadd.s32 $0xB7700, s0;
	s20 =	sadd.s32 $0xB7C00, s0;
	[dreg:$0x5] =	wrdreg s5  }
.Ltmp0:
0x13: {  	s21 =	sadd.s32 $0xB8100, s0;
	[dreg:$0x6] =	wrdreg s24;
	(pc) =	sbr.rel .LBB2_1-.Ltmp0, $4  }
0x14: {  	s16 =	sadd.s32 s1, s15;
	s23 =	sadd.s32 $0xB8600, s0;
	[dreg:$0x7] =	wrdreg s25  }
0x15: {  	s1 =	simm.s32 $0x3;
	s15 =	simm.s32 $0x0;
	[dreg:$0x8] =	wrdreg s26  }
0x16: {  	s24 =	sadd.s32 $0xB8B00, s0;
	s25 =	smax.u32 s4, $0x1;
	s26 =	simm.s32 $0x200  }
0x17: {  	s0 =	simm.s32 $0x180;
	s4 =	simm.s32 $0x2;
	s5 =	simm.s32 $0x1  }
.LBB2_10:
0x18: {  	_ =	swait.ge [sflag:s4], $0x2800  }
0x19: {  	[sflag:s4] =	ssyncset.done $0x0  }
0x1a: {  	[sflag:s4] =	ssyncadd.s32 $0xFFFFD800  }
0x1b: {  	_ =	swait.ge [sflag:s5], $0x2800  }
0x1c: {  	[sflag:s5] =	ssyncset.done $0x0  }
0x1d: {  	[sflag:s5] =	ssyncadd.s32 $0xFFFFD800  }
0x1e: {  	[bflag:$0x0] =	sbarrier.arrive $0xFFFF  }
0x1f: {  	[tilespmem:s26], [sflag:$0x4] =	stream.linear.gather [spmem:s6], $0x2800, $0x38;
	[tilespmem:$0x16A00] =	vst v63  }
0x20: {  	_ =	swait.ge [sflag:s28], $0x2800  }
0x21: {  	[sflag:s28] =	ssyncset.done $0x0  }
0x22: {  	s17 =	rddreg [dreg:$0x6];
	[sflag:s28] =	ssyncadd.s32 $0xFFFFD800  }
0x23: {  	[hbm4b:s17+s3] =	stream.linear.scatter [tilespmem:s26], [sflag:$0x4], $0x2800, $0x38;
	[tilespmem:$0x16A00] =	vst v63  }
0x24: {  	_ =	swait.ge [sflag:s28], $0x2800  }
0x25: {  	[sflag:s28] =	ssyncset.done $0x0  }
0x26: {  	[sflag:s28] =	ssyncadd.s32 $0xFFFFD800  }
0x27: {  	[tilespmem:s26], [sflag:$0x4] =	stream.linear.gather [spmem:s7], $0x2800, $0x38;
	[tilespmem:$0x16A00] =	vst v63  }
0x28: {  	_ =	swait.ge [sflag:s28], $0x2800  }
0x29: {  	[sflag:s28] =	ssyncset.done $0x0  }
0x2a: {  	s18 =	rddreg [dreg:$0x7];
	[sflag:s28] =	ssyncadd.s32 $0xFFFFD800  }
0x2b: {  	[hbm4b:s18+s3] =	stream.linear.scatter [tilespmem:s26], [sflag:$0x4], $0x2800, $0x38;
	[tilespmem:$0x16A00] =	vst v63  }
0x2c: {  	_ =	swait.ge [sflag:s28], $0x2800  }
0x2d: {  	[sflag:s28] =	ssyncset.done $0x0  }
0x2e: {  	[sflag:s28] =	ssyncadd.s32 $0xFFFFD800  }
0x2f: {  	[tilespmem:s26], [sflag:$0x4] =	stream.linear.gather [spmem:s8], $0x2800, $0x38;
	[tilespmem:$0x16A00] =	vst v63  }
0x30: {  	_ =	swait.ge [sflag:s28], $0x2800  }
0x31: {  	[sflag:s28] =	ssyncset.done $0x0  }
0x32: {  	s22 =	rddreg [dreg:$0x8];
	[sflag:s28] =	ssyncadd.s32 $0xFFFFD800  }
0x33: {  	[hbm4b:s22+s3] =	stream.linear.scatter [tilespmem:s26], [sflag:$0x4], $0x2800, $0x38;
	[tilespmem:$0x16A00] =	vst v63  }
0x34: {  	_ =	swait.ge [sflag:s28], $0x2800  }
0x35: {  	[sflag:s28] =	ssyncset.done $0x0  }
0x36: {  	[sflag:s28] =	ssyncadd.s32 $0xFFFFD800  }
0x37: {  	[tilespmem:s26], [sflag:$0x4] =	stream.linear.gather [spmem:s9], $0x2800, $0x38;
	[tilespmem:$0x16A00] =	vst v63  }
0x38: {  	_ =	swait.ge [sflag:s28], $0x2800  }
0x39: {  	[sflag:s28] =	ssyncset.done $0x0  }
0x3a: {  	[sflag:s28] =	ssyncadd.s32 $0xFFFFD800  }
0x3b: {  	[hbm4b:s19+s3] =	stream.linear.scatter [tilespmem:s26], [sflag:$0x4], $0x2800, $0x38;
	[tilespmem:$0x16A00] =	vst v63  }
0x3c: {  	_ =	swait.ge [sflag:s28], $0x2800  }
0x3d: {  	[sflag:s28] =	ssyncset.done $0x0  }
0x3e: {  	[sflag:s28] =	ssyncadd.s32 $0xFFFFD800  }
0x3f: {  	[tilespmem:s26], [sflag:$0x4] =	stream.linear.gather [spmem:s10], $0x2800, $0x38;
	[tilespmem:$0x16A00] =	vst v63  }
0x40: {  	_ =	swait.ge [sflag:s28], $0x2800  }
0x41: {  	[sflag:s28] =	ssyncset.done $0x0  }
0x42: {  	[sflag:s28] =	ssyncadd.s32 $0xFFFFD800  }
0x43: {  	[hbm4b:s20+s3] =	stream.linear.scatter [tilespmem:s26], [sflag:$0x4], $0x2800, $0x38;
	[tilespmem:$0x16A00] =	vst v63  }
0x44: {  	_ =	swait.ge [sflag:s28], $0x2800  }
0x45: {  	[sflag:s28] =	ssyncset.done $0x0  }
0x46: {  	[sflag:s28] =	ssyncadd.s32 $0xFFFFD800  }
0x47: {  	[tilespmem:s26], [sflag:$0x4] =	stream.linear.gather [spmem:s11], $0x2800, $0x38;
	[tilespmem:$0x16A00] =	vst v63  }
0x48: {  	_ =	swait.ge [sflag:s28], $0x2800  }
0x49: {  	[sflag:s28] =	ssyncset.done $0x0  }
0x4a: {  	[sflag:s28] =	ssyncadd.s32 $0xFFFFD800  }
0x4b: {  	[hbm4b:s21+s3] =	stream.linear.scatter [tilespmem:s26], [sflag:$0x4], $0x2800, $0x38;
	[tilespmem:$0x16A00] =	vst v63  }
0x4c: {  	_ =	swait.ge [sflag:s28], $0x2800  }
0x4d: {  	[sflag:s28] =	ssyncset.done $0x0  }
0x4e: {  	[sflag:s28] =	ssyncadd.s32 $0xFFFFD800  }
0x4f: {  	[tilespmem:s26], [sflag:$0x4] =	stream.linear.gather [spmem:s12], $0x2800, $0x38;
	[tilespmem:$0x16A00] =	vst v63  }
0x50: {  	_ =	swait.ge [sflag:s28], $0x2800  }
0x51: {  	[sflag:s28] =	ssyncset.done $0x0  }
0x52: {  	[sflag:s28] =	ssyncadd.s32 $0xFFFFD800  }
0x53: {  	[hbm4b:s23+s3] =	stream.linear.scatter [tilespmem:s26], [sflag:$0x4], $0x2800, $0x38;
	[tilespmem:$0x16A00] =	vst v63  }
0x54: {  	_ =	swait.ge [sflag:s28], $0x2800  }
0x55: {  	[sflag:s28] =	ssyncset.done $0x0  }
0x56: {  	[sflag:s28] =	ssyncadd.s32 $0xFFFFD800  }
0x57: {  	[tilespmem:s26], [sflag:$0x4] =	stream.linear.gather [spmem:s13], $0x2800, $0x38;
	[tilespmem:$0x16A00] =	vst v63  }
0x58: {  	s15 =	sadd.s32 $0x1, s15;
	_ =	swait.ge [sflag:s28], $0x2800  }
0x59: {  	p0 =	sne.s32 s15, s25;
	[sflag:s28] =	ssyncset.done $0x0  }
.Ltmp1:
0x5a: {  	[sflag:s28] =	ssyncadd.s32 $0xFFFFD800;
	(pc) =	sbr.rel @!p0 .LBB2_11-.Ltmp1, $4  }
0x5b: {  	[hbm4b:s24+s3] =	stream.linear.scatter [tilespmem:s26], [sflag:$0x4], $0x2800, $0x38;
	[tilespmem:$0x16A00] =	vst v63  }
0x5c: {  	_ =	swait.ge [sflag:s28], $0x2800  }
0x5d: {  	[sflag:s28] =	ssyncset.done $0x0  }
0x5e: {  	[sflag:s28] =	ssyncadd.s32 $0xFFFFD800  }
.LBB2_1:
0x5f: {  	s17 =	rddreg [dreg:$0x3]  }
0x60: {  	[tilespmem:s26], [sflag:$0x4] =	stream.linear.gather [hbm4b:s17+s3], $0x2800, $0x38;
	[tilespmem:$0x16A00] =	vst v63  }
0x61: {  	_ =	swait.ge [sflag:s28], $0x2800  }
0x62: {  	[sflag:s28] =	ssyncset.done $0x0  }
0x63: {  	[sflag:s28] =	ssyncadd.s32 $0xFFFFD800  }
0x64: {  	[spmem:s6] =	stream.linear.scatter [tilespmem:s26], [sflag:$0x4], $0x2800, $0x38;
	[tilespmem:$0x16A00] =	vst v63  }
0x65: {  	_ =	swait.ge [sflag:s28], $0x2800  }
0x66: {  	[sflag:s28] =	ssyncset.done $0x0  }
0x67: {  	[sflag:s28] =	ssyncadd.s32 $0xFFFFD800  }
0x68: {  	[spmem:s7] =	stream.linear.scatter [tilespmem:s26], [sflag:$0x4], $0x2800, $0x38;
	[tilespmem:$0x16A00] =	vst v63  }
0x69: {  	_ =	swait.ge [sflag:s28], $0x2800  }
0x6a: {  	[sflag:s28] =	ssyncset.done $0x0  }
0x6b: {  	[sflag:s28] =	ssyncadd.s32 $0xFFFFD800  }
0x6c: {  	[spmem:s8] =	stream.linear.scatter [tilespmem:s26], [sflag:$0x4], $0x2800, $0x38;
	[tilespmem:$0x16A00] =	vst v63  }
0x6d: {  	_ =	swait.ge [sflag:s28], $0x2800  }
0x6e: {  	[sflag:s28] =	ssyncset.done $0x0  }
0x6f: {  	[sflag:s28] =	ssyncadd.s32 $0xFFFFD800  }
0x70: {  	[spmem:s9] =	stream.linear.scatter [tilespmem:s26], [sflag:$0x4], $0x2800, $0x38;
	[tilespmem:$0x16A00] =	vst v63  }
0x71: {  	_ =	swait.ge [sflag:s28], $0x2800  }
0x72: {  	[sflag:s28] =	ssyncset.done $0x0  }
0x73: {  	[sflag:s28] =	ssyncadd.s32 $0xFFFFD800  }
0x74: {  	[spmem:s10] =	stream.linear.scatter [tilespmem:s26], [sflag:$0x4], $0x2800, $0x38;
	[tilespmem:$0x16A00] =	vst v63  }
0x75: {  	_ =	swait.ge [sflag:s28], $0x2800  }
0x76: {  	[sflag:s28] =	ssyncset.done $0x0  }
0x77: {  	[sflag:s28] =	ssyncadd.s32 $0xFFFFD800  }
0x78: {  	[spmem:s11] =	stream.linear.scatter [tilespmem:s26], [sflag:$0x4], $0x2800, $0x38;
	[tilespmem:$0x16A00] =	vst v63  }
0x79: {  	_ =	swait.ge [sflag:s28], $0x2800  }
0x7a: {  	[sflag:s28] =	ssyncset.done $0x0  }
0x7b: {  	[sflag:s28] =	ssyncadd.s32 $0xFFFFD800  }
0x7c: {  	[spmem:s12] =	stream.linear.scatter [tilespmem:s26], [sflag:$0x4], $0x2800, $0x38;
	[tilespmem:$0x16A00] =	vst v63  }
0x7d: {  	_ =	swait.ge [sflag:s28], $0x2800  }
0x7e: {  	[sflag:s28] =	ssyncset.done $0x0  }
0x7f: {  	[sflag:s28] =	ssyncadd.s32 $0xFFFFD800  }
0x80: {  	[spmem:s13] =	stream.linear.scatter [tilespmem:s26], [sflag:$0x4], $0x2800, $0x38;
	[tilespmem:$0x16A00] =	vst v63  }
0x81: {  	_ =	swait.ge [sflag:s28], $0x2800  }
0x82: {  	[sflag:s28] =	ssyncset.done $0x0  }
0x83: {  	s18 =	rddreg [dreg:$0x4];
	[sflag:s28] =	ssyncadd.s32 $0xFFFFD800  }
0x84: {  	[tilespmem:s26], [sflag:$0x4] =	stream.linear.gather [hbm4b:s18+s3], $0x2800, $0x38;
	[tilespmem:$0x16A00] =	vst v63  }
0x85: {  	_ =	swait.ge [sflag:s28], $0x2800  }
0x86: {  	[sflag:s28] =	ssyncset.done $0x0  }
0x87: {  	[sflag:s28] =	ssyncadd.s32 $0xFFFFD800  }
0x88: {  	[bflag:$0x0] =	sbarrier.arrive $0xFFFF  }
0x89: {  	[tilespmem:s3], [sflag:$0x4] =	stream.linear.gather [hbm4b:s14+s3], $0x50, $0x38;
	[tilespmem:$0x16A00] =	vst v63  }
0x8a: {  	_ =	swait.ge [sflag:s28], $0x50  }
0x8b: {  	[sflag:s28] =	ssyncset.done $0x0  }
.Ltmp2:
0x8c: {  	s22 =	rddreg [dreg:$0x5];
	[sflag:s28] =	ssyncadd.s32 $0xFFFFFFB0;
	(pc) =	sbr.rel .LBB2_2-.Ltmp2, $4  }
0x8d: {  	[tilespmem:s29], [sflag:$0x4] =	stream.linear.gather [hbm4b:s22+s3], $0x50, $0x38;
	[tilespmem:$0x16A00] =	vst v63  }
0x8e: {  	_ =	swait.ge [sflag:s28], $0x50  }
0x8f: {  	[sflag:s28] =	ssyncset.done $0x0  }
0x90: {  	s17 =	simm.s32 $0x0;
	s22 =	smov.u32 s16;
	[sflag:s28] =	ssyncadd.s32 $0xFFFFFFB0  }
.LBB2_8:
0x91: {  	s18 =	simm.s32 @!p0 $0x2  }
0x92: {  	_ =	swait.ge @!p0 [sflag:s18], $0x2800  }
0x93: {  	[sflag:s18] =	ssyncset.done @!p0 $0x0  }
0x94: {  	p1 =	por p0, !p1;
	[sflag:s18] =	ssyncadd.s32 @!p0 $0xFFFFD800  }
0x95: {  	[spmem:s2] =	stream.indirect.scatter.add.f32 @!p1 [tilespmem:s26], [sflag:$0x2], $0x80, s0, s31, $0xb8;
	[tilespmem:$0x16A00] =	vst v63  }
0x96: {  	_ = 	snop  }
0x97: {  	[tilespmem:s29], [sflag:$0x3] =	stream.linear.gather @p1 [hbm4b:s22+s3], $0x50, $0x38;
	[tilespmem:$0x16A00] =	vst v63  }
0x98: {  	_ = 	snop  }
0x99: {  	[spmem:s2] =	stream.indirect.scatter.add.f32 @p1 [tilespmem:s26], [sflag:$0x2], $0x80, s0, s31, $0xb8;
	[tilespmem:$0x16A00] =	vst v63  }
0x9a: {  	_ =	swait.ge @p1 [sflag:s1], $0x50  }
0x9b: {  	[sflag:s1] =	ssyncset.done @p1 $0x0  }
0x9c: {  	[sflag:s1] =	ssyncadd.s32 @p1 $0xFFFFFFB0  }
.LBB2_9:
0x9d: {  	s17 =	sadd.s32 $0x1, s17  }
0x9e: {  	p0 =	sne.s32 s17, $0x7D  }
.Ltmp3:
0x9f: {  	_ = 	snop;
	(pc) =	sbr.rel @!p0 .LBB2_10-.Ltmp3, $2  }
0xa0: {  	_ =	sdelay $0x2  }
0xa1: {  	s22 =	sadd.s32 $0xA, s22  }
.LBB2_2:
0xa2: {  	s18 =	sand.u32 $0x3, s17  }
0xa3: {  	p0 =	sgt.s32 s18, $0x1  }
.Ltmp4:
0xa4: {  	_ = 	snop;
	(pc) =	sbr.rel @p0 .LBB2_7-.Ltmp4, $1  }
0xa5: {  	_ =	sdelay $0x3  }
0xa6: {  	p0 =	seq.s32 s18, $0x0  }
.Ltmp5:
0xa7: {  	_ = 	snop;
	(pc) =	sbr.rel @!p0 .LBB2_5-.Ltmp5, $1  }
0xa8: {  	_ =	sdelay $0x3  }
0xa9: {  	p0 =	slt.u32 s17, $0x2  }
0xaa: {  	s18 =	simm.s32 @!p0 $0x1  }
0xab: {  	_ =	swait.ge @!p0 [sflag:s18], $0x2800  }
0xac: {  	p1 =	sgt.u32 @!p0 s17, $0x7A;
	[sflag:s18] =	ssyncset.done @!p0 $0x0  }
0xad: {  	p1 =	por p0, !p1;
	[sflag:s18] =	ssyncadd.s32 @!p0 $0xFFFFD800  }
0xae: {  	[spmem:s2] =	stream.indirect.scatter.add.f32 @!p1 [tilespmem:s26], [sflag:$0x1], $0x80, s3, s31, $0xb8;
	[tilespmem:$0x16A00] =	vst v63  }
0xaf: {  	_ = 	snop  }
0xb0: {  	[tilespmem:s30], [sflag:$0x3] =	stream.linear.gather @p1 [hbm4b:s22+s3], $0x50, $0x38;
	[tilespmem:$0x16A00] =	vst v63  }
.Ltmp6:
0xb1: {  	_ = 	snop;
	(pc) =	sbr.rel .LBB2_9-.Ltmp6, $4  }
0xb2: {  	[spmem:s2] =	stream.indirect.scatter.add.f32 @p1 [tilespmem:s26], [sflag:$0x1], $0x80, s3, s31, $0xb8;
	[tilespmem:$0x16A00] =	vst v63  }
0xb3: {  	_ =	swait.ge @p1 [sflag:s1], $0x50  }
0xb4: {  	[sflag:s1] =	ssyncset.done @p1 $0x0  }
0xb5: {  	[sflag:s1] =	ssyncadd.s32 @p1 $0xFFFFFFB0  }
.LBB2_7:
0xb6: {  	p2 =	seq.s32 s18, $0x2  }
.Ltmp7:
0xb7: {  	_ = 	snop;
	(pc) =	sbr.rel @!p2 .LBB2_8-.Ltmp7, $3  }
0xb8: {  	_ =	sdelay $0x1  }
0xb9: {  	p0 =	slt.u32 s17, $0x2  }
0xba: {  	p1 =	sgt.u32 @!p0 s17, $0x7A  }
0xbb: {  	s18 =	simm.s32 @!p0 $0x1  }
0xbc: {  	_ =	swait.ge @!p0 [sflag:s18], $0x2800  }
0xbd: {  	[sflag:s18] =	ssyncset.done @!p0 $0x0  }
0xbe: {  	p1 =	por p0, !p1;
	[sflag:s18] =	ssyncadd.s32 @!p0 $0xFFFFD800  }
0xbf: {  	[spmem:s2] =	stream.indirect.scatter.add.f32 @!p1 [tilespmem:s26], [sflag:$0x1], $0x80, s30, s31, $0xb8;
	[tilespmem:$0x16A00] =	vst v63  }
0xc0: {  	_ = 	snop  }
0xc1: {  	[tilespmem:s3], [sflag:$0x3] =	stream.linear.gather @p1 [hbm4b:s22+s3], $0x50, $0x38;
	[tilespmem:$0x16A00] =	vst v63  }
.Ltmp8:
0xc2: {  	_ = 	snop;
	(pc) =	sbr.rel .LBB2_9-.Ltmp8, $4  }
0xc3: {  	[spmem:s2] =	stream.indirect.scatter.add.f32 @p1 [tilespmem:s26], [sflag:$0x1], $0x80, s30, s31, $0xb8;
	[tilespmem:$0x16A00] =	vst v63  }
0xc4: {  	_ =	swait.ge @p1 [sflag:s1], $0x50  }
0xc5: {  	[sflag:s1] =	ssyncset.done @p1 $0x0  }
0xc6: {  	[sflag:s1] =	ssyncadd.s32 @p1 $0xFFFFFFB0  }
.LBB2_5:
0xc7: {  	p0 =	slt.u32 s17, $0x2  }
0xc8: {  	s18 =	simm.s32 @!p0 $0x2  }
0xc9: {  	_ =	swait.ge @!p0 [sflag:s18], $0x2800  }
0xca: {  	p1 =	sgt.u32 @!p0 s17, $0x7A;
	[sflag:s18] =	ssyncset.done @!p0 $0x0  }
0xcb: {  	p1 =	por p0, !p1;
	[sflag:s18] =	ssyncadd.s32 @!p0 $0xFFFFD800  }
0xcc: {  	[spmem:s2] =	stream.indirect.scatter.add.f32 @!p1 [tilespmem:s26], [sflag:$0x2], $0x80, s29, s31, $0xb8;
	[tilespmem:$0x16A00] =	vst v63  }
0xcd: {  	_ = 	snop  }
0xce: {  	[tilespmem:s0], [sflag:$0x3] =	stream.linear.gather @p1 [hbm4b:s22+s3], $0x50, $0x38;
	[tilespmem:$0x16A00] =	vst v63  }
.Ltmp9:
0xcf: {  	_ = 	snop;
	(pc) =	sbr.rel .LBB2_9-.Ltmp9, $4  }
0xd0: {  	[spmem:s2] =	stream.indirect.scatter.add.f32 @p1 [tilespmem:s26], [sflag:$0x2], $0x80, s29, s31, $0xb8;
	[tilespmem:$0x16A00] =	vst v63  }
0xd1: {  	_ =	swait.ge @p1 [sflag:s1], $0x50  }
0xd2: {  	[sflag:s1] =	ssyncset.done @p1 $0x0  }
0xd3: {  	[sflag:s1] =	ssyncadd.s32 @p1 $0xFFFFFFB0  }
.LBB2_11:
0xd4: {  	_ =	sfence.sel $0x180000  }
0xd5: {  	[bflag:$0x0] =	sbarrier.arrive $0xFFFF  }
0xd6: {  	_ =	strace $0x9000004A  }
0xd7: {  	s0 =	stileid.u32;
	[bflag:$0x2] =	sbarrier.arrive $0xFFFF  }
0xd8: {  	p0 =	sne.s32 s0, $0x0;
	s0 =	rddreg [dreg:$0x2]  }
0xd9: {  	s0 =	sadd.s32 @!p0 $0x100000, s0  }
0xda: {  	[sflag:s0] =	ssyncadd.tile.s32 @!p0 $0x1;
	_ =	shalt  }
.Lfunc_end2:
_tile_overlayer_lowered:
.L_overlay_start_2:
0xdb: {  	(tag) =	ssettag $0x2  }
0xdc: {  	s0 =	rddreg [dreg:$0x0];
	s2 =	stileid.u32  }
0xdd: {  	s1 =	rddreg [dreg:$0x1];
	p0 =	sne.s32 s2, $0x0  }
0xde: {  	s3 =	rddreg [dreg:$0x2];
	[bflag:$0x3] =	sbarrier.arrive $0xFFFF;
	s2 =	simm.s32 @!p0 $0x1C04  }
0xdf: {  	[timem:s3], [sflag:s2] =	dma.local @!p0 [hbm:s0], s1  }
0xe0: {  	s0 =	simm.s32 @!p0 $0x4  }
0xe1: {  	_ =	swait.ge @!p0 [sflag:s0], s1  }
0xe2: {  	s1 =	ssub.s32 @!p0 $0x0, s1;
	[sflag:s0] =	ssyncset.done @!p0 $0x0  }
0xe3: {  	[sflag:s0] =	ssyncadd.s32 @!p0 s1  }
0xe4: {  	[bflag:$0x3] =	sbarrier.arrive $0xFFFF  }
0xe5: {  	_ =	shalt  }

// kernel: kernel.13.cloned.1.call-start
scs
__scs_entry_jumppad:
0x0: {  	(pc) =	sbr.rel $0x88, $3  }
0x1: {  	(tag) =	ssettag $0x0;
	lr =	simm.s32 $0x1  }
0x2: {  	[smem:$0x3F94] =	sst lr;
	_ =	strace $0xD0000000  }
0x3: {  	_ = 	snop  }
0x4: {  	_ = 	snop  }
0x5: {  	_ = 	snop  }
0x6: {  	_ = 	snop  }
0x7: {  	_ = 	snop  }
__scs_overlays_trampoline_lowered:
0x8: {  	[smem:$0x3FA3] =	sst s0  }
0x9: {  	[smem:$0x3FA4] =	sst s1  }
0xa: {  	[smem:$0x3FA5] =	sst s2  }
0xb: {  	[smem:$0x3FA6] =	sst s3  }
0xc: {  	[smem:$0x3FA7] =	sst s4  }
0xd: {  	[smem:$0x3FA8] =	sst s5  }
0xe: {  	[smem:$0x3FA9] =	sst s6  }
0xf: {  	[smem:$0x3FAA] =	sst s7  }
0x10: {  	[smem:$0x3FAB] =	sst s8  }
0x11: {  	[smem:$0x3FAC] =	sst s9;
	s0 =	simm.s32 @!p0 $0x0  }
0x12: {  	s1 =	sld [smem:$0x3F92];
	s0 =	simm.s32 @p0 $0x1  }
0x13: {  	[smem:$0x3FAD] =	sst s0;
	s0 =	simm.s32 @!p1 $0x0  }
0x14: {  	s2 =	sld [smem:$0x3F91];
	s0 =	simm.s32 @p1 $0x1  }
0x15: {  	[smem:$0x3FAE] =	sst s0;
	s0 =	simm.s32 @!p2 $0x0  }
0x16: {  	s3 =	sld [smem:$0x3FDB];
	s0 =	simm.s32 @p2 $0x1  }
0x17: {  	s4 =	simm.s32 $0x1BF5;
	[smem:$0x3FB0] =	sst s0  }
0x18: {  	s0 =	sld [smem:$0x3F93];
	_ =	swait.ge [sflag:s4], $0x0  }
0x19: {  	s7 =	sld [smem:$0x3F94]  }
0x1a: {  	s8 =	sadd.s32 $0xFFFFE003, lr  }
0x1b: {  	s9 =	sadd.s32 $0xFFFFFEF7, lr;
	s5 =	simm.s32 $0xFFFFFFFF;
	p2 =	slt.u32 s8, $0xFFFFF086  }
0x1c: {  	p1 =	slt.u32 s9, $0xF7A;
	s5 =	simm.s32 @!p2 $0x0  }
0x1d: {  	s5 =	simm.s32 @p1 $0x1;
	p0 =	seq.s32 s7, s2  }
0x1e: {  	s7 =	smul.u32 @!p0 $0xF7A, s2;
	p2 =	seq.s32 @!p0 s5, $0x0  }
0x1f: {  	s9 =	smul.u32 $0xF7A, s1;
	s8 =	simm.s32 @!p0 $0x1BF5;
	p2 =	por !p2, p0  }
0x20: {  	[sflag:s8] =	ssyncset.s32 @!p0 $0xFFFFF086;
	s6 =	sadd.s32 @!p0 s3, s7;
	s7 =	simm.s32 @!p0 $0x108  }
0x21: {  	s3 =	sadd.s32 s3, s9;
	s6 =	sadd.s32 @!p0 $0x88, s6;
	s7 =	simm.s32 @p2 $0x1082  }
0x22: {  	[simem:s7], [sflag:s8] =	dma.local @!p0 [hbm:s6], $0xF7A  }
0x23: {  	s9 =	sor.u32 $0xD0000000, s2;
	s6 =	simm.s32 $0x108;
	_ =	swait.ge @!p0 [sflag:s8], $0x0  }
0x24: {  	s3 =	sadd.s32 $0x88, s3;
	s6 =	simm.s32 @!p1 $0x1082;
	[sflag:s4] =	ssyncset.s32 $0xFFFFF086  }
0x25: {  	[simem:s6], [sflag:s4] =	dma.local [hbm:s3], $0xF7A  }
0x26: {  	[smem:$0x3F94] =	sst s1;
	(tag) =	ssettag s2;
	_ =	strace s9  }
0x27: {  	s1 =	sld [smem:$0x3FA4]  }
0x28: {  	s2 =	sld [smem:$0x3FA5]  }
0x29: {  	s4 =	sld [smem:$0x3FA7]  }
0x2a: {  	p0 =	seq.s32 s5, $0x0;
	s5 =	sld [smem:$0x3FA8]  }
0x2b: {  	s6 =	sld [smem:$0x3FA9]  }
0x2c: {  	s7 =	sld [smem:$0x3FAA]  }
0x2d: {  	s3 =	simm.s32 $0x108;
	s8 =	sld [smem:$0x3FAB]  }
0x2e: {  	s3 =	simm.s32 @!p0 $0x1082;
	s9 =	sld [smem:$0x3FAC]  }
0x2f: {  	lr =	sadd.s32 s0, s3;
	s0 =	sld [smem:$0x3FA3]  }
0x30: {  	s3 =	sld [smem:$0x3FA6]  }
0x31: {  	[smem:$0x3FAF] =	sst s10  }
0x32: {  	s10 =	sld [smem:$0x3FAD];
	_ =	sdelay $0x3  }
0x33: {  	p0 =	seq.s32 s10, $0x1;
	s10 =	sld [smem:$0x3FAF];
	_ =	sdelay $0x3  }
0x34: {  	[smem:$0x3FAF] =	sst s10  }
0x35: {  	s10 =	sld [smem:$0x3FAE];
	_ =	sdelay $0x3  }
0x36: {  	p1 =	seq.s32 s10, $0x1;
	s10 =	sld [smem:$0x3FAF];
	_ =	sdelay $0x3  }
0x37: {  	[smem:$0x3FAF] =	sst s10  }
0x38: {  	s10 =	sld [smem:$0x3FB0]  }
0x39: {  	_ = 	snop;
	(pc) =	sbr.ind lr, $3  }
0x3a: {  	_ = 	snop  }
0x3b: {  	_ = 	snop  }
0x3c: {  	p2 =	seq.s32 s10, $0x1;
	s10 =	sld [smem:$0x3FAF]  }
0x3d: {  	_ =	shalt  }
0x3e: {  	_ =	shalt  }
0x3f: {  	_ =	shalt  }
0x40: {  	_ =	shalt  }
0x41: {  	_ =	shalt  }
0x42: {  	_ =	shalt  }
0x43: {  	_ =	shalt  }
0x44: {  	_ =	shalt  }
0x45: {  	_ =	shalt  }
0x46: {  	_ =	shalt  }
0x47: {  	_ =	shalt  }
0x48: {  	_ =	shalt  }
0x49: {  	_ =	shalt  }
0x4a: {  	_ =	shalt  }
0x4b: {  	_ =	shalt  }
0x4c: {  	_ =	shalt  }
0x4d: {  	_ =	shalt  }
0x4e: {  	_ =	shalt  }
0x4f: {  	_ =	shalt  }
0x50: {  	_ =	shalt  }
0x51: {  	_ =	shalt  }
0x52: {  	_ =	shalt  }
0x53: {  	_ =	shalt  }
0x54: {  	_ =	shalt  }
0x55: {  	_ =	shalt  }
0x56: {  	_ =	shalt  }
0x57: {  	_ =	shalt  }
0x58: {  	_ =	shalt  }
0x59: {  	_ =	shalt  }
0x5a: {  	_ =	shalt  }
0x5b: {  	_ =	shalt  }
0x5c: {  	_ =	shalt  }
0x5d: {  	_ =	shalt  }
0x5e: {  	_ =	shalt  }
0x5f: {  	_ =	shalt  }
0x60: {  	_ =	shalt  }
0x61: {  	_ =	shalt  }
0x62: {  	_ =	shalt  }
0x63: {  	_ =	shalt  }
0x64: {  	_ =	shalt  }
0x65: {  	_ =	shalt  }
0x66: {  	_ =	shalt  }
0x67: {  	_ =	shalt  }
0x68: {  	_ =	shalt  }
0x69: {  	_ =	shalt  }
0x6a: {  	_ =	shalt  }
0x6b: {  	_ =	shalt  }
0x6c: {  	_ =	shalt  }
0x6d: {  	_ =	shalt  }
0x6e: {  	_ =	shalt  }
0x6f: {  	_ =	shalt  }
0x70: {  	_ =	shalt  }
0x71: {  	_ =	shalt  }
0x72: {  	_ =	shalt  }
0x73: {  	_ =	shalt  }
0x74: {  	_ =	shalt  }
0x75: {  	_ =	shalt  }
0x76: {  	_ =	shalt  }
0x77: {  	_ =	shalt  }
0x78: {  	_ =	shalt  }
0x79: {  	_ =	shalt  }
0x7a: {  	_ =	shalt  }
0x7b: {  	_ =	shalt  }
0x7c: {  	_ =	shalt  }
0x7d: {  	_ =	shalt  }
0x7e: {  	_ =	shalt  }
0x7f: {  	_ =	shalt  }
0x80: {  	_ =	shalt  }
0x81: {  	_ =	shalt  }
0x82: {  	_ =	shalt  }
0x83: {  	_ =	shalt  }
0x84: {  	_ =	shalt  }
0x85: {  	_ =	shalt  }
0x86: {  	_ =	shalt  }
0x87: {  	_ =	shalt  }
.Lfunc_end0:
.L_simem_size_0:
called_computation.2_lowered:
.L_overlay_start_0:
0x88: {  	s2 =	sld [smem:$0x3FD9]  }
0x89: {  	s3 =	sld [smem:$0x3FFE];
	_ =	sdelay $0x1  }
0x8a: {  	s1 =	srdreg.scid  }
0x8b: {  	s0 =	sand.u32 $0x1, s1  }
0x8c: {  	s16 =	sshll.u32 s0, $0xA;
	s2 =	sadd.s32 s3, s2  }
0x8d: {  	s2 =	sadd.s32 s2, s16  }
0x8e: {  	[smem:$0x3FBB] =	sst s2  }
0x8f: {  	_ = 	snop  }
0x90: {  	(tm) =	ssettm $0x1  }
0x91: {  	s17 =	sld [smem:$0x3FFB];
	_ =	sdelay $0x3  }
0x92: {  	_ =	strace s17  }
0x93: {  	s2 =	sld [smem:$0x3FFC];
	_ =	sdelay $0x3  }
0x94: {  	_ =	strace s2  }
0x95: {  	s2 =	sld [smem:$0x3FFD];
	_ =	sdelay $0x3  }
0x96: {  	_ =	strace s2  }
0x97: {  	_ =	strace $0x8FFFFFFF  }
0x98: {  	s18 =	sld [smem:$0x3FDB];
	_ =	sdelay $0x1  }
0x99: {  	s19 =	simm.s32 $_scs_section_size  }
0x9a: {  	s4 =	simm.s32 $_size__tile_overlayer_lowered;
	s5 =	simm.s32 $_tile_overlayer_lowered  }
0x9b: {  	s22 =	simm.s32 $0x1BFF;
	s21 =	sshll.u32 s5, $0x1;
	s2 =	sadd.s32 s19, s18  }
0x9c: {  	s6 =	simm.s32 $0x0;
	s20 =	sshll.u32 s4, $0x1;
	s4 =	sadd.s32 s21, s2  }
0x9d: {  	[timem:s6], [sflag:s22] =	dma.local [hbm:s4], s20  }
0x9e: {  	_ =	swait.ge [sflag:s22], s20  }
0x9f: {  	s3 =	ssub.s32 $0x0, s20;
	[sflag:s22] =	ssyncset.done $0x0  }
0xa0: {  	[sflag:s22] =	ssyncadd.s32 s3;
	_ =	sdelay $0x1  }
0xa1: {  	s23 =	simm.s32 $0x1B8B  }
0xa2: {  	_ =	swait.ge [sflag:s23], $0x1  }
0xa3: {  	[sflag:s23] =	ssyncset.done $0x0  }
0xa4: {  	s25 =	simm.s32 $0x1B8E;
	s24 =	sld [smem:$0x3FFE];
	[sflag:s23] =	ssyncadd.s32 $0xFFFFFFFF  }
0xa5: {  	s26 =	simm.s32 $execute0_lowered;
	[smem:$0x3FD2] =	sst s25  }
0xa6: {  	s4 =	sshll.u32 s26, $0x1;
	_ =	strace $0x8000004C;
	[dreg:$0x1] =	wrdreg $0xFFFFFFFF  }
0xa7: {  	s28 =	simm.s32 $_size_execute0_lowered;
	s2 =	sadd.s32 s2, s4;
	[dreg:$0x0] =	wrdreg $0x0  }
0xa8: {  	s4 =	sshll.u32 s28, $0x1;
	[dreg:$0x2] =	wrdreg s2  }
0xa9: {  	[dreg:$0x3] =	wrdreg s4  }
0xaa: {  	[dreg:$0x4] =	wrdreg $0xC0  }
0xab: {  	_ =	task [dreg:s6], $0x5FFFF  }
0xac: {  	[dreg:$0x1] =	wrdreg $0xFFFFFFFF  }
0xad: {  	[dreg:$0x0] =	wrdreg $0x60  }
0xae: {  	[dreg:$0x2] =	wrdreg s24  }
0xaf: {  	[dreg:$0x3] =	wrdreg $0x54000  }
0xb0: {  	[dreg:$0x4] =	wrdreg $0x9  }
0xb1: {  	_ =	task.clear_ibuf [dreg:s6], $0x5FFFF;
	_ =	strace $0x9000004C  }
0xb2: {  	s29 =	simm.s32 $0x9;
	_ =	strace $0x8000004E  }
0xb3: {  	_ =	swait.ge [sflag:s29], $0x1  }
0xb4: {  	[sflag:s29] =	ssyncadd.s32 $0xFFFFFFFF  }
0xb5: {  	_ =	strace $0x9000004E  }
0xb6: {  	_ =	sfence  }
0xb7: {  	s30 =	sld [smem:$0x0];
	_ =	sdelay $0x2  }
0xb8: {  	s31 =	sshll.u32 s1, $0xD;
	s1 =	sshrl.u32 s1, $0x2  }
0xb9: {  	s3 =	sand.u32 $0x4000, s31;
	s1 =	sadd.s32 s1, s30  }
0xba: {  	s0 =	sor.u32 s3, s0;
	s1 =	sshll.u32 s1, $0x11  }
0xbb: {  	s0 =	sor.u32 s1, s0  }
0xbc: {  	s0 =	sadd.s32 $0x8F2B, s0  }
0xbd: {  	[sflag:s0] =	ssyncadd.remote.s32 $0x1  }
0xbe: {  	_ =	sfence.sel $0xFFFF  }
0xbf: {  	[dreg:$0x0] =	wrdreg $0xFFFFFFFF;
	(pc) =	sbr.abs _section_cstart, $3  }
0xc0: {  	[dreg:$0x1] =	wrdreg $0xFFFFFFFF  }
0xc1: {  	_ =	task.clear_ibuf [dreg:s6], $0x2FFFF;
	_ =	strace $0x9FFFFFFF  }
0xc2: {  	(tm) =	ssettm $0x7FFFFFFF  }
0xc3: {  	_ =	shalt  }
tec
execute0_lowered:
.L_overlay_start_1:
0x0: {  	(tag) =	ssettag $0x1  }
0x1: {  	s0 =	rddreg [dreg:$0x0];
	s1 =	srdreg.scid  }
0x2: {  	s10 =	stileid.u32;
	s2 =	rddreg [dreg:$0x1]  }
0x3: {  	s3 =	simm.s32 $0x0;
	s1 =	sand.u32 $0x1, s1;
	s5 =	smul.u32 $0x280, s10  }
0x4: {  	[smem:$0x7FF] =	sst s3;
	s4 =	sadd.s32 $0x16200, s0;
	s24 =	smul.u32 $0x50000, s10  }
0x5: {  	s8 =	sadd.s32 $0x3E200, s0;
	s26 =	sshll.u32 s10, $0x1;
	s6 =	smul.u32 $0x2800, s1  }
0x6: {  	_ =	strace $0x8000004D;
	[dreg:$0x3] =	wrdreg s8;
	s8 =	sor.u32 s1, s26  }
0x7: {  	s7 =	sadd.s32 $0xC400, s0;
	s25 =	ssub.s32 $0x2, s1;
	s12 =	smul.u32 $0x2710, s8  }
0x8: {  	s11 =	sadd.s32 $0x2600, s0;
	s9 =	sshrl.u32 s25, $0x1;
	s5 =	sadd.s32 s5, s6  }
0x9: {  	s6 =	sshrl.u32 s24, $0x2;
	s5 =	sshll.u32 s5, $0x4;
	s12 =	sshrl.u32 s12, $0x3  }
0xa: {  	s29 =	sadd.s32 s6, s2;
	s0 =	sadd.s32 s5, s0;
	s6 =	sadd.s32 s7, s12  }
0xb: {  	s5 =	ssub.s32 s25, s9;
	s9 =	sadd.s32 s11, s12;
	[dreg:$0x4] =	wrdreg s6  }
0xc: {  	s28 =	sadd.s32 $0xC800, s29;
	[dreg:$0x5] =	wrdreg s9  }
0xd: {  	s30 =	simm.s32 $0x400;
	s8 =	sadd.s32 $0x11800, s29;
	[dreg:$0x14] =	wrdreg s28  }
0xe: {  	s26 =	sadd.s32 $0xA000, s29;
	s12 =	sadd.s32 $0xA, s12;
	[dreg:$0x15] =	wrdreg s8  }
0xf: {  	s13 =	smul.u32 $0x4E20, s10;
	s10 =	sadd.s32 s7, s12;
	[dreg:$0x16] =	wrdreg s26  }
0x10: {  	s1 =	smul.u32 $0x2710, s1;
	s12 =	sadd.s32 s11, s12;
	[dreg:$0x6] =	wrdreg s10  }
0x11: {  	s31 =	simm.s32 $0x6;
	s14 =	sadd.s32 $0x66200, s0;
	[dreg:$0x7] =	wrdreg s12  }
0x12: {  	s1 =	sadd.s32 s1, s13;
	s15 =	sadd.s32 $0x66700, s0;
	[dreg:$0x8] =	wrdreg s14  }
0x13: {  	s13 =	simm.s32 $0x100;
	s16 =	sadd.s32 $0x66C00, s0;
	[dreg:$0x9] =	wrdreg s15  }
0x14: {  	s1 =	sadd.s32 $0xA0, s1;
	s17 =	sadd.s32 $0x67100, s0;
	[dreg:$0xa] =	wrdreg s16  }
0x15: {  	s21 =	sadd.s32 $0x2800, s29;
	s18 =	sadd.s32 $0x67600, s0;
	[dreg:$0xb] =	wrdreg s17  }
0x16: {  	s1 =	sshrl.u32 s1, $0x3;
	s19 =	sadd.s32 $0x67B00, s0;
	[dreg:$0xc] =	wrdreg s18  }
0x17: {  	s22 =	sadd.s32 $0x5000, s29;
	s20 =	sadd.s32 s1, s11;
	[dreg:$0xd] =	wrdreg s19  }
0x18: {  	s25 =	sadd.s32 $0x7800, s29;
	s1 =	sadd.s32 s1, s7;
	[dreg:$0xe] =	wrdreg s20  }
0x19: {  	s23 =	sadd.s32 $0x68000, s0;
	s0 =	sadd.s32 $0x68500, s0;
	[dreg:$0xf] =	wrdreg s1  }
0x1a: {  	s24 =	smax.u32 s5, $0x1;
	s6 =	sadd.s32 $0xF000, s29;
	[dreg:$0x10] =	wrdreg s23  }
0x1b: {  	s5 =	simm.s32 $0x280;
	s11 =	simm.s32 $0x50;
	[dreg:$0x11] =	wrdreg s0  }
.Ltmp0:
0x1c: {  	[dreg:$0x12] =	wrdreg s24;
	s1 =	simm.s32 $0x200;
	(pc) =	sbr.rel .LBB2_1-.Ltmp0, $4  }
0x1d: {  	s0 =	simm.s32 $0x80;
	s12 =	simm.s32 $0x2C00;
	s14 =	simm.s32 $0x300  }
0x1e: {  	s15 =	simm.s32 $0x1;
	s16 =	simm.s32 $0x4;
	s17 =	simm.s32 $0x180  }
0x1f: {  	s18 =	simm.s32 $0x380;
	s19 =	simm.s32 $0x2;
	s20 =	simm.s32 $0x3  }
0x20: {  	s23 =	simm.s32 $0x5;
	s24 =	simm.s32 $0x0;
	[dreg:$0x13] =	wrdreg s6  }
.LBB2_20:
0x21: {  	_ =	swait.ge [sflag:s19], $0x2800  }
0x22: {  	[sflag:s19] =	ssyncset.done $0x0  }
0x23: {  	[sflag:s19] =	ssyncadd.s32 $0xFFFFD800  }
0x24: {  	[spmem:s2] =	stream.indirect.scatter.add.f32 [tilespmem:s12], [sflag:$0x4], $0x80, s18, s11, $0xb8;
	[tilespmem:$0x19400] =	vst v63  }
.LBB2_26:
0x25: {  	_ =	swait.ge [sflag:s16], $0x2800  }
0x26: {  	[sflag:s16] =	ssyncset.done $0x0  }
0x27: {  	[sflag:s16] =	ssyncadd.s32 $0xFFFFD800  }
0x28: {  	_ =	swait.ge [sflag:s15], $0x2800  }
0x29: {  	[sflag:s15] =	ssyncset.done $0x0  }
0x2a: {  	[sflag:s15] =	ssyncadd.s32 $0xFFFFD800  }
0x2b: {  	[spmem:s2] =	stream.indirect.scatter.add.f32 [tilespmem:s30], [sflag:$0x6], $0x80, s1, s11, $0xb8;
	[tilespmem:$0x19400] =	vst v63  }
0x2c: {  	_ =	swait.ge [sflag:s31], $0x2800  }
0x2d: {  	[sflag:s31] =	ssyncset.done $0x0  }
0x2e: {  	[sflag:s31] =	ssyncadd.s32 $0xFFFFD800  }
0x2f: {  	[bflag:$0x0] =	sbarrier.arrive $0xFFFF  }
0x30: {  	[tilespmem:s30], [sflag:$0x6] =	stream.linear.gather [spmem:s10], $0x2800, $0x38;
	[tilespmem:$0x19400] =	vst v63  }
0x31: {  	_ =	swait.ge [sflag:s31], $0x2800  }
0x32: {  	[sflag:s31] =	ssyncset.done $0x0  }
0x33: {  	s7 =	rddreg [dreg:$0x8];
	[sflag:s31] =	ssyncadd.s32 $0xFFFFD800  }
0x34: {  	[hbm4b:s7+s3] =	stream.linear.scatter [tilespmem:s30], [sflag:$0x6], $0x2800, $0x38;
	[tilespmem:$0x19400] =	vst v63  }
0x35: {  	_ =	swait.ge [sflag:s31], $0x2800  }
0x36: {  	[sflag:s31] =	ssyncset.done $0x0  }
0x37: {  	[sflag:s31] =	ssyncadd.s32 $0xFFFFD800  }
0x38: {  	[tilespmem:s30], [sflag:$0x6] =	stream.linear.gather [spmem:s29], $0x2800, $0x38;
	[tilespmem:$0x19400] =	vst v63  }
0x39: {  	_ =	swait.ge [sflag:s31], $0x2800  }
0x3a: {  	[sflag:s31] =	ssyncset.done $0x0  }
0x3b: {  	s25 =	rddreg [dreg:$0x9];
	[sflag:s31] =	ssyncadd.s32 $0xFFFFD800  }
0x3c: {  	[hbm4b:s25+s3] =	stream.linear.scatter [tilespmem:s30], [sflag:$0x6], $0x2800, $0x38;
	[tilespmem:$0x19400] =	vst v63  }
0x3d: {  	_ =	swait.ge [sflag:s31], $0x2800  }
0x3e: {  	[sflag:s31] =	ssyncset.done $0x0  }
0x3f: {  	[sflag:s31] =	ssyncadd.s32 $0xFFFFD800  }
0x40: {  	[tilespmem:s30], [sflag:$0x6] =	stream.linear.gather [spmem:s9], $0x2800, $0x38;
	[tilespmem:$0x19400] =	vst v63  }
0x41: {  	_ =	swait.ge [sflag:s31], $0x2800  }
0x42: {  	[sflag:s31] =	ssyncset.done $0x0  }
0x43: {  	s6 =	rddreg [dreg:$0xa];
	[sflag:s31] =	ssyncadd.s32 $0xFFFFD800  }
0x44: {  	[hbm4b:s6+s3] =	stream.linear.scatter [tilespmem:s30], [sflag:$0x6], $0x2800, $0x38;
	[tilespmem:$0x19400] =	vst v63  }
0x45: {  	_ =	swait.ge [sflag:s31], $0x2800  }
0x46: {  	[sflag:s31] =	ssyncset.done $0x0  }
0x47: {  	[sflag:s31] =	ssyncadd.s32 $0xFFFFD800  }
0x48: {  	[tilespmem:s30], [sflag:$0x6] =	stream.linear.gather [spmem:s26], $0x2800, $0x38;
	[tilespmem:$0x19400] =	vst v63  }
0x49: {  	_ =	swait.ge [sflag:s31], $0x2800  }
0x4a: {  	[sflag:s31] =	ssyncset.done $0x0  }
0x4b: {  	s8 =	rddreg [dreg:$0xb];
	[sflag:s31] =	ssyncadd.s32 $0xFFFFD800  }
0x4c: {  	[hbm4b:s8+s3] =	stream.linear.scatter [tilespmem:s30], [sflag:$0x6], $0x2800, $0x38;
	[tilespmem:$0x19400] =	vst v63  }
0x4d: {  	_ =	swait.ge [sflag:s31], $0x2800  }
0x4e: {  	[sflag:s31] =	ssyncset.done $0x0  }
0x4f: {  	s25 =	smov.u32 s26;
	s26 =	rddreg [dreg:$0x16];
	[sflag:s31] =	ssyncadd.s32 $0xFFFFD800  }
0x50: {  	[tilespmem:s30], [sflag:$0x6] =	stream.linear.gather [spmem:s26], $0x2800, $0x38;
	[tilespmem:$0x19400] =	vst v63  }
0x51: {  	_ =	swait.ge [sflag:s31], $0x2800  }
0x52: {  	[sflag:s31] =	ssyncset.done $0x0  }
0x53: {  	s22 =	smov.u32 s9;
	s9 =	rddreg [dreg:$0xc];
	[sflag:s31] =	ssyncadd.s32 $0xFFFFD800  }
0x54: {  	[hbm4b:s9+s3] =	stream.linear.scatter [tilespmem:s30], [sflag:$0x6], $0x2800, $0x38;
	[tilespmem:$0x19400] =	vst v63  }
0x55: {  	_ =	swait.ge [sflag:s31], $0x2800  }
0x56: {  	[sflag:s31] =	ssyncset.done $0x0  }
0x57: {  	s28 =	rddreg [dreg:$0x14];
	[sflag:s31] =	ssyncadd.s32 $0xFFFFD800  }
0x58: {  	[tilespmem:s30], [sflag:$0x6] =	stream.linear.gather [spmem:s28], $0x2800, $0x38;
	[tilespmem:$0x19400] =	vst v63  }
0x59: {  	_ =	swait.ge [sflag:s31], $0x2800  }
0x5a: {  	[sflag:s31] =	ssyncset.done $0x0  }
0x5b: {  	s6 =	rddreg [dreg:$0xd];
	[sflag:s31] =	ssyncadd.s32 $0xFFFFD800  }
0x5c: {  	[hbm4b:s6+s3] =	stream.linear.scatter [tilespmem:s30], [sflag:$0x6], $0x2800, $0x38;
	[tilespmem:$0x19400] =	vst v63  }
0x5d: {  	_ =	swait.ge [sflag:s31], $0x2800  }
0x5e: {  	[sflag:s31] =	ssyncset.done $0x0  }
0x5f: {  	s6 =	rddreg [dreg:$0x13];
	[sflag:s31] =	ssyncadd.s32 $0xFFFFD800  }
0x60: {  	[tilespmem:s30], [sflag:$0x6] =	stream.linear.gather [spmem:s6], $0x2800, $0x38;
	[tilespmem:$0x19400] =	vst v63  }
0x61: {  	_ =	swait.ge [sflag:s31], $0x2800  }
0x62: {  	[sflag:s31] =	ssyncset.done $0x0  }
0x63: {  	s8 =	rddreg [dreg:$0x10];
	[sflag:s31] =	ssyncadd.s32 $0xFFFFD800  }
0x64: {  	[hbm4b:s8+s3] =	stream.linear.scatter [tilespmem:s30], [sflag:$0x6], $0x2800, $0x38;
	[tilespmem:$0x19400] =	vst v63  }
0x65: {  	_ =	swait.ge [sflag:s31], $0x2800  }
0x66: {  	[sflag:s31] =	ssyncset.done $0x0  }
0x67: {  	s8 =	rddreg [dreg:$0x15];
	[sflag:s31] =	ssyncadd.s32 $0xFFFFD800  }
0x68: {  	[tilespmem:s30], [sflag:$0x6] =	stream.linear.gather [spmem:s8], $0x2800, $0x38;
	[tilespmem:$0x19400] =	vst v63  }
0x69: {  	_ =	swait.ge [sflag:s31], $0x2800  }
0x6a: {  	[sflag:s31] =	ssyncset.done $0x0  }
0x6b: {  	s9 =	rddreg [dreg:$0x11];
	[sflag:s31] =	ssyncadd.s32 $0xFFFFD800  }
0x6c: {  	[hbm4b:s9+s3] =	stream.linear.scatter [tilespmem:s30], [sflag:$0x6], $0x2800, $0x38;
	[tilespmem:$0x19400] =	vst v63  }
0x6d: {  	s21 =	smov.u32 s29;
	_ =	swait.ge [sflag:s31], $0x2800  }
0x6e: {  	s24 =	sadd.s32 $0x1, s24;
	s29 =	smov.u32 s10;
	s10 =	rddreg [dreg:$0x12]  }
0x6f: {  	p0 =	sne.s32 s24, s10  }
.Ltmp1:
0x70: {  	_ = 	snop;
	(pc) =	sbr.rel @!p0 .LBB2_27-.Ltmp1, $3  }
0x71: {  	_ =	sdelay $0x1  }
0x72: {  	[sflag:s31] =	ssyncset.done $0x0  }
0x73: {  	[sflag:s31] =	ssyncadd.s32 $0xFFFFD800  }
.LBB2_1:
0x74: {  	s7 =	rddreg [dreg:$0x3]  }
0x75: {  	[tilespmem:s30], [sflag:$0x6] =	stream.linear.gather [hbm4b:s7+s3], $0x2800, $0x38;
	[tilespmem:$0x19400] =	vst v63  }
0x76: {  	_ =	swait.ge [sflag:s31], $0x2800  }
0x77: {  	[sflag:s31] =	ssyncset.done $0x0  }
0x78: {  	[sflag:s31] =	ssyncadd.s32 $0xFFFFD800  }
0x79: {  	[spmem:s29] =	stream.linear.scatter [tilespmem:s30], [sflag:$0x6], $0x2800, $0x38;
	[tilespmem:$0x19400] =	vst v63  }
0x7a: {  	_ =	swait.ge [sflag:s31], $0x2800  }
0x7b: {  	[sflag:s31] =	ssyncset.done $0x0  }
0x7c: {  	[sflag:s31] =	ssyncadd.s32 $0xFFFFD800  }
0x7d: {  	[spmem:s21] =	stream.linear.scatter [tilespmem:s30], [sflag:$0x6], $0x2800, $0x38;
	[tilespmem:$0x19400] =	vst v63  }
0x7e: {  	_ =	swait.ge [sflag:s31], $0x2800  }
0x7f: {  	[sflag:s31] =	ssyncset.done $0x0  }
0x80: {  	[sflag:s31] =	ssyncadd.s32 $0xFFFFD800  }
0x81: {  	[spmem:s22] =	stream.linear.scatter [tilespmem:s30], [sflag:$0x6], $0x2800, $0x38;
	[tilespmem:$0x19400] =	vst v63  }
0x82: {  	_ =	swait.ge [sflag:s31], $0x2800  }
0x83: {  	[sflag:s31] =	ssyncset.done $0x0  }
0x84: {  	[sflag:s31] =	ssyncadd.s32 $0xFFFFD800  }
0x85: {  	[spmem:s25] =	stream.linear.scatter [tilespmem:s30], [sflag:$0x6], $0x2800, $0x38;
	[tilespmem:$0x19400] =	vst v63  }
0x86: {  	_ =	swait.ge [sflag:s31], $0x2800  }
0x87: {  	[sflag:s31] =	ssyncset.done $0x0  }
0x88: {  	s7 =	smov.u32 s26;
	[sflag:s31] =	ssyncadd.s32 $0xFFFFD800  }
0x89: {  	[spmem:s7] =	stream.linear.scatter [tilespmem:s30], [sflag:$0x6], $0x2800, $0x38;
	[tilespmem:$0x19400] =	vst v63  }
0x8a: {  	_ =	swait.ge [sflag:s31], $0x2800  }
0x8b: {  	[sflag:s31] =	ssyncset.done $0x0  }
0x8c: {  	[sflag:s31] =	ssyncadd.s32 $0xFFFFD800  }
0x8d: {  	[spmem:s28] =	stream.linear.scatter [tilespmem:s30], [sflag:$0x6], $0x2800, $0x38;
	[tilespmem:$0x19400] =	vst v63  }
0x8e: {  	_ =	swait.ge [sflag:s31], $0x2800  }
0x8f: {  	[sflag:s31] =	ssyncset.done $0x0  }
0x90: {  	[sflag:s31] =	ssyncadd.s32 $0xFFFFD800  }
0x91: {  	[spmem:s6] =	stream.linear.scatter [tilespmem:s30], [sflag:$0x6], $0x2800, $0x38;
	[tilespmem:$0x19400] =	vst v63  }
0x92: {  	_ =	swait.ge [sflag:s31], $0x2800  }
0x93: {  	[sflag:s31] =	ssyncset.done $0x0  }
0x94: {  	[sflag:s31] =	ssyncadd.s32 $0xFFFFD800  }
0x95: {  	[spmem:s8] =	stream.linear.scatter [tilespmem:s30], [sflag:$0x6], $0x2800, $0x38;
	[tilespmem:$0x19400] =	vst v63  }
0x96: {  	_ =	swait.ge [sflag:s31], $0x2800  }
0x97: {  	[sflag:s31] =	ssyncset.done $0x0  }
0x98: {  	[sflag:s31] =	ssyncadd.s32 $0xFFFFD800  }
0x99: {  	[bflag:$0x0] =	sbarrier.arrive $0xFFFF  }
0x9a: {  	s10 =	smov.u32 s29;
	s29 =	smov.u32 s21;
	s21 =	rddreg [dreg:$0x4]  }
0x9b: {  	[tilespmem:s3], [sflag:$0x6] =	stream.linear.gather [hbm4b:s21+s3], $0x50, $0x38;
	[tilespmem:$0x19400] =	vst v63  }
0x9c: {  	_ =	swait.ge [sflag:s31], $0x50  }
0x9d: {  	[sflag:s31] =	ssyncset.done $0x0  }
0x9e: {  	s9 =	smov.u32 s22;
	s22 =	rddreg [dreg:$0x5];
	[sflag:s31] =	ssyncadd.s32 $0xFFFFFFB0  }
0x9f: {  	[tilespmem:s1], [sflag:$0x6] =	stream.linear.gather [hbm4b:s22+s3], $0x50, $0x38;
	[tilespmem:$0x19400] =	vst v63  }
0xa0: {  	_ =	swait.ge [sflag:s31], $0x50  }
0xa1: {  	[sflag:s31] =	ssyncset.done $0x0  }
0xa2: {  	s26 =	smov.u32 s25;
	s25 =	rddreg [dreg:$0x6];
	[sflag:s31] =	ssyncadd.s32 $0xFFFFFFB0  }
0xa3: {  	[tilespmem:s0], [sflag:$0x6] =	stream.linear.gather [hbm4b:s25+s3], $0x50, $0x38;
	[tilespmem:$0x19400] =	vst v63  }
0xa4: {  	_ =	swait.ge [sflag:s31], $0x50  }
0xa5: {  	[sflag:s31] =	ssyncset.done $0x0  }
0xa6: {  	s28 =	rddreg [dreg:$0x7];
	[sflag:s31] =	ssyncadd.s32 $0xFFFFFFB0  }
0xa7: {  	[tilespmem:s5], [sflag:$0x6] =	stream.linear.gather [hbm4b:s28+s3], $0x50, $0x38;
	[tilespmem:$0x19400] =	vst v63  }
.Ltmp2:
0xa8: {  	_ = 	snop;
	(pc) =	sbr.rel .LBB2_2-.Ltmp2, $4  }
0xa9: {  	_ =	swait.ge [sflag:s31], $0x50  }
0xaa: {  	[sflag:s31] =	ssyncset.done $0x0;
	s22 =	rddreg [dreg:$0xf]  }
0xab: {  	s21 =	simm.s32 $0x0;
	s25 =	rddreg [dreg:$0xe];
	[sflag:s31] =	ssyncadd.s32 $0xFFFFFFB0  }
0xac: {  	[tilespmem:s30], [sflag:$0x1] =	stream.indirect.gather [hbm4b:s4+s11], $0x80, s3, s11, $0xb8;
	[tilespmem:$0x19400] =	vst v63  }
.LBB2_18:
0xad: {  	_ =	swait.ge [sflag:s15], $0x2800  }
0xae: {  	[sflag:s15] =	ssyncset.done $0x0  }
0xaf: {  	[sflag:s15] =	ssyncadd.s32 $0xFFFFD800  }
0xb0: {  	[spmem:s2] =	stream.indirect.scatter.add.f32 [tilespmem:s30], [sflag:$0x3], $0x80, s14, s11, $0xb8;
	[tilespmem:$0x19400] =	vst v63  }
.LBB2_19:
0xb1: {  	p0 =	seq.s32 s21, $0x7B  }
.Ltmp3:
0xb2: {  	_ = 	snop;
	(pc) =	sbr.rel @p0 .LBB2_20-.Ltmp3, $4  }
0xb3: {  	_ =	swait.ge [sflag:s20], $0x2800  }
0xb4: {  	[sflag:s20] =	ssyncset.done $0x0  }
0xb5: {  	[sflag:s20] =	ssyncadd.s32 $0xFFFFD800  }
0xb6: {  	[tilespmem:s30], [sflag:$0x1] =	stream.indirect.gather [hbm4b:s4+s11], $0x80, s3, s11, $0xb8;
	[tilespmem:$0x19400] =	vst v63  }
.LBB2_24:
0xb7: {  	[tilespmem:s0], [sflag:$0x5] =	stream.linear.gather [hbm4b:s22+s3], $0x50, $0x38;
	[tilespmem:$0x19400] =	vst v63  }
0xb8: {  	_ = 	snop  }
0xb9: {  	[tilespmem:s5], [sflag:$0x5] =	stream.linear.gather [hbm4b:s25+s3], $0x50, $0x38;
	[tilespmem:$0x19400] =	vst v63  }
0xba: {  	_ =	swait.ge [sflag:s19], $0x2800  }
0xbb: {  	[sflag:s19] =	ssyncset.done $0x0  }
0xbc: {  	[sflag:s19] =	ssyncadd.s32 $0xFFFFD800  }
0xbd: {  	[spmem:s2] =	stream.indirect.scatter.add.f32 [tilespmem:s12], [sflag:$0x4], $0x80, s18, s11, $0xb8;
	[tilespmem:$0x19400] =	vst v63  }
.LBB2_25:
0xbe: {  	s21 =	sadd.s32 $0x1, s21  }
0xbf: {  	_ =	swait.ge [sflag:s23], $0x50;
	p0 =	sne.s32 s21, $0x7C  }
.Ltmp4:
0xc0: {  	[sflag:s23] =	ssyncset.done $0x0;
	(pc) =	sbr.rel @!p0 .LBB2_26-.Ltmp4, $4  }
0xc1: {  	[sflag:s23] =	ssyncadd.s32 $0xFFFFFFB0  }
0xc2: {  	_ =	swait.ge [sflag:s23], $0x50  }
0xc3: {  	[sflag:s23] =	ssyncset.done $0x0  }
0xc4: {  	s25 =	sadd.s32 $0xA, s25;
	s22 =	sadd.s32 $0xA, s22;
	[sflag:s23] =	ssyncadd.s32 $0xFFFFFFB0  }
.LBB2_2:
0xc5: {  	s7 =	sand.u32 $0x3, s21  }
0xc6: {  	p0 =	sgt.s32 s7, $0x1  }
.Ltmp5:
0xc7: {  	_ = 	snop;
	(pc) =	sbr.rel @p0 .LBB2_21-.Ltmp5, $1  }
0xc8: {  	_ =	sdelay $0x3  }
0xc9: {  	p0 =	seq.s32 s7, $0x0  }
.Ltmp6:
0xca: {  	_ = 	snop;
	(pc) =	sbr.rel @!p0 .LBB2_9-.Ltmp6, $1  }
0xcb: {  	_ =	sdelay $0x3  }
0xcc: {  	p0 =	sne.s32 s21, $0x0  }
.Ltmp7:
0xcd: {  	_ = 	snop;
	(pc) =	sbr.rel @!p0 .LBB2_5-.Ltmp7, $1  }
0xce: {  	_ =	sdelay $0x3  }
0xcf: {  	p0 =	seq.s32 s21, $0x7B  }
.Ltmp8:
0xd0: {  	_ = 	snop;
	(pc) =	sbr.rel @!p0 .LBB2_7-.Ltmp8, $4  }
.Ltmp9:
0xd1: {  	_ =	swait.ge [sflag:s16], $0x2800;
	(pc) =	sbr.rel @p0 .LBB2_8-.Ltmp9, $4  }
0xd2: {  	[sflag:s16] =	ssyncset.done $0x0  }
0xd3: {  	[sflag:s16] =	ssyncadd.s32 $0xFFFFD800  }
0xd4: {  	[tilespmem:s12], [sflag:$0x2] =	stream.indirect.gather [hbm4b:s4+s11], $0x80, s0, s11, $0xb8;
	[tilespmem:$0x19400] =	vst v63  }
0xd5: {  	_ = 	snop  }
.LBB2_21:
0xd6: {  	p1 =	seq.s32 s7, $0x2  }
.Ltmp10:
0xd7: {  	_ = 	snop;
	(pc) =	sbr.rel @!p1 .LBB2_22-.Ltmp10, $2  }
0xd8: {  	_ =	sdelay $0x2  }
0xd9: {  	p0 =	sne.s32 s21, $0x0  }
.Ltmp11:
0xda: {  	(pc) =	sbr.rel @!p0 .LBB2_15-.Ltmp11, $1  }
0xdb: {  	_ =	sdelay $0x3  }
0xdc: {  	p0 =	sne.s32 s21, $0x7B  }
.Ltmp12:
0xdd: {  	_ = 	snop;
	(pc) =	sbr.rel @p0 .LBB2_16-.Ltmp12, $4  }
.Ltmp13:
0xde: {  	_ =	swait.ge [sflag:s16], $0x2800;
	(pc) =	sbr.rel @!p0 .LBB2_18-.Ltmp13, $4  }
0xdf: {  	[sflag:s16] =	ssyncset.done $0x0  }
0xe0: {  	[sflag:s16] =	ssyncadd.s32 $0xFFFFD800  }
0xe1: {  	[tilespmem:s12], [sflag:$0x2] =	stream.indirect.gather [hbm4b:s4+s11], $0x80, s17, s11, $0xb8;
	[tilespmem:$0x19400] =	vst v63  }
0xe2: {  	_ = 	snop  }
.LBB2_9:
0xe3: {  	p0 =	sne.s32 s21, $0x0  }
.Ltmp14:
0xe4: {  	_ = 	snop;
	(pc) =	sbr.rel @!p0 .LBB2_10-.Ltmp14, $1  }
0xe5: {  	_ =	sdelay $0x3  }
0xe6: {  	p0 =	sne.s32 s21, $0x7B  }
.Ltmp15:
0xe7: {  	_ = 	snop;
	(pc) =	sbr.rel @p0 .LBB2_11-.Ltmp15, $4  }
0xe8: {  	_ =	swait.ge [sflag:s20], $0x2800  }
0xe9: {  	[sflag:s20] =	ssyncset.done $0x0  }
0xea: {  	[sflag:s20] =	ssyncadd.s32 $0xFFFFD800  }
0xeb: {  	[tilespmem:s30], [sflag:$0x1] =	stream.indirect.gather [hbm4b:s4+s11], $0x80, s13, s11, $0xb8;
	[tilespmem:$0x19400] =	vst v63  }
.Ltmp16:
0xec: {  	(pc) =	sbr.rel .LBB2_19-.Ltmp16, $4  }
0xed: {  	_ =	swait.ge [sflag:s19], $0x2800  }
0xee: {  	[sflag:s19] =	ssyncset.done $0x0  }
0xef: {  	[sflag:s19] =	ssyncadd.s32 $0xFFFFD800  }
0xf0: {  	[spmem:s2] =	stream.indirect.scatter.add.f32 [tilespmem:s12], [sflag:$0x4], $0x80, s5, s11, $0xb8;
	[tilespmem:$0x19400] =	vst v63  }
.LBB2_22:
.Ltmp17:
0xf1: {  	(pc) =	sbr.rel @p0 .LBB2_19-.Ltmp17, $1  }
0xf2: {  	_ =	sdelay $0x3  }
.Ltmp18:
0xf3: {  	(pc) =	sbr.rel .LBB2_24-.Ltmp18, $2  }
0xf4: {  	_ =	sdelay $0x2  }
0xf5: {  	[tilespmem:s30], [sflag:$0x1] =	stream.indirect.gather [hbm4b:s4+s11], $0x80, s3, s11, $0xb8;
	[tilespmem:$0x19400] =	vst v63  }
.LBB2_5:
0xf6: {  	[tilespmem:s12], [sflag:$0x2] =	stream.indirect.gather [hbm4b:s4+s11], $0x80, s0, s11, $0xb8;
	[tilespmem:$0x19400] =	vst v63  }
.LBB2_7:
0xf7: {  	[tilespmem:s13], [sflag:$0x5] =	stream.linear.gather [hbm4b:s22+s3], $0x50, $0x38;
	[tilespmem:$0x19400] =	vst v63  }
0xf8: {  	_ = 	snop  }
0xf9: {  	[tilespmem:s14], [sflag:$0x5] =	stream.linear.gather [hbm4b:s25+s3], $0x50, $0x38;
	[tilespmem:$0x19400] =	vst v63  }
.Ltmp19:
0xfa: {  	_ = 	snop;
	(pc) =	sbr.rel .LBB2_25-.Ltmp19, $4  }
0xfb: {  	_ =	swait.ge [sflag:s15], $0x2800  }
0xfc: {  	[sflag:s15] =	ssyncset.done $0x0  }
0xfd: {  	[sflag:s15] =	ssyncadd.s32 $0xFFFFD800  }
0xfe: {  	[spmem:s2] =	stream.indirect.scatter.add.f32 [tilespmem:s30], [sflag:$0x3], $0x80, s1, s11, $0xb8;
	[tilespmem:$0x19400] =	vst v63  }
.LBB2_15:
0xff: {  	[tilespmem:s12], [sflag:$0x2] =	stream.indirect.gather [hbm4b:s4+s11], $0x80, s17, s11, $0xb8;
	[tilespmem:$0x19400] =	vst v63  }
.LBB2_16:
0x100: {  	[tilespmem:s3], [sflag:$0x5] =	stream.linear.gather [hbm4b:s22+s3], $0x50, $0x38;
	[tilespmem:$0x19400] =	vst v63  }
0x101: {  	_ = 	snop  }
0x102: {  	[tilespmem:s1], [sflag:$0x5] =	stream.linear.gather [hbm4b:s25+s3], $0x50, $0x38;
	[tilespmem:$0x19400] =	vst v63  }
.Ltmp20:
0x103: {  	_ = 	snop;
	(pc) =	sbr.rel .LBB2_25-.Ltmp20, $4  }
0x104: {  	_ =	swait.ge [sflag:s15], $0x2800  }
0x105: {  	[sflag:s15] =	ssyncset.done $0x0  }
0x106: {  	[sflag:s15] =	ssyncadd.s32 $0xFFFFD800  }
0x107: {  	[spmem:s2] =	stream.indirect.scatter.add.f32 [tilespmem:s30], [sflag:$0x3], $0x80, s14, s11, $0xb8;
	[tilespmem:$0x19400] =	vst v63  }
.LBB2_10:
0x108: {  	[tilespmem:s30], [sflag:$0x1] =	stream.indirect.gather [hbm4b:s4+s11], $0x80, s13, s11, $0xb8;
	[tilespmem:$0x19400] =	vst v63  }
.LBB2_11:
0x109: {  	[tilespmem:s17], [sflag:$0x5] =	stream.linear.gather [hbm4b:s22+s3], $0x50, $0x38;
	[tilespmem:$0x19400] =	vst v63  }
0x10a: {  	_ = 	snop  }
0x10b: {  	[tilespmem:s18], [sflag:$0x5] =	stream.linear.gather [hbm4b:s25+s3], $0x50, $0x38;
	[tilespmem:$0x19400] =	vst v63  }
.Ltmp21:
0x10c: {  	_ = 	snop;
	(pc) =	sbr.rel .LBB2_25-.Ltmp21, $4  }
0x10d: {  	_ =	swait.ge [sflag:s19], $0x2800  }
0x10e: {  	[sflag:s19] =	ssyncset.done $0x0  }
0x10f: {  	[sflag:s19] =	ssyncadd.s32 $0xFFFFD800  }
0x110: {  	[spmem:s2] =	stream.indirect.scatter.add.f32 [tilespmem:s12], [sflag:$0x4], $0x80, s5, s11, $0xb8;
	[tilespmem:$0x19400] =	vst v63  }
.LBB2_8:
.Ltmp22:
0x111: {  	(pc) =	sbr.rel .LBB2_26-.Ltmp22, $4  }
0x112: {  	_ =	swait.ge [sflag:s15], $0x2800  }
0x113: {  	[sflag:s15] =	ssyncset.done $0x0  }
0x114: {  	[sflag:s15] =	ssyncadd.s32 $0xFFFFD800  }
0x115: {  	[spmem:s2] =	stream.indirect.scatter.add.f32 [tilespmem:s30], [sflag:$0x3], $0x80, s1, s11, $0xb8;
	[tilespmem:$0x19400] =	vst v63  }
.LBB2_27:
0x116: {  	_ =	sfence.sel $0x180000  }
0x117: {  	[bflag:$0x0] =	sbarrier.arrive $0xFFFF  }
0x118: {  	_ =	strace $0x9000004D  }
0x119: {  	s0 =	stileid.u32;
	[bflag:$0x2] =	sbarrier.arrive $0xFFFF  }
0x11a: {  	p0 =	sne.s32 s0, $0x0;
	s0 =	rddreg [dreg:$0x2]  }
0x11b: {  	s0 =	sadd.s32 @!p0 $0x100000, s0  }
0x11c: {  	[sflag:s0] =	ssyncadd.tile.s32 @!p0 $0x1;
	_ =	shalt  }
.Lfunc_end2:
_tile_overlayer_lowered:
.L_overlay_start_2:
0x11d: {  	(tag) =	ssettag $0x2  }
0x11e: {  	s0 =	rddreg [dreg:$0x0];
	s2 =	stileid.u32  }
0x11f: {  	s1 =	rddreg [dreg:$0x1];
	p0 =	sne.s32 s2, $0x0  }
0x120: {  	s3 =	rddreg [dreg:$0x2];
	[bflag:$0x3] =	sbarrier.arrive $0xFFFF;
	s2 =	simm.s32 @!p0 $0x1C06  }
0x121: {  	[timem:s3], [sflag:s2] =	dma.local @!p0 [hbm:s0], s1  }
0x122: {  	s0 =	simm.s32 @!p0 $0x6  }
0x123: {  	_ =	swait.ge @!p0 [sflag:s0], s1  }
0x124: {  	s1 =	ssub.s32 @!p0 $0x0, s1;
	[sflag:s0] =	ssyncset.done @!p0 $0x0  }
0x125: {  	[sflag:s0] =	ssyncadd.s32 @!p0 s1  }
0x126: {  	[bflag:$0x3] =	sbarrier.arrive $0xFFFF  }
0x127: {  	_ =	shalt  }

// kernel: kernel.7.cloned.1.call-start
scs
__scs_entry_jumppad:
0x0: {  	(pc) =	sbr.rel $0x88, $3  }
0x1: {  	(tag) =	ssettag $0x0;
	lr =	simm.s32 $0x1  }
0x2: {  	[smem:$0x3F94] =	sst lr;
	_ =	strace $0xD0000000  }
0x3: {  	_ = 	snop  }
0x4: {  	_ = 	snop  }
0x5: {  	_ = 	snop  }
0x6: {  	_ = 	snop  }
0x7: {  	_ = 	snop  }
__scs_overlays_trampoline_lowered:
0x8: {  	[smem:$0x3FA3] =	sst s0  }
0x9: {  	[smem:$0x3FA4] =	sst s1  }
0xa: {  	[smem:$0x3FA5] =	sst s2  }
0xb: {  	[smem:$0x3FA6] =	sst s3  }
0xc: {  	[smem:$0x3FA7] =	sst s4  }
0xd: {  	[smem:$0x3FA8] =	sst s5  }
0xe: {  	[smem:$0x3FA9] =	sst s6  }
0xf: {  	[smem:$0x3FAA] =	sst s7  }
0x10: {  	[smem:$0x3FAB] =	sst s8  }
0x11: {  	[smem:$0x3FAC] =	sst s9;
	s0 =	simm.s32 @!p0 $0x0  }
0x12: {  	s1 =	sld [smem:$0x3F92];
	s0 =	simm.s32 @p0 $0x1  }
0x13: {  	[smem:$0x3FAD] =	sst s0;
	s0 =	simm.s32 @!p1 $0x0  }
0x14: {  	s2 =	sld [smem:$0x3F91];
	s0 =	simm.s32 @p1 $0x1  }
0x15: {  	[smem:$0x3FAE] =	sst s0;
	s0 =	simm.s32 @!p2 $0x0  }
0x16: {  	s3 =	sld [smem:$0x3FDB];
	s0 =	simm.s32 @p2 $0x1  }
0x17: {  	s4 =	simm.s32 $0x1BF5;
	[smem:$0x3FB0] =	sst s0  }
0x18: {  	s0 =	sld [smem:$0x3F93];
	_ =	swait.ge [sflag:s4], $0x0  }
0x19: {  	s7 =	sld [smem:$0x3F94]  }
0x1a: {  	s8 =	sadd.s32 $0xFFFFE003, lr  }
0x1b: {  	s9 =	sadd.s32 $0xFFFFFEF7, lr;
	s5 =	simm.s32 $0xFFFFFFFF;
	p2 =	slt.u32 s8, $0xFFFFF086  }
0x1c: {  	p1 =	slt.u32 s9, $0xF7A;
	s5 =	simm.s32 @!p2 $0x0  }
0x1d: {  	s5 =	simm.s32 @p1 $0x1;
	p0 =	seq.s32 s7, s2  }
0x1e: {  	s7 =	smul.u32 @!p0 $0xF7A, s2;
	p2 =	seq.s32 @!p0 s5, $0x0  }
0x1f: {  	s9 =	smul.u32 $0xF7A, s1;
	s8 =	simm.s32 @!p0 $0x1BF5;
	p2 =	por !p2, p0  }
0x20: {  	[sflag:s8] =	ssyncset.s32 @!p0 $0xFFFFF086;
	s6 =	sadd.s32 @!p0 s3, s7;
	s7 =	simm.s32 @!p0 $0x108  }
0x21: {  	s3 =	sadd.s32 s3, s9;
	s6 =	sadd.s32 @!p0 $0x88, s6;
	s7 =	simm.s32 @p2 $0x1082  }
0x22: {  	[simem:s7], [sflag:s8] =	dma.local @!p0 [hbm:s6], $0xF7A  }
0x23: {  	s9 =	sor.u32 $0xD0000000, s2;
	s6 =	simm.s32 $0x108;
	_ =	swait.ge @!p0 [sflag:s8], $0x0  }
0x24: {  	s3 =	sadd.s32 $0x88, s3;
	s6 =	simm.s32 @!p1 $0x1082;
	[sflag:s4] =	ssyncset.s32 $0xFFFFF086  }
0x25: {  	[simem:s6], [sflag:s4] =	dma.local [hbm:s3], $0xF7A  }
0x26: {  	[smem:$0x3F94] =	sst s1;
	(tag) =	ssettag s2;
	_ =	strace s9  }
0x27: {  	s1 =	sld [smem:$0x3FA4]  }
0x28: {  	s2 =	sld [smem:$0x3FA5]  }
0x29: {  	s4 =	sld [smem:$0x3FA7]  }
0x2a: {  	p0 =	seq.s32 s5, $0x0;
	s5 =	sld [smem:$0x3FA8]  }
0x2b: {  	s6 =	sld [smem:$0x3FA9]  }
0x2c: {  	s7 =	sld [smem:$0x3FAA]  }
0x2d: {  	s3 =	simm.s32 $0x108;
	s8 =	sld [smem:$0x3FAB]  }
0x2e: {  	s3 =	simm.s32 @!p0 $0x1082;
	s9 =	sld [smem:$0x3FAC]  }
0x2f: {  	lr =	sadd.s32 s0, s3;
	s0 =	sld [smem:$0x3FA3]  }
0x30: {  	s3 =	sld [smem:$0x3FA6]  }
0x31: {  	[smem:$0x3FAF] =	sst s10  }
0x32: {  	s10 =	sld [smem:$0x3FAD];
	_ =	sdelay $0x3  }
0x33: {  	p0 =	seq.s32 s10, $0x1;
	s10 =	sld [smem:$0x3FAF];
	_ =	sdelay $0x3  }
0x34: {  	[smem:$0x3FAF] =	sst s10  }
0x35: {  	s10 =	sld [smem:$0x3FAE];
	_ =	sdelay $0x3  }
0x36: {  	p1 =	seq.s32 s10, $0x1;
	s10 =	sld [smem:$0x3FAF];
	_ =	sdelay $0x3  }
0x37: {  	[smem:$0x3FAF] =	sst s10  }
0x38: {  	s10 =	sld [smem:$0x3FB0]  }
0x39: {  	_ = 	snop;
	(pc) =	sbr.ind lr, $3  }
0x3a: {  	_ = 	snop  }
0x3b: {  	_ = 	snop  }
0x3c: {  	p2 =	seq.s32 s10, $0x1;
	s10 =	sld [smem:$0x3FAF]  }
0x3d: {  	_ =	shalt  }
0x3e: {  	_ =	shalt  }
0x3f: {  	_ =	shalt  }
0x40: {  	_ =	shalt  }
0x41: {  	_ =	shalt  }
0x42: {  	_ =	shalt  }
0x43: {  	_ =	shalt  }
0x44: {  	_ =	shalt  }
0x45: {  	_ =	shalt  }
0x46: {  	_ =	shalt  }
0x47: {  	_ =	shalt  }
0x48: {  	_ =	shalt  }
0x49: {  	_ =	shalt  }
0x4a: {  	_ =	shalt  }
0x4b: {  	_ =	shalt  }
0x4c: {  	_ =	shalt  }
0x4d: {  	_ =	shalt  }
0x4e: {  	_ =	shalt  }
0x4f: {  	_ =	shalt  }
0x50: {  	_ =	shalt  }
0x51: {  	_ =	shalt  }
0x52: {  	_ =	shalt  }
0x53: {  	_ =	shalt  }
0x54: {  	_ =	shalt  }
0x55: {  	_ =	shalt  }
0x56: {  	_ =	shalt  }
0x57: {  	_ =	shalt  }
0x58: {  	_ =	shalt  }
0x59: {  	_ =	shalt  }
0x5a: {  	_ =	shalt  }
0x5b: {  	_ =	shalt  }
0x5c: {  	_ =	shalt  }
0x5d: {  	_ =	shalt  }
0x5e: {  	_ =	shalt  }
0x5f: {  	_ =	shalt  }
0x60: {  	_ =	shalt  }
0x61: {  	_ =	shalt  }
0x62: {  	_ =	shalt  }
0x63: {  	_ =	shalt  }
0x64: {  	_ =	shalt  }
0x65: {  	_ =	shalt  }
0x66: {  	_ =	shalt  }
0x67: {  	_ =	shalt  }
0x68: {  	_ =	shalt  }
0x69: {  	_ =	shalt  }
0x6a: {  	_ =	shalt  }
0x6b: {  	_ =	shalt  }
0x6c: {  	_ =	shalt  }
0x6d: {  	_ =	shalt  }
0x6e: {  	_ =	shalt  }
0x6f: {  	_ =	shalt  }
0x70: {  	_ =	shalt  }
0x71: {  	_ =	shalt  }
0x72: {  	_ =	shalt  }
0x73: {  	_ =	shalt  }
0x74: {  	_ =	shalt  }
0x75: {  	_ =	shalt  }
0x76: {  	_ =	shalt  }
0x77: {  	_ =	shalt  }
0x78: {  	_ =	shalt  }
0x79: {  	_ =	shalt  }
0x7a: {  	_ =	shalt  }
0x7b: {  	_ =	shalt  }
0x7c: {  	_ =	shalt  }
0x7d: {  	_ =	shalt  }
0x7e: {  	_ =	shalt  }
0x7f: {  	_ =	shalt  }
0x80: {  	_ =	shalt  }
0x81: {  	_ =	shalt  }
0x82: {  	_ =	shalt  }
0x83: {  	_ =	shalt  }
0x84: {  	_ =	shalt  }
0x85: {  	_ =	shalt  }
0x86: {  	_ =	shalt  }
0x87: {  	_ =	shalt  }
.Lfunc_end0:
.L_simem_size_0:
called_computation_lowered:
.L_overlay_start_0:
0x88: {  	s2 =	sld [smem:$0x3FD9]  }
0x89: {  	s3 =	sld [smem:$0x3FFE];
	_ =	sdelay $0x1  }
0x8a: {  	s1 =	srdreg.scid  }
0x8b: {  	s0 =	sand.u32 $0x1, s1  }
0x8c: {  	s16 =	sshll.u32 s0, $0xA;
	s2 =	sadd.s32 s3, s2  }
0x8d: {  	s2 =	sadd.s32 s2, s16  }
0x8e: {  	[smem:$0x3FBB] =	sst s2  }
0x8f: {  	_ = 	snop  }
0x90: {  	(tm) =	ssettm $0x1  }
0x91: {  	s17 =	sld [smem:$0x3FFB];
	_ =	sdelay $0x3  }
0x92: {  	_ =	strace s17  }
0x93: {  	s2 =	sld [smem:$0x3FFC];
	_ =	sdelay $0x3  }
0x94: {  	_ =	strace s2  }
0x95: {  	s2 =	sld [smem:$0x3FFD];
	_ =	sdelay $0x3  }
0x96: {  	_ =	strace s2  }
0x97: {  	_ =	strace $0x8FFFFFFF  }
0x98: {  	s18 =	sld [smem:$0x3FDB];
	_ =	sdelay $0x1  }
0x99: {  	s19 =	simm.s32 $_scs_section_size  }
0x9a: {  	s4 =	simm.s32 $_size__tile_overlayer_lowered;
	s5 =	simm.s32 $_tile_overlayer_lowered  }
0x9b: {  	s22 =	simm.s32 $0x1BFF;
	s21 =	sshll.u32 s5, $0x1;
	s2 =	sadd.s32 s19, s18  }
0x9c: {  	s6 =	simm.s32 $0x0;
	s20 =	sshll.u32 s4, $0x1;
	s4 =	sadd.s32 s21, s2  }
0x9d: {  	[timem:s6], [sflag:s22] =	dma.local [hbm:s4], s20  }
0x9e: {  	_ =	swait.ge [sflag:s22], s20  }
0x9f: {  	s3 =	ssub.s32 $0x0, s20;
	[sflag:s22] =	ssyncset.done $0x0  }
0xa0: {  	[sflag:s22] =	ssyncadd.s32 s3;
	_ =	sdelay $0x1  }
0xa1: {  	s23 =	simm.s32 $0x1B8B  }
0xa2: {  	_ =	swait.ge [sflag:s23], $0x1  }
0xa3: {  	[sflag:s23] =	ssyncset.done $0x0  }
0xa4: {  	s25 =	simm.s32 $0x1B8E;
	s24 =	sld [smem:$0x3FFE];
	[sflag:s23] =	ssyncadd.s32 $0xFFFFFFFF  }
0xa5: {  	s26 =	simm.s32 $execute0_lowered;
	[smem:$0x3FD2] =	sst s25  }
0xa6: {  	s4 =	sshll.u32 s26, $0x1;
	_ =	strace $0x80000046;
	[dreg:$0x1] =	wrdreg $0xFFFFFFFF  }
0xa7: {  	s28 =	simm.s32 $_size_execute0_lowered;
	s2 =	sadd.s32 s2, s4;
	[dreg:$0x0] =	wrdreg $0x0  }
0xa8: {  	s4 =	sshll.u32 s28, $0x1;
	[dreg:$0x2] =	wrdreg s2  }
0xa9: {  	[dreg:$0x3] =	wrdreg s4  }
0xaa: {  	[dreg:$0x4] =	wrdreg $0xC0  }
0xab: {  	_ =	task [dreg:s6], $0x5FFFF  }
0xac: {  	[dreg:$0x1] =	wrdreg $0xFFFFFFFF  }
0xad: {  	[dreg:$0x0] =	wrdreg $0x60  }
0xae: {  	[dreg:$0x2] =	wrdreg s24  }
0xaf: {  	[dreg:$0x3] =	wrdreg $0x54000  }
0xb0: {  	[dreg:$0x4] =	wrdreg $0x9  }
0xb1: {  	_ =	task.clear_ibuf [dreg:s6], $0x5FFFF;
	_ =	strace $0x90000046  }
0xb2: {  	s29 =	simm.s32 $0x9;
	_ =	strace $0x80000048  }
0xb3: {  	_ =	swait.ge [sflag:s29], $0x1  }
0xb4: {  	[sflag:s29] =	ssyncadd.s32 $0xFFFFFFFF  }
0xb5: {  	_ =	strace $0x90000048  }
0xb6: {  	_ =	sfence  }
0xb7: {  	s30 =	sld [smem:$0x0];
	_ =	sdelay $0x2  }
0xb8: {  	s31 =	sshll.u32 s1, $0xD;
	s1 =	sshrl.u32 s1, $0x2  }
0xb9: {  	s3 =	sand.u32 $0x4000, s31;
	s1 =	sadd.s32 s1, s30  }
0xba: {  	s0 =	sor.u32 s3, s0;
	s1 =	sshll.u32 s1, $0x11  }
0xbb: {  	s0 =	sor.u32 s1, s0  }
0xbc: {  	s0 =	sadd.s32 $0x8F2B, s0  }
0xbd: {  	[sflag:s0] =	ssyncadd.remote.s32 $0x1  }
0xbe: {  	_ =	sfence.sel $0xFFFF  }
0xbf: {  	[dreg:$0x0] =	wrdreg $0xFFFFFFFF;
	(pc) =	sbr.abs _section_cstart, $3  }
0xc0: {  	[dreg:$0x1] =	wrdreg $0xFFFFFFFF  }
0xc1: {  	_ =	task.clear_ibuf [dreg:s6], $0x2FFFF;
	_ =	strace $0x9FFFFFFF  }
0xc2: {  	(tm) =	ssettm $0x7FFFFFFF  }
0xc3: {  	_ =	shalt  }
tec
execute0_lowered:
.L_overlay_start_1:
0x0: {  	(tag) =	ssettag $0x1  }
0x1: {  	s0 =	rddreg [dreg:$0x0];
	s1 =	srdreg.scid  }
0x2: {  	s10 =	stileid.u32;
	s2 =	rddreg [dreg:$0x1]  }
0x3: {  	s3 =	simm.s32 $0x0;
	s1 =	sand.u32 $0x1, s1;
	s5 =	smul.u32 $0x280, s10  }
0x4: {  	[smem:$0x7FF] =	sst s3;
	s4 =	sadd.s32 $0x16200, s0;
	s24 =	smul.u32 $0x50000, s10  }
0x5: {  	s8 =	sadd.s32 $0x3E200, s0;
	s26 =	sshll.u32 s10, $0x1;
	s6 =	smul.u32 $0x2800, s1  }
0x6: {  	_ =	strace $0x80000047;
	[dreg:$0x3] =	wrdreg s8;
	s8 =	sor.u32 s1, s26  }
0x7: {  	s7 =	sadd.s32 $0xC400, s0;
	s25 =	ssub.s32 $0x2, s1;
	s12 =	smul.u32 $0x2710, s8  }
0x8: {  	s11 =	sadd.s32 $0x2600, s0;
	s9 =	sshrl.u32 s25, $0x1;
	s5 =	sadd.s32 s5, s6  }
0x9: {  	s6 =	sshrl.u32 s24, $0x2;
	s5 =	sshll.u32 s5, $0x4;
	s12 =	sshrl.u32 s12, $0x3  }
0xa: {  	s29 =	sadd.s32 s6, s2;
	s0 =	sadd.s32 s5, s0;
	s6 =	sadd.s32 s7, s12  }
0xb: {  	s5 =	ssub.s32 s25, s9;
	s9 =	sadd.s32 s11, s12;
	[dreg:$0x4] =	wrdreg s6  }
0xc: {  	s28 =	sadd.s32 $0xC800, s29;
	[dreg:$0x5] =	wrdreg s9  }
0xd: {  	s30 =	simm.s32 $0x400;
	s8 =	sadd.s32 $0x11800, s29;
	[dreg:$0x14] =	wrdreg s28  }
0xe: {  	s26 =	sadd.s32 $0xA000, s29;
	s12 =	sadd.s32 $0xA, s12;
	[dreg:$0x15] =	wrdreg s8  }
0xf: {  	s13 =	smul.u32 $0x4E20, s10;
	s10 =	sadd.s32 s7, s12;
	[dreg:$0x16] =	wrdreg s26  }
0x10: {  	s1 =	smul.u32 $0x2710, s1;
	s12 =	sadd.s32 s11, s12;
	[dreg:$0x6] =	wrdreg s10  }
0x11: {  	s31 =	simm.s32 $0x6;
	s14 =	sadd.s32 $0x66200, s0;
	[dreg:$0x7] =	wrdreg s12  }
0x12: {  	s1 =	sadd.s32 s1, s13;
	s15 =	sadd.s32 $0x66700, s0;
	[dreg:$0x8] =	wrdreg s14  }
0x13: {  	s13 =	simm.s32 $0x100;
	s16 =	sadd.s32 $0x66C00, s0;
	[dreg:$0x9] =	wrdreg s15  }
0x14: {  	s1 =	sadd.s32 $0xA0, s1;
	s17 =	sadd.s32 $0x67100, s0;
	[dreg:$0xa] =	wrdreg s16  }
0x15: {  	s21 =	sadd.s32 $0x2800, s29;
	s18 =	sadd.s32 $0x67600, s0;
	[dreg:$0xb] =	wrdreg s17  }
0x16: {  	s1 =	sshrl.u32 s1, $0x3;
	s19 =	sadd.s32 $0x67B00, s0;
	[dreg:$0xc] =	wrdreg s18  }
0x17: {  	s22 =	sadd.s32 $0x5000, s29;
	s20 =	sadd.s32 s1, s11;
	[dreg:$0xd] =	wrdreg s19  }
0x18: {  	s25 =	sadd.s32 $0x7800, s29;
	s1 =	sadd.s32 s1, s7;
	[dreg:$0xe] =	wrdreg s20  }
0x19: {  	s23 =	sadd.s32 $0x68000, s0;
	s0 =	sadd.s32 $0x68500, s0;
	[dreg:$0xf] =	wrdreg s1  }
0x1a: {  	s24 =	smax.u32 s5, $0x1;
	s6 =	sadd.s32 $0xF000, s29;
	[dreg:$0x10] =	wrdreg s23  }
0x1b: {  	s5 =	simm.s32 $0x280;
	s11 =	simm.s32 $0x50;
	[dreg:$0x11] =	wrdreg s0  }
.Ltmp0:
0x1c: {  	[dreg:$0x12] =	wrdreg s24;
	s1 =	simm.s32 $0x200;
	(pc) =	sbr.rel .LBB2_1-.Ltmp0, $4  }
0x1d: {  	s0 =	simm.s32 $0x80;
	s12 =	simm.s32 $0x2C00;
	s14 =	simm.s32 $0x300  }
0x1e: {  	s15 =	simm.s32 $0x1;
	s16 =	simm.s32 $0x4;
	s17 =	simm.s32 $0x180  }
0x1f: {  	s18 =	simm.s32 $0x380;
	s19 =	simm.s32 $0x2;
	s20 =	simm.s32 $0x3  }
0x20: {  	s23 =	simm.s32 $0x5;
	s24 =	simm.s32 $0x0;
	[dreg:$0x13] =	wrdreg s6  }
.LBB2_20:
0x21: {  	_ =	swait.ge [sflag:s19], $0x2800  }
0x22: {  	[sflag:s19] =	ssyncset.done $0x0  }
0x23: {  	[sflag:s19] =	ssyncadd.s32 $0xFFFFD800  }
0x24: {  	[spmem:s2] =	stream.indirect.scatter.add.f32 [tilespmem:s12], [sflag:$0x4], $0x80, s18, s11, $0xb8;
	[tilespmem:$0x19400] =	vst v63  }
.LBB2_26:
0x25: {  	_ =	swait.ge [sflag:s16], $0x2800  }
0x26: {  	[sflag:s16] =	ssyncset.done $0x0  }
0x27: {  	[sflag:s16] =	ssyncadd.s32 $0xFFFFD800  }
0x28: {  	_ =	swait.ge [sflag:s15], $0x2800  }
0x29: {  	[sflag:s15] =	ssyncset.done $0x0  }
0x2a: {  	[sflag:s15] =	ssyncadd.s32 $0xFFFFD800  }
0x2b: {  	[spmem:s2] =	stream.indirect.scatter.add.f32 [tilespmem:s30], [sflag:$0x6], $0x80, s1, s11, $0xb8;
	[tilespmem:$0x19400] =	vst v63  }
0x2c: {  	_ =	swait.ge [sflag:s31], $0x2800  }
0x2d: {  	[sflag:s31] =	ssyncset.done $0x0  }
0x2e: {  	[sflag:s31] =	ssyncadd.s32 $0xFFFFD800  }
0x2f: {  	[bflag:$0x0] =	sbarrier.arrive $0xFFFF  }
0x30: {  	[tilespmem:s30], [sflag:$0x6] =	stream.linear.gather [spmem:s10], $0x2800, $0x38;
	[tilespmem:$0x19400] =	vst v63  }
0x31: {  	_ =	swait.ge [sflag:s31], $0x2800  }
0x32: {  	[sflag:s31] =	ssyncset.done $0x0  }
0x33: {  	s7 =	rddreg [dreg:$0x8];
	[sflag:s31] =	ssyncadd.s32 $0xFFFFD800  }
0x34: {  	[hbm4b:s7+s3] =	stream.linear.scatter [tilespmem:s30], [sflag:$0x6], $0x2800, $0x38;
	[tilespmem:$0x19400] =	vst v63  }
0x35: {  	_ =	swait.ge [sflag:s31], $0x2800  }
0x36: {  	[sflag:s31] =	ssyncset.done $0x0  }
0x37: {  	[sflag:s31] =	ssyncadd.s32 $0xFFFFD800  }
0x38: {  	[tilespmem:s30], [sflag:$0x6] =	stream.linear.gather [spmem:s29], $0x2800, $0x38;
	[tilespmem:$0x19400] =	vst v63  }
0x39: {  	_ =	swait.ge [sflag:s31], $0x2800  }
0x3a: {  	[sflag:s31] =	ssyncset.done $0x0  }
0x3b: {  	s25 =	rddreg [dreg:$0x9];
	[sflag:s31] =	ssyncadd.s32 $0xFFFFD800  }
0x3c: {  	[hbm4b:s25+s3] =	stream.linear.scatter [tilespmem:s30], [sflag:$0x6], $0x2800, $0x38;
	[tilespmem:$0x19400] =	vst v63  }
0x3d: {  	_ =	swait.ge [sflag:s31], $0x2800  }
0x3e: {  	[sflag:s31] =	ssyncset.done $0x0  }
0x3f: {  	[sflag:s31] =	ssyncadd.s32 $0xFFFFD800  }
0x40: {  	[tilespmem:s30], [sflag:$0x6] =	stream.linear.gather [spmem:s9], $0x2800, $0x38;
	[tilespmem:$0x19400] =	vst v63  }
0x41: {  	_ =	swait.ge [sflag:s31], $0x2800  }
0x42: {  	[sflag:s31] =	ssyncset.done $0x0  }
0x43: {  	s6 =	rddreg [dreg:$0xa];
	[sflag:s31] =	ssyncadd.s32 $0xFFFFD800  }
0x44: {  	[hbm4b:s6+s3] =	stream.linear.scatter [tilespmem:s30], [sflag:$0x6], $0x2800, $0x38;
	[tilespmem:$0x19400] =	vst v63  }
0x45: {  	_ =	swait.ge [sflag:s31], $0x2800  }
0x46: {  	[sflag:s31] =	ssyncset.done $0x0  }
0x47: {  	[sflag:s31] =	ssyncadd.s32 $0xFFFFD800  }
0x48: {  	[tilespmem:s30], [sflag:$0x6] =	stream.linear.gather [spmem:s26], $0x2800, $0x38;
	[tilespmem:$0x19400] =	vst v63  }
0x49: {  	_ =	swait.ge [sflag:s31], $0x2800  }
0x4a: {  	[sflag:s31] =	ssyncset.done $0x0  }
0x4b: {  	s8 =	rddreg [dreg:$0xb];
	[sflag:s31] =	ssyncadd.s32 $0xFFFFD800  }
0x4c: {  	[hbm4b:s8+s3] =	stream.linear.scatter [tilespmem:s30], [sflag:$0x6], $0x2800, $0x38;
	[tilespmem:$0x19400] =	vst v63  }
0x4d: {  	_ =	swait.ge [sflag:s31], $0x2800  }
0x4e: {  	[sflag:s31] =	ssyncset.done $0x0  }
0x4f: {  	s25 =	smov.u32 s26;
	s26 =	rddreg [dreg:$0x16];
	[sflag:s31] =	ssyncadd.s32 $0xFFFFD800  }
0x50: {  	[tilespmem:s30], [sflag:$0x6] =	stream.linear.gather [spmem:s26], $0x2800, $0x38;
	[tilespmem:$0x19400] =	vst v63  }
0x51: {  	_ =	swait.ge [sflag:s31], $0x2800  }
0x52: {  	[sflag:s31] =	ssyncset.done $0x0  }
0x53: {  	s22 =	smov.u32 s9;
	s9 =	rddreg [dreg:$0xc];
	[sflag:s31] =	ssyncadd.s32 $0xFFFFD800  }
0x54: {  	[hbm4b:s9+s3] =	stream.linear.scatter [tilespmem:s30], [sflag:$0x6], $0x2800, $0x38;
	[tilespmem:$0x19400] =	vst v63  }
0x55: {  	_ =	swait.ge [sflag:s31], $0x2800  }
0x56: {  	[sflag:s31] =	ssyncset.done $0x0  }
0x57: {  	s28 =	rddreg [dreg:$0x14];
	[sflag:s31] =	ssyncadd.s32 $0xFFFFD800  }
0x58: {  	[tilespmem:s30], [sflag:$0x6] =	stream.linear.gather [spmem:s28], $0x2800, $0x38;
	[tilespmem:$0x19400] =	vst v63  }
0x59: {  	_ =	swait.ge [sflag:s31], $0x2800  }
0x5a: {  	[sflag:s31] =	ssyncset.done $0x0  }
0x5b: {  	s6 =	rddreg [dreg:$0xd];
	[sflag:s31] =	ssyncadd.s32 $0xFFFFD800  }
0x5c: {  	[hbm4b:s6+s3] =	stream.linear.scatter [tilespmem:s30], [sflag:$0x6], $0x2800, $0x38;
	[tilespmem:$0x19400] =	vst v63  }
0x5d: {  	_ =	swait.ge [sflag:s31], $0x2800  }
0x5e: {  	[sflag:s31] =	ssyncset.done $0x0  }
0x5f: {  	s6 =	rddreg [dreg:$0x13];
	[sflag:s31] =	ssyncadd.s32 $0xFFFFD800  }
0x60: {  	[tilespmem:s30], [sflag:$0x6] =	stream.linear.gather [spmem:s6], $0x2800, $0x38;
	[tilespmem:$0x19400] =	vst v63  }
0x61: {  	_ =	swait.ge [sflag:s31], $0x2800  }
0x62: {  	[sflag:s31] =	ssyncset.done $0x0  }
0x63: {  	s8 =	rddreg [dreg:$0x10];
	[sflag:s31] =	ssyncadd.s32 $0xFFFFD800  }
0x64: {  	[hbm4b:s8+s3] =	stream.linear.scatter [tilespmem:s30], [sflag:$0x6], $0x2800, $0x38;
	[tilespmem:$0x19400] =	vst v63  }
0x65: {  	_ =	swait.ge [sflag:s31], $0x2800  }
0x66: {  	[sflag:s31] =	ssyncset.done $0x0  }
0x67: {  	s8 =	rddreg [dreg:$0x15];
	[sflag:s31] =	ssyncadd.s32 $0xFFFFD800  }
0x68: {  	[tilespmem:s30], [sflag:$0x6] =	stream.linear.gather [spmem:s8], $0x2800, $0x38;
	[tilespmem:$0x19400] =	vst v63  }
0x69: {  	_ =	swait.ge [sflag:s31], $0x2800  }
0x6a: {  	[sflag:s31] =	ssyncset.done $0x0  }
0x6b: {  	s9 =	rddreg [dreg:$0x11];
	[sflag:s31] =	ssyncadd.s32 $0xFFFFD800  }
0x6c: {  	[hbm4b:s9+s3] =	stream.linear.scatter [tilespmem:s30], [sflag:$0x6], $0x2800, $0x38;
	[tilespmem:$0x19400] =	vst v63  }
0x6d: {  	s21 =	smov.u32 s29;
	_ =	swait.ge [sflag:s31], $0x2800  }
0x6e: {  	s24 =	sadd.s32 $0x1, s24;
	s29 =	smov.u32 s10;
	s10 =	rddreg [dreg:$0x12]  }
0x6f: {  	p0 =	sne.s32 s24, s10  }
.Ltmp1:
0x70: {  	_ = 	snop;
	(pc) =	sbr.rel @!p0 .LBB2_27-.Ltmp1, $3  }
0x71: {  	_ =	sdelay $0x1  }
0x72: {  	[sflag:s31] =	ssyncset.done $0x0  }
0x73: {  	[sflag:s31] =	ssyncadd.s32 $0xFFFFD800  }
.LBB2_1:
0x74: {  	s7 =	rddreg [dreg:$0x3]  }
0x75: {  	[tilespmem:s30], [sflag:$0x6] =	stream.linear.gather [hbm4b:s7+s3], $0x2800, $0x38;
	[tilespmem:$0x19400] =	vst v63  }
0x76: {  	_ =	swait.ge [sflag:s31], $0x2800  }
0x77: {  	[sflag:s31] =	ssyncset.done $0x0  }
0x78: {  	[sflag:s31] =	ssyncadd.s32 $0xFFFFD800  }
0x79: {  	[spmem:s29] =	stream.linear.scatter [tilespmem:s30], [sflag:$0x6], $0x2800, $0x38;
	[tilespmem:$0x19400] =	vst v63  }
0x7a: {  	_ =	swait.ge [sflag:s31], $0x2800  }
0x7b: {  	[sflag:s31] =	ssyncset.done $0x0  }
0x7c: {  	[sflag:s31] =	ssyncadd.s32 $0xFFFFD800  }
0x7d: {  	[spmem:s21] =	stream.linear.scatter [tilespmem:s30], [sflag:$0x6], $0x2800, $0x38;
	[tilespmem:$0x19400] =	vst v63  }
0x7e: {  	_ =	swait.ge [sflag:s31], $0x2800  }
0x7f: {  	[sflag:s31] =	ssyncset.done $0x0  }
0x80: {  	[sflag:s31] =	ssyncadd.s32 $0xFFFFD800  }
0x81: {  	[spmem:s22] =	stream.linear.scatter [tilespmem:s30], [sflag:$0x6], $0x2800, $0x38;
	[tilespmem:$0x19400] =	vst v63  }
0x82: {  	_ =	swait.ge [sflag:s31], $0x2800  }
0x83: {  	[sflag:s31] =	ssyncset.done $0x0  }
0x84: {  	[sflag:s31] =	ssyncadd.s32 $0xFFFFD800  }
0x85: {  	[spmem:s25] =	stream.linear.scatter [tilespmem:s30], [sflag:$0x6], $0x2800, $0x38;
	[tilespmem:$0x19400] =	vst v63  }
0x86: {  	_ =	swait.ge [sflag:s31], $0x2800  }
0x87: {  	[sflag:s31] =	ssyncset.done $0x0  }
0x88: {  	s7 =	smov.u32 s26;
	[sflag:s31] =	ssyncadd.s32 $0xFFFFD800  }
0x89: {  	[spmem:s7] =	stream.linear.scatter [tilespmem:s30], [sflag:$0x6], $0x2800, $0x38;
	[tilespmem:$0x19400] =	vst v63  }
0x8a: {  	_ =	swait.ge [sflag:s31], $0x2800  }
0x8b: {  	[sflag:s31] =	ssyncset.done $0x0  }
0x8c: {  	[sflag:s31] =	ssyncadd.s32 $0xFFFFD800  }
0x8d: {  	[spmem:s28] =	stream.linear.scatter [tilespmem:s30], [sflag:$0x6], $0x2800, $0x38;
	[tilespmem:$0x19400] =	vst v63  }
0x8e: {  	_ =	swait.ge [sflag:s31], $0x2800  }
0x8f: {  	[sflag:s31] =	ssyncset.done $0x0  }
0x90: {  	[sflag:s31] =	ssyncadd.s32 $0xFFFFD800  }
0x91: {  	[spmem:s6] =	stream.linear.scatter [tilespmem:s30], [sflag:$0x6], $0x2800, $0x38;
	[tilespmem:$0x19400] =	vst v63  }
0x92: {  	_ =	swait.ge [sflag:s31], $0x2800  }
0x93: {  	[sflag:s31] =	ssyncset.done $0x0  }
0x94: {  	[sflag:s31] =	ssyncadd.s32 $0xFFFFD800  }
0x95: {  	[spmem:s8] =	stream.linear.scatter [tilespmem:s30], [sflag:$0x6], $0x2800, $0x38;
	[tilespmem:$0x19400] =	vst v63  }
0x96: {  	_ =	swait.ge [sflag:s31], $0x2800  }
0x97: {  	[sflag:s31] =	ssyncset.done $0x0  }
0x98: {  	[sflag:s31] =	ssyncadd.s32 $0xFFFFD800  }
0x99: {  	[bflag:$0x0] =	sbarrier.arrive $0xFFFF  }
0x9a: {  	s10 =	smov.u32 s29;
	s29 =	smov.u32 s21;
	s21 =	rddreg [dreg:$0x4]  }
0x9b: {  	[tilespmem:s3], [sflag:$0x6] =	stream.linear.gather [hbm4b:s21+s3], $0x50, $0x38;
	[tilespmem:$0x19400] =	vst v63  }
0x9c: {  	_ =	swait.ge [sflag:s31], $0x50  }
0x9d: {  	[sflag:s31] =	ssyncset.done $0x0  }
0x9e: {  	s9 =	smov.u32 s22;
	s22 =	rddreg [dreg:$0x5];
	[sflag:s31] =	ssyncadd.s32 $0xFFFFFFB0  }
0x9f: {  	[tilespmem:s1], [sflag:$0x6] =	stream.linear.gather [hbm4b:s22+s3], $0x50, $0x38;
	[tilespmem:$0x19400] =	vst v63  }
0xa0: {  	_ =	swait.ge [sflag:s31], $0x50  }
0xa1: {  	[sflag:s31] =	ssyncset.done $0x0  }
0xa2: {  	s26 =	smov.u32 s25;
	s25 =	rddreg [dreg:$0x6];
	[sflag:s31] =	ssyncadd.s32 $0xFFFFFFB0  }
0xa3: {  	[tilespmem:s0], [sflag:$0x6] =	stream.linear.gather [hbm4b:s25+s3], $0x50, $0x38;
	[tilespmem:$0x19400] =	vst v63  }
0xa4: {  	_ =	swait.ge [sflag:s31], $0x50  }
0xa5: {  	[sflag:s31] =	ssyncset.done $0x0  }
0xa6: {  	s28 =	rddreg [dreg:$0x7];
	[sflag:s31] =	ssyncadd.s32 $0xFFFFFFB0  }
0xa7: {  	[tilespmem:s5], [sflag:$0x6] =	stream.linear.gather [hbm4b:s28+s3], $0x50, $0x38;
	[tilespmem:$0x19400] =	vst v63  }
.Ltmp2:
0xa8: {  	_ = 	snop;
	(pc) =	sbr.rel .LBB2_2-.Ltmp2, $4  }
0xa9: {  	_ =	swait.ge [sflag:s31], $0x50  }
0xaa: {  	[sflag:s31] =	ssyncset.done $0x0;
	s22 =	rddreg [dreg:$0xf]  }
0xab: {  	s21 =	simm.s32 $0x0;
	s25 =	rddreg [dreg:$0xe];
	[sflag:s31] =	ssyncadd.s32 $0xFFFFFFB0  }
0xac: {  	[tilespmem:s30], [sflag:$0x1] =	stream.indirect.gather [hbm4b:s4+s11], $0x80, s3, s11, $0xb8;
	[tilespmem:$0x19400] =	vst v63  }
.LBB2_18:
0xad: {  	_ =	swait.ge [sflag:s15], $0x2800  }
0xae: {  	[sflag:s15] =	ssyncset.done $0x0  }
0xaf: {  	[sflag:s15] =	ssyncadd.s32 $0xFFFFD800  }
0xb0: {  	[spmem:s2] =	stream.indirect.scatter.add.f32 [tilespmem:s30], [sflag:$0x3], $0x80, s14, s11, $0xb8;
	[tilespmem:$0x19400] =	vst v63  }
.LBB2_19:
0xb1: {  	p0 =	seq.s32 s21, $0x7B  }
.Ltmp3:
0xb2: {  	_ = 	snop;
	(pc) =	sbr.rel @p0 .LBB2_20-.Ltmp3, $4  }
0xb3: {  	_ =	swait.ge [sflag:s20], $0x2800  }
0xb4: {  	[sflag:s20] =	ssyncset.done $0x0  }
0xb5: {  	[sflag:s20] =	ssyncadd.s32 $0xFFFFD800  }
0xb6: {  	[tilespmem:s30], [sflag:$0x1] =	stream.indirect.gather [hbm4b:s4+s11], $0x80, s3, s11, $0xb8;
	[tilespmem:$0x19400] =	vst v63  }
.LBB2_24:
0xb7: {  	[tilespmem:s0], [sflag:$0x5] =	stream.linear.gather [hbm4b:s22+s3], $0x50, $0x38;
	[tilespmem:$0x19400] =	vst v63  }
0xb8: {  	_ = 	snop  }
0xb9: {  	[tilespmem:s5], [sflag:$0x5] =	stream.linear.gather [hbm4b:s25+s3], $0x50, $0x38;
	[tilespmem:$0x19400] =	vst v63  }
0xba: {  	_ =	swait.ge [sflag:s19], $0x2800  }
0xbb: {  	[sflag:s19] =	ssyncset.done $0x0  }
0xbc: {  	[sflag:s19] =	ssyncadd.s32 $0xFFFFD800  }
0xbd: {  	[spmem:s2] =	stream.indirect.scatter.add.f32 [tilespmem:s12], [sflag:$0x4], $0x80, s18, s11, $0xb8;
	[tilespmem:$0x19400] =	vst v63  }
.LBB2_25:
0xbe: {  	s21 =	sadd.s32 $0x1, s21  }
0xbf: {  	_ =	swait.ge [sflag:s23], $0x50;
	p0 =	sne.s32 s21, $0x7C  }
.Ltmp4:
0xc0: {  	[sflag:s23] =	ssyncset.done $0x0;
	(pc) =	sbr.rel @!p0 .LBB2_26-.Ltmp4, $4  }
0xc1: {  	[sflag:s23] =	ssyncadd.s32 $0xFFFFFFB0  }
0xc2: {  	_ =	swait.ge [sflag:s23], $0x50  }
0xc3: {  	[sflag:s23] =	ssyncset.done $0x0  }
0xc4: {  	s25 =	sadd.s32 $0xA, s25;
	s22 =	sadd.s32 $0xA, s22;
	[sflag:s23] =	ssyncadd.s32 $0xFFFFFFB0  }
.LBB2_2:
0xc5: {  	s7 =	sand.u32 $0x3, s21  }
0xc6: {  	p0 =	sgt.s32 s7, $0x1  }
.Ltmp5:
0xc7: {  	_ = 	snop;
	(pc) =	sbr.rel @p0 .LBB2_21-.Ltmp5, $1  }
0xc8: {  	_ =	sdelay $0x3  }
0xc9: {  	p0 =	seq.s32 s7, $0x0  }
.Ltmp6:
0xca: {  	_ = 	snop;
	(pc) =	sbr.rel @!p0 .LBB2_9-.Ltmp6, $1  }
0xcb: {  	_ =	sdelay $0x3  }
0xcc: {  	p0 =	sne.s32 s21, $0x0  }
.Ltmp7:
0xcd: {  	_ = 	snop;
	(pc) =	sbr.rel @!p0 .LBB2_5-.Ltmp7, $1  }
0xce: {  	_ =	sdelay $0x3  }
0xcf: {  	p0 =	seq.s32 s21, $0x7B  }
.Ltmp8:
0xd0: {  	_ = 	snop;
	(pc) =	sbr.rel @!p0 .LBB2_7-.Ltmp8, $4  }
.Ltmp9:
0xd1: {  	_ =	swait.ge [sflag:s16], $0x2800;
	(pc) =	sbr.rel @p0 .LBB2_8-.Ltmp9, $4  }
0xd2: {  	[sflag:s16] =	ssyncset.done $0x0  }
0xd3: {  	[sflag:s16] =	ssyncadd.s32 $0xFFFFD800  }
0xd4: {  	[tilespmem:s12], [sflag:$0x2] =	stream.indirect.gather [hbm4b:s4+s11], $0x80, s0, s11, $0xb8;
	[tilespmem:$0x19400] =	vst v63  }
0xd5: {  	_ = 	snop  }
.LBB2_21:
0xd6: {  	p1 =	seq.s32 s7, $0x2  }
.Ltmp10:
0xd7: {  	_ = 	snop;
	(pc) =	sbr.rel @!p1 .LBB2_22-.Ltmp10, $2  }
0xd8: {  	_ =	sdelay $0x2  }
0xd9: {  	p0 =	sne.s32 s21, $0x0  }
.Ltmp11:
0xda: {  	(pc) =	sbr.rel @!p0 .LBB2_15-.Ltmp11, $1  }
0xdb: {  	_ =	sdelay $0x3  }
0xdc: {  	p0 =	sne.s32 s21, $0x7B  }
.Ltmp12:
0xdd: {  	_ = 	snop;
	(pc) =	sbr.rel @p0 .LBB2_16-.Ltmp12, $4  }
.Ltmp13:
0xde: {  	_ =	swait.ge [sflag:s16], $0x2800;
	(pc) =	sbr.rel @!p0 .LBB2_18-.Ltmp13, $4  }
0xdf: {  	[sflag:s16] =	ssyncset.done $0x0  }
0xe0: {  	[sflag:s16] =	ssyncadd.s32 $0xFFFFD800  }
0xe1: {  	[tilespmem:s12], [sflag:$0x2] =	stream.indirect.gather [hbm4b:s4+s11], $0x80, s17, s11, $0xb8;
	[tilespmem:$0x19400] =	vst v63  }
0xe2: {  	_ = 	snop  }
.LBB2_9:
0xe3: {  	p0 =	sne.s32 s21, $0x0  }
.Ltmp14:
0xe4: {  	_ = 	snop;
	(pc) =	sbr.rel @!p0 .LBB2_10-.Ltmp14, $1  }
0xe5: {  	_ =	sdelay $0x3  }
0xe6: {  	p0 =	sne.s32 s21, $0x7B  }
.Ltmp15:
0xe7: {  	_ = 	snop;
	(pc) =	sbr.rel @p0 .LBB2_11-.Ltmp15, $4  }
0xe8: {  	_ =	swait.ge [sflag:s20], $0x2800  }
0xe9: {  	[sflag:s20] =	ssyncset.done $0x0  }
0xea: {  	[sflag:s20] =	ssyncadd.s32 $0xFFFFD800  }
0xeb: {  	[tilespmem:s30], [sflag:$0x1] =	stream.indirect.gather [hbm4b:s4+s11], $0x80, s13, s11, $0xb8;
	[tilespmem:$0x19400] =	vst v63  }
.Ltmp16:
0xec: {  	(pc) =	sbr.rel .LBB2_19-.Ltmp16, $4  }
0xed: {  	_ =	swait.ge [sflag:s19], $0x2800  }
0xee: {  	[sflag:s19] =	ssyncset.done $0x0  }
0xef: {  	[sflag:s19] =	ssyncadd.s32 $0xFFFFD800  }
0xf0: {  	[spmem:s2] =	stream.indirect.scatter.add.f32 [tilespmem:s12], [sflag:$0x4], $0x80, s5, s11, $0xb8;
	[tilespmem:$0x19400] =	vst v63  }
.LBB2_22:
.Ltmp17:
0xf1: {  	(pc) =	sbr.rel @p0 .LBB2_19-.Ltmp17, $1  }
0xf2: {  	_ =	sdelay $0x3  }
.Ltmp18:
0xf3: {  	(pc) =	sbr.rel .LBB2_24-.Ltmp18, $2  }
0xf4: {  	_ =	sdelay $0x2  }
0xf5: {  	[tilespmem:s30], [sflag:$0x1] =	stream.indirect.gather [hbm4b:s4+s11], $0x80, s3, s11, $0xb8;
	[tilespmem:$0x19400] =	vst v63  }
.LBB2_5:
0xf6: {  	[tilespmem:s12], [sflag:$0x2] =	stream.indirect.gather [hbm4b:s4+s11], $0x80, s0, s11, $0xb8;
	[tilespmem:$0x19400] =	vst v63  }
.LBB2_7:
0xf7: {  	[tilespmem:s13], [sflag:$0x5] =	stream.linear.gather [hbm4b:s22+s3], $0x50, $0x38;
	[tilespmem:$0x19400] =	vst v63  }
0xf8: {  	_ = 	snop  }
0xf9: {  	[tilespmem:s14], [sflag:$0x5] =	stream.linear.gather [hbm4b:s25+s3], $0x50, $0x38;
	[tilespmem:$0x19400] =	vst v63  }
.Ltmp19:
0xfa: {  	_ = 	snop;
	(pc) =	sbr.rel .LBB2_25-.Ltmp19, $4  }
0xfb: {  	_ =	swait.ge [sflag:s15], $0x2800  }
0xfc: {  	[sflag:s15] =	ssyncset.done $0x0  }
0xfd: {  	[sflag:s15] =	ssyncadd.s32 $0xFFFFD800  }
0xfe: {  	[spmem:s2] =	stream.indirect.scatter.add.f32 [tilespmem:s30], [sflag:$0x3], $0x80, s1, s11, $0xb8;
	[tilespmem:$0x19400] =	vst v63  }
.LBB2_15:
0xff: {  	[tilespmem:s12], [sflag:$0x2] =	stream.indirect.gather [hbm4b:s4+s11], $0x80, s17, s11, $0xb8;
	[tilespmem:$0x19400] =	vst v63  }
.LBB2_16:
0x100: {  	[tilespmem:s3], [sflag:$0x5] =	stream.linear.gather [hbm4b:s22+s3], $0x50, $0x38;
	[tilespmem:$0x19400] =	vst v63  }
0x101: {  	_ = 	snop  }
0x102: {  	[tilespmem:s1], [sflag:$0x5] =	stream.linear.gather [hbm4b:s25+s3], $0x50, $0x38;
	[tilespmem:$0x19400] =	vst v63  }
.Ltmp20:
0x103: {  	_ = 	snop;
	(pc) =	sbr.rel .LBB2_25-.Ltmp20, $4  }
0x104: {  	_ =	swait.ge [sflag:s15], $0x2800  }
0x105: {  	[sflag:s15] =	ssyncset.done $0x0  }
0x106: {  	[sflag:s15] =	ssyncadd.s32 $0xFFFFD800  }
0x107: {  	[spmem:s2] =	stream.indirect.scatter.add.f32 [tilespmem:s30], [sflag:$0x3], $0x80, s14, s11, $0xb8;
	[tilespmem:$0x19400] =	vst v63  }
.LBB2_10:
0x108: {  	[tilespmem:s30], [sflag:$0x1] =	stream.indirect.gather [hbm4b:s4+s11], $0x80, s13, s11, $0xb8;
	[tilespmem:$0x19400] =	vst v63  }
.LBB2_11:
0x109: {  	[tilespmem:s17], [sflag:$0x5] =	stream.linear.gather [hbm4b:s22+s3], $0x50, $0x38;
	[tilespmem:$0x19400] =	vst v63  }
0x10a: {  	_ = 	snop  }
0x10b: {  	[tilespmem:s18], [sflag:$0x5] =	stream.linear.gather [hbm4b:s25+s3], $0x50, $0x38;
	[tilespmem:$0x19400] =	vst v63  }
.Ltmp21:
0x10c: {  	_ = 	snop;
	(pc) =	sbr.rel .LBB2_25-.Ltmp21, $4  }
0x10d: {  	_ =	swait.ge [sflag:s19], $0x2800  }
0x10e: {  	[sflag:s19] =	ssyncset.done $0x0  }
0x10f: {  	[sflag:s19] =	ssyncadd.s32 $0xFFFFD800  }
0x110: {  	[spmem:s2] =	stream.indirect.scatter.add.f32 [tilespmem:s12], [sflag:$0x4], $0x80, s5, s11, $0xb8;
	[tilespmem:$0x19400] =	vst v63  }
.LBB2_8:
.Ltmp22:
0x111: {  	(pc) =	sbr.rel .LBB2_26-.Ltmp22, $4  }
0x112: {  	_ =	swait.ge [sflag:s15], $0x2800  }
0x113: {  	[sflag:s15] =	ssyncset.done $0x0  }
0x114: {  	[sflag:s15] =	ssyncadd.s32 $0xFFFFD800  }
0x115: {  	[spmem:s2] =	stream.indirect.scatter.add.f32 [tilespmem:s30], [sflag:$0x3], $0x80, s1, s11, $0xb8;
	[tilespmem:$0x19400] =	vst v63  }
.LBB2_27:
0x116: {  	_ =	sfence.sel $0x180000  }
0x117: {  	[bflag:$0x0] =	sbarrier.arrive $0xFFFF  }
0x118: {  	_ =	strace $0x90000047  }
0x119: {  	s0 =	stileid.u32;
	[bflag:$0x2] =	sbarrier.arrive $0xFFFF  }
0x11a: {  	p0 =	sne.s32 s0, $0x0;
	s0 =	rddreg [dreg:$0x2]  }
0x11b: {  	s0 =	sadd.s32 @!p0 $0x100000, s0  }
0x11c: {  	[sflag:s0] =	ssyncadd.tile.s32 @!p0 $0x1;
	_ =	shalt  }
.Lfunc_end2:
_tile_overlayer_lowered:
.L_overlay_start_2:
0x11d: {  	(tag) =	ssettag $0x2  }
0x11e: {  	s0 =	rddreg [dreg:$0x0];
	s2 =	stileid.u32  }
0x11f: {  	s1 =	rddreg [dreg:$0x1];
	p0 =	sne.s32 s2, $0x0  }
0x120: {  	s3 =	rddreg [dreg:$0x2];
	[bflag:$0x3] =	sbarrier.arrive $0xFFFF;
	s2 =	simm.s32 @!p0 $0x1C06  }
0x121: {  	[timem:s3], [sflag:s2] =	dma.local @!p0 [hbm:s0], s1  }
0x122: {  	s0 =	simm.s32 @!p0 $0x6  }
0x123: {  	_ =	swait.ge @!p0 [sflag:s0], s1  }
0x124: {  	s1 =	ssub.s32 @!p0 $0x0, s1;
	[sflag:s0] =	ssyncset.done @!p0 $0x0  }
0x125: {  	[sflag:s0] =	ssyncadd.s32 @!p0 s1  }
0x126: {  	[bflag:$0x3] =	sbarrier.arrive $0xFFFF  }
0x127: {  	_ =	shalt  }

</sc_bundles>
